<compile_context>
chip_gen: v7x
topology: tpu7x:2x2x1
jax: 0.10.2.dev20260603
libtpu: 0.0.44.dev20260713+nightly
codegen_flags: <defaults>
</compile_context>

<pallas_src>
import functools

import jax
import jax.numpy as jnp
from jax import lax
from jax.experimental import pallas as pl
from jax.experimental.pallas import tpu as pltpu
from jax.experimental.pallas import tpu_sc as plsc

_B = 16384
_FEAT = 128
_NCLASS = 9
_NC = 2
_NS = 16
_NW = _NC * _NS
_RPW = _B // _NW
_NGRP = _RPW // 16


def _vsqrt(a):
    y = 0.5 * (a + 1.0)
    for _ in range(10):
        y = 0.5 * (y + a / y)
    return jnp.where(a > 0.0, y, 0.0)


def _sc_body(coord_hbm, lab_hbm, c_hbm, out_hbm, xv, labv, cv, pv, sem):
    cid = lax.axis_index("c")
    sid = lax.axis_index("s")
    wid = sid * _NC + cid
    base = wid * _RPW
    pltpu.sync_copy(lab_hbm.at[pl.ds(base, _RPW)], labv)
    pltpu.sync_copy(c_hbm, cv)
    pltpu.async_copy(coord_hbm.at[pl.ds(base, _RPW)], xv, sem).wait()

    zeros = jnp.zeros((16,), jnp.float32)
    init = (zeros,) * 18

    iota16 = lax.iota(jnp.int32, 16)

    def group(gi, carry):
        row0 = gi * 16
        lab16 = labv[pl.ds(row0, 16)]
        d2vec = zeros
        for r in range(16):
            row = row0 + r
            lab_r = lab16[r]
            acc = zeros
            for k in range(_FEAT // 16):
                xa = xv[row, pl.ds(k * 16, 16)]
                ca = cv[lab_r, pl.ds(k * 16, 16)]
                d = xa - ca
                acc = acc + d * d
            for step in (8, 4, 2, 1):
                acc = acc + jnp.take(acc, iota16 ^ step)
            d2vec = jnp.where(iota16 == r, acc, d2vec)
        dist = _vsqrt(d2vec)
        new = []
        for ci in range(_NCLASS):
            m = lab16 == ci
            new.append(carry[ci] + jnp.where(m, dist, 0.0))
        for ci in range(_NCLASS):
            m = lab16 == ci
            new.append(carry[_NCLASS + ci] + jnp.where(m, 1.0, 0.0))
        return tuple(new)

    fin = lax.fori_loop(0, _NGRP, group, init)
    for ci in range(18):
        pv[ci, :] = fin[ci]
    pltpu.sync_copy(pv, out_hbm.at[wid])


def kernel(coordinate, labels, center):
    mesh = plsc.VectorSubcoreMesh(core_axis_name="c", subcore_axis_name="s")
    k = functools.partial(
        pl.kernel,
        mesh=mesh,
        out_type=jax.ShapeDtypeStruct((_NW, 18, 16), jnp.float32),
        scratch_types=[
            pltpu.VMEM((_RPW, _FEAT), jnp.float32),
            pltpu.VMEM((_RPW,), jnp.int32),
            pltpu.VMEM((_NCLASS, _FEAT), jnp.float32),
            pltpu.VMEM((18, 16), jnp.float32),
            pltpu.SemaphoreType.DMA,
        ],
    )(_sc_body)
    parts = k(coordinate, labels, center)
    s = jnp.sum(parts[:, :_NCLASS, :], axis=(0, 2))
    cnt = jnp.sum(parts[:, _NCLASS : 2 * _NCLASS, :], axis=(0, 2))
    return jnp.sum(jnp.where(cnt > 0.0, s / cnt, 0.0)) / _B

# --- scband reference (transcript-rebuilt; emitter-appended) ---
"""Pipeline reference for scband-centerloss-49417893708384 (READ-ONLY COPY).

The authoritative reference and input builder live on the scoring server;
editing this copy changes nothing except your own understanding.
"""

import jax, jax.numpy as jnp
import numpy as np

B = 16384
FEAT = 128
CLASS_NUM = 9

def setup_inputs(seed: int = 0) -> dict:
    key = jax.random.key(seed)
    k1, k2, k3 = jax.random.split(key, 3)
    coordinate = jax.random.normal(k1, (B, FEAT), dtype=jnp.float32)
    labels = jax.random.randint(k2, (B,), 0, 9, dtype=jnp.int32)
    center = jax.random.normal(k3, (CLASS_NUM, FEAT), dtype=jnp.float32)
    return {"coordinate": coordinate, "labels": labels, "center": center}

def reference(coordinate, labels, center):
    # torch.histc(labels.float(), 9, min=0, max=8) on integer labels 0..8
    # is equivalent to a per-class count (bincount with 9 bins).
    count = jnp.bincount(labels, length=CLASS_NUM).astype(jnp.float32)
    num = jnp.take(count, labels, axis=0)              # index_select(count, 0, labels)
    centers = jnp.take(center, labels, axis=0)         # index_select(center, 0, labels)
    dist = jnp.sqrt(jnp.sum((coordinate - centers) ** 2, axis=1))
    loss = jnp.sum(dist / num) / labels.shape[0]
    return loss

if __name__ == "__main__":
    import jax
    _d = setup_inputs()
    print(jax.jit(kernel)(*tuple(_d.values())))

</pallas_src>

<mosaic_0001>
#map = affine_map<(d0, d1) -> (0, 0)>
#map1 = affine_map<(d0, d1) -> (0)>
#map2 = affine_map<(d0, d1) -> (0, 0, 0)>
module attributes {stable_mosaic.version = 14 : i64} {
  func.func @_sc_body(%arg0: i32, %arg1: i32, %arg2: memref<16384x128xf32, #tpu.memory_space<hbm>>, %arg3: memref<16384xi32, #tpu.memory_space<hbm>>, %arg4: memref<9x128xf32, #tpu.memory_space<hbm>>, %arg5: memref<32x18x16xf32, #tpu.memory_space<hbm>>, %arg6: memref<512x128xf32, #tpu.memory_space<vmem>>, %arg7: memref<512xi32, #tpu.memory_space<vmem>>, %arg8: memref<9x128xf32, #tpu.memory_space<vmem>>, %arg9: memref<18x16xf32, #tpu.memory_space<vmem>>, %arg10: memref<!tpu.dma_semaphore, #tpu.memory_space<semaphore_mem>>) attributes {dimension_semantics = [#tpu.dimension_semantics<core_parallel>, #tpu.dimension_semantics<subcore_parallel>], iteration_bounds = array<i64: 2, 16>, scalar_prefetch = 0 : i64, scratch_operands = 5 : i64, tpu.core_type = #tpu.core_type<sc_vector_subcore>, window_params = [{transform_indices = #map}, {transform_indices = #map1}, {transform_indices = #map}, {transform_indices = #map2}]} {
    %mul3A = arith.constant 2 : i32
    %mul3A_0 = arith.muli %arg1, %mul3A : i32
    %add3A = arith.addi %mul3A_0, %arg0 : i32
    %mul3A_1 = arith.constant 512 : i32
    %mul3A_2 = arith.muli %add3A, %mul3A_1 : i32
    "tpu.region"() ({
      %run_scoped3A = tpu.sem_alloc : memref<!tpu.dma_semaphore, #tpu.memory_space<semaphore_mem>>
      %dma_start3A_122 = tpu.memref_slice %arg3[%mul3A_2] : memref<16384xi32, #tpu.memory_space<hbm>> -> memref<512xi32, #tpu.memory_space<hbm>>
      %dma_start3A_123 = tpu.memref_slice %arg3[%mul3A_2] : memref<16384xi32, #tpu.memory_space<hbm>> -> memref<512xi32, #tpu.memory_space<hbm>>
      tpu.enqueue_dma source(%dma_start3A_123 : memref<512xi32, #tpu.memory_space<hbm>>) target(%arg7 : memref<512xi32, #tpu.memory_space<vmem>>) target_semaphore(%run_scoped3A : memref<!tpu.dma_semaphore, #tpu.memory_space<semaphore_mem>>)
      %dma_wait3A_124 = tpu.memref_slice %arg3[%mul3A_2] : memref<16384xi32, #tpu.memory_space<hbm>> -> memref<512xi32, #tpu.memory_space<hbm>>
      %dma_wait3A_125 = tpu.memref_slice %arg3[%mul3A_2] : memref<16384xi32, #tpu.memory_space<hbm>> -> memref<512xi32, #tpu.memory_space<hbm>>
      tpu.wait_dma2 semaphore(%run_scoped3A : memref<!tpu.dma_semaphore, #tpu.memory_space<semaphore_mem>>) src(%dma_wait3A_125 : memref<512xi32, #tpu.memory_space<hbm>>) dst(%arg7 : memref<512xi32, #tpu.memory_space<vmem>>)
      tpu.yield
    }) : () -> ()
    "tpu.region"() ({
      %run_scoped3A = tpu.sem_alloc : memref<!tpu.dma_semaphore, #tpu.memory_space<semaphore_mem>>
      tpu.enqueue_dma source(%arg4 : memref<9x128xf32, #tpu.memory_space<hbm>>) target(%arg8 : memref<9x128xf32, #tpu.memory_space<vmem>>) target_semaphore(%run_scoped3A : memref<!tpu.dma_semaphore, #tpu.memory_space<semaphore_mem>>)
      tpu.wait_dma2 semaphore(%run_scoped3A : memref<!tpu.dma_semaphore, #tpu.memory_space<semaphore_mem>>) src(%arg4 : memref<9x128xf32, #tpu.memory_space<hbm>>) dst(%arg8 : memref<9x128xf32, #tpu.memory_space<vmem>>)
      tpu.yield
    }) : () -> ()
    %dma_start3A = arith.constant 0 : i32
    %dma_start3A_3 = tpu.memref_slice %arg2[%mul3A_2, %dma_start3A] : memref<16384x128xf32, #tpu.memory_space<hbm>> -> memref<512x128xf32, #tpu.memory_space<hbm>>
    %dma_start3A_4 = arith.constant 0 : i32
    %dma_start3A_5 = tpu.memref_slice %arg2[%mul3A_2, %dma_start3A_4] : memref<16384x128xf32, #tpu.memory_space<hbm>> -> memref<512x128xf32, #tpu.memory_space<hbm>>
    tpu.enqueue_dma source(%dma_start3A_5 : memref<512x128xf32, #tpu.memory_space<hbm>>) target(%arg6 : memref<512x128xf32, #tpu.memory_space<vmem>>) target_semaphore(%arg10 : memref<!tpu.dma_semaphore, #tpu.memory_space<semaphore_mem>>)
    %dma_wait3A = arith.constant 0 : i32
    %dma_wait3A_6 = tpu.memref_slice %arg2[%mul3A_2, %dma_wait3A] : memref<16384x128xf32, #tpu.memory_space<hbm>> -> memref<512x128xf32, #tpu.memory_space<hbm>>
    %dma_wait3A_7 = arith.constant 0 : i32
    %dma_wait3A_8 = tpu.memref_slice %arg2[%mul3A_2, %dma_wait3A_7] : memref<16384x128xf32, #tpu.memory_space<hbm>> -> memref<512x128xf32, #tpu.memory_space<hbm>>
    tpu.wait_dma2 semaphore(%arg10 : memref<!tpu.dma_semaphore, #tpu.memory_space<semaphore_mem>>) src(%dma_wait3A_8 : memref<512x128xf32, #tpu.memory_space<hbm>>) dst(%arg6 : memref<512x128xf32, #tpu.memory_space<vmem>>)
    %broadcast_in_dim3A = arith.constant 0.000000e+00 : f32
    %broadcast_in_dim3A_9 = vector.broadcast %broadcast_in_dim3A : f32 to vector<16xf32>
    %iota3A = tpu.iota {dimensions = array<i32: 0>} : vector<16xi32>
    %scan3A = arith.constant 0 : i32
    %scan3A_10 = arith.constant 32 : i32
    %scan3A_11 = arith.addi %scan3A, %scan3A_10 : i32
    %scan3A_12 = arith.constant 1 : i32
    %scan3A_13:18 = scf.for %scan3A_122 = %scan3A to %scan3A_11 step %scan3A_12 iter_args(%scan3A_123 = %broadcast_in_dim3A_9, %scan3A_124 = %broadcast_in_dim3A_9, %scan3A_125 = %broadcast_in_dim3A_9, %scan3A_126 = %broadcast_in_dim3A_9, %scan3A_127 = %broadcast_in_dim3A_9, %scan3A_128 = %broadcast_in_dim3A_9, %scan3A_129 = %broadcast_in_dim3A_9, %scan3A_130 = %broadcast_in_dim3A_9, %scan3A_131 = %broadcast_in_dim3A_9, %scan3A_132 = %broadcast_in_dim3A_9, %scan3A_133 = %broadcast_in_dim3A_9, %scan3A_134 = %broadcast_in_dim3A_9, %scan3A_135 = %broadcast_in_dim3A_9, %scan3A_136 = %broadcast_in_dim3A_9, %scan3A_137 = %broadcast_in_dim3A_9, %scan3A_138 = %broadcast_in_dim3A_9, %scan3A_139 = %broadcast_in_dim3A_9, %scan3A_140 = %broadcast_in_dim3A_9) -> (vector<16xf32>, vector<16xf32>, vector<16xf32>, vector<16xf32>, vector<16xf32>, vector<16xf32>, vector<16xf32>, vector<16xf32>, vector<16xf32>, vector<16xf32>, vector<16xf32>, vector<16xf32>, vector<16xf32>, vector<16xf32>, vector<16xf32>, vector<16xf32>, vector<16xf32>, vector<16xf32>)  : i32 {
      %mul3A_141 = arith.constant 16 : i32
      %mul3A_142 = arith.muli %scan3A_122, %mul3A_141 : i32
      %get3A = arith.index_cast %mul3A_142 : i32 to index
      %get3A_143 = tpu.vector_load %arg7[%get3A] {strides = array<i32>} : memref<512xi32, #tpu.memory_space<vmem>>, vector<16xi32>,
      %get3A_144 = vector.shape_cast %get3A_143 : vector<16xi32> to vector<16xi32>
      %add3A_145 = arith.constant 0 : i32
      %add3A_146 = arith.addi %mul3A_142, %add3A_145 : i32
      %slice3A = vector.extract_strided_slice %get3A_144 {offsets = [0], sizes = [1], strides = [1]} : vector<16xi32> to vector<1xi32>
      %squeeze3A = vector.extract %slice3A[0] : i32 from vector<1xi32>
      %get3A_147 = arith.index_cast %add3A_146 : i32 to index
      %get3A_148 = arith.constant 0 : index
      %get3A_149 = tpu.vector_load %arg6[%get3A_147, %get3A_148] {strides = array<i32>} : memref<512x128xf32, #tpu.memory_space<vmem>>, vector<1x16xf32>,
      %get3A_150 = vector.shape_cast %get3A_149 : vector<1x16xf32> to vector<16xf32>
      %get3A_151 = arith.index_cast %squeeze3A : i32 to index
      %get3A_152 = arith.constant 0 : index
      %get3A_153 = tpu.vector_load %arg8[%get3A_151, %get3A_152] {strides = array<i32>} : memref<9x128xf32, #tpu.memory_space<vmem>>, vector<1x16xf32>,
      %get3A_154 = vector.shape_cast %get3A_153 : vector<1x16xf32> to vector<16xf32>
      %sub3A = arith.subf %get3A_150, %get3A_154 : vector<16xf32>
      %mul3A_155 = arith.mulf %sub3A, %sub3A : vector<16xf32>
      %add3A_156 = arith.addf %broadcast_in_dim3A_9, %mul3A_155 : vector<16xf32>
      %get3A_157 = arith.index_cast %add3A_146 : i32 to index
      %get3A_158 = arith.constant 16 : index
      %get3A_159 = tpu.vector_load %arg6[%get3A_157, %get3A_158] {strides = array<i32>} : memref<512x128xf32, #tpu.memory_space<vmem>>, vector<1x16xf32>,
      %get3A_160 = vector.shape_cast %get3A_159 : vector<1x16xf32> to vector<16xf32>
      %get3A_161 = arith.index_cast %squeeze3A : i32 to index
      %get3A_162 = arith.constant 16 : index
      %get3A_163 = tpu.vector_load %arg8[%get3A_161, %get3A_162] {strides = array<i32>} : memref<9x128xf32, #tpu.memory_space<vmem>>, vector<1x16xf32>,
      %get3A_164 = vector.shape_cast %get3A_163 : vector<1x16xf32> to vector<16xf32>
      %sub3A_165 = arith.subf %get3A_160, %get3A_164 : vector<16xf32>
      %mul3A_166 = arith.mulf %sub3A_165, %sub3A_165 : vector<16xf32>
      %add3A_167 = arith.addf %add3A_156, %mul3A_166 : vector<16xf32>
      %get3A_168 = arith.index_cast %add3A_146 : i32 to index
      %get3A_169 = arith.constant 32 : index
      %get3A_170 = tpu.vector_load %arg6[%get3A_168, %get3A_169] {strides = array<i32>} : memref<512x128xf32, #tpu.memory_space<vmem>>, vector<1x16xf32>,
      %get3A_171 = vector.shape_cast %get3A_170 : vector<1x16xf32> to vector<16xf32>
      %get3A_172 = arith.index_cast %squeeze3A : i32 to index
      %get3A_173 = arith.constant 32 : index
      %get3A_174 = tpu.vector_load %arg8[%get3A_172, %get3A_173] {strides = array<i32>} : memref<9x128xf32, #tpu.memory_space<vmem>>, vector<1x16xf32>,
      %get3A_175 = vector.shape_cast %get3A_174 : vector<1x16xf32> to vector<16xf32>
      %sub3A_176 = arith.subf %get3A_171, %get3A_175 : vector<16xf32>
      %mul3A_177 = arith.mulf %sub3A_176, %sub3A_176 : vector<16xf32>
      %add3A_178 = arith.addf %add3A_167, %mul3A_177 : vector<16xf32>
      %get3A_179 = arith.index_cast %add3A_146 : i32 to index
      %get3A_180 = arith.constant 48 : index
      %get3A_181 = tpu.vector_load %arg6[%get3A_179, %get3A_180] {strides = array<i32>} : memref<512x128xf32, #tpu.memory_space<vmem>>, vector<1x16xf32>,
      %get3A_182 = vector.shape_cast %get3A_181 : vector<1x16xf32> to vector<16xf32>
      %get3A_183 = arith.index_cast %squeeze3A : i32 to index
      %get3A_184 = arith.constant 48 : index
      %get3A_185 = tpu.vector_load %arg8[%get3A_183, %get3A_184] {strides = array<i32>} : memref<9x128xf32, #tpu.memory_space<vmem>>, vector<1x16xf32>,
      %get3A_186 = vector.shape_cast %get3A_185 : vector<1x16xf32> to vector<16xf32>
      %sub3A_187 = arith.subf %get3A_182, %get3A_186 : vector<16xf32>
      %mul3A_188 = arith.mulf %sub3A_187, %sub3A_187 : vector<16xf32>
      %add3A_189 = arith.addf %add3A_178, %mul3A_188 : vector<16xf32>
      %get3A_190 = arith.index_cast %add3A_146 : i32 to index
      %get3A_191 = arith.constant 64 : index
      %get3A_192 = tpu.vector_load %arg6[%get3A_190, %get3A_191] {strides = array<i32>} : memref<512x128xf32, #tpu.memory_space<vmem>>, vector<1x16xf32>,
      %get3A_193 = vector.shape_cast %get3A_192 : vector<1x16xf32> to vector<16xf32>
      %get3A_194 = arith.index_cast %squeeze3A : i32 to index
      %get3A_195 = arith.constant 64 : index
      %get3A_196 = tpu.vector_load %arg8[%get3A_194, %get3A_195] {strides = array<i32>} : memref<9x128xf32, #tpu.memory_space<vmem>>, vector<1x16xf32>,
      %get3A_197 = vector.shape_cast %get3A_196 : vector<1x16xf32> to vector<16xf32>
      %sub3A_198 = arith.subf %get3A_193, %get3A_197 : vector<16xf32>
      %mul3A_199 = arith.mulf %sub3A_198, %sub3A_198 : vector<16xf32>
      %add3A_200 = arith.addf %add3A_189, %mul3A_199 : vector<16xf32>
      %get3A_201 = arith.index_cast %add3A_146 : i32 to index
      %get3A_202 = arith.constant 80 : index
      %get3A_203 = tpu.vector_load %arg6[%get3A_201, %get3A_202] {strides = array<i32>} : memref<512x128xf32, #tpu.memory_space<vmem>>, vector<1x16xf32>,
      %get3A_204 = vector.shape_cast %get3A_203 : vector<1x16xf32> to vector<16xf32>
      %get3A_205 = arith.index_cast %squeeze3A : i32 to index
      %get3A_206 = arith.constant 80 : index
      %get3A_207 = tpu.vector_load %arg8[%get3A_205, %get3A_206] {strides = array<i32>} : memref<9x128xf32, #tpu.memory_space<vmem>>, vector<1x16xf32>,
      %get3A_208 = vector.shape_cast %get3A_207 : vector<1x16xf32> to vector<16xf32>
      %sub3A_209 = arith.subf %get3A_204, %get3A_208 : vector<16xf32>
      %mul3A_210 = arith.mulf %sub3A_209, %sub3A_209 : vector<16xf32>
      %add3A_211 = arith.addf %add3A_200, %mul3A_210 : vector<16xf32>
      %get3A_212 = arith.index_cast %add3A_146 : i32 to index
      %get3A_213 = arith.constant 96 : index
      %get3A_214 = tpu.vector_load %arg6[%get3A_212, %get3A_213] {strides = array<i32>} : memref<512x128xf32, #tpu.memory_space<vmem>>, vector<1x16xf32>,
      %get3A_215 = vector.shape_cast %get3A_214 : vector<1x16xf32> to vector<16xf32>
      %get3A_216 = arith.index_cast %squeeze3A : i32 to index
      %get3A_217 = arith.constant 96 : index
      %get3A_218 = tpu.vector_load %arg8[%get3A_216, %get3A_217] {strides = array<i32>} : memref<9x128xf32, #tpu.memory_space<vmem>>, vector<1x16xf32>,
      %get3A_219 = vector.shape_cast %get3A_218 : vector<1x16xf32> to vector<16xf32>
      %sub3A_220 = arith.subf %get3A_215, %get3A_219 : vector<16xf32>
      %mul3A_221 = arith.mulf %sub3A_220, %sub3A_220 : vector<16xf32>
      %add3A_222 = arith.addf %add3A_211, %mul3A_221 : vector<16xf32>
      %get3A_223 = arith.index_cast %add3A_146 : i32 to index
      %get3A_224 = arith.constant 112 : index
      %get3A_225 = tpu.vector_load %arg6[%get3A_223, %get3A_224] {strides = array<i32>} : memref<512x128xf32, #tpu.memory_space<vmem>>, vector<1x16xf32>,
      %get3A_226 = vector.shape_cast %get3A_225 : vector<1x16xf32> to vector<16xf32>
      %get3A_227 = arith.index_cast %squeeze3A : i32 to index
      %get3A_228 = arith.constant 112 : index
      %get3A_229 = tpu.vector_load %arg8[%get3A_227, %get3A_228] {strides = array<i32>} : memref<9x128xf32, #tpu.memory_space<vmem>>, vector<1x16xf32>,
      %get3A_230 = vector.shape_cast %get3A_229 : vector<1x16xf32> to vector<16xf32>
      %sub3A_231 = arith.subf %get3A_226, %get3A_230 : vector<16xf32>
      %mul3A_232 = arith.mulf %sub3A_231, %sub3A_231 : vector<16xf32>
      %add3A_233 = arith.addf %add3A_222, %mul3A_232 : vector<16xf32>
      %xor3A = arith.constant 8 : i32
      %xor3A_234 = vector.broadcast %xor3A : i32 to vector<16xi32>
      %xor3A_235 = arith.xori %iota3A, %xor3A_234 : vector<16xi32>
      %lt3A = arith.constant 0 : i32
      %lt3A_236 = vector.broadcast %lt3A : i32 to vector<16xi32>
      %lt3A_237 = arith.cmpi slt, %xor3A_235, %lt3A_236 : vector<16xi32>
      %add3A_238 = arith.constant 16 : i32
      %add3A_239 = vector.broadcast %add3A_238 : i32 to vector<16xi32>
      %add3A_240 = arith.addi %xor3A_235, %add3A_239 : vector<16xi32>
      %select_n3A = arith.select %lt3A_237, %add3A_240, %xor3A_235 : vector<16xi1>, vector<16xi32>
      %broadcast_in_dim3A_241 = vector.shape_cast %select_n3A : vector<16xi32> to vector<16x1xi32>
      %gather3A = vector.shape_cast %broadcast_in_dim3A_241 : vector<16x1xi32> to vector<16xi32>
      %gather3A_242 = tpu.dynamic_gather %add3A_233[%gather3A] in [0] : vector<16xf32>, vector<16xi32> -> vector<16xf32>
      %add3A_243 = arith.addf %add3A_233, %gather3A_242 : vector<16xf32>
      %xor3A_244 = arith.constant 4 : i32
      %xor3A_245 = vector.broadcast %xor3A_244 : i32 to vector<16xi32>
      %xor3A_246 = arith.xori %iota3A, %xor3A_245 : vector<16xi32>
      %lt3A_247 = arith.constant 0 : i32
      %lt3A_248 = vector.broadcast %lt3A_247 : i32 to vector<16xi32>
      %lt3A_249 = arith.cmpi slt, %xor3A_246, %lt3A_248 : vector<16xi32>
      %add3A_250 = arith.constant 16 : i32
      %add3A_251 = vector.broadcast %add3A_250 : i32 to vector<16xi32>
      %add3A_252 = arith.addi %xor3A_246, %add3A_251 : vector<16xi32>
      %select_n3A_253 = arith.select %lt3A_249, %add3A_252, %xor3A_246 : vector<16xi1>, vector<16xi32>
      %broadcast_in_dim3A_254 = vector.shape_cast %select_n3A_253 : vector<16xi32> to vector<16x1xi32>
      %gather3A_255 = vector.shape_cast %broadcast_in_dim3A_254 : vector<16x1xi32> to vector<16xi32>
      %gather3A_256 = tpu.dynamic_gather %add3A_243[%gather3A_255] in [0] : vector<16xf32>, vector<16xi32> -> vector<16xf32>
      %add3A_257 = arith.addf %add3A_243, %gather3A_256 : vector<16xf32>
      %xor3A_258 = arith.constant 2 : i32
      %xor3A_259 = vector.broadcast %xor3A_258 : i32 to vector<16xi32>
      %xor3A_260 = arith.xori %iota3A, %xor3A_259 : vector<16xi32>
      %lt3A_261 = arith.constant 0 : i32
      %lt3A_262 = vector.broadcast %lt3A_261 : i32 to vector<16xi32>
      %lt3A_263 = arith.cmpi slt, %xor3A_260, %lt3A_262 : vector<16xi32>
      %add3A_264 = arith.constant 16 : i32
      %add3A_265 = vector.broadcast %add3A_264 : i32 to vector<16xi32>
      %add3A_266 = arith.addi %xor3A_260, %add3A_265 : vector<16xi32>
      %select_n3A_267 = arith.select %lt3A_263, %add3A_266, %xor3A_260 : vector<16xi1>, vector<16xi32>
      %broadcast_in_dim3A_268 = vector.shape_cast %select_n3A_267 : vector<16xi32> to vector<16x1xi32>
      %gather3A_269 = vector.shape_cast %broadcast_in_dim3A_268 : vector<16x1xi32> to vector<16xi32>
      %gather3A_270 = tpu.dynamic_gather %add3A_257[%gather3A_269] in [0] : vector<16xf32>, vector<16xi32> -> vector<16xf32>
      %add3A_271 = arith.addf %add3A_257, %gather3A_270 : vector<16xf32>
      %xor3A_272 = arith.constant 1 : i32
      %xor3A_273 = vector.broadcast %xor3A_272 : i32 to vector<16xi32>
      %xor3A_274 = arith.xori %iota3A, %xor3A_273 : vector<16xi32>
      %lt3A_275 = arith.constant 0 : i32
      %lt3A_276 = vector.broadcast %lt3A_275 : i32 to vector<16xi32>
      %lt3A_277 = arith.cmpi slt, %xor3A_274, %lt3A_276 : vector<16xi32>
      %add3A_278 = arith.constant 16 : i32
      %add3A_279 = vector.broadcast %add3A_278 : i32 to vector<16xi32>
      %add3A_280 = arith.addi %xor3A_274, %add3A_279 : vector<16xi32>
      %select_n3A_281 = arith.select %lt3A_277, %add3A_280, %xor3A_274 : vector<16xi1>, vector<16xi32>
      %broadcast_in_dim3A_282 = vector.shape_cast %select_n3A_281 : vector<16xi32> to vector<16x1xi32>
      %gather3A_283 = vector.shape_cast %broadcast_in_dim3A_282 : vector<16x1xi32> to vector<16xi32>
      %gather3A_284 = tpu.dynamic_gather %add3A_271[%gather3A_283] in [0] : vector<16xf32>, vector<16xi32> -> vector<16xf32>
      %add3A_285 = arith.addf %add3A_271, %gather3A_284 : vector<16xf32>
      %eq3A = arith.constant 0 : i32
      %eq3A_286 = vector.broadcast %eq3A : i32 to vector<16xi32>
      %eq3A_287 = arith.cmpi eq, %iota3A, %eq3A_286 : vector<16xi32>
      %select_n3A_288 = arith.select %eq3A_287, %add3A_285, %broadcast_in_dim3A_9 : vector<16xi1>, vector<16xf32>
      %add3A_289 = arith.constant 1 : i32
      %add3A_290 = arith.addi %mul3A_142, %add3A_289 : i32
      %slice3A_291 = vector.extract_strided_slice %get3A_144 {offsets = [1], sizes = [1], strides = [1]} : vector<16xi32> to vector<1xi32>
      %squeeze3A_292 = vector.extract %slice3A_291[0] : i32 from vector<1xi32>
      %get3A_293 = arith.index_cast %add3A_290 : i32 to index
      %get3A_294 = arith.constant 0 : index
      %get3A_295 = tpu.vector_load %arg6[%get3A_293, %get3A_294] {strides = array<i32>} : memref<512x128xf32, #tpu.memory_space<vmem>>, vector<1x16xf32>,
      %get3A_296 = vector.shape_cast %get3A_295 : vector<1x16xf32> to vector<16xf32>
      %get3A_297 = arith.index_cast %squeeze3A_292 : i32 to index
      %get3A_298 = arith.constant 0 : index
      %get3A_299 = tpu.vector_load %arg8[%get3A_297, %get3A_298] {strides = array<i32>} : memref<9x128xf32, #tpu.memory_space<vmem>>, vector<1x16xf32>,
      %get3A_300 = vector.shape_cast %get3A_299 : vector<1x16xf32> to vector<16xf32>
      %sub3A_301 = arith.subf %get3A_296, %get3A_300 : vector<16xf32>
      %mul3A_302 = arith.mulf %sub3A_301, %sub3A_301 : vector<16xf32>
      %add3A_303 = arith.addf %broadcast_in_dim3A_9, %mul3A_302 : vector<16xf32>
      %get3A_304 = arith.index_cast %add3A_290 : i32 to index
      %get3A_305 = arith.constant 16 : index
      %get3A_306 = tpu.vector_load %arg6[%get3A_304, %get3A_305] {strides = array<i32>} : memref<512x128xf32, #tpu.memory_space<vmem>>, vector<1x16xf32>,
      %get3A_307 = vector.shape_cast %get3A_306 : vector<1x16xf32> to vector<16xf32>
      %get3A_308 = arith.index_cast %squeeze3A_292 : i32 to index
      %get3A_309 = arith.constant 16 : index
      %get3A_310 = tpu.vector_load %arg8[%get3A_308, %get3A_309] {strides = array<i32>} : memref<9x128xf32, #tpu.memory_space<vmem>>, vector<1x16xf32>,
      %get3A_311 = vector.shape_cast %get3A_310 : vector<1x16xf32> to vector<16xf32>
      %sub3A_312 = arith.subf %get3A_307, %get3A_311 : vector<16xf32>
      %mul3A_313 = arith.mulf %sub3A_312, %sub3A_312 : vector<16xf32>
      %add3A_314 = arith.addf %add3A_303, %mul3A_313 : vector<16xf32>
      %get3A_315 = arith.index_cast %add3A_290 : i32 to index
      %get3A_316 = arith.constant 32 : index
      %get3A_317 = tpu.vector_load %arg6[%get3A_315, %get3A_316] {strides = array<i32>} : memref<512x128xf32, #tpu.memory_space<vmem>>, vector<1x16xf32>,
      %get3A_318 = vector.shape_cast %get3A_317 : vector<1x16xf32> to vector<16xf32>
      %get3A_319 = arith.index_cast %squeeze3A_292 : i32 to index
      %get3A_320 = arith.constant 32 : index
      %get3A_321 = tpu.vector_load %arg8[%get3A_319, %get3A_320] {strides = array<i32>} : memref<9x128xf32, #tpu.memory_space<vmem>>, vector<1x16xf32>,
      %get3A_322 = vector.shape_cast %get3A_321 : vector<1x16xf32> to vector<16xf32>
      %sub3A_323 = arith.subf %get3A_318, %get3A_322 : vector<16xf32>
      %mul3A_324 = arith.mulf %sub3A_323, %sub3A_323 : vector<16xf32>
      %add3A_325 = arith.addf %add3A_314, %mul3A_324 : vector<16xf32>
      %get3A_326 = arith.index_cast %add3A_290 : i32 to index
      %get3A_327 = arith.constant 48 : index
      %get3A_328 = tpu.vector_load %arg6[%get3A_326, %get3A_327] {strides = array<i32>} : memref<512x128xf32, #tpu.memory_space<vmem>>, vector<1x16xf32>,
      %get3A_329 = vector.shape_cast %get3A_328 : vector<1x16xf32> to vector<16xf32>
      %get3A_330 = arith.index_cast %squeeze3A_292 : i32 to index
      %get3A_331 = arith.constant 48 : index
      %get3A_332 = tpu.vector_load %arg8[%get3A_330, %get3A_331] {strides = array<i32>} : memref<9x128xf32, #tpu.memory_space<vmem>>, vector<1x16xf32>,
      %get3A_333 = vector.shape_cast %get3A_332 : vector<1x16xf32> to vector<16xf32>
      %sub3A_334 = arith.subf %get3A_329, %get3A_333 : vector<16xf32>
      %mul3A_335 = arith.mulf %sub3A_334, %sub3A_334 : vector<16xf32>
      %add3A_336 = arith.addf %add3A_325, %mul3A_335 : vector<16xf32>
      %get3A_337 = arith.index_cast %add3A_290 : i32 to index
      %get3A_338 = arith.constant 64 : index
      %get3A_339 = tpu.vector_load %arg6[%get3A_337, %get3A_338] {strides = array<i32>} : memref<512x128xf32, #tpu.memory_space<vmem>>, vector<1x16xf32>,
      %get3A_340 = vector.shape_cast %get3A_339 : vector<1x16xf32> to vector<16xf32>
      %get3A_341 = arith.index_cast %squeeze3A_292 : i32 to index
      %get3A_342 = arith.constant 64 : index
      %get3A_343 = tpu.vector_load %arg8[%get3A_341, %get3A_342] {strides = array<i32>} : memref<9x128xf32, #tpu.memory_space<vmem>>, vector<1x16xf32>,
      %get3A_344 = vector.shape_cast %get3A_343 : vector<1x16xf32> to vector<16xf32>
      %sub3A_345 = arith.subf %get3A_340, %get3A_344 : vector<16xf32>
      %mul3A_346 = arith.mulf %sub3A_345, %sub3A_345 : vector<16xf32>
      %add3A_347 = arith.addf %add3A_336, %mul3A_346 : vector<16xf32>
      %get3A_348 = arith.index_cast %add3A_290 : i32 to index
      %get3A_349 = arith.constant 80 : index
      %get3A_350 = tpu.vector_load %arg6[%get3A_348, %get3A_349] {strides = array<i32>} : memref<512x128xf32, #tpu.memory_space<vmem>>, vector<1x16xf32>,
      %get3A_351 = vector.shape_cast %get3A_350 : vector<1x16xf32> to vector<16xf32>
      %get3A_352 = arith.index_cast %squeeze3A_292 : i32 to index
      %get3A_353 = arith.constant 80 : index
      %get3A_354 = tpu.vector_load %arg8[%get3A_352, %get3A_353] {strides = array<i32>} : memref<9x128xf32, #tpu.memory_space<vmem>>, vector<1x16xf32>,
      %get3A_355 = vector.shape_cast %get3A_354 : vector<1x16xf32> to vector<16xf32>
      %sub3A_356 = arith.subf %get3A_351, %get3A_355 : vector<16xf32>
      %mul3A_357 = arith.mulf %sub3A_356, %sub3A_356 : vector<16xf32>
      %add3A_358 = arith.addf %add3A_347, %mul3A_357 : vector<16xf32>
      %get3A_359 = arith.index_cast %add3A_290 : i32 to index
      %get3A_360 = arith.constant 96 : index
      %get3A_361 = tpu.vector_load %arg6[%get3A_359, %get3A_360] {strides = array<i32>} : memref<512x128xf32, #tpu.memory_space<vmem>>, vector<1x16xf32>,
      %get3A_362 = vector.shape_cast %get3A_361 : vector<1x16xf32> to vector<16xf32>
      %get3A_363 = arith.index_cast %squeeze3A_292 : i32 to index
      %get3A_364 = arith.constant 96 : index
      %get3A_365 = tpu.vector_load %arg8[%get3A_363, %get3A_364] {strides = array<i32>} : memref<9x128xf32, #tpu.memory_space<vmem>>, vector<1x16xf32>,
      %get3A_366 = vector.shape_cast %get3A_365 : vector<1x16xf32> to vector<16xf32>
      %sub3A_367 = arith.subf %get3A_362, %get3A_366 : vector<16xf32>
      %mul3A_368 = arith.mulf %sub3A_367, %sub3A_367 : vector<16xf32>
      %add3A_369 = arith.addf %add3A_358, %mul3A_368 : vector<16xf32>
      %get3A_370 = arith.index_cast %add3A_290 : i32 to index
      %get3A_371 = arith.constant 112 : index
      %get3A_372 = tpu.vector_load %arg6[%get3A_370, %get3A_371] {strides = array<i32>} : memref<512x128xf32, #tpu.memory_space<vmem>>, vector<1x16xf32>,
      %get3A_373 = vector.shape_cast %get3A_372 : vector<1x16xf32> to vector<16xf32>
      %get3A_374 = arith.index_cast %squeeze3A_292 : i32 to index
      %get3A_375 = arith.constant 112 : index
      %get3A_376 = tpu.vector_load %arg8[%get3A_374, %get3A_375] {strides = array<i32>} : memref<9x128xf32, #tpu.memory_space<vmem>>, vector<1x16xf32>,
      %get3A_377 = vector.shape_cast %get3A_376 : vector<1x16xf32> to vector<16xf32>
      %sub3A_378 = arith.subf %get3A_373, %get3A_377 : vector<16xf32>
      %mul3A_379 = arith.mulf %sub3A_378, %sub3A_378 : vector<16xf32>
      %add3A_380 = arith.addf %add3A_369, %mul3A_379 : vector<16xf32>
      %xor3A_381 = arith.constant 8 : i32
      %xor3A_382 = vector.broadcast %xor3A_381 : i32 to vector<16xi32>
      %xor3A_383 = arith.xori %iota3A, %xor3A_382 : vector<16xi32>
      %lt3A_384 = arith.constant 0 : i32
      %lt3A_385 = vector.broadcast %lt3A_384 : i32 to vector<16xi32>
      %lt3A_386 = arith.cmpi slt, %xor3A_383, %lt3A_385 : vector<16xi32>
      %add3A_387 = arith.constant 16 : i32
      %add3A_388 = vector.broadcast %add3A_387 : i32 to vector<16xi32>
      %add3A_389 = arith.addi %xor3A_383, %add3A_388 : vector<16xi32>
      %select_n3A_390 = arith.select %lt3A_386, %add3A_389, %xor3A_383 : vector<16xi1>, vector<16xi32>
      %broadcast_in_dim3A_391 = vector.shape_cast %select_n3A_390 : vector<16xi32> to vector<16x1xi32>
      %gather3A_392 = vector.shape_cast %broadcast_in_dim3A_391 : vector<16x1xi32> to vector<16xi32>
      %gather3A_393 = tpu.dynamic_gather %add3A_380[%gather3A_392] in [0] : vector<16xf32>, vector<16xi32> -> vector<16xf32>
      %add3A_394 = arith.addf %add3A_380, %gather3A_393 : vector<16xf32>
      %xor3A_395 = arith.constant 4 : i32
      %xor3A_396 = vector.broadcast %xor3A_395 : i32 to vector<16xi32>
      %xor3A_397 = arith.xori %iota3A, %xor3A_396 : vector<16xi32>
      %lt3A_398 = arith.constant 0 : i32
      %lt3A_399 = vector.broadcast %lt3A_398 : i32 to vector<16xi32>
      %lt3A_400 = arith.cmpi slt, %xor3A_397, %lt3A_399 : vector<16xi32>
      %add3A_401 = arith.constant 16 : i32
      %add3A_402 = vector.broadcast %add3A_401 : i32 to vector<16xi32>
      %add3A_403 = arith.addi %xor3A_397, %add3A_402 : vector<16xi32>
      %select_n3A_404 = arith.select %lt3A_400, %add3A_403, %xor3A_397 : vector<16xi1>, vector<16xi32>
      %broadcast_in_dim3A_405 = vector.shape_cast %select_n3A_404 : vector<16xi32> to vector<16x1xi32>
      %gather3A_406 = vector.shape_cast %broadcast_in_dim3A_405 : vector<16x1xi32> to vector<16xi32>
      %gather3A_407 = tpu.dynamic_gather %add3A_394[%gather3A_406] in [0] : vector<16xf32>, vector<16xi32> -> vector<16xf32>
      %add3A_408 = arith.addf %add3A_394, %gather3A_407 : vector<16xf32>
      %xor3A_409 = arith.constant 2 : i32
      %xor3A_410 = vector.broadcast %xor3A_409 : i32 to vector<16xi32>
      %xor3A_411 = arith.xori %iota3A, %xor3A_410 : vector<16xi32>
      %lt3A_412 = arith.constant 0 : i32
      %lt3A_413 = vector.broadcast %lt3A_412 : i32 to vector<16xi32>
      %lt3A_414 = arith.cmpi slt, %xor3A_411, %lt3A_413 : vector<16xi32>
      %add3A_415 = arith.constant 16 : i32
      %add3A_416 = vector.broadcast %add3A_415 : i32 to vector<16xi32>
      %add3A_417 = arith.addi %xor3A_411, %add3A_416 : vector<16xi32>
      %select_n3A_418 = arith.select %lt3A_414, %add3A_417, %xor3A_411 : vector<16xi1>, vector<16xi32>
      %broadcast_in_dim3A_419 = vector.shape_cast %select_n3A_418 : vector<16xi32> to vector<16x1xi32>
      %gather3A_420 = vector.shape_cast %broadcast_in_dim3A_419 : vector<16x1xi32> to vector<16xi32>
      %gather3A_421 = tpu.dynamic_gather %add3A_408[%gather3A_420] in [0] : vector<16xf32>, vector<16xi32> -> vector<16xf32>
      %add3A_422 = arith.addf %add3A_408, %gather3A_421 : vector<16xf32>
      %xor3A_423 = arith.constant 1 : i32
      %xor3A_424 = vector.broadcast %xor3A_423 : i32 to vector<16xi32>
      %xor3A_425 = arith.xori %iota3A, %xor3A_424 : vector<16xi32>
      %lt3A_426 = arith.constant 0 : i32
      %lt3A_427 = vector.broadcast %lt3A_426 : i32 to vector<16xi32>
      %lt3A_428 = arith.cmpi slt, %xor3A_425, %lt3A_427 : vector<16xi32>
      %add3A_429 = arith.constant 16 : i32
      %add3A_430 = vector.broadcast %add3A_429 : i32 to vector<16xi32>
      %add3A_431 = arith.addi %xor3A_425, %add3A_430 : vector<16xi32>
      %select_n3A_432 = arith.select %lt3A_428, %add3A_431, %xor3A_425 : vector<16xi1>, vector<16xi32>
      %broadcast_in_dim3A_433 = vector.shape_cast %select_n3A_432 : vector<16xi32> to vector<16x1xi32>
      %gather3A_434 = vector.shape_cast %broadcast_in_dim3A_433 : vector<16x1xi32> to vector<16xi32>
      %gather3A_435 = tpu.dynamic_gather %add3A_422[%gather3A_434] in [0] : vector<16xf32>, vector<16xi32> -> vector<16xf32>
      %add3A_436 = arith.addf %add3A_422, %gather3A_435 : vector<16xf32>
      %eq3A_437 = arith.constant 1 : i32
      %eq3A_438 = vector.broadcast %eq3A_437 : i32 to vector<16xi32>
      %eq3A_439 = arith.cmpi eq, %iota3A, %eq3A_438 : vector<16xi32>
      %select_n3A_440 = arith.select %eq3A_439, %add3A_436, %select_n3A_288 : vector<16xi1>, vector<16xf32>
      %add3A_441 = arith.constant 2 : i32
      %add3A_442 = arith.addi %mul3A_142, %add3A_441 : i32
      %slice3A_443 = vector.extract_strided_slice %get3A_144 {offsets = [2], sizes = [1], strides = [1]} : vector<16xi32> to vector<1xi32>
      %squeeze3A_444 = vector.extract %slice3A_443[0] : i32 from vector<1xi32>
      %get3A_445 = arith.index_cast %add3A_442 : i32 to index
      %get3A_446 = arith.constant 0 : index
      %get3A_447 = tpu.vector_load %arg6[%get3A_445, %get3A_446] {strides = array<i32>} : memref<512x128xf32, #tpu.memory_space<vmem>>, vector<1x16xf32>,
      %get3A_448 = vector.shape_cast %get3A_447 : vector<1x16xf32> to vector<16xf32>
      %get3A_449 = arith.index_cast %squeeze3A_444 : i32 to index
      %get3A_450 = arith.constant 0 : index
      %get3A_451 = tpu.vector_load %arg8[%get3A_449, %get3A_450] {strides = array<i32>} : memref<9x128xf32, #tpu.memory_space<vmem>>, vector<1x16xf32>,
      %get3A_452 = vector.shape_cast %get3A_451 : vector<1x16xf32> to vector<16xf32>
      %sub3A_453 = arith.subf %get3A_448, %get3A_452 : vector<16xf32>
      %mul3A_454 = arith.mulf %sub3A_453, %sub3A_453 : vector<16xf32>
      %add3A_455 = arith.addf %broadcast_in_dim3A_9, %mul3A_454 : vector<16xf32>
      %get3A_456 = arith.index_cast %add3A_442 : i32 to index
      %get3A_457 = arith.constant 16 : index
      %get3A_458 = tpu.vector_load %arg6[%get3A_456, %get3A_457] {strides = array<i32>} : memref<512x128xf32, #tpu.memory_space<vmem>>, vector<1x16xf32>,
      %get3A_459 = vector.shape_cast %get3A_458 : vector<1x16xf32> to vector<16xf32>
      %get3A_460 = arith.index_cast %squeeze3A_444 : i32 to index
      %get3A_461 = arith.constant 16 : index
      %get3A_462 = tpu.vector_load %arg8[%get3A_460, %get3A_461] {strides = array<i32>} : memref<9x128xf32, #tpu.memory_space<vmem>>, vector<1x16xf32>,
      %get3A_463 = vector.shape_cast %get3A_462 : vector<1x16xf32> to vector<16xf32>
      %sub3A_464 = arith.subf %get3A_459, %get3A_463 : vector<16xf32>
      %mul3A_465 = arith.mulf %sub3A_464, %sub3A_464 : vector<16xf32>
      %add3A_466 = arith.addf %add3A_455, %mul3A_465 : vector<16xf32>
      %get3A_467 = arith.index_cast %add3A_442 : i32 to index
      %get3A_468 = arith.constant 32 : index
      %get3A_469 = tpu.vector_load %arg6[%get3A_467, %get3A_468] {strides = array<i32>} : memref<512x128xf32, #tpu.memory_space<vmem>>, vector<1x16xf32>,
      %get3A_470 = vector.shape_cast %get3A_469 : vector<1x16xf32> to vector<16xf32>
      %get3A_471 = arith.index_cast %squeeze3A_444 : i32 to index
      %get3A_472 = arith.constant 32 : index
      %get3A_473 = tpu.vector_load %arg8[%get3A_471, %get3A_472] {strides = array<i32>} : memref<9x128xf32, #tpu.memory_space<vmem>>, vector<1x16xf32>,
      %get3A_474 = vector.shape_cast %get3A_473 : vector<1x16xf32> to vector<16xf32>
      %sub3A_475 = arith.subf %get3A_470, %get3A_474 : vector<16xf32>
      %mul3A_476 = arith.mulf %sub3A_475, %sub3A_475 : vector<16xf32>
      %add3A_477 = arith.addf %add3A_466, %mul3A_476 : vector<16xf32>
      %get3A_478 = arith.index_cast %add3A_442 : i32 to index
      %get3A_479 = arith.constant 48 : index
      %get3A_480 = tpu.vector_load %arg6[%get3A_478, %get3A_479] {strides = array<i32>} : memref<512x128xf32, #tpu.memory_space<vmem>>, vector<1x16xf32>,
      %get3A_481 = vector.shape_cast %get3A_480 : vector<1x16xf32> to vector<16xf32>
      %get3A_482 = arith.index_cast %squeeze3A_444 : i32 to index
      %get3A_483 = arith.constant 48 : index
      %get3A_484 = tpu.vector_load %arg8[%get3A_482, %get3A_483] {strides = array<i32>} : memref<9x128xf32, #tpu.memory_space<vmem>>, vector<1x16xf32>,
      %get3A_485 = vector.shape_cast %get3A_484 : vector<1x16xf32> to vector<16xf32>
      %sub3A_486 = arith.subf %get3A_481, %get3A_485 : vector<16xf32>
      %mul3A_487 = arith.mulf %sub3A_486, %sub3A_486 : vector<16xf32>
      %add3A_488 = arith.addf %add3A_477, %mul3A_487 : vector<16xf32>
      %get3A_489 = arith.index_cast %add3A_442 : i32 to index
      %get3A_490 = arith.constant 64 : index
      %get3A_491 = tpu.vector_load %arg6[%get3A_489, %get3A_490] {strides = array<i32>} : memref<512x128xf32, #tpu.memory_space<vmem>>, vector<1x16xf32>,
      %get3A_492 = vector.shape_cast %get3A_491 : vector<1x16xf32> to vector<16xf32>
      %get3A_493 = arith.index_cast %squeeze3A_444 : i32 to index
      %get3A_494 = arith.constant 64 : index
      %get3A_495 = tpu.vector_load %arg8[%get3A_493, %get3A_494] {strides = array<i32>} : memref<9x128xf32, #tpu.memory_space<vmem>>, vector<1x16xf32>,
      %get3A_496 = vector.shape_cast %get3A_495 : vector<1x16xf32> to vector<16xf32>
      %sub3A_497 = arith.subf %get3A_492, %get3A_496 : vector<16xf32>
      %mul3A_498 = arith.mulf %sub3A_497, %sub3A_497 : vector<16xf32>
      %add3A_499 = arith.addf %add3A_488, %mul3A_498 : vector<16xf32>
      %get3A_500 = arith.index_cast %add3A_442 : i32 to index
      %get3A_501 = arith.constant 80 : index
      %get3A_502 = tpu.vector_load %arg6[%get3A_500, %get3A_501] {strides = array<i32>} : memref<512x128xf32, #tpu.memory_space<vmem>>, vector<1x16xf32>,
      %get3A_503 = vector.shape_cast %get3A_502 : vector<1x16xf32> to vector<16xf32>
      %get3A_504 = arith.index_cast %squeeze3A_444 : i32 to index
      %get3A_505 = arith.constant 80 : index
      %get3A_506 = tpu.vector_load %arg8[%get3A_504, %get3A_505] {strides = array<i32>} : memref<9x128xf32, #tpu.memory_space<vmem>>, vector<1x16xf32>,
      %get3A_507 = vector.shape_cast %get3A_506 : vector<1x16xf32> to vector<16xf32>
      %sub3A_508 = arith.subf %get3A_503, %get3A_507 : vector<16xf32>
      %mul3A_509 = arith.mulf %sub3A_508, %sub3A_508 : vector<16xf32>
      %add3A_510 = arith.addf %add3A_499, %mul3A_509 : vector<16xf32>
      %get3A_511 = arith.index_cast %add3A_442 : i32 to index
      %get3A_512 = arith.constant 96 : index
      %get3A_513 = tpu.vector_load %arg6[%get3A_511, %get3A_512] {strides = array<i32>} : memref<512x128xf32, #tpu.memory_space<vmem>>, vector<1x16xf32>,
      %get3A_514 = vector.shape_cast %get3A_513 : vector<1x16xf32> to vector<16xf32>
      %get3A_515 = arith.index_cast %squeeze3A_444 : i32 to index
      %get3A_516 = arith.constant 96 : index
      %get3A_517 = tpu.vector_load %arg8[%get3A_515, %get3A_516] {strides = array<i32>} : memref<9x128xf32, #tpu.memory_space<vmem>>, vector<1x16xf32>,
      %get3A_518 = vector.shape_cast %get3A_517 : vector<1x16xf32> to vector<16xf32>
      %sub3A_519 = arith.subf %get3A_514, %get3A_518 : vector<16xf32>
      %mul3A_520 = arith.mulf %sub3A_519, %sub3A_519 : vector<16xf32>
      %add3A_521 = arith.addf %add3A_510, %mul3A_520 : vector<16xf32>
      %get3A_522 = arith.index_cast %add3A_442 : i32 to index
      %get3A_523 = arith.constant 112 : index
      %get3A_524 = tpu.vector_load %arg6[%get3A_522, %get3A_523] {strides = array<i32>} : memref<512x128xf32, #tpu.memory_space<vmem>>, vector<1x16xf32>,
      %get3A_525 = vector.shape_cast %get3A_524 : vector<1x16xf32> to vector<16xf32>
      %get3A_526 = arith.index_cast %squeeze3A_444 : i32 to index
      %get3A_527 = arith.constant 112 : index
      %get3A_528 = tpu.vector_load %arg8[%get3A_526, %get3A_527] {strides = array<i32>} : memref<9x128xf32, #tpu.memory_space<vmem>>, vector<1x16xf32>,
      %get3A_529 = vector.shape_cast %get3A_528 : vector<1x16xf32> to vector<16xf32>
      %sub3A_530 = arith.subf %get3A_525, %get3A_529 : vector<16xf32>
      %mul3A_531 = arith.mulf %sub3A_530, %sub3A_530 : vector<16xf32>
      %add3A_532 = arith.addf %add3A_521, %mul3A_531 : vector<16xf32>
      %xor3A_533 = arith.constant 8 : i32
      %xor3A_534 = vector.broadcast %xor3A_533 : i32 to vector<16xi32>
      %xor3A_535 = arith.xori %iota3A, %xor3A_534 : vector<16xi32>
      %lt3A_536 = arith.constant 0 : i32
      %lt3A_537 = vector.broadcast %lt3A_536 : i32 to vector<16xi32>
      %lt3A_538 = arith.cmpi slt, %xor3A_535, %lt3A_537 : vector<16xi32>
      %add3A_539 = arith.constant 16 : i32
      %add3A_540 = vector.broadcast %add3A_539 : i32 to vector<16xi32>
      %add3A_541 = arith.addi %xor3A_535, %add3A_540 : vector<16xi32>
      %select_n3A_542 = arith.select %lt3A_538, %add3A_541, %xor3A_535 : vector<16xi1>, vector<16xi32>
      %broadcast_in_dim3A_543 = vector.shape_cast %select_n3A_542 : vector<16xi32> to vector<16x1xi32>
      %gather3A_544 = vector.shape_cast %broadcast_in_dim3A_543 : vector<16x1xi32> to vector<16xi32>
      %gather3A_545 = tpu.dynamic_gather %add3A_532[%gather3A_544] in [0] : vector<16xf32>, vector<16xi32> -> vector<16xf32>
      %add3A_546 = arith.addf %add3A_532, %gather3A_545 : vector<16xf32>
      %xor3A_547 = arith.constant 4 : i32
      %xor3A_548 = vector.broadcast %xor3A_547 : i32 to vector<16xi32>
      %xor3A_549 = arith.xori %iota3A, %xor3A_548 : vector<16xi32>
      %lt3A_550 = arith.constant 0 : i32
      %lt3A_551 = vector.broadcast %lt3A_550 : i32 to vector<16xi32>
      %lt3A_552 = arith.cmpi slt, %xor3A_549, %lt3A_551 : vector<16xi32>
      %add3A_553 = arith.constant 16 : i32
      %add3A_554 = vector.broadcast %add3A_553 : i32 to vector<16xi32>
      %add3A_555 = arith.addi %xor3A_549, %add3A_554 : vector<16xi32>
      %select_n3A_556 = arith.select %lt3A_552, %add3A_555, %xor3A_549 : vector<16xi1>, vector<16xi32>
      %broadcast_in_dim3A_557 = vector.shape_cast %select_n3A_556 : vector<16xi32> to vector<16x1xi32>
      %gather3A_558 = vector.shape_cast %broadcast_in_dim3A_557 : vector<16x1xi32> to vector<16xi32>
      %gather3A_559 = tpu.dynamic_gather %add3A_546[%gather3A_558] in [0] : vector<16xf32>, vector<16xi32> -> vector<16xf32>
      %add3A_560 = arith.addf %add3A_546, %gather3A_559 : vector<16xf32>
      %xor3A_561 = arith.constant 2 : i32
      %xor3A_562 = vector.broadcast %xor3A_561 : i32 to vector<16xi32>
      %xor3A_563 = arith.xori %iota3A, %xor3A_562 : vector<16xi32>
      %lt3A_564 = arith.constant 0 : i32
      %lt3A_565 = vector.broadcast %lt3A_564 : i32 to vector<16xi32>
      %lt3A_566 = arith.cmpi slt, %xor3A_563, %lt3A_565 : vector<16xi32>
      %add3A_567 = arith.constant 16 : i32
      %add3A_568 = vector.broadcast %add3A_567 : i32 to vector<16xi32>
      %add3A_569 = arith.addi %xor3A_563, %add3A_568 : vector<16xi32>
      %select_n3A_570 = arith.select %lt3A_566, %add3A_569, %xor3A_563 : vector<16xi1>, vector<16xi32>
      %broadcast_in_dim3A_571 = vector.shape_cast %select_n3A_570 : vector<16xi32> to vector<16x1xi32>
      %gather3A_572 = vector.shape_cast %broadcast_in_dim3A_571 : vector<16x1xi32> to vector<16xi32>
      %gather3A_573 = tpu.dynamic_gather %add3A_560[%gather3A_572] in [0] : vector<16xf32>, vector<16xi32> -> vector<16xf32>
      %add3A_574 = arith.addf %add3A_560, %gather3A_573 : vector<16xf32>
      %xor3A_575 = arith.constant 1 : i32
      %xor3A_576 = vector.broadcast %xor3A_575 : i32 to vector<16xi32>
      %xor3A_577 = arith.xori %iota3A, %xor3A_576 : vector<16xi32>
      %lt3A_578 = arith.constant 0 : i32
      %lt3A_579 = vector.broadcast %lt3A_578 : i32 to vector<16xi32>
      %lt3A_580 = arith.cmpi slt, %xor3A_577, %lt3A_579 : vector<16xi32>
      %add3A_581 = arith.constant 16 : i32
      %add3A_582 = vector.broadcast %add3A_581 : i32 to vector<16xi32>
      %add3A_583 = arith.addi %xor3A_577, %add3A_582 : vector<16xi32>
      %select_n3A_584 = arith.select %lt3A_580, %add3A_583, %xor3A_577 : vector<16xi1>, vector<16xi32>
      %broadcast_in_dim3A_585 = vector.shape_cast %select_n3A_584 : vector<16xi32> to vector<16x1xi32>
      %gather3A_586 = vector.shape_cast %broadcast_in_dim3A_585 : vector<16x1xi32> to vector<16xi32>
      %gather3A_587 = tpu.dynamic_gather %add3A_574[%gather3A_586] in [0] : vector<16xf32>, vector<16xi32> -> vector<16xf32>
      %add3A_588 = arith.addf %add3A_574, %gather3A_587 : vector<16xf32>
      %eq3A_589 = arith.constant 2 : i32
      %eq3A_590 = vector.broadcast %eq3A_589 : i32 to vector<16xi32>
      %eq3A_591 = arith.cmpi eq, %iota3A, %eq3A_590 : vector<16xi32>
      %select_n3A_592 = arith.select %eq3A_591, %add3A_588, %select_n3A_440 : vector<16xi1>, vector<16xf32>
      %add3A_593 = arith.constant 3 : i32
      %add3A_594 = arith.addi %mul3A_142, %add3A_593 : i32
      %slice3A_595 = vector.extract_strided_slice %get3A_144 {offsets = [3], sizes = [1], strides = [1]} : vector<16xi32> to vector<1xi32>
      %squeeze3A_596 = vector.extract %slice3A_595[0] : i32 from vector<1xi32>
      %get3A_597 = arith.index_cast %add3A_594 : i32 to index
      %get3A_598 = arith.constant 0 : index
      %get3A_599 = tpu.vector_load %arg6[%get3A_597, %get3A_598] {strides = array<i32>} : memref<512x128xf32, #tpu.memory_space<vmem>>, vector<1x16xf32>,
      %get3A_600 = vector.shape_cast %get3A_599 : vector<1x16xf32> to vector<16xf32>
      %get3A_601 = arith.index_cast %squeeze3A_596 : i32 to index
      %get3A_602 = arith.constant 0 : index
      %get3A_603 = tpu.vector_load %arg8[%get3A_601, %get3A_602] {strides = array<i32>} : memref<9x128xf32, #tpu.memory_space<vmem>>, vector<1x16xf32>,
      %get3A_604 = vector.shape_cast %get3A_603 : vector<1x16xf32> to vector<16xf32>
      %sub3A_605 = arith.subf %get3A_600, %get3A_604 : vector<16xf32>
      %mul3A_606 = arith.mulf %sub3A_605, %sub3A_605 : vector<16xf32>
      %add3A_607 = arith.addf %broadcast_in_dim3A_9, %mul3A_606 : vector<16xf32>
      %get3A_608 = arith.index_cast %add3A_594 : i32 to index
      %get3A_609 = arith.constant 16 : index
      %get3A_610 = tpu.vector_load %arg6[%get3A_608, %get3A_609] {strides = array<i32>} : memref<512x128xf32, #tpu.memory_space<vmem>>, vector<1x16xf32>,
      %get3A_611 = vector.shape_cast %get3A_610 : vector<1x16xf32> to vector<16xf32>
      %get3A_612 = arith.index_cast %squeeze3A_596 : i32 to index
      %get3A_613 = arith.constant 16 : index
      %get3A_614 = tpu.vector_load %arg8[%get3A_612, %get3A_613] {strides = array<i32>} : memref<9x128xf32, #tpu.memory_space<vmem>>, vector<1x16xf32>,
      %get3A_615 = vector.shape_cast %get3A_614 : vector<1x16xf32> to vector<16xf32>
      %sub3A_616 = arith.subf %get3A_611, %get3A_615 : vector<16xf32>
      %mul3A_617 = arith.mulf %sub3A_616, %sub3A_616 : vector<16xf32>
      %add3A_618 = arith.addf %add3A_607, %mul3A_617 : vector<16xf32>
      %get3A_619 = arith.index_cast %add3A_594 : i32 to index
      %get3A_620 = arith.constant 32 : index
      %get3A_621 = tpu.vector_load %arg6[%get3A_619, %get3A_620] {strides = array<i32>} : memref<512x128xf32, #tpu.memory_space<vmem>>, vector<1x16xf32>,
      %get3A_622 = vector.shape_cast %get3A_621 : vector<1x16xf32> to vector<16xf32>
      %get3A_623 = arith.index_cast %squeeze3A_596 : i32 to index
      %get3A_624 = arith.constant 32 : index
      %get3A_625 = tpu.vector_load %arg8[%get3A_623, %get3A_624] {strides = array<i32>} : memref<9x128xf32, #tpu.memory_space<vmem>>, vector<1x16xf32>,
      %get3A_626 = vector.shape_cast %get3A_625 : vector<1x16xf32> to vector<16xf32>
      %sub3A_627 = arith.subf %get3A_622, %get3A_626 : vector<16xf32>
      %mul3A_628 = arith.mulf %sub3A_627, %sub3A_627 : vector<16xf32>
      %add3A_629 = arith.addf %add3A_618, %mul3A_628 : vector<16xf32>
      %get3A_630 = arith.index_cast %add3A_594 : i32 to index
      %get3A_631 = arith.constant 48 : index
      %get3A_632 = tpu.vector_load %arg6[%get3A_630, %get3A_631] {strides = array<i32>} : memref<512x128xf32, #tpu.memory_space<vmem>>, vector<1x16xf32>,
      %get3A_633 = vector.shape_cast %get3A_632 : vector<1x16xf32> to vector<16xf32>
      %get3A_634 = arith.index_cast %squeeze3A_596 : i32 to index
      %get3A_635 = arith.constant 48 : index
      %get3A_636 = tpu.vector_load %arg8[%get3A_634, %get3A_635] {strides = array<i32>} : memref<9x128xf32, #tpu.memory_space<vmem>>, vector<1x16xf32>,
      %get3A_637 = vector.shape_cast %get3A_636 : vector<1x16xf32> to vector<16xf32>
      %sub3A_638 = arith.subf %get3A_633, %get3A_637 : vector<16xf32>
      %mul3A_639 = arith.mulf %sub3A_638, %sub3A_638 : vector<16xf32>
      %add3A_640 = arith.addf %add3A_629, %mul3A_639 : vector<16xf32>
      %get3A_641 = arith.index_cast %add3A_594 : i32 to index
      %get3A_642 = arith.constant 64 : index
      %get3A_643 = tpu.vector_load %arg6[%get3A_641, %get3A_642] {strides = array<i32>} : memref<512x128xf32, #tpu.memory_space<vmem>>, vector<1x16xf32>,
      %get3A_644 = vector.shape_cast %get3A_643 : vector<1x16xf32> to vector<16xf32>
      %get3A_645 = arith.index_cast %squeeze3A_596 : i32 to index
      %get3A_646 = arith.constant 64 : index
      %get3A_647 = tpu.vector_load %arg8[%get3A_645, %get3A_646] {strides = array<i32>} : memref<9x128xf32, #tpu.memory_space<vmem>>, vector<1x16xf32>,
      %get3A_648 = vector.shape_cast %get3A_647 : vector<1x16xf32> to vector<16xf32>
      %sub3A_649 = arith.subf %get3A_644, %get3A_648 : vector<16xf32>
      %mul3A_650 = arith.mulf %sub3A_649, %sub3A_649 : vector<16xf32>
      %add3A_651 = arith.addf %add3A_640, %mul3A_650 : vector<16xf32>
      %get3A_652 = arith.index_cast %add3A_594 : i32 to index
      %get3A_653 = arith.constant 80 : index
      %get3A_654 = tpu.vector_load %arg6[%get3A_652, %get3A_653] {strides = array<i32>} : memref<512x128xf32, #tpu.memory_space<vmem>>, vector<1x16xf32>,
      %get3A_655 = vector.shape_cast %get3A_654 : vector<1x16xf32> to vector<16xf32>
      %get3A_656 = arith.index_cast %squeeze3A_596 : i32 to index
      %get3A_657 = arith.constant 80 : index
      %get3A_658 = tpu.vector_load %arg8[%get3A_656, %get3A_657] {strides = array<i32>} : memref<9x128xf32, #tpu.memory_space<vmem>>, vector<1x16xf32>,
      %get3A_659 = vector.shape_cast %get3A_658 : vector<1x16xf32> to vector<16xf32>
      %sub3A_660 = arith.subf %get3A_655, %get3A_659 : vector<16xf32>
      %mul3A_661 = arith.mulf %sub3A_660, %sub3A_660 : vector<16xf32>
      %add3A_662 = arith.addf %add3A_651, %mul3A_661 : vector<16xf32>
      %get3A_663 = arith.index_cast %add3A_594 : i32 to index
      %get3A_664 = arith.constant 96 : index
      %get3A_665 = tpu.vector_load %arg6[%get3A_663, %get3A_664] {strides = array<i32>} : memref<512x128xf32, #tpu.memory_space<vmem>>, vector<1x16xf32>,
      %get3A_666 = vector.shape_cast %get3A_665 : vector<1x16xf32> to vector<16xf32>
      %get3A_667 = arith.index_cast %squeeze3A_596 : i32 to index
      %get3A_668 = arith.constant 96 : index
      %get3A_669 = tpu.vector_load %arg8[%get3A_667, %get3A_668] {strides = array<i32>} : memref<9x128xf32, #tpu.memory_space<vmem>>, vector<1x16xf32>,
      %get3A_670 = vector.shape_cast %get3A_669 : vector<1x16xf32> to vector<16xf32>
      %sub3A_671 = arith.subf %get3A_666, %get3A_670 : vector<16xf32>
      %mul3A_672 = arith.mulf %sub3A_671, %sub3A_671 : vector<16xf32>
      %add3A_673 = arith.addf %add3A_662, %mul3A_672 : vector<16xf32>
      %get3A_674 = arith.index_cast %add3A_594 : i32 to index
      %get3A_675 = arith.constant 112 : index
      %get3A_676 = tpu.vector_load %arg6[%get3A_674, %get3A_675] {strides = array<i32>} : memref<512x128xf32, #tpu.memory_space<vmem>>, vector<1x16xf32>,
      %get3A_677 = vector.shape_cast %get3A_676 : vector<1x16xf32> to vector<16xf32>
      %get3A_678 = arith.index_cast %squeeze3A_596 : i32 to index
      %get3A_679 = arith.constant 112 : index
      %get3A_680 = tpu.vector_load %arg8[%get3A_678, %get3A_679] {strides = array<i32>} : memref<9x128xf32, #tpu.memory_space<vmem>>, vector<1x16xf32>,
      %get3A_681 = vector.shape_cast %get3A_680 : vector<1x16xf32> to vector<16xf32>
      %sub3A_682 = arith.subf %get3A_677, %get3A_681 : vector<16xf32>
      %mul3A_683 = arith.mulf %sub3A_682, %sub3A_682 : vector<16xf32>
      %add3A_684 = arith.addf %add3A_673, %mul3A_683 : vector<16xf32>
      %xor3A_685 = arith.constant 8 : i32
      %xor3A_686 = vector.broadcast %xor3A_685 : i32 to vector<16xi32>
      %xor3A_687 = arith.xori %iota3A, %xor3A_686 : vector<16xi32>
      %lt3A_688 = arith.constant 0 : i32
      %lt3A_689 = vector.broadcast %lt3A_688 : i32 to vector<16xi32>
      %lt3A_690 = arith.cmpi slt, %xor3A_687, %lt3A_689 : vector<16xi32>
      %add3A_691 = arith.constant 16 : i32
      %add3A_692 = vector.broadcast %add3A_691 : i32 to vector<16xi32>
      %add3A_693 = arith.addi %xor3A_687, %add3A_692 : vector<16xi32>
      %select_n3A_694 = arith.select %lt3A_690, %add3A_693, %xor3A_687 : vector<16xi1>, vector<16xi32>
      %broadcast_in_dim3A_695 = vector.shape_cast %select_n3A_694 : vector<16xi32> to vector<16x1xi32>
      %gather3A_696 = vector.shape_cast %broadcast_in_dim3A_695 : vector<16x1xi32> to vector<16xi32>
      %gather3A_697 = tpu.dynamic_gather %add3A_684[%gather3A_696] in [0] : vector<16xf32>, vector<16xi32> -> vector<16xf32>
      %add3A_698 = arith.addf %add3A_684, %gather3A_697 : vector<16xf32>
      %xor3A_699 = arith.constant 4 : i32
      %xor3A_700 = vector.broadcast %xor3A_699 : i32 to vector<16xi32>
      %xor3A_701 = arith.xori %iota3A, %xor3A_700 : vector<16xi32>
      %lt3A_702 = arith.constant 0 : i32
      %lt3A_703 = vector.broadcast %lt3A_702 : i32 to vector<16xi32>
      %lt3A_704 = arith.cmpi slt, %xor3A_701, %lt3A_703 : vector<16xi32>
      %add3A_705 = arith.constant 16 : i32
      %add3A_706 = vector.broadcast %add3A_705 : i32 to vector<16xi32>
      %add3A_707 = arith.addi %xor3A_701, %add3A_706 : vector<16xi32>
      %select_n3A_708 = arith.select %lt3A_704, %add3A_707, %xor3A_701 : vector<16xi1>, vector<16xi32>
      %broadcast_in_dim3A_709 = vector.shape_cast %select_n3A_708 : vector<16xi32> to vector<16x1xi32>
      %gather3A_710 = vector.shape_cast %broadcast_in_dim3A_709 : vector<16x1xi32> to vector<16xi32>
      %gather3A_711 = tpu.dynamic_gather %add3A_698[%gather3A_710] in [0] : vector<16xf32>, vector<16xi32> -> vector<16xf32>
      %add3A_712 = arith.addf %add3A_698, %gather3A_711 : vector<16xf32>
      %xor3A_713 = arith.constant 2 : i32
      %xor3A_714 = vector.broadcast %xor3A_713 : i32 to vector<16xi32>
      %xor3A_715 = arith.xori %iota3A, %xor3A_714 : vector<16xi32>
      %lt3A_716 = arith.constant 0 : i32
      %lt3A_717 = vector.broadcast %lt3A_716 : i32 to vector<16xi32>
      %lt3A_718 = arith.cmpi slt, %xor3A_715, %lt3A_717 : vector<16xi32>
      %add3A_719 = arith.constant 16 : i32
      %add3A_720 = vector.broadcast %add3A_719 : i32 to vector<16xi32>
      %add3A_721 = arith.addi %xor3A_715, %add3A_720 : vector<16xi32>
      %select_n3A_722 = arith.select %lt3A_718, %add3A_721, %xor3A_715 : vector<16xi1>, vector<16xi32>
      %broadcast_in_dim3A_723 = vector.shape_cast %select_n3A_722 : vector<16xi32> to vector<16x1xi32>
      %gather3A_724 = vector.shape_cast %broadcast_in_dim3A_723 : vector<16x1xi32> to vector<16xi32>
      %gather3A_725 = tpu.dynamic_gather %add3A_712[%gather3A_724] in [0] : vector<16xf32>, vector<16xi32> -> vector<16xf32>
      %add3A_726 = arith.addf %add3A_712, %gather3A_725 : vector<16xf32>
      %xor3A_727 = arith.constant 1 : i32
      %xor3A_728 = vector.broadcast %xor3A_727 : i32 to vector<16xi32>
      %xor3A_729 = arith.xori %iota3A, %xor3A_728 : vector<16xi32>
      %lt3A_730 = arith.constant 0 : i32
      %lt3A_731 = vector.broadcast %lt3A_730 : i32 to vector<16xi32>
      %lt3A_732 = arith.cmpi slt, %xor3A_729, %lt3A_731 : vector<16xi32>
      %add3A_733 = arith.constant 16 : i32
      %add3A_734 = vector.broadcast %add3A_733 : i32 to vector<16xi32>
      %add3A_735 = arith.addi %xor3A_729, %add3A_734 : vector<16xi32>
      %select_n3A_736 = arith.select %lt3A_732, %add3A_735, %xor3A_729 : vector<16xi1>, vector<16xi32>
      %broadcast_in_dim3A_737 = vector.shape_cast %select_n3A_736 : vector<16xi32> to vector<16x1xi32>
      %gather3A_738 = vector.shape_cast %broadcast_in_dim3A_737 : vector<16x1xi32> to vector<16xi32>
      %gather3A_739 = tpu.dynamic_gather %add3A_726[%gather3A_738] in [0] : vector<16xf32>, vector<16xi32> -> vector<16xf32>
      %add3A_740 = arith.addf %add3A_726, %gather3A_739 : vector<16xf32>
      %eq3A_741 = arith.constant 3 : i32
      %eq3A_742 = vector.broadcast %eq3A_741 : i32 to vector<16xi32>
      %eq3A_743 = arith.cmpi eq, %iota3A, %eq3A_742 : vector<16xi32>
      %select_n3A_744 = arith.select %eq3A_743, %add3A_740, %select_n3A_592 : vector<16xi1>, vector<16xf32>
      %add3A_745 = arith.constant 4 : i32
      %add3A_746 = arith.addi %mul3A_142, %add3A_745 : i32
      %slice3A_747 = vector.extract_strided_slice %get3A_144 {offsets = [4], sizes = [1], strides = [1]} : vector<16xi32> to vector<1xi32>
      %squeeze3A_748 = vector.extract %slice3A_747[0] : i32 from vector<1xi32>
      %get3A_749 = arith.index_cast %add3A_746 : i32 to index
      %get3A_750 = arith.constant 0 : index
      %get3A_751 = tpu.vector_load %arg6[%get3A_749, %get3A_750] {strides = array<i32>} : memref<512x128xf32, #tpu.memory_space<vmem>>, vector<1x16xf32>,
      %get3A_752 = vector.shape_cast %get3A_751 : vector<1x16xf32> to vector<16xf32>
      %get3A_753 = arith.index_cast %squeeze3A_748 : i32 to index
      %get3A_754 = arith.constant 0 : index
      %get3A_755 = tpu.vector_load %arg8[%get3A_753, %get3A_754] {strides = array<i32>} : memref<9x128xf32, #tpu.memory_space<vmem>>, vector<1x16xf32>,
      %get3A_756 = vector.shape_cast %get3A_755 : vector<1x16xf32> to vector<16xf32>
      %sub3A_757 = arith.subf %get3A_752, %get3A_756 : vector<16xf32>
      %mul3A_758 = arith.mulf %sub3A_757, %sub3A_757 : vector<16xf32>
      %add3A_759 = arith.addf %broadcast_in_dim3A_9, %mul3A_758 : vector<16xf32>
      %get3A_760 = arith.index_cast %add3A_746 : i32 to index
      %get3A_761 = arith.constant 16 : index
      %get3A_762 = tpu.vector_load %arg6[%get3A_760, %get3A_761] {strides = array<i32>} : memref<512x128xf32, #tpu.memory_space<vmem>>, vector<1x16xf32>,
      %get3A_763 = vector.shape_cast %get3A_762 : vector<1x16xf32> to vector<16xf32>
      %get3A_764 = arith.index_cast %squeeze3A_748 : i32 to index
      %get3A_765 = arith.constant 16 : index
      %get3A_766 = tpu.vector_load %arg8[%get3A_764, %get3A_765] {strides = array<i32>} : memref<9x128xf32, #tpu.memory_space<vmem>>, vector<1x16xf32>,
      %get3A_767 = vector.shape_cast %get3A_766 : vector<1x16xf32> to vector<16xf32>
      %sub3A_768 = arith.subf %get3A_763, %get3A_767 : vector<16xf32>
      %mul3A_769 = arith.mulf %sub3A_768, %sub3A_768 : vector<16xf32>
      %add3A_770 = arith.addf %add3A_759, %mul3A_769 : vector<16xf32>
      %get3A_771 = arith.index_cast %add3A_746 : i32 to index
      %get3A_772 = arith.constant 32 : index
      %get3A_773 = tpu.vector_load %arg6[%get3A_771, %get3A_772] {strides = array<i32>} : memref<512x128xf32, #tpu.memory_space<vmem>>, vector<1x16xf32>,
      %get3A_774 = vector.shape_cast %get3A_773 : vector<1x16xf32> to vector<16xf32>
      %get3A_775 = arith.index_cast %squeeze3A_748 : i32 to index
      %get3A_776 = arith.constant 32 : index
      %get3A_777 = tpu.vector_load %arg8[%get3A_775, %get3A_776] {strides = array<i32>} : memref<9x128xf32, #tpu.memory_space<vmem>>, vector<1x16xf32>,
      %get3A_778 = vector.shape_cast %get3A_777 : vector<1x16xf32> to vector<16xf32>
      %sub3A_779 = arith.subf %get3A_774, %get3A_778 : vector<16xf32>
      %mul3A_780 = arith.mulf %sub3A_779, %sub3A_779 : vector<16xf32>
      %add3A_781 = arith.addf %add3A_770, %mul3A_780 : vector<16xf32>
      %get3A_782 = arith.index_cast %add3A_746 : i32 to index
      %get3A_783 = arith.constant 48 : index
      %get3A_784 = tpu.vector_load %arg6[%get3A_782, %get3A_783] {strides = array<i32>} : memref<512x128xf32, #tpu.memory_space<vmem>>, vector<1x16xf32>,
      %get3A_785 = vector.shape_cast %get3A_784 : vector<1x16xf32> to vector<16xf32>
      %get3A_786 = arith.index_cast %squeeze3A_748 : i32 to index
      %get3A_787 = arith.constant 48 : index
      %get3A_788 = tpu.vector_load %arg8[%get3A_786, %get3A_787] {strides = array<i32>} : memref<9x128xf32, #tpu.memory_space<vmem>>, vector<1x16xf32>,
      %get3A_789 = vector.shape_cast %get3A_788 : vector<1x16xf32> to vector<16xf32>
      %sub3A_790 = arith.subf %get3A_785, %get3A_789 : vector<16xf32>
      %mul3A_791 = arith.mulf %sub3A_790, %sub3A_790 : vector<16xf32>
      %add3A_792 = arith.addf %add3A_781, %mul3A_791 : vector<16xf32>
      %get3A_793 = arith.index_cast %add3A_746 : i32 to index
      %get3A_794 = arith.constant 64 : index
      %get3A_795 = tpu.vector_load %arg6[%get3A_793, %get3A_794] {strides = array<i32>} : memref<512x128xf32, #tpu.memory_space<vmem>>, vector<1x16xf32>,
      %get3A_796 = vector.shape_cast %get3A_795 : vector<1x16xf32> to vector<16xf32>
      %get3A_797 = arith.index_cast %squeeze3A_748 : i32 to index
      %get3A_798 = arith.constant 64 : index
      %get3A_799 = tpu.vector_load %arg8[%get3A_797, %get3A_798] {strides = array<i32>} : memref<9x128xf32, #tpu.memory_space<vmem>>, vector<1x16xf32>,
      %get3A_800 = vector.shape_cast %get3A_799 : vector<1x16xf32> to vector<16xf32>
      %sub3A_801 = arith.subf %get3A_796, %get3A_800 : vector<16xf32>
      %mul3A_802 = arith.mulf %sub3A_801, %sub3A_801 : vector<16xf32>
      %add3A_803 = arith.addf %add3A_792, %mul3A_802 : vector<16xf32>
      %get3A_804 = arith.index_cast %add3A_746 : i32 to index
      %get3A_805 = arith.constant 80 : index
      %get3A_806 = tpu.vector_load %arg6[%get3A_804, %get3A_805] {strides = array<i32>} : memref<512x128xf32, #tpu.memory_space<vmem>>, vector<1x16xf32>,
      %get3A_807 = vector.shape_cast %get3A_806 : vector<1x16xf32> to vector<16xf32>
      %get3A_808 = arith.index_cast %squeeze3A_748 : i32 to index
      %get3A_809 = arith.constant 80 : index
      %get3A_810 = tpu.vector_load %arg8[%get3A_808, %get3A_809] {strides = array<i32>} : memref<9x128xf32, #tpu.memory_space<vmem>>, vector<1x16xf32>,
      %get3A_811 = vector.shape_cast %get3A_810 : vector<1x16xf32> to vector<16xf32>
      %sub3A_812 = arith.subf %get3A_807, %get3A_811 : vector<16xf32>
      %mul3A_813 = arith.mulf %sub3A_812, %sub3A_812 : vector<16xf32>
      %add3A_814 = arith.addf %add3A_803, %mul3A_813 : vector<16xf32>
      %get3A_815 = arith.index_cast %add3A_746 : i32 to index
      %get3A_816 = arith.constant 96 : index
      %get3A_817 = tpu.vector_load %arg6[%get3A_815, %get3A_816] {strides = array<i32>} : memref<512x128xf32, #tpu.memory_space<vmem>>, vector<1x16xf32>,
      %get3A_818 = vector.shape_cast %get3A_817 : vector<1x16xf32> to vector<16xf32>
      %get3A_819 = arith.index_cast %squeeze3A_748 : i32 to index
      %get3A_820 = arith.constant 96 : index
      %get3A_821 = tpu.vector_load %arg8[%get3A_819, %get3A_820] {strides = array<i32>} : memref<9x128xf32, #tpu.memory_space<vmem>>, vector<1x16xf32>,
      %get3A_822 = vector.shape_cast %get3A_821 : vector<1x16xf32> to vector<16xf32>
      %sub3A_823 = arith.subf %get3A_818, %get3A_822 : vector<16xf32>
      %mul3A_824 = arith.mulf %sub3A_823, %sub3A_823 : vector<16xf32>
      %add3A_825 = arith.addf %add3A_814, %mul3A_824 : vector<16xf32>
      %get3A_826 = arith.index_cast %add3A_746 : i32 to index
      %get3A_827 = arith.constant 112 : index
      %get3A_828 = tpu.vector_load %arg6[%get3A_826, %get3A_827] {strides = array<i32>} : memref<512x128xf32, #tpu.memory_space<vmem>>, vector<1x16xf32>,
      %get3A_829 = vector.shape_cast %get3A_828 : vector<1x16xf32> to vector<16xf32>
      %get3A_830 = arith.index_cast %squeeze3A_748 : i32 to index
      %get3A_831 = arith.constant 112 : index
      %get3A_832 = tpu.vector_load %arg8[%get3A_830, %get3A_831] {strides = array<i32>} : memref<9x128xf32, #tpu.memory_space<vmem>>, vector<1x16xf32>,
      %get3A_833 = vector.shape_cast %get3A_832 : vector<1x16xf32> to vector<16xf32>
      %sub3A_834 = arith.subf %get3A_829, %get3A_833 : vector<16xf32>
      %mul3A_835 = arith.mulf %sub3A_834, %sub3A_834 : vector<16xf32>
      %add3A_836 = arith.addf %add3A_825, %mul3A_835 : vector<16xf32>
      %xor3A_837 = arith.constant 8 : i32
      %xor3A_838 = vector.broadcast %xor3A_837 : i32 to vector<16xi32>
      %xor3A_839 = arith.xori %iota3A, %xor3A_838 : vector<16xi32>
      %lt3A_840 = arith.constant 0 : i32
      %lt3A_841 = vector.broadcast %lt3A_840 : i32 to vector<16xi32>
      %lt3A_842 = arith.cmpi slt, %xor3A_839, %lt3A_841 : vector<16xi32>
      %add3A_843 = arith.constant 16 : i32
      %add3A_844 = vector.broadcast %add3A_843 : i32 to vector<16xi32>
      %add3A_845 = arith.addi %xor3A_839, %add3A_844 : vector<16xi32>
      %select_n3A_846 = arith.select %lt3A_842, %add3A_845, %xor3A_839 : vector<16xi1>, vector<16xi32>
      %broadcast_in_dim3A_847 = vector.shape_cast %select_n3A_846 : vector<16xi32> to vector<16x1xi32>
      %gather3A_848 = vector.shape_cast %broadcast_in_dim3A_847 : vector<16x1xi32> to vector<16xi32>
      %gather3A_849 = tpu.dynamic_gather %add3A_836[%gather3A_848] in [0] : vector<16xf32>, vector<16xi32> -> vector<16xf32>
      %add3A_850 = arith.addf %add3A_836, %gather3A_849 : vector<16xf32>
      %xor3A_851 = arith.constant 4 : i32
      %xor3A_852 = vector.broadcast %xor3A_851 : i32 to vector<16xi32>
      %xor3A_853 = arith.xori %iota3A, %xor3A_852 : vector<16xi32>
      %lt3A_854 = arith.constant 0 : i32
      %lt3A_855 = vector.broadcast %lt3A_854 : i32 to vector<16xi32>
      %lt3A_856 = arith.cmpi slt, %xor3A_853, %lt3A_855 : vector<16xi32>
      %add3A_857 = arith.constant 16 : i32
      %add3A_858 = vector.broadcast %add3A_857 : i32 to vector<16xi32>
      %add3A_859 = arith.addi %xor3A_853, %add3A_858 : vector<16xi32>
      %select_n3A_860 = arith.select %lt3A_856, %add3A_859, %xor3A_853 : vector<16xi1>, vector<16xi32>
      %broadcast_in_dim3A_861 = vector.shape_cast %select_n3A_860 : vector<16xi32> to vector<16x1xi32>
      %gather3A_862 = vector.shape_cast %broadcast_in_dim3A_861 : vector<16x1xi32> to vector<16xi32>
      %gather3A_863 = tpu.dynamic_gather %add3A_850[%gather3A_862] in [0] : vector<16xf32>, vector<16xi32> -> vector<16xf32>
      %add3A_864 = arith.addf %add3A_850, %gather3A_863 : vector<16xf32>
      %xor3A_865 = arith.constant 2 : i32
      %xor3A_866 = vector.broadcast %xor3A_865 : i32 to vector<16xi32>
      %xor3A_867 = arith.xori %iota3A, %xor3A_866 : vector<16xi32>
      %lt3A_868 = arith.constant 0 : i32
      %lt3A_869 = vector.broadcast %lt3A_868 : i32 to vector<16xi32>
      %lt3A_870 = arith.cmpi slt, %xor3A_867, %lt3A_869 : vector<16xi32>
      %add3A_871 = arith.constant 16 : i32
      %add3A_872 = vector.broadcast %add3A_871 : i32 to vector<16xi32>
      %add3A_873 = arith.addi %xor3A_867, %add3A_872 : vector<16xi32>
      %select_n3A_874 = arith.select %lt3A_870, %add3A_873, %xor3A_867 : vector<16xi1>, vector<16xi32>
      %broadcast_in_dim3A_875 = vector.shape_cast %select_n3A_874 : vector<16xi32> to vector<16x1xi32>
      %gather3A_876 = vector.shape_cast %broadcast_in_dim3A_875 : vector<16x1xi32> to vector<16xi32>
      %gather3A_877 = tpu.dynamic_gather %add3A_864[%gather3A_876] in [0] : vector<16xf32>, vector<16xi32> -> vector<16xf32>
      %add3A_878 = arith.addf %add3A_864, %gather3A_877 : vector<16xf32>
      %xor3A_879 = arith.constant 1 : i32
      %xor3A_880 = vector.broadcast %xor3A_879 : i32 to vector<16xi32>
      %xor3A_881 = arith.xori %iota3A, %xor3A_880 : vector<16xi32>
      %lt3A_882 = arith.constant 0 : i32
      %lt3A_883 = vector.broadcast %lt3A_882 : i32 to vector<16xi32>
      %lt3A_884 = arith.cmpi slt, %xor3A_881, %lt3A_883 : vector<16xi32>
      %add3A_885 = arith.constant 16 : i32
      %add3A_886 = vector.broadcast %add3A_885 : i32 to vector<16xi32>
      %add3A_887 = arith.addi %xor3A_881, %add3A_886 : vector<16xi32>
      %select_n3A_888 = arith.select %lt3A_884, %add3A_887, %xor3A_881 : vector<16xi1>, vector<16xi32>
      %broadcast_in_dim3A_889 = vector.shape_cast %select_n3A_888 : vector<16xi32> to vector<16x1xi32>
      %gather3A_890 = vector.shape_cast %broadcast_in_dim3A_889 : vector<16x1xi32> to vector<16xi32>
      %gather3A_891 = tpu.dynamic_gather %add3A_878[%gather3A_890] in [0] : vector<16xf32>, vector<16xi32> -> vector<16xf32>
      %add3A_892 = arith.addf %add3A_878, %gather3A_891 : vector<16xf32>
      %eq3A_893 = arith.constant 4 : i32
      %eq3A_894 = vector.broadcast %eq3A_893 : i32 to vector<16xi32>
      %eq3A_895 = arith.cmpi eq, %iota3A, %eq3A_894 : vector<16xi32>
      %select_n3A_896 = arith.select %eq3A_895, %add3A_892, %select_n3A_744 : vector<16xi1>, vector<16xf32>
      %add3A_897 = arith.constant 5 : i32
      %add3A_898 = arith.addi %mul3A_142, %add3A_897 : i32
      %slice3A_899 = vector.extract_strided_slice %get3A_144 {offsets = [5], sizes = [1], strides = [1]} : vector<16xi32> to vector<1xi32>
      %squeeze3A_900 = vector.extract %slice3A_899[0] : i32 from vector<1xi32>
      %get3A_901 = arith.index_cast %add3A_898 : i32 to index
      %get3A_902 = arith.constant 0 : index
      %get3A_903 = tpu.vector_load %arg6[%get3A_901, %get3A_902] {strides = array<i32>} : memref<512x128xf32, #tpu.memory_space<vmem>>, vector<1x16xf32>,
      %get3A_904 = vector.shape_cast %get3A_903 : vector<1x16xf32> to vector<16xf32>
      %get3A_905 = arith.index_cast %squeeze3A_900 : i32 to index
      %get3A_906 = arith.constant 0 : index
      %get3A_907 = tpu.vector_load %arg8[%get3A_905, %get3A_906] {strides = array<i32>} : memref<9x128xf32, #tpu.memory_space<vmem>>, vector<1x16xf32>,
      %get3A_908 = vector.shape_cast %get3A_907 : vector<1x16xf32> to vector<16xf32>
      %sub3A_909 = arith.subf %get3A_904, %get3A_908 : vector<16xf32>
      %mul3A_910 = arith.mulf %sub3A_909, %sub3A_909 : vector<16xf32>
      %add3A_911 = arith.addf %broadcast_in_dim3A_9, %mul3A_910 : vector<16xf32>
      %get3A_912 = arith.index_cast %add3A_898 : i32 to index
      %get3A_913 = arith.constant 16 : index
      %get3A_914 = tpu.vector_load %arg6[%get3A_912, %get3A_913] {strides = array<i32>} : memref<512x128xf32, #tpu.memory_space<vmem>>, vector<1x16xf32>,
      %get3A_915 = vector.shape_cast %get3A_914 : vector<1x16xf32> to vector<16xf32>
      %get3A_916 = arith.index_cast %squeeze3A_900 : i32 to index
      %get3A_917 = arith.constant 16 : index
      %get3A_918 = tpu.vector_load %arg8[%get3A_916, %get3A_917] {strides = array<i32>} : memref<9x128xf32, #tpu.memory_space<vmem>>, vector<1x16xf32>,
      %get3A_919 = vector.shape_cast %get3A_918 : vector<1x16xf32> to vector<16xf32>
      %sub3A_920 = arith.subf %get3A_915, %get3A_919 : vector<16xf32>
      %mul3A_921 = arith.mulf %sub3A_920, %sub3A_920 : vector<16xf32>
      %add3A_922 = arith.addf %add3A_911, %mul3A_921 : vector<16xf32>
      %get3A_923 = arith.index_cast %add3A_898 : i32 to index
      %get3A_924 = arith.constant 32 : index
      %get3A_925 = tpu.vector_load %arg6[%get3A_923, %get3A_924] {strides = array<i32>} : memref<512x128xf32, #tpu.memory_space<vmem>>, vector<1x16xf32>,
      %get3A_926 = vector.shape_cast %get3A_925 : vector<1x16xf32> to vector<16xf32>
      %get3A_927 = arith.index_cast %squeeze3A_900 : i32 to index
      %get3A_928 = arith.constant 32 : index
      %get3A_929 = tpu.vector_load %arg8[%get3A_927, %get3A_928] {strides = array<i32>} : memref<9x128xf32, #tpu.memory_space<vmem>>, vector<1x16xf32>,
      %get3A_930 = vector.shape_cast %get3A_929 : vector<1x16xf32> to vector<16xf32>
      %sub3A_931 = arith.subf %get3A_926, %get3A_930 : vector<16xf32>
      %mul3A_932 = arith.mulf %sub3A_931, %sub3A_931 : vector<16xf32>
      %add3A_933 = arith.addf %add3A_922, %mul3A_932 : vector<16xf32>
      %get3A_934 = arith.index_cast %add3A_898 : i32 to index
      %get3A_935 = arith.constant 48 : index
      %get3A_936 = tpu.vector_load %arg6[%get3A_934, %get3A_935] {strides = array<i32>} : memref<512x128xf32, #tpu.memory_space<vmem>>, vector<1x16xf32>,
      %get3A_937 = vector.shape_cast %get3A_936 : vector<1x16xf32> to vector<16xf32>
      %get3A_938 = arith.index_cast %squeeze3A_900 : i32 to index
      %get3A_939 = arith.constant 48 : index
      %get3A_940 = tpu.vector_load %arg8[%get3A_938, %get3A_939] {strides = array<i32>} : memref<9x128xf32, #tpu.memory_space<vmem>>, vector<1x16xf32>,
      %get3A_941 = vector.shape_cast %get3A_940 : vector<1x16xf32> to vector<16xf32>
      %sub3A_942 = arith.subf %get3A_937, %get3A_941 : vector<16xf32>
      %mul3A_943 = arith.mulf %sub3A_942, %sub3A_942 : vector<16xf32>
      %add3A_944 = arith.addf %add3A_933, %mul3A_943 : vector<16xf32>
      %get3A_945 = arith.index_cast %add3A_898 : i32 to index
      %get3A_946 = arith.constant 64 : index
      %get3A_947 = tpu.vector_load %arg6[%get3A_945, %get3A_946] {strides = array<i32>} : memref<512x128xf32, #tpu.memory_space<vmem>>, vector<1x16xf32>,
      %get3A_948 = vector.shape_cast %get3A_947 : vector<1x16xf32> to vector<16xf32>
      %get3A_949 = arith.index_cast %squeeze3A_900 : i32 to index
      %get3A_950 = arith.constant 64 : index
      %get3A_951 = tpu.vector_load %arg8[%get3A_949, %get3A_950] {strides = array<i32>} : memref<9x128xf32, #tpu.memory_space<vmem>>, vector<1x16xf32>,
      %get3A_952 = vector.shape_cast %get3A_951 : vector<1x16xf32> to vector<16xf32>
      %sub3A_953 = arith.subf %get3A_948, %get3A_952 : vector<16xf32>
      %mul3A_954 = arith.mulf %sub3A_953, %sub3A_953 : vector<16xf32>
      %add3A_955 = arith.addf %add3A_944, %mul3A_954 : vector<16xf32>
      %get3A_956 = arith.index_cast %add3A_898 : i32 to index
      %get3A_957 = arith.constant 80 : index
      %get3A_958 = tpu.vector_load %arg6[%get3A_956, %get3A_957] {strides = array<i32>} : memref<512x128xf32, #tpu.memory_space<vmem>>, vector<1x16xf32>,
      %get3A_959 = vector.shape_cast %get3A_958 : vector<1x16xf32> to vector<16xf32>
      %get3A_960 = arith.index_cast %squeeze3A_900 : i32 to index
      %get3A_961 = arith.constant 80 : index
      %get3A_962 = tpu.vector_load %arg8[%get3A_960, %get3A_961] {strides = array<i32>} : memref<9x128xf32, #tpu.memory_space<vmem>>, vector<1x16xf32>,
      %get3A_963 = vector.shape_cast %get3A_962 : vector<1x16xf32> to vector<16xf32>
      %sub3A_964 = arith.subf %get3A_959, %get3A_963 : vector<16xf32>
      %mul3A_965 = arith.mulf %sub3A_964, %sub3A_964 : vector<16xf32>
      %add3A_966 = arith.addf %add3A_955, %mul3A_965 : vector<16xf32>
      %get3A_967 = arith.index_cast %add3A_898 : i32 to index
      %get3A_968 = arith.constant 96 : index
      %get3A_969 = tpu.vector_load %arg6[%get3A_967, %get3A_968] {strides = array<i32>} : memref<512x128xf32, #tpu.memory_space<vmem>>, vector<1x16xf32>,
      %get3A_970 = vector.shape_cast %get3A_969 : vector<1x16xf32> to vector<16xf32>
      %get3A_971 = arith.index_cast %squeeze3A_900 : i32 to index
      %get3A_972 = arith.constant 96 : index
      %get3A_973 = tpu.vector_load %arg8[%get3A_971, %get3A_972] {strides = array<i32>} : memref<9x128xf32, #tpu.memory_space<vmem>>, vector<1x16xf32>,
      %get3A_974 = vector.shape_cast %get3A_973 : vector<1x16xf32> to vector<16xf32>
      %sub3A_975 = arith.subf %get3A_970, %get3A_974 : vector<16xf32>
      %mul3A_976 = arith.mulf %sub3A_975, %sub3A_975 : vector<16xf32>
      %add3A_977 = arith.addf %add3A_966, %mul3A_976 : vector<16xf32>
      %get3A_978 = arith.index_cast %add3A_898 : i32 to index
      %get3A_979 = arith.constant 112 : index
      %get3A_980 = tpu.vector_load %arg6[%get3A_978, %get3A_979] {strides = array<i32>} : memref<512x128xf32, #tpu.memory_space<vmem>>, vector<1x16xf32>,
      %get3A_981 = vector.shape_cast %get3A_980 : vector<1x16xf32> to vector<16xf32>
      %get3A_982 = arith.index_cast %squeeze3A_900 : i32 to index
      %get3A_983 = arith.constant 112 : index
      %get3A_984 = tpu.vector_load %arg8[%get3A_982, %get3A_983] {strides = array<i32>} : memref<9x128xf32, #tpu.memory_space<vmem>>, vector<1x16xf32>,
      %get3A_985 = vector.shape_cast %get3A_984 : vector<1x16xf32> to vector<16xf32>
      %sub3A_986 = arith.subf %get3A_981, %get3A_985 : vector<16xf32>
      %mul3A_987 = arith.mulf %sub3A_986, %sub3A_986 : vector<16xf32>
      %add3A_988 = arith.addf %add3A_977, %mul3A_987 : vector<16xf32>
      %xor3A_989 = arith.constant 8 : i32
      %xor3A_990 = vector.broadcast %xor3A_989 : i32 to vector<16xi32>
      %xor3A_991 = arith.xori %iota3A, %xor3A_990 : vector<16xi32>
      %lt3A_992 = arith.constant 0 : i32
      %lt3A_993 = vector.broadcast %lt3A_992 : i32 to vector<16xi32>
      %lt3A_994 = arith.cmpi slt, %xor3A_991, %lt3A_993 : vector<16xi32>
      %add3A_995 = arith.constant 16 : i32
      %add3A_996 = vector.broadcast %add3A_995 : i32 to vector<16xi32>
      %add3A_997 = arith.addi %xor3A_991, %add3A_996 : vector<16xi32>
      %select_n3A_998 = arith.select %lt3A_994, %add3A_997, %xor3A_991 : vector<16xi1>, vector<16xi32>
      %broadcast_in_dim3A_999 = vector.shape_cast %select_n3A_998 : vector<16xi32> to vector<16x1xi32>
      %gather3A_1000 = vector.shape_cast %broadcast_in_dim3A_999 : vector<16x1xi32> to vector<16xi32>
      %gather3A_1001 = tpu.dynamic_gather %add3A_988[%gather3A_1000] in [0] : vector<16xf32>, vector<16xi32> -> vector<16xf32>
      %add3A_1002 = arith.addf %add3A_988, %gather3A_1001 : vector<16xf32>
      %xor3A_1003 = arith.constant 4 : i32
      %xor3A_1004 = vector.broadcast %xor3A_1003 : i32 to vector<16xi32>
      %xor3A_1005 = arith.xori %iota3A, %xor3A_1004 : vector<16xi32>
      %lt3A_1006 = arith.constant 0 : i32
      %lt3A_1007 = vector.broadcast %lt3A_1006 : i32 to vector<16xi32>
      %lt3A_1008 = arith.cmpi slt, %xor3A_1005, %lt3A_1007 : vector<16xi32>
      %add3A_1009 = arith.constant 16 : i32
      %add3A_1010 = vector.broadcast %add3A_1009 : i32 to vector<16xi32>
      %add3A_1011 = arith.addi %xor3A_1005, %add3A_1010 : vector<16xi32>
      %select_n3A_1012 = arith.select %lt3A_1008, %add3A_1011, %xor3A_1005 : vector<16xi1>, vector<16xi32>
      %broadcast_in_dim3A_1013 = vector.shape_cast %select_n3A_1012 : vector<16xi32> to vector<16x1xi32>
      %gather3A_1014 = vector.shape_cast %broadcast_in_dim3A_1013 : vector<16x1xi32> to vector<16xi32>
      %gather3A_1015 = tpu.dynamic_gather %add3A_1002[%gather3A_1014] in [0] : vector<16xf32>, vector<16xi32> -> vector<16xf32>
      %add3A_1016 = arith.addf %add3A_1002, %gather3A_1015 : vector<16xf32>
      %xor3A_1017 = arith.constant 2 : i32
      %xor3A_1018 = vector.broadcast %xor3A_1017 : i32 to vector<16xi32>
      %xor3A_1019 = arith.xori %iota3A, %xor3A_1018 : vector<16xi32>
      %lt3A_1020 = arith.constant 0 : i32
      %lt3A_1021 = vector.broadcast %lt3A_1020 : i32 to vector<16xi32>
      %lt3A_1022 = arith.cmpi slt, %xor3A_1019, %lt3A_1021 : vector<16xi32>
      %add3A_1023 = arith.constant 16 : i32
      %add3A_1024 = vector.broadcast %add3A_1023 : i32 to vector<16xi32>
      %add3A_1025 = arith.addi %xor3A_1019, %add3A_1024 : vector<16xi32>
      %select_n3A_1026 = arith.select %lt3A_1022, %add3A_1025, %xor3A_1019 : vector<16xi1>, vector<16xi32>
      %broadcast_in_dim3A_1027 = vector.shape_cast %select_n3A_1026 : vector<16xi32> to vector<16x1xi32>
      %gather3A_1028 = vector.shape_cast %broadcast_in_dim3A_1027 : vector<16x1xi32> to vector<16xi32>
      %gather3A_1029 = tpu.dynamic_gather %add3A_1016[%gather3A_1028] in [0] : vector<16xf32>, vector<16xi32> -> vector<16xf32>
      %add3A_1030 = arith.addf %add3A_1016, %gather3A_1029 : vector<16xf32>
      %xor3A_1031 = arith.constant 1 : i32
      %xor3A_1032 = vector.broadcast %xor3A_1031 : i32 to vector<16xi32>
      %xor3A_1033 = arith.xori %iota3A, %xor3A_1032 : vector<16xi32>
      %lt3A_1034 = arith.constant 0 : i32
      %lt3A_1035 = vector.broadcast %lt3A_1034 : i32 to vector<16xi32>
      %lt3A_1036 = arith.cmpi slt, %xor3A_1033, %lt3A_1035 : vector<16xi32>
      %add3A_1037 = arith.constant 16 : i32
      %add3A_1038 = vector.broadcast %add3A_1037 : i32 to vector<16xi32>
      %add3A_1039 = arith.addi %xor3A_1033, %add3A_1038 : vector<16xi32>
      %select_n3A_1040 = arith.select %lt3A_1036, %add3A_1039, %xor3A_1033 : vector<16xi1>, vector<16xi32>
      %broadcast_in_dim3A_1041 = vector.shape_cast %select_n3A_1040 : vector<16xi32> to vector<16x1xi32>
      %gather3A_1042 = vector.shape_cast %broadcast_in_dim3A_1041 : vector<16x1xi32> to vector<16xi32>
      %gather3A_1043 = tpu.dynamic_gather %add3A_1030[%gather3A_1042] in [0] : vector<16xf32>, vector<16xi32> -> vector<16xf32>
      %add3A_1044 = arith.addf %add3A_1030, %gather3A_1043 : vector<16xf32>
      %eq3A_1045 = arith.constant 5 : i32
      %eq3A_1046 = vector.broadcast %eq3A_1045 : i32 to vector<16xi32>
      %eq3A_1047 = arith.cmpi eq, %iota3A, %eq3A_1046 : vector<16xi32>
      %select_n3A_1048 = arith.select %eq3A_1047, %add3A_1044, %select_n3A_896 : vector<16xi1>, vector<16xf32>
      %add3A_1049 = arith.constant 6 : i32
      %add3A_1050 = arith.addi %mul3A_142, %add3A_1049 : i32
      %slice3A_1051 = vector.extract_strided_slice %get3A_144 {offsets = [6], sizes = [1], strides = [1]} : vector<16xi32> to vector<1xi32>
      %squeeze3A_1052 = vector.extract %slice3A_1051[0] : i32 from vector<1xi32>
      %get3A_1053 = arith.index_cast %add3A_1050 : i32 to index
      %get3A_1054 = arith.constant 0 : index
      %get3A_1055 = tpu.vector_load %arg6[%get3A_1053, %get3A_1054] {strides = array<i32>} : memref<512x128xf32, #tpu.memory_space<vmem>>, vector<1x16xf32>,
      %get3A_1056 = vector.shape_cast %get3A_1055 : vector<1x16xf32> to vector<16xf32>
      %get3A_1057 = arith.index_cast %squeeze3A_1052 : i32 to index
      %get3A_1058 = arith.constant 0 : index
      %get3A_1059 = tpu.vector_load %arg8[%get3A_1057, %get3A_1058] {strides = array<i32>} : memref<9x128xf32, #tpu.memory_space<vmem>>, vector<1x16xf32>,
      %get3A_1060 = vector.shape_cast %get3A_1059 : vector<1x16xf32> to vector<16xf32>
      %sub3A_1061 = arith.subf %get3A_1056, %get3A_1060 : vector<16xf32>
      %mul3A_1062 = arith.mulf %sub3A_1061, %sub3A_1061 : vector<16xf32>
      %add3A_1063 = arith.addf %broadcast_in_dim3A_9, %mul3A_1062 : vector<16xf32>
      %get3A_1064 = arith.index_cast %add3A_1050 : i32 to index
      %get3A_1065 = arith.constant 16 : index
      %get3A_1066 = tpu.vector_load %arg6[%get3A_1064, %get3A_1065] {strides = array<i32>} : memref<512x128xf32, #tpu.memory_space<vmem>>, vector<1x16xf32>,
      %get3A_1067 = vector.shape_cast %get3A_1066 : vector<1x16xf32> to vector<16xf32>
      %get3A_1068 = arith.index_cast %squeeze3A_1052 : i32 to index
      %get3A_1069 = arith.constant 16 : index
      %get3A_1070 = tpu.vector_load %arg8[%get3A_1068, %get3A_1069] {strides = array<i32>} : memref<9x128xf32, #tpu.memory_space<vmem>>, vector<1x16xf32>,
      %get3A_1071 = vector.shape_cast %get3A_1070 : vector<1x16xf32> to vector<16xf32>
      %sub3A_1072 = arith.subf %get3A_1067, %get3A_1071 : vector<16xf32>
      %mul3A_1073 = arith.mulf %sub3A_1072, %sub3A_1072 : vector<16xf32>
      %add3A_1074 = arith.addf %add3A_1063, %mul3A_1073 : vector<16xf32>
      %get3A_1075 = arith.index_cast %add3A_1050 : i32 to index
      %get3A_1076 = arith.constant 32 : index
      %get3A_1077 = tpu.vector_load %arg6[%get3A_1075, %get3A_1076] {strides = array<i32>} : memref<512x128xf32, #tpu.memory_space<vmem>>, vector<1x16xf32>,
      %get3A_1078 = vector.shape_cast %get3A_1077 : vector<1x16xf32> to vector<16xf32>
      %get3A_1079 = arith.index_cast %squeeze3A_1052 : i32 to index
      %get3A_1080 = arith.constant 32 : index
      %get3A_1081 = tpu.vector_load %arg8[%get3A_1079, %get3A_1080] {strides = array<i32>} : memref<9x128xf32, #tpu.memory_space<vmem>>, vector<1x16xf32>,
      %get3A_1082 = vector.shape_cast %get3A_1081 : vector<1x16xf32> to vector<16xf32>
      %sub3A_1083 = arith.subf %get3A_1078, %get3A_1082 : vector<16xf32>
      %mul3A_1084 = arith.mulf %sub3A_1083, %sub3A_1083 : vector<16xf32>
      %add3A_1085 = arith.addf %add3A_1074, %mul3A_1084 : vector<16xf32>
      %get3A_1086 = arith.index_cast %add3A_1050 : i32 to index
      %get3A_1087 = arith.constant 48 : index
      %get3A_1088 = tpu.vector_load %arg6[%get3A_1086, %get3A_1087] {strides = array<i32>} : memref<512x128xf32, #tpu.memory_space<vmem>>, vector<1x16xf32>,
      %get3A_1089 = vector.shape_cast %get3A_1088 : vector<1x16xf32> to vector<16xf32>
      %get3A_1090 = arith.index_cast %squeeze3A_1052 : i32 to index
      %get3A_1091 = arith.constant 48 : index
      %get3A_1092 = tpu.vector_load %arg8[%get3A_1090, %get3A_1091] {strides = array<i32>} : memref<9x128xf32, #tpu.memory_space<vmem>>, vector<1x16xf32>,
      %get3A_1093 = vector.shape_cast %get3A_1092 : vector<1x16xf32> to vector<16xf32>
      %sub3A_1094 = arith.subf %get3A_1089, %get3A_1093 : vector<16xf32>
      %mul3A_1095 = arith.mulf %sub3A_1094, %sub3A_1094 : vector<16xf32>
      %add3A_1096 = arith.addf %add3A_1085, %mul3A_1095 : vector<16xf32>
      %get3A_1097 = arith.index_cast %add3A_1050 : i32 to index
      %get3A_1098 = arith.constant 64 : index
      %get3A_1099 = tpu.vector_load %arg6[%get3A_1097, %get3A_1098] {strides = array<i32>} : memref<512x128xf32, #tpu.memory_space<vmem>>, vector<1x16xf32>,
      %get3A_1100 = vector.shape_cast %get3A_1099 : vector<1x16xf32> to vector<16xf32>
      %get3A_1101 = arith.index_cast %squeeze3A_1052 : i32 to index
      %get3A_1102 = arith.constant 64 : index
      %get3A_1103 = tpu.vector_load %arg8[%get3A_1101, %get3A_1102] {strides = array<i32>} : memref<9x128xf32, #tpu.memory_space<vmem>>, vector<1x16xf32>,
      %get3A_1104 = vector.shape_cast %get3A_1103 : vector<1x16xf32> to vector<16xf32>
      %sub3A_1105 = arith.subf %get3A_1100, %get3A_1104 : vector<16xf32>
      %mul3A_1106 = arith.mulf %sub3A_1105, %sub3A_1105 : vector<16xf32>
      %add3A_1107 = arith.addf %add3A_1096, %mul3A_1106 : vector<16xf32>
      %get3A_1108 = arith.index_cast %add3A_1050 : i32 to index
      %get3A_1109 = arith.constant 80 : index
      %get3A_1110 = tpu.vector_load %arg6[%get3A_1108, %get3A_1109] {strides = array<i32>} : memref<512x128xf32, #tpu.memory_space<vmem>>, vector<1x16xf32>,
      %get3A_1111 = vector.shape_cast %get3A_1110 : vector<1x16xf32> to vector<16xf32>
      %get3A_1112 = arith.index_cast %squeeze3A_1052 : i32 to index
      %get3A_1113 = arith.constant 80 : index
      %get3A_1114 = tpu.vector_load %arg8[%get3A_1112, %get3A_1113] {strides = array<i32>} : memref<9x128xf32, #tpu.memory_space<vmem>>, vector<1x16xf32>,
      %get3A_1115 = vector.shape_cast %get3A_1114 : vector<1x16xf32> to vector<16xf32>
      %sub3A_1116 = arith.subf %get3A_1111, %get3A_1115 : vector<16xf32>
      %mul3A_1117 = arith.mulf %sub3A_1116, %sub3A_1116 : vector<16xf32>
      %add3A_1118 = arith.addf %add3A_1107, %mul3A_1117 : vector<16xf32>
      %get3A_1119 = arith.index_cast %add3A_1050 : i32 to index
      %get3A_1120 = arith.constant 96 : index
      %get3A_1121 = tpu.vector_load %arg6[%get3A_1119, %get3A_1120] {strides = array<i32>} : memref<512x128xf32, #tpu.memory_space<vmem>>, vector<1x16xf32>,
      %get3A_1122 = vector.shape_cast %get3A_1121 : vector<1x16xf32> to vector<16xf32>
      %get3A_1123 = arith.index_cast %squeeze3A_1052 : i32 to index
      %get3A_1124 = arith.constant 96 : index
      %get3A_1125 = tpu.vector_load %arg8[%get3A_1123, %get3A_1124] {strides = array<i32>} : memref<9x128xf32, #tpu.memory_space<vmem>>, vector<1x16xf32>,
      %get3A_1126 = vector.shape_cast %get3A_1125 : vector<1x16xf32> to vector<16xf32>
      %sub3A_1127 = arith.subf %get3A_1122, %get3A_1126 : vector<16xf32>
      %mul3A_1128 = arith.mulf %sub3A_1127, %sub3A_1127 : vector<16xf32>
      %add3A_1129 = arith.addf %add3A_1118, %mul3A_1128 : vector<16xf32>
      %get3A_1130 = arith.index_cast %add3A_1050 : i32 to index
      %get3A_1131 = arith.constant 112 : index
      %get3A_1132 = tpu.vector_load %arg6[%get3A_1130, %get3A_1131] {strides = array<i32>} : memref<512x128xf32, #tpu.memory_space<vmem>>, vector<1x16xf32>,
      %get3A_1133 = vector.shape_cast %get3A_1132 : vector<1x16xf32> to vector<16xf32>
      %get3A_1134 = arith.index_cast %squeeze3A_1052 : i32 to index
      %get3A_1135 = arith.constant 112 : index
      %get3A_1136 = tpu.vector_load %arg8[%get3A_1134, %get3A_1135] {strides = array<i32>} : memref<9x128xf32, #tpu.memory_space<vmem>>, vector<1x16xf32>,
      %get3A_1137 = vector.shape_cast %get3A_1136 : vector<1x16xf32> to vector<16xf32>
      %sub3A_1138 = arith.subf %get3A_1133, %get3A_1137 : vector<16xf32>
      %mul3A_1139 = arith.mulf %sub3A_1138, %sub3A_1138 : vector<16xf32>
      %add3A_1140 = arith.addf %add3A_1129, %mul3A_1139 : vector<16xf32>
      %xor3A_1141 = arith.constant 8 : i32
      %xor3A_1142 = vector.broadcast %xor3A_1141 : i32 to vector<16xi32>
      %xor3A_1143 = arith.xori %iota3A, %xor3A_1142 : vector<16xi32>
      %lt3A_1144 = arith.constant 0 : i32
      %lt3A_1145 = vector.broadcast %lt3A_1144 : i32 to vector<16xi32>
      %lt3A_1146 = arith.cmpi slt, %xor3A_1143, %lt3A_1145 : vector<16xi32>
      %add3A_1147 = arith.constant 16 : i32
      %add3A_1148 = vector.broadcast %add3A_1147 : i32 to vector<16xi32>
      %add3A_1149 = arith.addi %xor3A_1143, %add3A_1148 : vector<16xi32>
      %select_n3A_1150 = arith.select %lt3A_1146, %add3A_1149, %xor3A_1143 : vector<16xi1>, vector<16xi32>
      %broadcast_in_dim3A_1151 = vector.shape_cast %select_n3A_1150 : vector<16xi32> to vector<16x1xi32>
      %gather3A_1152 = vector.shape_cast %broadcast_in_dim3A_1151 : vector<16x1xi32> to vector<16xi32>
      %gather3A_1153 = tpu.dynamic_gather %add3A_1140[%gather3A_1152] in [0] : vector<16xf32>, vector<16xi32> -> vector<16xf32>
      %add3A_1154 = arith.addf %add3A_1140, %gather3A_1153 : vector<16xf32>
      %xor3A_1155 = arith.constant 4 : i32
      %xor3A_1156 = vector.broadcast %xor3A_1155 : i32 to vector<16xi32>
      %xor3A_1157 = arith.xori %iota3A, %xor3A_1156 : vector<16xi32>
      %lt3A_1158 = arith.constant 0 : i32
      %lt3A_1159 = vector.broadcast %lt3A_1158 : i32 to vector<16xi32>
      %lt3A_1160 = arith.cmpi slt, %xor3A_1157, %lt3A_1159 : vector<16xi32>
      %add3A_1161 = arith.constant 16 : i32
      %add3A_1162 = vector.broadcast %add3A_1161 : i32 to vector<16xi32>
      %add3A_1163 = arith.addi %xor3A_1157, %add3A_1162 : vector<16xi32>
      %select_n3A_1164 = arith.select %lt3A_1160, %add3A_1163, %xor3A_1157 : vector<16xi1>, vector<16xi32>
      %broadcast_in_dim3A_1165 = vector.shape_cast %select_n3A_1164 : vector<16xi32> to vector<16x1xi32>
      %gather3A_1166 = vector.shape_cast %broadcast_in_dim3A_1165 : vector<16x1xi32> to vector<16xi32>
      %gather3A_1167 = tpu.dynamic_gather %add3A_1154[%gather3A_1166] in [0] : vector<16xf32>, vector<16xi32> -> vector<16xf32>
      %add3A_1168 = arith.addf %add3A_1154, %gather3A_1167 : vector<16xf32>
      %xor3A_1169 = arith.constant 2 : i32
      %xor3A_1170 = vector.broadcast %xor3A_1169 : i32 to vector<16xi32>
      %xor3A_1171 = arith.xori %iota3A, %xor3A_1170 : vector<16xi32>
      %lt3A_1172 = arith.constant 0 : i32
      %lt3A_1173 = vector.broadcast %lt3A_1172 : i32 to vector<16xi32>
      %lt3A_1174 = arith.cmpi slt, %xor3A_1171, %lt3A_1173 : vector<16xi32>
      %add3A_1175 = arith.constant 16 : i32
      %add3A_1176 = vector.broadcast %add3A_1175 : i32 to vector<16xi32>
      %add3A_1177 = arith.addi %xor3A_1171, %add3A_1176 : vector<16xi32>
      %select_n3A_1178 = arith.select %lt3A_1174, %add3A_1177, %xor3A_1171 : vector<16xi1>, vector<16xi32>
      %broadcast_in_dim3A_1179 = vector.shape_cast %select_n3A_1178 : vector<16xi32> to vector<16x1xi32>
      %gather3A_1180 = vector.shape_cast %broadcast_in_dim3A_1179 : vector<16x1xi32> to vector<16xi32>
      %gather3A_1181 = tpu.dynamic_gather %add3A_1168[%gather3A_1180] in [0] : vector<16xf32>, vector<16xi32> -> vector<16xf32>
      %add3A_1182 = arith.addf %add3A_1168, %gather3A_1181 : vector<16xf32>
      %xor3A_1183 = arith.constant 1 : i32
      %xor3A_1184 = vector.broadcast %xor3A_1183 : i32 to vector<16xi32>
      %xor3A_1185 = arith.xori %iota3A, %xor3A_1184 : vector<16xi32>
      %lt3A_1186 = arith.constant 0 : i32
      %lt3A_1187 = vector.broadcast %lt3A_1186 : i32 to vector<16xi32>
      %lt3A_1188 = arith.cmpi slt, %xor3A_1185, %lt3A_1187 : vector<16xi32>
      %add3A_1189 = arith.constant 16 : i32
      %add3A_1190 = vector.broadcast %add3A_1189 : i32 to vector<16xi32>
      %add3A_1191 = arith.addi %xor3A_1185, %add3A_1190 : vector<16xi32>
      %select_n3A_1192 = arith.select %lt3A_1188, %add3A_1191, %xor3A_1185 : vector<16xi1>, vector<16xi32>
      %broadcast_in_dim3A_1193 = vector.shape_cast %select_n3A_1192 : vector<16xi32> to vector<16x1xi32>
      %gather3A_1194 = vector.shape_cast %broadcast_in_dim3A_1193 : vector<16x1xi32> to vector<16xi32>
      %gather3A_1195 = tpu.dynamic_gather %add3A_1182[%gather3A_1194] in [0] : vector<16xf32>, vector<16xi32> -> vector<16xf32>
      %add3A_1196 = arith.addf %add3A_1182, %gather3A_1195 : vector<16xf32>
      %eq3A_1197 = arith.constant 6 : i32
      %eq3A_1198 = vector.broadcast %eq3A_1197 : i32 to vector<16xi32>
      %eq3A_1199 = arith.cmpi eq, %iota3A, %eq3A_1198 : vector<16xi32>
      %select_n3A_1200 = arith.select %eq3A_1199, %add3A_1196, %select_n3A_1048 : vector<16xi1>, vector<16xf32>
      %add3A_1201 = arith.constant 7 : i32
      %add3A_1202 = arith.addi %mul3A_142, %add3A_1201 : i32
      %slice3A_1203 = vector.extract_strided_slice %get3A_144 {offsets = [7], sizes = [1], strides = [1]} : vector<16xi32> to vector<1xi32>
      %squeeze3A_1204 = vector.extract %slice3A_1203[0] : i32 from vector<1xi32>
      %get3A_1205 = arith.index_cast %add3A_1202 : i32 to index
      %get3A_1206 = arith.constant 0 : index
      %get3A_1207 = tpu.vector_load %arg6[%get3A_1205, %get3A_1206] {strides = array<i32>} : memref<512x128xf32, #tpu.memory_space<vmem>>, vector<1x16xf32>,
      %get3A_1208 = vector.shape_cast %get3A_1207 : vector<1x16xf32> to vector<16xf32>
      %get3A_1209 = arith.index_cast %squeeze3A_1204 : i32 to index
      %get3A_1210 = arith.constant 0 : index
      %get3A_1211 = tpu.vector_load %arg8[%get3A_1209, %get3A_1210] {strides = array<i32>} : memref<9x128xf32, #tpu.memory_space<vmem>>, vector<1x16xf32>,
      %get3A_1212 = vector.shape_cast %get3A_1211 : vector<1x16xf32> to vector<16xf32>
      %sub3A_1213 = arith.subf %get3A_1208, %get3A_1212 : vector<16xf32>
      %mul3A_1214 = arith.mulf %sub3A_1213, %sub3A_1213 : vector<16xf32>
      %add3A_1215 = arith.addf %broadcast_in_dim3A_9, %mul3A_1214 : vector<16xf32>
      %get3A_1216 = arith.index_cast %add3A_1202 : i32 to index
      %get3A_1217 = arith.constant 16 : index
      %get3A_1218 = tpu.vector_load %arg6[%get3A_1216, %get3A_1217] {strides = array<i32>} : memref<512x128xf32, #tpu.memory_space<vmem>>, vector<1x16xf32>,
      %get3A_1219 = vector.shape_cast %get3A_1218 : vector<1x16xf32> to vector<16xf32>
      %get3A_1220 = arith.index_cast %squeeze3A_1204 : i32 to index
      %get3A_1221 = arith.constant 16 : index
      %get3A_1222 = tpu.vector_load %arg8[%get3A_1220, %get3A_1221] {strides = array<i32>} : memref<9x128xf32, #tpu.memory_space<vmem>>, vector<1x16xf32>,
      %get3A_1223 = vector.shape_cast %get3A_1222 : vector<1x16xf32> to vector<16xf32>
      %sub3A_1224 = arith.subf %get3A_1219, %get3A_1223 : vector<16xf32>
      %mul3A_1225 = arith.mulf %sub3A_1224, %sub3A_1224 : vector<16xf32>
      %add3A_1226 = arith.addf %add3A_1215, %mul3A_1225 : vector<16xf32>
      %get3A_1227 = arith.index_cast %add3A_1202 : i32 to index
      %get3A_1228 = arith.constant 32 : index
      %get3A_1229 = tpu.vector_load %arg6[%get3A_1227, %get3A_1228] {strides = array<i32>} : memref<512x128xf32, #tpu.memory_space<vmem>>, vector<1x16xf32>,
      %get3A_1230 = vector.shape_cast %get3A_1229 : vector<1x16xf32> to vector<16xf32>
      %get3A_1231 = arith.index_cast %squeeze3A_1204 : i32 to index
      %get3A_1232 = arith.constant 32 : index
      %get3A_1233 = tpu.vector_load %arg8[%get3A_1231, %get3A_1232] {strides = array<i32>} : memref<9x128xf32, #tpu.memory_space<vmem>>, vector<1x16xf32>,
      %get3A_1234 = vector.shape_cast %get3A_1233 : vector<1x16xf32> to vector<16xf32>
      %sub3A_1235 = arith.subf %get3A_1230, %get3A_1234 : vector<16xf32>
      %mul3A_1236 = arith.mulf %sub3A_1235, %sub3A_1235 : vector<16xf32>
      %add3A_1237 = arith.addf %add3A_1226, %mul3A_1236 : vector<16xf32>
      %get3A_1238 = arith.index_cast %add3A_1202 : i32 to index
      %get3A_1239 = arith.constant 48 : index
      %get3A_1240 = tpu.vector_load %arg6[%get3A_1238, %get3A_1239] {strides = array<i32>} : memref<512x128xf32, #tpu.memory_space<vmem>>, vector<1x16xf32>,
      %get3A_1241 = vector.shape_cast %get3A_1240 : vector<1x16xf32> to vector<16xf32>
      %get3A_1242 = arith.index_cast %squeeze3A_1204 : i32 to index
      %get3A_1243 = arith.constant 48 : index
      %get3A_1244 = tpu.vector_load %arg8[%get3A_1242, %get3A_1243] {strides = array<i32>} : memref<9x128xf32, #tpu.memory_space<vmem>>, vector<1x16xf32>,
      %get3A_1245 = vector.shape_cast %get3A_1244 : vector<1x16xf32> to vector<16xf32>
      %sub3A_1246 = arith.subf %get3A_1241, %get3A_1245 : vector<16xf32>
      %mul3A_1247 = arith.mulf %sub3A_1246, %sub3A_1246 : vector<16xf32>
      %add3A_1248 = arith.addf %add3A_1237, %mul3A_1247 : vector<16xf32>
      %get3A_1249 = arith.index_cast %add3A_1202 : i32 to index
      %get3A_1250 = arith.constant 64 : index
      %get3A_1251 = tpu.vector_load %arg6[%get3A_1249, %get3A_1250] {strides = array<i32>} : memref<512x128xf32, #tpu.memory_space<vmem>>, vector<1x16xf32>,
      %get3A_1252 = vector.shape_cast %get3A_1251 : vector<1x16xf32> to vector<16xf32>
      %get3A_1253 = arith.index_cast %squeeze3A_1204 : i32 to index
      %get3A_1254 = arith.constant 64 : index
      %get3A_1255 = tpu.vector_load %arg8[%get3A_1253, %get3A_1254] {strides = array<i32>} : memref<9x128xf32, #tpu.memory_space<vmem>>, vector<1x16xf32>,
      %get3A_1256 = vector.shape_cast %get3A_1255 : vector<1x16xf32> to vector<16xf32>
      %sub3A_1257 = arith.subf %get3A_1252, %get3A_1256 : vector<16xf32>
      %mul3A_1258 = arith.mulf %sub3A_1257, %sub3A_1257 : vector<16xf32>
      %add3A_1259 = arith.addf %add3A_1248, %mul3A_1258 : vector<16xf32>
      %get3A_1260 = arith.index_cast %add3A_1202 : i32 to index
      %get3A_1261 = arith.constant 80 : index
      %get3A_1262 = tpu.vector_load %arg6[%get3A_1260, %get3A_1261] {strides = array<i32>} : memref<512x128xf32, #tpu.memory_space<vmem>>, vector<1x16xf32>,
      %get3A_1263 = vector.shape_cast %get3A_1262 : vector<1x16xf32> to vector<16xf32>
      %get3A_1264 = arith.index_cast %squeeze3A_1204 : i32 to index
      %get3A_1265 = arith.constant 80 : index
      %get3A_1266 = tpu.vector_load %arg8[%get3A_1264, %get3A_1265] {strides = array<i32>} : memref<9x128xf32, #tpu.memory_space<vmem>>, vector<1x16xf32>,
      %get3A_1267 = vector.shape_cast %get3A_1266 : vector<1x16xf32> to vector<16xf32>
      %sub3A_1268 = arith.subf %get3A_1263, %get3A_1267 : vector<16xf32>
      %mul3A_1269 = arith.mulf %sub3A_1268, %sub3A_1268 : vector<16xf32>
      %add3A_1270 = arith.addf %add3A_1259, %mul3A_1269 : vector<16xf32>
      %get3A_1271 = arith.index_cast %add3A_1202 : i32 to index
      %get3A_1272 = arith.constant 96 : index
      %get3A_1273 = tpu.vector_load %arg6[%get3A_1271, %get3A_1272] {strides = array<i32>} : memref<512x128xf32, #tpu.memory_space<vmem>>, vector<1x16xf32>,
      %get3A_1274 = vector.shape_cast %get3A_1273 : vector<1x16xf32> to vector<16xf32>
      %get3A_1275 = arith.index_cast %squeeze3A_1204 : i32 to index
      %get3A_1276 = arith.constant 96 : index
      %get3A_1277 = tpu.vector_load %arg8[%get3A_1275, %get3A_1276] {strides = array<i32>} : memref<9x128xf32, #tpu.memory_space<vmem>>, vector<1x16xf32>,
      %get3A_1278 = vector.shape_cast %get3A_1277 : vector<1x16xf32> to vector<16xf32>
      %sub3A_1279 = arith.subf %get3A_1274, %get3A_1278 : vector<16xf32>
      %mul3A_1280 = arith.mulf %sub3A_1279, %sub3A_1279 : vector<16xf32>
      %add3A_1281 = arith.addf %add3A_1270, %mul3A_1280 : vector<16xf32>
      %get3A_1282 = arith.index_cast %add3A_1202 : i32 to index
      %get3A_1283 = arith.constant 112 : index
      %get3A_1284 = tpu.vector_load %arg6[%get3A_1282, %get3A_1283] {strides = array<i32>} : memref<512x128xf32, #tpu.memory_space<vmem>>, vector<1x16xf32>,
      %get3A_1285 = vector.shape_cast %get3A_1284 : vector<1x16xf32> to vector<16xf32>
      %get3A_1286 = arith.index_cast %squeeze3A_1204 : i32 to index
      %get3A_1287 = arith.constant 112 : index
      %get3A_1288 = tpu.vector_load %arg8[%get3A_1286, %get3A_1287] {strides = array<i32>} : memref<9x128xf32, #tpu.memory_space<vmem>>, vector<1x16xf32>,
      %get3A_1289 = vector.shape_cast %get3A_1288 : vector<1x16xf32> to vector<16xf32>
      %sub3A_1290 = arith.subf %get3A_1285, %get3A_1289 : vector<16xf32>
      %mul3A_1291 = arith.mulf %sub3A_1290, %sub3A_1290 : vector<16xf32>
      %add3A_1292 = arith.addf %add3A_1281, %mul3A_1291 : vector<16xf32>
      %xor3A_1293 = arith.constant 8 : i32
      %xor3A_1294 = vector.broadcast %xor3A_1293 : i32 to vector<16xi32>
      %xor3A_1295 = arith.xori %iota3A, %xor3A_1294 : vector<16xi32>
      %lt3A_1296 = arith.constant 0 : i32
      %lt3A_1297 = vector.broadcast %lt3A_1296 : i32 to vector<16xi32>
      %lt3A_1298 = arith.cmpi slt, %xor3A_1295, %lt3A_1297 : vector<16xi32>
      %add3A_1299 = arith.constant 16 : i32
      %add3A_1300 = vector.broadcast %add3A_1299 : i32 to vector<16xi32>
      %add3A_1301 = arith.addi %xor3A_1295, %add3A_1300 : vector<16xi32>
      %select_n3A_1302 = arith.select %lt3A_1298, %add3A_1301, %xor3A_1295 : vector<16xi1>, vector<16xi32>
      %broadcast_in_dim3A_1303 = vector.shape_cast %select_n3A_1302 : vector<16xi32> to vector<16x1xi32>
      %gather3A_1304 = vector.shape_cast %broadcast_in_dim3A_1303 : vector<16x1xi32> to vector<16xi32>
      %gather3A_1305 = tpu.dynamic_gather %add3A_1292[%gather3A_1304] in [0] : vector<16xf32>, vector<16xi32> -> vector<16xf32>
      %add3A_1306 = arith.addf %add3A_1292, %gather3A_1305 : vector<16xf32>
      %xor3A_1307 = arith.constant 4 : i32
      %xor3A_1308 = vector.broadcast %xor3A_1307 : i32 to vector<16xi32>
      %xor3A_1309 = arith.xori %iota3A, %xor3A_1308 : vector<16xi32>
      %lt3A_1310 = arith.constant 0 : i32
      %lt3A_1311 = vector.broadcast %lt3A_1310 : i32 to vector<16xi32>
      %lt3A_1312 = arith.cmpi slt, %xor3A_1309, %lt3A_1311 : vector<16xi32>
      %add3A_1313 = arith.constant 16 : i32
      %add3A_1314 = vector.broadcast %add3A_1313 : i32 to vector<16xi32>
      %add3A_1315 = arith.addi %xor3A_1309, %add3A_1314 : vector<16xi32>
      %select_n3A_1316 = arith.select %lt3A_1312, %add3A_1315, %xor3A_1309 : vector<16xi1>, vector<16xi32>
      %broadcast_in_dim3A_1317 = vector.shape_cast %select_n3A_1316 : vector<16xi32> to vector<16x1xi32>
      %gather3A_1318 = vector.shape_cast %broadcast_in_dim3A_1317 : vector<16x1xi32> to vector<16xi32>
      %gather3A_1319 = tpu.dynamic_gather %add3A_1306[%gather3A_1318] in [0] : vector<16xf32>, vector<16xi32> -> vector<16xf32>
      %add3A_1320 = arith.addf %add3A_1306, %gather3A_1319 : vector<16xf32>
      %xor3A_1321 = arith.constant 2 : i32
      %xor3A_1322 = vector.broadcast %xor3A_1321 : i32 to vector<16xi32>
      %xor3A_1323 = arith.xori %iota3A, %xor3A_1322 : vector<16xi32>
      %lt3A_1324 = arith.constant 0 : i32
      %lt3A_1325 = vector.broadcast %lt3A_1324 : i32 to vector<16xi32>
      %lt3A_1326 = arith.cmpi slt, %xor3A_1323, %lt3A_1325 : vector<16xi32>
      %add3A_1327 = arith.constant 16 : i32
      %add3A_1328 = vector.broadcast %add3A_1327 : i32 to vector<16xi32>
      %add3A_1329 = arith.addi %xor3A_1323, %add3A_1328 : vector<16xi32>
      %select_n3A_1330 = arith.select %lt3A_1326, %add3A_1329, %xor3A_1323 : vector<16xi1>, vector<16xi32>
      %broadcast_in_dim3A_1331 = vector.shape_cast %select_n3A_1330 : vector<16xi32> to vector<16x1xi32>
      %gather3A_1332 = vector.shape_cast %broadcast_in_dim3A_1331 : vector<16x1xi32> to vector<16xi32>
      %gather3A_1333 = tpu.dynamic_gather %add3A_1320[%gather3A_1332] in [0] : vector<16xf32>, vector<16xi32> -> vector<16xf32>
      %add3A_1334 = arith.addf %add3A_1320, %gather3A_1333 : vector<16xf32>
      %xor3A_1335 = arith.constant 1 : i32
      %xor3A_1336 = vector.broadcast %xor3A_1335 : i32 to vector<16xi32>
      %xor3A_1337 = arith.xori %iota3A, %xor3A_1336 : vector<16xi32>
      %lt3A_1338 = arith.constant 0 : i32
      %lt3A_1339 = vector.broadcast %lt3A_1338 : i32 to vector<16xi32>
      %lt3A_1340 = arith.cmpi slt, %xor3A_1337, %lt3A_1339 : vector<16xi32>
      %add3A_1341 = arith.constant 16 : i32
      %add3A_1342 = vector.broadcast %add3A_1341 : i32 to vector<16xi32>
      %add3A_1343 = arith.addi %xor3A_1337, %add3A_1342 : vector<16xi32>
      %select_n3A_1344 = arith.select %lt3A_1340, %add3A_1343, %xor3A_1337 : vector<16xi1>, vector<16xi32>
      %broadcast_in_dim3A_1345 = vector.shape_cast %select_n3A_1344 : vector<16xi32> to vector<16x1xi32>
      %gather3A_1346 = vector.shape_cast %broadcast_in_dim3A_1345 : vector<16x1xi32> to vector<16xi32>
      %gather3A_1347 = tpu.dynamic_gather %add3A_1334[%gather3A_1346] in [0] : vector<16xf32>, vector<16xi32> -> vector<16xf32>
      %add3A_1348 = arith.addf %add3A_1334, %gather3A_1347 : vector<16xf32>
      %eq3A_1349 = arith.constant 7 : i32
      %eq3A_1350 = vector.broadcast %eq3A_1349 : i32 to vector<16xi32>
      %eq3A_1351 = arith.cmpi eq, %iota3A, %eq3A_1350 : vector<16xi32>
      %select_n3A_1352 = arith.select %eq3A_1351, %add3A_1348, %select_n3A_1200 : vector<16xi1>, vector<16xf32>
      %add3A_1353 = arith.constant 8 : i32
      %add3A_1354 = arith.addi %mul3A_142, %add3A_1353 : i32
      %slice3A_1355 = vector.extract_strided_slice %get3A_144 {offsets = [8], sizes = [1], strides = [1]} : vector<16xi32> to vector<1xi32>
      %squeeze3A_1356 = vector.extract %slice3A_1355[0] : i32 from vector<1xi32>
      %get3A_1357 = arith.index_cast %add3A_1354 : i32 to index
      %get3A_1358 = arith.constant 0 : index
      %get3A_1359 = tpu.vector_load %arg6[%get3A_1357, %get3A_1358] {strides = array<i32>} : memref<512x128xf32, #tpu.memory_space<vmem>>, vector<1x16xf32>,
      %get3A_1360 = vector.shape_cast %get3A_1359 : vector<1x16xf32> to vector<16xf32>
      %get3A_1361 = arith.index_cast %squeeze3A_1356 : i32 to index
      %get3A_1362 = arith.constant 0 : index
      %get3A_1363 = tpu.vector_load %arg8[%get3A_1361, %get3A_1362] {strides = array<i32>} : memref<9x128xf32, #tpu.memory_space<vmem>>, vector<1x16xf32>,
      %get3A_1364 = vector.shape_cast %get3A_1363 : vector<1x16xf32> to vector<16xf32>
      %sub3A_1365 = arith.subf %get3A_1360, %get3A_1364 : vector<16xf32>
      %mul3A_1366 = arith.mulf %sub3A_1365, %sub3A_1365 : vector<16xf32>
      %add3A_1367 = arith.addf %broadcast_in_dim3A_9, %mul3A_1366 : vector<16xf32>
      %get3A_1368 = arith.index_cast %add3A_1354 : i32 to index
      %get3A_1369 = arith.constant 16 : index
      %get3A_1370 = tpu.vector_load %arg6[%get3A_1368, %get3A_1369] {strides = array<i32>} : memref<512x128xf32, #tpu.memory_space<vmem>>, vector<1x16xf32>,
      %get3A_1371 = vector.shape_cast %get3A_1370 : vector<1x16xf32> to vector<16xf32>
      %get3A_1372 = arith.index_cast %squeeze3A_1356 : i32 to index
      %get3A_1373 = arith.constant 16 : index
      %get3A_1374 = tpu.vector_load %arg8[%get3A_1372, %get3A_1373] {strides = array<i32>} : memref<9x128xf32, #tpu.memory_space<vmem>>, vector<1x16xf32>,
      %get3A_1375 = vector.shape_cast %get3A_1374 : vector<1x16xf32> to vector<16xf32>
      %sub3A_1376 = arith.subf %get3A_1371, %get3A_1375 : vector<16xf32>
      %mul3A_1377 = arith.mulf %sub3A_1376, %sub3A_1376 : vector<16xf32>
      %add3A_1378 = arith.addf %add3A_1367, %mul3A_1377 : vector<16xf32>
      %get3A_1379 = arith.index_cast %add3A_1354 : i32 to index
      %get3A_1380 = arith.constant 32 : index
      %get3A_1381 = tpu.vector_load %arg6[%get3A_1379, %get3A_1380] {strides = array<i32>} : memref<512x128xf32, #tpu.memory_space<vmem>>, vector<1x16xf32>,
      %get3A_1382 = vector.shape_cast %get3A_1381 : vector<1x16xf32> to vector<16xf32>
      %get3A_1383 = arith.index_cast %squeeze3A_1356 : i32 to index
      %get3A_1384 = arith.constant 32 : index
      %get3A_1385 = tpu.vector_load %arg8[%get3A_1383, %get3A_1384] {strides = array<i32>} : memref<9x128xf32, #tpu.memory_space<vmem>>, vector<1x16xf32>,
      %get3A_1386 = vector.shape_cast %get3A_1385 : vector<1x16xf32> to vector<16xf32>
      %sub3A_1387 = arith.subf %get3A_1382, %get3A_1386 : vector<16xf32>
      %mul3A_1388 = arith.mulf %sub3A_1387, %sub3A_1387 : vector<16xf32>
      %add3A_1389 = arith.addf %add3A_1378, %mul3A_1388 : vector<16xf32>
      %get3A_1390 = arith.index_cast %add3A_1354 : i32 to index
      %get3A_1391 = arith.constant 48 : index
      %get3A_1392 = tpu.vector_load %arg6[%get3A_1390, %get3A_1391] {strides = array<i32>} : memref<512x128xf32, #tpu.memory_space<vmem>>, vector<1x16xf32>,
      %get3A_1393 = vector.shape_cast %get3A_1392 : vector<1x16xf32> to vector<16xf32>
      %get3A_1394 = arith.index_cast %squeeze3A_1356 : i32 to index
      %get3A_1395 = arith.constant 48 : index
      %get3A_1396 = tpu.vector_load %arg8[%get3A_1394, %get3A_1395] {strides = array<i32>} : memref<9x128xf32, #tpu.memory_space<vmem>>, vector<1x16xf32>,
      %get3A_1397 = vector.shape_cast %get3A_1396 : vector<1x16xf32> to vector<16xf32>
      %sub3A_1398 = arith.subf %get3A_1393, %get3A_1397 : vector<16xf32>
      %mul3A_1399 = arith.mulf %sub3A_1398, %sub3A_1398 : vector<16xf32>
      %add3A_1400 = arith.addf %add3A_1389, %mul3A_1399 : vector<16xf32>
      %get3A_1401 = arith.index_cast %add3A_1354 : i32 to index
      %get3A_1402 = arith.constant 64 : index
      %get3A_1403 = tpu.vector_load %arg6[%get3A_1401, %get3A_1402] {strides = array<i32>} : memref<512x128xf32, #tpu.memory_space<vmem>>, vector<1x16xf32>,
      %get3A_1404 = vector.shape_cast %get3A_1403 : vector<1x16xf32> to vector<16xf32>
      %get3A_1405 = arith.index_cast %squeeze3A_1356 : i32 to index
      %get3A_1406 = arith.constant 64 : index
      %get3A_1407 = tpu.vector_load %arg8[%get3A_1405, %get3A_1406] {strides = array<i32>} : memref<9x128xf32, #tpu.memory_space<vmem>>, vector<1x16xf32>,
      %get3A_1408 = vector.shape_cast %get3A_1407 : vector<1x16xf32> to vector<16xf32>
      %sub3A_1409 = arith.subf %get3A_1404, %get3A_1408 : vector<16xf32>
      %mul3A_1410 = arith.mulf %sub3A_1409, %sub3A_1409 : vector<16xf32>
      %add3A_1411 = arith.addf %add3A_1400, %mul3A_1410 : vector<16xf32>
      %get3A_1412 = arith.index_cast %add3A_1354 : i32 to index
      %get3A_1413 = arith.constant 80 : index
      %get3A_1414 = tpu.vector_load %arg6[%get3A_1412, %get3A_1413] {strides = array<i32>} : memref<512x128xf32, #tpu.memory_space<vmem>>, vector<1x16xf32>,
      %get3A_1415 = vector.shape_cast %get3A_1414 : vector<1x16xf32> to vector<16xf32>
      %get3A_1416 = arith.index_cast %squeeze3A_1356 : i32 to index
      %get3A_1417 = arith.constant 80 : index
      %get3A_1418 = tpu.vector_load %arg8[%get3A_1416, %get3A_1417] {strides = array<i32>} : memref<9x128xf32, #tpu.memory_space<vmem>>, vector<1x16xf32>,
      %get3A_1419 = vector.shape_cast %get3A_1418 : vector<1x16xf32> to vector<16xf32>
      %sub3A_1420 = arith.subf %get3A_1415, %get3A_1419 : vector<16xf32>
      %mul3A_1421 = arith.mulf %sub3A_1420, %sub3A_1420 : vector<16xf32>
      %add3A_1422 = arith.addf %add3A_1411, %mul3A_1421 : vector<16xf32>
      %get3A_1423 = arith.index_cast %add3A_1354 : i32 to index
      %get3A_1424 = arith.constant 96 : index
      %get3A_1425 = tpu.vector_load %arg6[%get3A_1423, %get3A_1424] {strides = array<i32>} : memref<512x128xf32, #tpu.memory_space<vmem>>, vector<1x16xf32>,
      %get3A_1426 = vector.shape_cast %get3A_1425 : vector<1x16xf32> to vector<16xf32>
      %get3A_1427 = arith.index_cast %squeeze3A_1356 : i32 to index
      %get3A_1428 = arith.constant 96 : index
      %get3A_1429 = tpu.vector_load %arg8[%get3A_1427, %get3A_1428] {strides = array<i32>} : memref<9x128xf32, #tpu.memory_space<vmem>>, vector<1x16xf32>,
      %get3A_1430 = vector.shape_cast %get3A_1429 : vector<1x16xf32> to vector<16xf32>
      %sub3A_1431 = arith.subf %get3A_1426, %get3A_1430 : vector<16xf32>
      %mul3A_1432 = arith.mulf %sub3A_1431, %sub3A_1431 : vector<16xf32>
      %add3A_1433 = arith.addf %add3A_1422, %mul3A_1432 : vector<16xf32>
      %get3A_1434 = arith.index_cast %add3A_1354 : i32 to index
      %get3A_1435 = arith.constant 112 : index
      %get3A_1436 = tpu.vector_load %arg6[%get3A_1434, %get3A_1435] {strides = array<i32>} : memref<512x128xf32, #tpu.memory_space<vmem>>, vector<1x16xf32>,
      %get3A_1437 = vector.shape_cast %get3A_1436 : vector<1x16xf32> to vector<16xf32>
      %get3A_1438 = arith.index_cast %squeeze3A_1356 : i32 to index
      %get3A_1439 = arith.constant 112 : index
      %get3A_1440 = tpu.vector_load %arg8[%get3A_1438, %get3A_1439] {strides = array<i32>} : memref<9x128xf32, #tpu.memory_space<vmem>>, vector<1x16xf32>,
      %get3A_1441 = vector.shape_cast %get3A_1440 : vector<1x16xf32> to vector<16xf32>
      %sub3A_1442 = arith.subf %get3A_1437, %get3A_1441 : vector<16xf32>
      %mul3A_1443 = arith.mulf %sub3A_1442, %sub3A_1442 : vector<16xf32>
      %add3A_1444 = arith.addf %add3A_1433, %mul3A_1443 : vector<16xf32>
      %xor3A_1445 = arith.constant 8 : i32
      %xor3A_1446 = vector.broadcast %xor3A_1445 : i32 to vector<16xi32>
      %xor3A_1447 = arith.xori %iota3A, %xor3A_1446 : vector<16xi32>
      %lt3A_1448 = arith.constant 0 : i32
      %lt3A_1449 = vector.broadcast %lt3A_1448 : i32 to vector<16xi32>
      %lt3A_1450 = arith.cmpi slt, %xor3A_1447, %lt3A_1449 : vector<16xi32>
      %add3A_1451 = arith.constant 16 : i32
      %add3A_1452 = vector.broadcast %add3A_1451 : i32 to vector<16xi32>
      %add3A_1453 = arith.addi %xor3A_1447, %add3A_1452 : vector<16xi32>
      %select_n3A_1454 = arith.select %lt3A_1450, %add3A_1453, %xor3A_1447 : vector<16xi1>, vector<16xi32>
      %broadcast_in_dim3A_1455 = vector.shape_cast %select_n3A_1454 : vector<16xi32> to vector<16x1xi32>
      %gather3A_1456 = vector.shape_cast %broadcast_in_dim3A_1455 : vector<16x1xi32> to vector<16xi32>
      %gather3A_1457 = tpu.dynamic_gather %add3A_1444[%gather3A_1456] in [0] : vector<16xf32>, vector<16xi32> -> vector<16xf32>
      %add3A_1458 = arith.addf %add3A_1444, %gather3A_1457 : vector<16xf32>
      %xor3A_1459 = arith.constant 4 : i32
      %xor3A_1460 = vector.broadcast %xor3A_1459 : i32 to vector<16xi32>
      %xor3A_1461 = arith.xori %iota3A, %xor3A_1460 : vector<16xi32>
      %lt3A_1462 = arith.constant 0 : i32
      %lt3A_1463 = vector.broadcast %lt3A_1462 : i32 to vector<16xi32>
      %lt3A_1464 = arith.cmpi slt, %xor3A_1461, %lt3A_1463 : vector<16xi32>
      %add3A_1465 = arith.constant 16 : i32
      %add3A_1466 = vector.broadcast %add3A_1465 : i32 to vector<16xi32>
      %add3A_1467 = arith.addi %xor3A_1461, %add3A_1466 : vector<16xi32>
      %select_n3A_1468 = arith.select %lt3A_1464, %add3A_1467, %xor3A_1461 : vector<16xi1>, vector<16xi32>
      %broadcast_in_dim3A_1469 = vector.shape_cast %select_n3A_1468 : vector<16xi32> to vector<16x1xi32>
      %gather3A_1470 = vector.shape_cast %broadcast_in_dim3A_1469 : vector<16x1xi32> to vector<16xi32>
      %gather3A_1471 = tpu.dynamic_gather %add3A_1458[%gather3A_1470] in [0] : vector<16xf32>, vector<16xi32> -> vector<16xf32>
      %add3A_1472 = arith.addf %add3A_1458, %gather3A_1471 : vector<16xf32>
      %xor3A_1473 = arith.constant 2 : i32
      %xor3A_1474 = vector.broadcast %xor3A_1473 : i32 to vector<16xi32>
      %xor3A_1475 = arith.xori %iota3A, %xor3A_1474 : vector<16xi32>
      %lt3A_1476 = arith.constant 0 : i32
      %lt3A_1477 = vector.broadcast %lt3A_1476 : i32 to vector<16xi32>
      %lt3A_1478 = arith.cmpi slt, %xor3A_1475, %lt3A_1477 : vector<16xi32>
      %add3A_1479 = arith.constant 16 : i32
      %add3A_1480 = vector.broadcast %add3A_1479 : i32 to vector<16xi32>
      %add3A_1481 = arith.addi %xor3A_1475, %add3A_1480 : vector<16xi32>
      %select_n3A_1482 = arith.select %lt3A_1478, %add3A_1481, %xor3A_1475 : vector<16xi1>, vector<16xi32>
      %broadcast_in_dim3A_1483 = vector.shape_cast %select_n3A_1482 : vector<16xi32> to vector<16x1xi32>
      %gather3A_1484 = vector.shape_cast %broadcast_in_dim3A_1483 : vector<16x1xi32> to vector<16xi32>
      %gather3A_1485 = tpu.dynamic_gather %add3A_1472[%gather3A_1484] in [0] : vector<16xf32>, vector<16xi32> -> vector<16xf32>
      %add3A_1486 = arith.addf %add3A_1472, %gather3A_1485 : vector<16xf32>
      %xor3A_1487 = arith.constant 1 : i32
      %xor3A_1488 = vector.broadcast %xor3A_1487 : i32 to vector<16xi32>
      %xor3A_1489 = arith.xori %iota3A, %xor3A_1488 : vector<16xi32>
      %lt3A_1490 = arith.constant 0 : i32
      %lt3A_1491 = vector.broadcast %lt3A_1490 : i32 to vector<16xi32>
      %lt3A_1492 = arith.cmpi slt, %xor3A_1489, %lt3A_1491 : vector<16xi32>
      %add3A_1493 = arith.constant 16 : i32
      %add3A_1494 = vector.broadcast %add3A_1493 : i32 to vector<16xi32>
      %add3A_1495 = arith.addi %xor3A_1489, %add3A_1494 : vector<16xi32>
      %select_n3A_1496 = arith.select %lt3A_1492, %add3A_1495, %xor3A_1489 : vector<16xi1>, vector<16xi32>
      %broadcast_in_dim3A_1497 = vector.shape_cast %select_n3A_1496 : vector<16xi32> to vector<16x1xi32>
      %gather3A_1498 = vector.shape_cast %broadcast_in_dim3A_1497 : vector<16x1xi32> to vector<16xi32>
      %gather3A_1499 = tpu.dynamic_gather %add3A_1486[%gather3A_1498] in [0] : vector<16xf32>, vector<16xi32> -> vector<16xf32>
      %add3A_1500 = arith.addf %add3A_1486, %gather3A_1499 : vector<16xf32>
      %eq3A_1501 = arith.constant 8 : i32
      %eq3A_1502 = vector.broadcast %eq3A_1501 : i32 to vector<16xi32>
      %eq3A_1503 = arith.cmpi eq, %iota3A, %eq3A_1502 : vector<16xi32>
      %select_n3A_1504 = arith.select %eq3A_1503, %add3A_1500, %select_n3A_1352 : vector<16xi1>, vector<16xf32>
      %add3A_1505 = arith.constant 9 : i32
      %add3A_1506 = arith.addi %mul3A_142, %add3A_1505 : i32
      %slice3A_1507 = vector.extract_strided_slice %get3A_144 {offsets = [9], sizes = [1], strides = [1]} : vector<16xi32> to vector<1xi32>
      %squeeze3A_1508 = vector.extract %slice3A_1507[0] : i32 from vector<1xi32>
      %get3A_1509 = arith.index_cast %add3A_1506 : i32 to index
      %get3A_1510 = arith.constant 0 : index
      %get3A_1511 = tpu.vector_load %arg6[%get3A_1509, %get3A_1510] {strides = array<i32>} : memref<512x128xf32, #tpu.memory_space<vmem>>, vector<1x16xf32>,
      %get3A_1512 = vector.shape_cast %get3A_1511 : vector<1x16xf32> to vector<16xf32>
      %get3A_1513 = arith.index_cast %squeeze3A_1508 : i32 to index
      %get3A_1514 = arith.constant 0 : index
      %get3A_1515 = tpu.vector_load %arg8[%get3A_1513, %get3A_1514] {strides = array<i32>} : memref<9x128xf32, #tpu.memory_space<vmem>>, vector<1x16xf32>,
      %get3A_1516 = vector.shape_cast %get3A_1515 : vector<1x16xf32> to vector<16xf32>
      %sub3A_1517 = arith.subf %get3A_1512, %get3A_1516 : vector<16xf32>
      %mul3A_1518 = arith.mulf %sub3A_1517, %sub3A_1517 : vector<16xf32>
      %add3A_1519 = arith.addf %broadcast_in_dim3A_9, %mul3A_1518 : vector<16xf32>
      %get3A_1520 = arith.index_cast %add3A_1506 : i32 to index
      %get3A_1521 = arith.constant 16 : index
      %get3A_1522 = tpu.vector_load %arg6[%get3A_1520, %get3A_1521] {strides = array<i32>} : memref<512x128xf32, #tpu.memory_space<vmem>>, vector<1x16xf32>,
      %get3A_1523 = vector.shape_cast %get3A_1522 : vector<1x16xf32> to vector<16xf32>
      %get3A_1524 = arith.index_cast %squeeze3A_1508 : i32 to index
      %get3A_1525 = arith.constant 16 : index
      %get3A_1526 = tpu.vector_load %arg8[%get3A_1524, %get3A_1525] {strides = array<i32>} : memref<9x128xf32, #tpu.memory_space<vmem>>, vector<1x16xf32>,
      %get3A_1527 = vector.shape_cast %get3A_1526 : vector<1x16xf32> to vector<16xf32>
      %sub3A_1528 = arith.subf %get3A_1523, %get3A_1527 : vector<16xf32>
      %mul3A_1529 = arith.mulf %sub3A_1528, %sub3A_1528 : vector<16xf32>
      %add3A_1530 = arith.addf %add3A_1519, %mul3A_1529 : vector<16xf32>
      %get3A_1531 = arith.index_cast %add3A_1506 : i32 to index
      %get3A_1532 = arith.constant 32 : index
      %get3A_1533 = tpu.vector_load %arg6[%get3A_1531, %get3A_1532] {strides = array<i32>} : memref<512x128xf32, #tpu.memory_space<vmem>>, vector<1x16xf32>,
      %get3A_1534 = vector.shape_cast %get3A_1533 : vector<1x16xf32> to vector<16xf32>
      %get3A_1535 = arith.index_cast %squeeze3A_1508 : i32 to index
      %get3A_1536 = arith.constant 32 : index
      %get3A_1537 = tpu.vector_load %arg8[%get3A_1535, %get3A_1536] {strides = array<i32>} : memref<9x128xf32, #tpu.memory_space<vmem>>, vector<1x16xf32>,
      %get3A_1538 = vector.shape_cast %get3A_1537 : vector<1x16xf32> to vector<16xf32>
      %sub3A_1539 = arith.subf %get3A_1534, %get3A_1538 : vector<16xf32>
      %mul3A_1540 = arith.mulf %sub3A_1539, %sub3A_1539 : vector<16xf32>
      %add3A_1541 = arith.addf %add3A_1530, %mul3A_1540 : vector<16xf32>
      %get3A_1542 = arith.index_cast %add3A_1506 : i32 to index
      %get3A_1543 = arith.constant 48 : index
      %get3A_1544 = tpu.vector_load %arg6[%get3A_1542, %get3A_1543] {strides = array<i32>} : memref<512x128xf32, #tpu.memory_space<vmem>>, vector<1x16xf32>,
      %get3A_1545 = vector.shape_cast %get3A_1544 : vector<1x16xf32> to vector<16xf32>
      %get3A_1546 = arith.index_cast %squeeze3A_1508 : i32 to index
      %get3A_1547 = arith.constant 48 : index
      %get3A_1548 = tpu.vector_load %arg8[%get3A_1546, %get3A_1547] {strides = array<i32>} : memref<9x128xf32, #tpu.memory_space<vmem>>, vector<1x16xf32>,
      %get3A_1549 = vector.shape_cast %get3A_1548 : vector<1x16xf32> to vector<16xf32>
      %sub3A_1550 = arith.subf %get3A_1545, %get3A_1549 : vector<16xf32>
      %mul3A_1551 = arith.mulf %sub3A_1550, %sub3A_1550 : vector<16xf32>
      %add3A_1552 = arith.addf %add3A_1541, %mul3A_1551 : vector<16xf32>
      %get3A_1553 = arith.index_cast %add3A_1506 : i32 to index
      %get3A_1554 = arith.constant 64 : index
      %get3A_1555 = tpu.vector_load %arg6[%get3A_1553, %get3A_1554] {strides = array<i32>} : memref<512x128xf32, #tpu.memory_space<vmem>>, vector<1x16xf32>,
      %get3A_1556 = vector.shape_cast %get3A_1555 : vector<1x16xf32> to vector<16xf32>
      %get3A_1557 = arith.index_cast %squeeze3A_1508 : i32 to index
      %get3A_1558 = arith.constant 64 : index
      %get3A_1559 = tpu.vector_load %arg8[%get3A_1557, %get3A_1558] {strides = array<i32>} : memref<9x128xf32, #tpu.memory_space<vmem>>, vector<1x16xf32>,
      %get3A_1560 = vector.shape_cast %get3A_1559 : vector<1x16xf32> to vector<16xf32>
      %sub3A_1561 = arith.subf %get3A_1556, %get3A_1560 : vector<16xf32>
      %mul3A_1562 = arith.mulf %sub3A_1561, %sub3A_1561 : vector<16xf32>
      %add3A_1563 = arith.addf %add3A_1552, %mul3A_1562 : vector<16xf32>
      %get3A_1564 = arith.index_cast %add3A_1506 : i32 to index
      %get3A_1565 = arith.constant 80 : index
      %get3A_1566 = tpu.vector_load %arg6[%get3A_1564, %get3A_1565] {strides = array<i32>} : memref<512x128xf32, #tpu.memory_space<vmem>>, vector<1x16xf32>,
      %get3A_1567 = vector.shape_cast %get3A_1566 : vector<1x16xf32> to vector<16xf32>
      %get3A_1568 = arith.index_cast %squeeze3A_1508 : i32 to index
      %get3A_1569 = arith.constant 80 : index
      %get3A_1570 = tpu.vector_load %arg8[%get3A_1568, %get3A_1569] {strides = array<i32>} : memref<9x128xf32, #tpu.memory_space<vmem>>, vector<1x16xf32>,
      %get3A_1571 = vector.shape_cast %get3A_1570 : vector<1x16xf32> to vector<16xf32>
      %sub3A_1572 = arith.subf %get3A_1567, %get3A_1571 : vector<16xf32>
      %mul3A_1573 = arith.mulf %sub3A_1572, %sub3A_1572 : vector<16xf32>
      %add3A_1574 = arith.addf %add3A_1563, %mul3A_1573 : vector<16xf32>
      %get3A_1575 = arith.index_cast %add3A_1506 : i32 to index
      %get3A_1576 = arith.constant 96 : index
      %get3A_1577 = tpu.vector_load %arg6[%get3A_1575, %get3A_1576] {strides = array<i32>} : memref<512x128xf32, #tpu.memory_space<vmem>>, vector<1x16xf32>,
      %get3A_1578 = vector.shape_cast %get3A_1577 : vector<1x16xf32> to vector<16xf32>
      %get3A_1579 = arith.index_cast %squeeze3A_1508 : i32 to index
      %get3A_1580 = arith.constant 96 : index
      %get3A_1581 = tpu.vector_load %arg8[%get3A_1579, %get3A_1580] {strides = array<i32>} : memref<9x128xf32, #tpu.memory_space<vmem>>, vector<1x16xf32>,
      %get3A_1582 = vector.shape_cast %get3A_1581 : vector<1x16xf32> to vector<16xf32>
      %sub3A_1583 = arith.subf %get3A_1578, %get3A_1582 : vector<16xf32>
      %mul3A_1584 = arith.mulf %sub3A_1583, %sub3A_1583 : vector<16xf32>
      %add3A_1585 = arith.addf %add3A_1574, %mul3A_1584 : vector<16xf32>
      %get3A_1586 = arith.index_cast %add3A_1506 : i32 to index
      %get3A_1587 = arith.constant 112 : index
      %get3A_1588 = tpu.vector_load %arg6[%get3A_1586, %get3A_1587] {strides = array<i32>} : memref<512x128xf32, #tpu.memory_space<vmem>>, vector<1x16xf32>,
      %get3A_1589 = vector.shape_cast %get3A_1588 : vector<1x16xf32> to vector<16xf32>
      %get3A_1590 = arith.index_cast %squeeze3A_1508 : i32 to index
      %get3A_1591 = arith.constant 112 : index
      %get3A_1592 = tpu.vector_load %arg8[%get3A_1590, %get3A_1591] {strides = array<i32>} : memref<9x128xf32, #tpu.memory_space<vmem>>, vector<1x16xf32>,
      %get3A_1593 = vector.shape_cast %get3A_1592 : vector<1x16xf32> to vector<16xf32>
      %sub3A_1594 = arith.subf %get3A_1589, %get3A_1593 : vector<16xf32>
      %mul3A_1595 = arith.mulf %sub3A_1594, %sub3A_1594 : vector<16xf32>
      %add3A_1596 = arith.addf %add3A_1585, %mul3A_1595 : vector<16xf32>
      %xor3A_1597 = arith.constant 8 : i32
      %xor3A_1598 = vector.broadcast %xor3A_1597 : i32 to vector<16xi32>
      %xor3A_1599 = arith.xori %iota3A, %xor3A_1598 : vector<16xi32>
      %lt3A_1600 = arith.constant 0 : i32
      %lt3A_1601 = vector.broadcast %lt3A_1600 : i32 to vector<16xi32>
      %lt3A_1602 = arith.cmpi slt, %xor3A_1599, %lt3A_1601 : vector<16xi32>
      %add3A_1603 = arith.constant 16 : i32
      %add3A_1604 = vector.broadcast %add3A_1603 : i32 to vector<16xi32>
      %add3A_1605 = arith.addi %xor3A_1599, %add3A_1604 : vector<16xi32>
      %select_n3A_1606 = arith.select %lt3A_1602, %add3A_1605, %xor3A_1599 : vector<16xi1>, vector<16xi32>
      %broadcast_in_dim3A_1607 = vector.shape_cast %select_n3A_1606 : vector<16xi32> to vector<16x1xi32>
      %gather3A_1608 = vector.shape_cast %broadcast_in_dim3A_1607 : vector<16x1xi32> to vector<16xi32>
      %gather3A_1609 = tpu.dynamic_gather %add3A_1596[%gather3A_1608] in [0] : vector<16xf32>, vector<16xi32> -> vector<16xf32>
      %add3A_1610 = arith.addf %add3A_1596, %gather3A_1609 : vector<16xf32>
      %xor3A_1611 = arith.constant 4 : i32
      %xor3A_1612 = vector.broadcast %xor3A_1611 : i32 to vector<16xi32>
      %xor3A_1613 = arith.xori %iota3A, %xor3A_1612 : vector<16xi32>
      %lt3A_1614 = arith.constant 0 : i32
      %lt3A_1615 = vector.broadcast %lt3A_1614 : i32 to vector<16xi32>
      %lt3A_1616 = arith.cmpi slt, %xor3A_1613, %lt3A_1615 : vector<16xi32>
      %add3A_1617 = arith.constant 16 : i32
      %add3A_1618 = vector.broadcast %add3A_1617 : i32 to vector<16xi32>
      %add3A_1619 = arith.addi %xor3A_1613, %add3A_1618 : vector<16xi32>
      %select_n3A_1620 = arith.select %lt3A_1616, %add3A_1619, %xor3A_1613 : vector<16xi1>, vector<16xi32>
      %broadcast_in_dim3A_1621 = vector.shape_cast %select_n3A_1620 : vector<16xi32> to vector<16x1xi32>
      %gather3A_1622 = vector.shape_cast %broadcast_in_dim3A_1621 : vector<16x1xi32> to vector<16xi32>
      %gather3A_1623 = tpu.dynamic_gather %add3A_1610[%gather3A_1622] in [0] : vector<16xf32>, vector<16xi32> -> vector<16xf32>
      %add3A_1624 = arith.addf %add3A_1610, %gather3A_1623 : vector<16xf32>
      %xor3A_1625 = arith.constant 2 : i32
      %xor3A_1626 = vector.broadcast %xor3A_1625 : i32 to vector<16xi32>
      %xor3A_1627 = arith.xori %iota3A, %xor3A_1626 : vector<16xi32>
      %lt3A_1628 = arith.constant 0 : i32
      %lt3A_1629 = vector.broadcast %lt3A_1628 : i32 to vector<16xi32>
      %lt3A_1630 = arith.cmpi slt, %xor3A_1627, %lt3A_1629 : vector<16xi32>
      %add3A_1631 = arith.constant 16 : i32
      %add3A_1632 = vector.broadcast %add3A_1631 : i32 to vector<16xi32>
      %add3A_1633 = arith.addi %xor3A_1627, %add3A_1632 : vector<16xi32>
      %select_n3A_1634 = arith.select %lt3A_1630, %add3A_1633, %xor3A_1627 : vector<16xi1>, vector<16xi32>
      %broadcast_in_dim3A_1635 = vector.shape_cast %select_n3A_1634 : vector<16xi32> to vector<16x1xi32>
      %gather3A_1636 = vector.shape_cast %broadcast_in_dim3A_1635 : vector<16x1xi32> to vector<16xi32>
      %gather3A_1637 = tpu.dynamic_gather %add3A_1624[%gather3A_1636] in [0] : vector<16xf32>, vector<16xi32> -> vector<16xf32>
      %add3A_1638 = arith.addf %add3A_1624, %gather3A_1637 : vector<16xf32>
      %xor3A_1639 = arith.constant 1 : i32
      %xor3A_1640 = vector.broadcast %xor3A_1639 : i32 to vector<16xi32>
      %xor3A_1641 = arith.xori %iota3A, %xor3A_1640 : vector<16xi32>
      %lt3A_1642 = arith.constant 0 : i32
      %lt3A_1643 = vector.broadcast %lt3A_1642 : i32 to vector<16xi32>
      %lt3A_1644 = arith.cmpi slt, %xor3A_1641, %lt3A_1643 : vector<16xi32>
      %add3A_1645 = arith.constant 16 : i32
      %add3A_1646 = vector.broadcast %add3A_1645 : i32 to vector<16xi32>
      %add3A_1647 = arith.addi %xor3A_1641, %add3A_1646 : vector<16xi32>
      %select_n3A_1648 = arith.select %lt3A_1644, %add3A_1647, %xor3A_1641 : vector<16xi1>, vector<16xi32>
      %broadcast_in_dim3A_1649 = vector.shape_cast %select_n3A_1648 : vector<16xi32> to vector<16x1xi32>
      %gather3A_1650 = vector.shape_cast %broadcast_in_dim3A_1649 : vector<16x1xi32> to vector<16xi32>
      %gather3A_1651 = tpu.dynamic_gather %add3A_1638[%gather3A_1650] in [0] : vector<16xf32>, vector<16xi32> -> vector<16xf32>
      %add3A_1652 = arith.addf %add3A_1638, %gather3A_1651 : vector<16xf32>
      %eq3A_1653 = arith.constant 9 : i32
      %eq3A_1654 = vector.broadcast %eq3A_1653 : i32 to vector<16xi32>
      %eq3A_1655 = arith.cmpi eq, %iota3A, %eq3A_1654 : vector<16xi32>
      %select_n3A_1656 = arith.select %eq3A_1655, %add3A_1652, %select_n3A_1504 : vector<16xi1>, vector<16xf32>
      %add3A_1657 = arith.constant 10 : i32
      %add3A_1658 = arith.addi %mul3A_142, %add3A_1657 : i32
      %slice3A_1659 = vector.extract_strided_slice %get3A_144 {offsets = [10], sizes = [1], strides = [1]} : vector<16xi32> to vector<1xi32>
      %squeeze3A_1660 = vector.extract %slice3A_1659[0] : i32 from vector<1xi32>
      %get3A_1661 = arith.index_cast %add3A_1658 : i32 to index
      %get3A_1662 = arith.constant 0 : index
      %get3A_1663 = tpu.vector_load %arg6[%get3A_1661, %get3A_1662] {strides = array<i32>} : memref<512x128xf32, #tpu.memory_space<vmem>>, vector<1x16xf32>,
      %get3A_1664 = vector.shape_cast %get3A_1663 : vector<1x16xf32> to vector<16xf32>
      %get3A_1665 = arith.index_cast %squeeze3A_1660 : i32 to index
      %get3A_1666 = arith.constant 0 : index
      %get3A_1667 = tpu.vector_load %arg8[%get3A_1665, %get3A_1666] {strides = array<i32>} : memref<9x128xf32, #tpu.memory_space<vmem>>, vector<1x16xf32>,
      %get3A_1668 = vector.shape_cast %get3A_1667 : vector<1x16xf32> to vector<16xf32>
      %sub3A_1669 = arith.subf %get3A_1664, %get3A_1668 : vector<16xf32>
      %mul3A_1670 = arith.mulf %sub3A_1669, %sub3A_1669 : vector<16xf32>
      %add3A_1671 = arith.addf %broadcast_in_dim3A_9, %mul3A_1670 : vector<16xf32>
      %get3A_1672 = arith.index_cast %add3A_1658 : i32 to index
      %get3A_1673 = arith.constant 16 : index
      %get3A_1674 = tpu.vector_load %arg6[%get3A_1672, %get3A_1673] {strides = array<i32>} : memref<512x128xf32, #tpu.memory_space<vmem>>, vector<1x16xf32>,
      %get3A_1675 = vector.shape_cast %get3A_1674 : vector<1x16xf32> to vector<16xf32>
      %get3A_1676 = arith.index_cast %squeeze3A_1660 : i32 to index
      %get3A_1677 = arith.constant 16 : index
      %get3A_1678 = tpu.vector_load %arg8[%get3A_1676, %get3A_1677] {strides = array<i32>} : memref<9x128xf32, #tpu.memory_space<vmem>>, vector<1x16xf32>,
      %get3A_1679 = vector.shape_cast %get3A_1678 : vector<1x16xf32> to vector<16xf32>
      %sub3A_1680 = arith.subf %get3A_1675, %get3A_1679 : vector<16xf32>
      %mul3A_1681 = arith.mulf %sub3A_1680, %sub3A_1680 : vector<16xf32>
      %add3A_1682 = arith.addf %add3A_1671, %mul3A_1681 : vector<16xf32>
      %get3A_1683 = arith.index_cast %add3A_1658 : i32 to index
      %get3A_1684 = arith.constant 32 : index
      %get3A_1685 = tpu.vector_load %arg6[%get3A_1683, %get3A_1684] {strides = array<i32>} : memref<512x128xf32, #tpu.memory_space<vmem>>, vector<1x16xf32>,
      %get3A_1686 = vector.shape_cast %get3A_1685 : vector<1x16xf32> to vector<16xf32>
      %get3A_1687 = arith.index_cast %squeeze3A_1660 : i32 to index
      %get3A_1688 = arith.constant 32 : index
      %get3A_1689 = tpu.vector_load %arg8[%get3A_1687, %get3A_1688] {strides = array<i32>} : memref<9x128xf32, #tpu.memory_space<vmem>>, vector<1x16xf32>,
      %get3A_1690 = vector.shape_cast %get3A_1689 : vector<1x16xf32> to vector<16xf32>
      %sub3A_1691 = arith.subf %get3A_1686, %get3A_1690 : vector<16xf32>
      %mul3A_1692 = arith.mulf %sub3A_1691, %sub3A_1691 : vector<16xf32>
      %add3A_1693 = arith.addf %add3A_1682, %mul3A_1692 : vector<16xf32>
      %get3A_1694 = arith.index_cast %add3A_1658 : i32 to index
      %get3A_1695 = arith.constant 48 : index
      %get3A_1696 = tpu.vector_load %arg6[%get3A_1694, %get3A_1695] {strides = array<i32>} : memref<512x128xf32, #tpu.memory_space<vmem>>, vector<1x16xf32>,
      %get3A_1697 = vector.shape_cast %get3A_1696 : vector<1x16xf32> to vector<16xf32>
      %get3A_1698 = arith.index_cast %squeeze3A_1660 : i32 to index
      %get3A_1699 = arith.constant 48 : index
      %get3A_1700 = tpu.vector_load %arg8[%get3A_1698, %get3A_1699] {strides = array<i32>} : memref<9x128xf32, #tpu.memory_space<vmem>>, vector<1x16xf32>,
      %get3A_1701 = vector.shape_cast %get3A_1700 : vector<1x16xf32> to vector<16xf32>
      %sub3A_1702 = arith.subf %get3A_1697, %get3A_1701 : vector<16xf32>
      %mul3A_1703 = arith.mulf %sub3A_1702, %sub3A_1702 : vector<16xf32>
      %add3A_1704 = arith.addf %add3A_1693, %mul3A_1703 : vector<16xf32>
      %get3A_1705 = arith.index_cast %add3A_1658 : i32 to index
      %get3A_1706 = arith.constant 64 : index
      %get3A_1707 = tpu.vector_load %arg6[%get3A_1705, %get3A_1706] {strides = array<i32>} : memref<512x128xf32, #tpu.memory_space<vmem>>, vector<1x16xf32>,
      %get3A_1708 = vector.shape_cast %get3A_1707 : vector<1x16xf32> to vector<16xf32>
      %get3A_1709 = arith.index_cast %squeeze3A_1660 : i32 to index
      %get3A_1710 = arith.constant 64 : index
      %get3A_1711 = tpu.vector_load %arg8[%get3A_1709, %get3A_1710] {strides = array<i32>} : memref<9x128xf32, #tpu.memory_space<vmem>>, vector<1x16xf32>,
      %get3A_1712 = vector.shape_cast %get3A_1711 : vector<1x16xf32> to vector<16xf32>
      %sub3A_1713 = arith.subf %get3A_1708, %get3A_1712 : vector<16xf32>
      %mul3A_1714 = arith.mulf %sub3A_1713, %sub3A_1713 : vector<16xf32>
      %add3A_1715 = arith.addf %add3A_1704, %mul3A_1714 : vector<16xf32>
      %get3A_1716 = arith.index_cast %add3A_1658 : i32 to index
      %get3A_1717 = arith.constant 80 : index
      %get3A_1718 = tpu.vector_load %arg6[%get3A_1716, %get3A_1717] {strides = array<i32>} : memref<512x128xf32, #tpu.memory_space<vmem>>, vector<1x16xf32>,
      %get3A_1719 = vector.shape_cast %get3A_1718 : vector<1x16xf32> to vector<16xf32>
      %get3A_1720 = arith.index_cast %squeeze3A_1660 : i32 to index
      %get3A_1721 = arith.constant 80 : index
      %get3A_1722 = tpu.vector_load %arg8[%get3A_1720, %get3A_1721] {strides = array<i32>} : memref<9x128xf32, #tpu.memory_space<vmem>>, vector<1x16xf32>,
      %get3A_1723 = vector.shape_cast %get3A_1722 : vector<1x16xf32> to vector<16xf32>
      %sub3A_1724 = arith.subf %get3A_1719, %get3A_1723 : vector<16xf32>
      %mul3A_1725 = arith.mulf %sub3A_1724, %sub3A_1724 : vector<16xf32>
      %add3A_1726 = arith.addf %add3A_1715, %mul3A_1725 : vector<16xf32>
      %get3A_1727 = arith.index_cast %add3A_1658 : i32 to index
      %get3A_1728 = arith.constant 96 : index
      %get3A_1729 = tpu.vector_load %arg6[%get3A_1727, %get3A_1728] {strides = array<i32>} : memref<512x128xf32, #tpu.memory_space<vmem>>, vector<1x16xf32>,
      %get3A_1730 = vector.shape_cast %get3A_1729 : vector<1x16xf32> to vector<16xf32>
      %get3A_1731 = arith.index_cast %squeeze3A_1660 : i32 to index
      %get3A_1732 = arith.constant 96 : index
      %get3A_1733 = tpu.vector_load %arg8[%get3A_1731, %get3A_1732] {strides = array<i32>} : memref<9x128xf32, #tpu.memory_space<vmem>>, vector<1x16xf32>,
      %get3A_1734 = vector.shape_cast %get3A_1733 : vector<1x16xf32> to vector<16xf32>
      %sub3A_1735 = arith.subf %get3A_1730, %get3A_1734 : vector<16xf32>
      %mul3A_1736 = arith.mulf %sub3A_1735, %sub3A_1735 : vector<16xf32>
      %add3A_1737 = arith.addf %add3A_1726, %mul3A_1736 : vector<16xf32>
      %get3A_1738 = arith.index_cast %add3A_1658 : i32 to index
      %get3A_1739 = arith.constant 112 : index
      %get3A_1740 = tpu.vector_load %arg6[%get3A_1738, %get3A_1739] {strides = array<i32>} : memref<512x128xf32, #tpu.memory_space<vmem>>, vector<1x16xf32>,
      %get3A_1741 = vector.shape_cast %get3A_1740 : vector<1x16xf32> to vector<16xf32>
      %get3A_1742 = arith.index_cast %squeeze3A_1660 : i32 to index
      %get3A_1743 = arith.constant 112 : index
      %get3A_1744 = tpu.vector_load %arg8[%get3A_1742, %get3A_1743] {strides = array<i32>} : memref<9x128xf32, #tpu.memory_space<vmem>>, vector<1x16xf32>,
      %get3A_1745 = vector.shape_cast %get3A_1744 : vector<1x16xf32> to vector<16xf32>
      %sub3A_1746 = arith.subf %get3A_1741, %get3A_1745 : vector<16xf32>
      %mul3A_1747 = arith.mulf %sub3A_1746, %sub3A_1746 : vector<16xf32>
      %add3A_1748 = arith.addf %add3A_1737, %mul3A_1747 : vector<16xf32>
      %xor3A_1749 = arith.constant 8 : i32
      %xor3A_1750 = vector.broadcast %xor3A_1749 : i32 to vector<16xi32>
      %xor3A_1751 = arith.xori %iota3A, %xor3A_1750 : vector<16xi32>
      %lt3A_1752 = arith.constant 0 : i32
      %lt3A_1753 = vector.broadcast %lt3A_1752 : i32 to vector<16xi32>
      %lt3A_1754 = arith.cmpi slt, %xor3A_1751, %lt3A_1753 : vector<16xi32>
      %add3A_1755 = arith.constant 16 : i32
      %add3A_1756 = vector.broadcast %add3A_1755 : i32 to vector<16xi32>
      %add3A_1757 = arith.addi %xor3A_1751, %add3A_1756 : vector<16xi32>
      %select_n3A_1758 = arith.select %lt3A_1754, %add3A_1757, %xor3A_1751 : vector<16xi1>, vector<16xi32>
      %broadcast_in_dim3A_1759 = vector.shape_cast %select_n3A_1758 : vector<16xi32> to vector<16x1xi32>
      %gather3A_1760 = vector.shape_cast %broadcast_in_dim3A_1759 : vector<16x1xi32> to vector<16xi32>
      %gather3A_1761 = tpu.dynamic_gather %add3A_1748[%gather3A_1760] in [0] : vector<16xf32>, vector<16xi32> -> vector<16xf32>
      %add3A_1762 = arith.addf %add3A_1748, %gather3A_1761 : vector<16xf32>
      %xor3A_1763 = arith.constant 4 : i32
      %xor3A_1764 = vector.broadcast %xor3A_1763 : i32 to vector<16xi32>
      %xor3A_1765 = arith.xori %iota3A, %xor3A_1764 : vector<16xi32>
      %lt3A_1766 = arith.constant 0 : i32
      %lt3A_1767 = vector.broadcast %lt3A_1766 : i32 to vector<16xi32>
      %lt3A_1768 = arith.cmpi slt, %xor3A_1765, %lt3A_1767 : vector<16xi32>
      %add3A_1769 = arith.constant 16 : i32
      %add3A_1770 = vector.broadcast %add3A_1769 : i32 to vector<16xi32>
      %add3A_1771 = arith.addi %xor3A_1765, %add3A_1770 : vector<16xi32>
      %select_n3A_1772 = arith.select %lt3A_1768, %add3A_1771, %xor3A_1765 : vector<16xi1>, vector<16xi32>
      %broadcast_in_dim3A_1773 = vector.shape_cast %select_n3A_1772 : vector<16xi32> to vector<16x1xi32>
      %gather3A_1774 = vector.shape_cast %broadcast_in_dim3A_1773 : vector<16x1xi32> to vector<16xi32>
      %gather3A_1775 = tpu.dynamic_gather %add3A_1762[%gather3A_1774] in [0] : vector<16xf32>, vector<16xi32> -> vector<16xf32>
      %add3A_1776 = arith.addf %add3A_1762, %gather3A_1775 : vector<16xf32>
      %xor3A_1777 = arith.constant 2 : i32
      %xor3A_1778 = vector.broadcast %xor3A_1777 : i32 to vector<16xi32>
      %xor3A_1779 = arith.xori %iota3A, %xor3A_1778 : vector<16xi32>
      %lt3A_1780 = arith.constant 0 : i32
      %lt3A_1781 = vector.broadcast %lt3A_1780 : i32 to vector<16xi32>
      %lt3A_1782 = arith.cmpi slt, %xor3A_1779, %lt3A_1781 : vector<16xi32>
      %add3A_1783 = arith.constant 16 : i32
      %add3A_1784 = vector.broadcast %add3A_1783 : i32 to vector<16xi32>
      %add3A_1785 = arith.addi %xor3A_1779, %add3A_1784 : vector<16xi32>
      %select_n3A_1786 = arith.select %lt3A_1782, %add3A_1785, %xor3A_1779 : vector<16xi1>, vector<16xi32>
      %broadcast_in_dim3A_1787 = vector.shape_cast %select_n3A_1786 : vector<16xi32> to vector<16x1xi32>
      %gather3A_1788 = vector.shape_cast %broadcast_in_dim3A_1787 : vector<16x1xi32> to vector<16xi32>
      %gather3A_1789 = tpu.dynamic_gather %add3A_1776[%gather3A_1788] in [0] : vector<16xf32>, vector<16xi32> -> vector<16xf32>
      %add3A_1790 = arith.addf %add3A_1776, %gather3A_1789 : vector<16xf32>
      %xor3A_1791 = arith.constant 1 : i32
      %xor3A_1792 = vector.broadcast %xor3A_1791 : i32 to vector<16xi32>
      %xor3A_1793 = arith.xori %iota3A, %xor3A_1792 : vector<16xi32>
      %lt3A_1794 = arith.constant 0 : i32
      %lt3A_1795 = vector.broadcast %lt3A_1794 : i32 to vector<16xi32>
      %lt3A_1796 = arith.cmpi slt, %xor3A_1793, %lt3A_1795 : vector<16xi32>
      %add3A_1797 = arith.constant 16 : i32
      %add3A_1798 = vector.broadcast %add3A_1797 : i32 to vector<16xi32>
      %add3A_1799 = arith.addi %xor3A_1793, %add3A_1798 : vector<16xi32>
      %select_n3A_1800 = arith.select %lt3A_1796, %add3A_1799, %xor3A_1793 : vector<16xi1>, vector<16xi32>
      %broadcast_in_dim3A_1801 = vector.shape_cast %select_n3A_1800 : vector<16xi32> to vector<16x1xi32>
      %gather3A_1802 = vector.shape_cast %broadcast_in_dim3A_1801 : vector<16x1xi32> to vector<16xi32>
      %gather3A_1803 = tpu.dynamic_gather %add3A_1790[%gather3A_1802] in [0] : vector<16xf32>, vector<16xi32> -> vector<16xf32>
      %add3A_1804 = arith.addf %add3A_1790, %gather3A_1803 : vector<16xf32>
      %eq3A_1805 = arith.constant 10 : i32
      %eq3A_1806 = vector.broadcast %eq3A_1805 : i32 to vector<16xi32>
      %eq3A_1807 = arith.cmpi eq, %iota3A, %eq3A_1806 : vector<16xi32>
      %select_n3A_1808 = arith.select %eq3A_1807, %add3A_1804, %select_n3A_1656 : vector<16xi1>, vector<16xf32>
      %add3A_1809 = arith.constant 11 : i32
      %add3A_1810 = arith.addi %mul3A_142, %add3A_1809 : i32
      %slice3A_1811 = vector.extract_strided_slice %get3A_144 {offsets = [11], sizes = [1], strides = [1]} : vector<16xi32> to vector<1xi32>
      %squeeze3A_1812 = vector.extract %slice3A_1811[0] : i32 from vector<1xi32>
      %get3A_1813 = arith.index_cast %add3A_1810 : i32 to index
      %get3A_1814 = arith.constant 0 : index
      %get3A_1815 = tpu.vector_load %arg6[%get3A_1813, %get3A_1814] {strides = array<i32>} : memref<512x128xf32, #tpu.memory_space<vmem>>, vector<1x16xf32>,
      %get3A_1816 = vector.shape_cast %get3A_1815 : vector<1x16xf32> to vector<16xf32>
      %get3A_1817 = arith.index_cast %squeeze3A_1812 : i32 to index
      %get3A_1818 = arith.constant 0 : index
      %get3A_1819 = tpu.vector_load %arg8[%get3A_1817, %get3A_1818] {strides = array<i32>} : memref<9x128xf32, #tpu.memory_space<vmem>>, vector<1x16xf32>,
      %get3A_1820 = vector.shape_cast %get3A_1819 : vector<1x16xf32> to vector<16xf32>
      %sub3A_1821 = arith.subf %get3A_1816, %get3A_1820 : vector<16xf32>
      %mul3A_1822 = arith.mulf %sub3A_1821, %sub3A_1821 : vector<16xf32>
      %add3A_1823 = arith.addf %broadcast_in_dim3A_9, %mul3A_1822 : vector<16xf32>
      %get3A_1824 = arith.index_cast %add3A_1810 : i32 to index
      %get3A_1825 = arith.constant 16 : index
      %get3A_1826 = tpu.vector_load %arg6[%get3A_1824, %get3A_1825] {strides = array<i32>} : memref<512x128xf32, #tpu.memory_space<vmem>>, vector<1x16xf32>,
      %get3A_1827 = vector.shape_cast %get3A_1826 : vector<1x16xf32> to vector<16xf32>
      %get3A_1828 = arith.index_cast %squeeze3A_1812 : i32 to index
      %get3A_1829 = arith.constant 16 : index
      %get3A_1830 = tpu.vector_load %arg8[%get3A_1828, %get3A_1829] {strides = array<i32>} : memref<9x128xf32, #tpu.memory_space<vmem>>, vector<1x16xf32>,
      %get3A_1831 = vector.shape_cast %get3A_1830 : vector<1x16xf32> to vector<16xf32>
      %sub3A_1832 = arith.subf %get3A_1827, %get3A_1831 : vector<16xf32>
      %mul3A_1833 = arith.mulf %sub3A_1832, %sub3A_1832 : vector<16xf32>
      %add3A_1834 = arith.addf %add3A_1823, %mul3A_1833 : vector<16xf32>
      %get3A_1835 = arith.index_cast %add3A_1810 : i32 to index
      %get3A_1836 = arith.constant 32 : index
      %get3A_1837 = tpu.vector_load %arg6[%get3A_1835, %get3A_1836] {strides = array<i32>} : memref<512x128xf32, #tpu.memory_space<vmem>>, vector<1x16xf32>,
      %get3A_1838 = vector.shape_cast %get3A_1837 : vector<1x16xf32> to vector<16xf32>
      %get3A_1839 = arith.index_cast %squeeze3A_1812 : i32 to index
      %get3A_1840 = arith.constant 32 : index
      %get3A_1841 = tpu.vector_load %arg8[%get3A_1839, %get3A_1840] {strides = array<i32>} : memref<9x128xf32, #tpu.memory_space<vmem>>, vector<1x16xf32>,
      %get3A_1842 = vector.shape_cast %get3A_1841 : vector<1x16xf32> to vector<16xf32>
      %sub3A_1843 = arith.subf %get3A_1838, %get3A_1842 : vector<16xf32>
      %mul3A_1844 = arith.mulf %sub3A_1843, %sub3A_1843 : vector<16xf32>
      %add3A_1845 = arith.addf %add3A_1834, %mul3A_1844 : vector<16xf32>
      %get3A_1846 = arith.index_cast %add3A_1810 : i32 to index
      %get3A_1847 = arith.constant 48 : index
      %get3A_1848 = tpu.vector_load %arg6[%get3A_1846, %get3A_1847] {strides = array<i32>} : memref<512x128xf32, #tpu.memory_space<vmem>>, vector<1x16xf32>,
      %get3A_1849 = vector.shape_cast %get3A_1848 : vector<1x16xf32> to vector<16xf32>
      %get3A_1850 = arith.index_cast %squeeze3A_1812 : i32 to index
      %get3A_1851 = arith.constant 48 : index
      %get3A_1852 = tpu.vector_load %arg8[%get3A_1850, %get3A_1851] {strides = array<i32>} : memref<9x128xf32, #tpu.memory_space<vmem>>, vector<1x16xf32>,
      %get3A_1853 = vector.shape_cast %get3A_1852 : vector<1x16xf32> to vector<16xf32>
      %sub3A_1854 = arith.subf %get3A_1849, %get3A_1853 : vector<16xf32>
      %mul3A_1855 = arith.mulf %sub3A_1854, %sub3A_1854 : vector<16xf32>
      %add3A_1856 = arith.addf %add3A_1845, %mul3A_1855 : vector<16xf32>
      %get3A_1857 = arith.index_cast %add3A_1810 : i32 to index
      %get3A_1858 = arith.constant 64 : index
      %get3A_1859 = tpu.vector_load %arg6[%get3A_1857, %get3A_1858] {strides = array<i32>} : memref<512x128xf32, #tpu.memory_space<vmem>>, vector<1x16xf32>,
      %get3A_1860 = vector.shape_cast %get3A_1859 : vector<1x16xf32> to vector<16xf32>
      %get3A_1861 = arith.index_cast %squeeze3A_1812 : i32 to index
      %get3A_1862 = arith.constant 64 : index
      %get3A_1863 = tpu.vector_load %arg8[%get3A_1861, %get3A_1862] {strides = array<i32>} : memref<9x128xf32, #tpu.memory_space<vmem>>, vector<1x16xf32>,
      %get3A_1864 = vector.shape_cast %get3A_1863 : vector<1x16xf32> to vector<16xf32>
      %sub3A_1865 = arith.subf %get3A_1860, %get3A_1864 : vector<16xf32>
      %mul3A_1866 = arith.mulf %sub3A_1865, %sub3A_1865 : vector<16xf32>
      %add3A_1867 = arith.addf %add3A_1856, %mul3A_1866 : vector<16xf32>
      %get3A_1868 = arith.index_cast %add3A_1810 : i32 to index
      %get3A_1869 = arith.constant 80 : index
      %get3A_1870 = tpu.vector_load %arg6[%get3A_1868, %get3A_1869] {strides = array<i32>} : memref<512x128xf32, #tpu.memory_space<vmem>>, vector<1x16xf32>,
      %get3A_1871 = vector.shape_cast %get3A_1870 : vector<1x16xf32> to vector<16xf32>
      %get3A_1872 = arith.index_cast %squeeze3A_1812 : i32 to index
      %get3A_1873 = arith.constant 80 : index
      %get3A_1874 = tpu.vector_load %arg8[%get3A_1872, %get3A_1873] {strides = array<i32>} : memref<9x128xf32, #tpu.memory_space<vmem>>, vector<1x16xf32>,
      %get3A_1875 = vector.shape_cast %get3A_1874 : vector<1x16xf32> to vector<16xf32>
      %sub3A_1876 = arith.subf %get3A_1871, %get3A_1875 : vector<16xf32>
      %mul3A_1877 = arith.mulf %sub3A_1876, %sub3A_1876 : vector<16xf32>
      %add3A_1878 = arith.addf %add3A_1867, %mul3A_1877 : vector<16xf32>
      %get3A_1879 = arith.index_cast %add3A_1810 : i32 to index
      %get3A_1880 = arith.constant 96 : index
      %get3A_1881 = tpu.vector_load %arg6[%get3A_1879, %get3A_1880] {strides = array<i32>} : memref<512x128xf32, #tpu.memory_space<vmem>>, vector<1x16xf32>,
      %get3A_1882 = vector.shape_cast %get3A_1881 : vector<1x16xf32> to vector<16xf32>
      %get3A_1883 = arith.index_cast %squeeze3A_1812 : i32 to index
      %get3A_1884 = arith.constant 96 : index
      %get3A_1885 = tpu.vector_load %arg8[%get3A_1883, %get3A_1884] {strides = array<i32>} : memref<9x128xf32, #tpu.memory_space<vmem>>, vector<1x16xf32>,
      %get3A_1886 = vector.shape_cast %get3A_1885 : vector<1x16xf32> to vector<16xf32>
      %sub3A_1887 = arith.subf %get3A_1882, %get3A_1886 : vector<16xf32>
      %mul3A_1888 = arith.mulf %sub3A_1887, %sub3A_1887 : vector<16xf32>
      %add3A_1889 = arith.addf %add3A_1878, %mul3A_1888 : vector<16xf32>
      %get3A_1890 = arith.index_cast %add3A_1810 : i32 to index
      %get3A_1891 = arith.constant 112 : index
      %get3A_1892 = tpu.vector_load %arg6[%get3A_1890, %get3A_1891] {strides = array<i32>} : memref<512x128xf32, #tpu.memory_space<vmem>>, vector<1x16xf32>,
      %get3A_1893 = vector.shape_cast %get3A_1892 : vector<1x16xf32> to vector<16xf32>
      %get3A_1894 = arith.index_cast %squeeze3A_1812 : i32 to index
      %get3A_1895 = arith.constant 112 : index
      %get3A_1896 = tpu.vector_load %arg8[%get3A_1894, %get3A_1895] {strides = array<i32>} : memref<9x128xf32, #tpu.memory_space<vmem>>, vector<1x16xf32>,
      %get3A_1897 = vector.shape_cast %get3A_1896 : vector<1x16xf32> to vector<16xf32>
      %sub3A_1898 = arith.subf %get3A_1893, %get3A_1897 : vector<16xf32>
      %mul3A_1899 = arith.mulf %sub3A_1898, %sub3A_1898 : vector<16xf32>
      %add3A_1900 = arith.addf %add3A_1889, %mul3A_1899 : vector<16xf32>
      %xor3A_1901 = arith.constant 8 : i32
      %xor3A_1902 = vector.broadcast %xor3A_1901 : i32 to vector<16xi32>
      %xor3A_1903 = arith.xori %iota3A, %xor3A_1902 : vector<16xi32>
      %lt3A_1904 = arith.constant 0 : i32
      %lt3A_1905 = vector.broadcast %lt3A_1904 : i32 to vector<16xi32>
      %lt3A_1906 = arith.cmpi slt, %xor3A_1903, %lt3A_1905 : vector<16xi32>
      %add3A_1907 = arith.constant 16 : i32
      %add3A_1908 = vector.broadcast %add3A_1907 : i32 to vector<16xi32>
      %add3A_1909 = arith.addi %xor3A_1903, %add3A_1908 : vector<16xi32>
      %select_n3A_1910 = arith.select %lt3A_1906, %add3A_1909, %xor3A_1903 : vector<16xi1>, vector<16xi32>
      %broadcast_in_dim3A_1911 = vector.shape_cast %select_n3A_1910 : vector<16xi32> to vector<16x1xi32>
      %gather3A_1912 = vector.shape_cast %broadcast_in_dim3A_1911 : vector<16x1xi32> to vector<16xi32>
      %gather3A_1913 = tpu.dynamic_gather %add3A_1900[%gather3A_1912] in [0] : vector<16xf32>, vector<16xi32> -> vector<16xf32>
      %add3A_1914 = arith.addf %add3A_1900, %gather3A_1913 : vector<16xf32>
      %xor3A_1915 = arith.constant 4 : i32
      %xor3A_1916 = vector.broadcast %xor3A_1915 : i32 to vector<16xi32>
      %xor3A_1917 = arith.xori %iota3A, %xor3A_1916 : vector<16xi32>
      %lt3A_1918 = arith.constant 0 : i32
      %lt3A_1919 = vector.broadcast %lt3A_1918 : i32 to vector<16xi32>
      %lt3A_1920 = arith.cmpi slt, %xor3A_1917, %lt3A_1919 : vector<16xi32>
      %add3A_1921 = arith.constant 16 : i32
      %add3A_1922 = vector.broadcast %add3A_1921 : i32 to vector<16xi32>
      %add3A_1923 = arith.addi %xor3A_1917, %add3A_1922 : vector<16xi32>
      %select_n3A_1924 = arith.select %lt3A_1920, %add3A_1923, %xor3A_1917 : vector<16xi1>, vector<16xi32>
      %broadcast_in_dim3A_1925 = vector.shape_cast %select_n3A_1924 : vector<16xi32> to vector<16x1xi32>
      %gather3A_1926 = vector.shape_cast %broadcast_in_dim3A_1925 : vector<16x1xi32> to vector<16xi32>
      %gather3A_1927 = tpu.dynamic_gather %add3A_1914[%gather3A_1926] in [0] : vector<16xf32>, vector<16xi32> -> vector<16xf32>
      %add3A_1928 = arith.addf %add3A_1914, %gather3A_1927 : vector<16xf32>
      %xor3A_1929 = arith.constant 2 : i32
      %xor3A_1930 = vector.broadcast %xor3A_1929 : i32 to vector<16xi32>
      %xor3A_1931 = arith.xori %iota3A, %xor3A_1930 : vector<16xi32>
      %lt3A_1932 = arith.constant 0 : i32
      %lt3A_1933 = vector.broadcast %lt3A_1932 : i32 to vector<16xi32>
      %lt3A_1934 = arith.cmpi slt, %xor3A_1931, %lt3A_1933 : vector<16xi32>
      %add3A_1935 = arith.constant 16 : i32
      %add3A_1936 = vector.broadcast %add3A_1935 : i32 to vector<16xi32>
      %add3A_1937 = arith.addi %xor3A_1931, %add3A_1936 : vector<16xi32>
      %select_n3A_1938 = arith.select %lt3A_1934, %add3A_1937, %xor3A_1931 : vector<16xi1>, vector<16xi32>
      %broadcast_in_dim3A_1939 = vector.shape_cast %select_n3A_1938 : vector<16xi32> to vector<16x1xi32>
      %gather3A_1940 = vector.shape_cast %broadcast_in_dim3A_1939 : vector<16x1xi32> to vector<16xi32>
      %gather3A_1941 = tpu.dynamic_gather %add3A_1928[%gather3A_1940] in [0] : vector<16xf32>, vector<16xi32> -> vector<16xf32>
      %add3A_1942 = arith.addf %add3A_1928, %gather3A_1941 : vector<16xf32>
      %xor3A_1943 = arith.constant 1 : i32
      %xor3A_1944 = vector.broadcast %xor3A_1943 : i32 to vector<16xi32>
      %xor3A_1945 = arith.xori %iota3A, %xor3A_1944 : vector<16xi32>
      %lt3A_1946 = arith.constant 0 : i32
      %lt3A_1947 = vector.broadcast %lt3A_1946 : i32 to vector<16xi32>
      %lt3A_1948 = arith.cmpi slt, %xor3A_1945, %lt3A_1947 : vector<16xi32>
      %add3A_1949 = arith.constant 16 : i32
      %add3A_1950 = vector.broadcast %add3A_1949 : i32 to vector<16xi32>
      %add3A_1951 = arith.addi %xor3A_1945, %add3A_1950 : vector<16xi32>
      %select_n3A_1952 = arith.select %lt3A_1948, %add3A_1951, %xor3A_1945 : vector<16xi1>, vector<16xi32>
      %broadcast_in_dim3A_1953 = vector.shape_cast %select_n3A_1952 : vector<16xi32> to vector<16x1xi32>
      %gather3A_1954 = vector.shape_cast %broadcast_in_dim3A_1953 : vector<16x1xi32> to vector<16xi32>
      %gather3A_1955 = tpu.dynamic_gather %add3A_1942[%gather3A_1954] in [0] : vector<16xf32>, vector<16xi32> -> vector<16xf32>
      %add3A_1956 = arith.addf %add3A_1942, %gather3A_1955 : vector<16xf32>
      %eq3A_1957 = arith.constant 11 : i32
      %eq3A_1958 = vector.broadcast %eq3A_1957 : i32 to vector<16xi32>
      %eq3A_1959 = arith.cmpi eq, %iota3A, %eq3A_1958 : vector<16xi32>
      %select_n3A_1960 = arith.select %eq3A_1959, %add3A_1956, %select_n3A_1808 : vector<16xi1>, vector<16xf32>
      %add3A_1961 = arith.constant 12 : i32
      %add3A_1962 = arith.addi %mul3A_142, %add3A_1961 : i32
      %slice3A_1963 = vector.extract_strided_slice %get3A_144 {offsets = [12], sizes = [1], strides = [1]} : vector<16xi32> to vector<1xi32>
      %squeeze3A_1964 = vector.extract %slice3A_1963[0] : i32 from vector<1xi32>
      %get3A_1965 = arith.index_cast %add3A_1962 : i32 to index
      %get3A_1966 = arith.constant 0 : index
      %get3A_1967 = tpu.vector_load %arg6[%get3A_1965, %get3A_1966] {strides = array<i32>} : memref<512x128xf32, #tpu.memory_space<vmem>>, vector<1x16xf32>,
      %get3A_1968 = vector.shape_cast %get3A_1967 : vector<1x16xf32> to vector<16xf32>
      %get3A_1969 = arith.index_cast %squeeze3A_1964 : i32 to index
      %get3A_1970 = arith.constant 0 : index
      %get3A_1971 = tpu.vector_load %arg8[%get3A_1969, %get3A_1970] {strides = array<i32>} : memref<9x128xf32, #tpu.memory_space<vmem>>, vector<1x16xf32>,
      %get3A_1972 = vector.shape_cast %get3A_1971 : vector<1x16xf32> to vector<16xf32>
      %sub3A_1973 = arith.subf %get3A_1968, %get3A_1972 : vector<16xf32>
      %mul3A_1974 = arith.mulf %sub3A_1973, %sub3A_1973 : vector<16xf32>
      %add3A_1975 = arith.addf %broadcast_in_dim3A_9, %mul3A_1974 : vector<16xf32>
      %get3A_1976 = arith.index_cast %add3A_1962 : i32 to index
      %get3A_1977 = arith.constant 16 : index
      %get3A_1978 = tpu.vector_load %arg6[%get3A_1976, %get3A_1977] {strides = array<i32>} : memref<512x128xf32, #tpu.memory_space<vmem>>, vector<1x16xf32>,
      %get3A_1979 = vector.shape_cast %get3A_1978 : vector<1x16xf32> to vector<16xf32>
      %get3A_1980 = arith.index_cast %squeeze3A_1964 : i32 to index
      %get3A_1981 = arith.constant 16 : index
      %get3A_1982 = tpu.vector_load %arg8[%get3A_1980, %get3A_1981] {strides = array<i32>} : memref<9x128xf32, #tpu.memory_space<vmem>>, vector<1x16xf32>,
      %get3A_1983 = vector.shape_cast %get3A_1982 : vector<1x16xf32> to vector<16xf32>
      %sub3A_1984 = arith.subf %get3A_1979, %get3A_1983 : vector<16xf32>
      %mul3A_1985 = arith.mulf %sub3A_1984, %sub3A_1984 : vector<16xf32>
      %add3A_1986 = arith.addf %add3A_1975, %mul3A_1985 : vector<16xf32>
      %get3A_1987 = arith.index_cast %add3A_1962 : i32 to index
      %get3A_1988 = arith.constant 32 : index
      %get3A_1989 = tpu.vector_load %arg6[%get3A_1987, %get3A_1988] {strides = array<i32>} : memref<512x128xf32, #tpu.memory_space<vmem>>, vector<1x16xf32>,
      %get3A_1990 = vector.shape_cast %get3A_1989 : vector<1x16xf32> to vector<16xf32>
      %get3A_1991 = arith.index_cast %squeeze3A_1964 : i32 to index
      %get3A_1992 = arith.constant 32 : index
      %get3A_1993 = tpu.vector_load %arg8[%get3A_1991, %get3A_1992] {strides = array<i32>} : memref<9x128xf32, #tpu.memory_space<vmem>>, vector<1x16xf32>,
      %get3A_1994 = vector.shape_cast %get3A_1993 : vector<1x16xf32> to vector<16xf32>
      %sub3A_1995 = arith.subf %get3A_1990, %get3A_1994 : vector<16xf32>
      %mul3A_1996 = arith.mulf %sub3A_1995, %sub3A_1995 : vector<16xf32>
      %add3A_1997 = arith.addf %add3A_1986, %mul3A_1996 : vector<16xf32>
      %get3A_1998 = arith.index_cast %add3A_1962 : i32 to index
      %get3A_1999 = arith.constant 48 : index
      %get3A_2000 = tpu.vector_load %arg6[%get3A_1998, %get3A_1999] {strides = array<i32>} : memref<512x128xf32, #tpu.memory_space<vmem>>, vector<1x16xf32>,
      %get3A_2001 = vector.shape_cast %get3A_2000 : vector<1x16xf32> to vector<16xf32>
      %get3A_2002 = arith.index_cast %squeeze3A_1964 : i32 to index
      %get3A_2003 = arith.constant 48 : index
      %get3A_2004 = tpu.vector_load %arg8[%get3A_2002, %get3A_2003] {strides = array<i32>} : memref<9x128xf32, #tpu.memory_space<vmem>>, vector<1x16xf32>,
      %get3A_2005 = vector.shape_cast %get3A_2004 : vector<1x16xf32> to vector<16xf32>
      %sub3A_2006 = arith.subf %get3A_2001, %get3A_2005 : vector<16xf32>
      %mul3A_2007 = arith.mulf %sub3A_2006, %sub3A_2006 : vector<16xf32>
      %add3A_2008 = arith.addf %add3A_1997, %mul3A_2007 : vector<16xf32>
      %get3A_2009 = arith.index_cast %add3A_1962 : i32 to index
      %get3A_2010 = arith.constant 64 : index
      %get3A_2011 = tpu.vector_load %arg6[%get3A_2009, %get3A_2010] {strides = array<i32>} : memref<512x128xf32, #tpu.memory_space<vmem>>, vector<1x16xf32>,
      %get3A_2012 = vector.shape_cast %get3A_2011 : vector<1x16xf32> to vector<16xf32>
      %get3A_2013 = arith.index_cast %squeeze3A_1964 : i32 to index
      %get3A_2014 = arith.constant 64 : index
      %get3A_2015 = tpu.vector_load %arg8[%get3A_2013, %get3A_2014] {strides = array<i32>} : memref<9x128xf32, #tpu.memory_space<vmem>>, vector<1x16xf32>,
      %get3A_2016 = vector.shape_cast %get3A_2015 : vector<1x16xf32> to vector<16xf32>
      %sub3A_2017 = arith.subf %get3A_2012, %get3A_2016 : vector<16xf32>
      %mul3A_2018 = arith.mulf %sub3A_2017, %sub3A_2017 : vector<16xf32>
      %add3A_2019 = arith.addf %add3A_2008, %mul3A_2018 : vector<16xf32>
      %get3A_2020 = arith.index_cast %add3A_1962 : i32 to index
      %get3A_2021 = arith.constant 80 : index
      %get3A_2022 = tpu.vector_load %arg6[%get3A_2020, %get3A_2021] {strides = array<i32>} : memref<512x128xf32, #tpu.memory_space<vmem>>, vector<1x16xf32>,
      %get3A_2023 = vector.shape_cast %get3A_2022 : vector<1x16xf32> to vector<16xf32>
      %get3A_2024 = arith.index_cast %squeeze3A_1964 : i32 to index
      %get3A_2025 = arith.constant 80 : index
      %get3A_2026 = tpu.vector_load %arg8[%get3A_2024, %get3A_2025] {strides = array<i32>} : memref<9x128xf32, #tpu.memory_space<vmem>>, vector<1x16xf32>,
      %get3A_2027 = vector.shape_cast %get3A_2026 : vector<1x16xf32> to vector<16xf32>
      %sub3A_2028 = arith.subf %get3A_2023, %get3A_2027 : vector<16xf32>
      %mul3A_2029 = arith.mulf %sub3A_2028, %sub3A_2028 : vector<16xf32>
      %add3A_2030 = arith.addf %add3A_2019, %mul3A_2029 : vector<16xf32>
      %get3A_2031 = arith.index_cast %add3A_1962 : i32 to index
      %get3A_2032 = arith.constant 96 : index
      %get3A_2033 = tpu.vector_load %arg6[%get3A_2031, %get3A_2032] {strides = array<i32>} : memref<512x128xf32, #tpu.memory_space<vmem>>, vector<1x16xf32>,
      %get3A_2034 = vector.shape_cast %get3A_2033 : vector<1x16xf32> to vector<16xf32>
      %get3A_2035 = arith.index_cast %squeeze3A_1964 : i32 to index
      %get3A_2036 = arith.constant 96 : index
      %get3A_2037 = tpu.vector_load %arg8[%get3A_2035, %get3A_2036] {strides = array<i32>} : memref<9x128xf32, #tpu.memory_space<vmem>>, vector<1x16xf32>,
      %get3A_2038 = vector.shape_cast %get3A_2037 : vector<1x16xf32> to vector<16xf32>
      %sub3A_2039 = arith.subf %get3A_2034, %get3A_2038 : vector<16xf32>
      %mul3A_2040 = arith.mulf %sub3A_2039, %sub3A_2039 : vector<16xf32>
      %add3A_2041 = arith.addf %add3A_2030, %mul3A_2040 : vector<16xf32>
      %get3A_2042 = arith.index_cast %add3A_1962 : i32 to index
      %get3A_2043 = arith.constant 112 : index
      %get3A_2044 = tpu.vector_load %arg6[%get3A_2042, %get3A_2043] {strides = array<i32>} : memref<512x128xf32, #tpu.memory_space<vmem>>, vector<1x16xf32>,
      %get3A_2045 = vector.shape_cast %get3A_2044 : vector<1x16xf32> to vector<16xf32>
      %get3A_2046 = arith.index_cast %squeeze3A_1964 : i32 to index
      %get3A_2047 = arith.constant 112 : index
      %get3A_2048 = tpu.vector_load %arg8[%get3A_2046, %get3A_2047] {strides = array<i32>} : memref<9x128xf32, #tpu.memory_space<vmem>>, vector<1x16xf32>,
      %get3A_2049 = vector.shape_cast %get3A_2048 : vector<1x16xf32> to vector<16xf32>
      %sub3A_2050 = arith.subf %get3A_2045, %get3A_2049 : vector<16xf32>
      %mul3A_2051 = arith.mulf %sub3A_2050, %sub3A_2050 : vector<16xf32>
      %add3A_2052 = arith.addf %add3A_2041, %mul3A_2051 : vector<16xf32>
      %xor3A_2053 = arith.constant 8 : i32
      %xor3A_2054 = vector.broadcast %xor3A_2053 : i32 to vector<16xi32>
      %xor3A_2055 = arith.xori %iota3A, %xor3A_2054 : vector<16xi32>
      %lt3A_2056 = arith.constant 0 : i32
      %lt3A_2057 = vector.broadcast %lt3A_2056 : i32 to vector<16xi32>
      %lt3A_2058 = arith.cmpi slt, %xor3A_2055, %lt3A_2057 : vector<16xi32>
      %add3A_2059 = arith.constant 16 : i32
      %add3A_2060 = vector.broadcast %add3A_2059 : i32 to vector<16xi32>
      %add3A_2061 = arith.addi %xor3A_2055, %add3A_2060 : vector<16xi32>
      %select_n3A_2062 = arith.select %lt3A_2058, %add3A_2061, %xor3A_2055 : vector<16xi1>, vector<16xi32>
      %broadcast_in_dim3A_2063 = vector.shape_cast %select_n3A_2062 : vector<16xi32> to vector<16x1xi32>
      %gather3A_2064 = vector.shape_cast %broadcast_in_dim3A_2063 : vector<16x1xi32> to vector<16xi32>
      %gather3A_2065 = tpu.dynamic_gather %add3A_2052[%gather3A_2064] in [0] : vector<16xf32>, vector<16xi32> -> vector<16xf32>
      %add3A_2066 = arith.addf %add3A_2052, %gather3A_2065 : vector<16xf32>
      %xor3A_2067 = arith.constant 4 : i32
      %xor3A_2068 = vector.broadcast %xor3A_2067 : i32 to vector<16xi32>
      %xor3A_2069 = arith.xori %iota3A, %xor3A_2068 : vector<16xi32>
      %lt3A_2070 = arith.constant 0 : i32
      %lt3A_2071 = vector.broadcast %lt3A_2070 : i32 to vector<16xi32>
      %lt3A_2072 = arith.cmpi slt, %xor3A_2069, %lt3A_2071 : vector<16xi32>
      %add3A_2073 = arith.constant 16 : i32
      %add3A_2074 = vector.broadcast %add3A_2073 : i32 to vector<16xi32>
      %add3A_2075 = arith.addi %xor3A_2069, %add3A_2074 : vector<16xi32>
      %select_n3A_2076 = arith.select %lt3A_2072, %add3A_2075, %xor3A_2069 : vector<16xi1>, vector<16xi32>
      %broadcast_in_dim3A_2077 = vector.shape_cast %select_n3A_2076 : vector<16xi32> to vector<16x1xi32>
      %gather3A_2078 = vector.shape_cast %broadcast_in_dim3A_2077 : vector<16x1xi32> to vector<16xi32>
      %gather3A_2079 = tpu.dynamic_gather %add3A_2066[%gather3A_2078] in [0] : vector<16xf32>, vector<16xi32> -> vector<16xf32>
      %add3A_2080 = arith.addf %add3A_2066, %gather3A_2079 : vector<16xf32>
      %xor3A_2081 = arith.constant 2 : i32
      %xor3A_2082 = vector.broadcast %xor3A_2081 : i32 to vector<16xi32>
      %xor3A_2083 = arith.xori %iota3A, %xor3A_2082 : vector<16xi32>
      %lt3A_2084 = arith.constant 0 : i32
      %lt3A_2085 = vector.broadcast %lt3A_2084 : i32 to vector<16xi32>
      %lt3A_2086 = arith.cmpi slt, %xor3A_2083, %lt3A_2085 : vector<16xi32>
      %add3A_2087 = arith.constant 16 : i32
      %add3A_2088 = vector.broadcast %add3A_2087 : i32 to vector<16xi32>
      %add3A_2089 = arith.addi %xor3A_2083, %add3A_2088 : vector<16xi32>
      %select_n3A_2090 = arith.select %lt3A_2086, %add3A_2089, %xor3A_2083 : vector<16xi1>, vector<16xi32>
      %broadcast_in_dim3A_2091 = vector.shape_cast %select_n3A_2090 : vector<16xi32> to vector<16x1xi32>
      %gather3A_2092 = vector.shape_cast %broadcast_in_dim3A_2091 : vector<16x1xi32> to vector<16xi32>
      %gather3A_2093 = tpu.dynamic_gather %add3A_2080[%gather3A_2092] in [0] : vector<16xf32>, vector<16xi32> -> vector<16xf32>
      %add3A_2094 = arith.addf %add3A_2080, %gather3A_2093 : vector<16xf32>
      %xor3A_2095 = arith.constant 1 : i32
      %xor3A_2096 = vector.broadcast %xor3A_2095 : i32 to vector<16xi32>
      %xor3A_2097 = arith.xori %iota3A, %xor3A_2096 : vector<16xi32>
      %lt3A_2098 = arith.constant 0 : i32
      %lt3A_2099 = vector.broadcast %lt3A_2098 : i32 to vector<16xi32>
      %lt3A_2100 = arith.cmpi slt, %xor3A_2097, %lt3A_2099 : vector<16xi32>
      %add3A_2101 = arith.constant 16 : i32
      %add3A_2102 = vector.broadcast %add3A_2101 : i32 to vector<16xi32>
      %add3A_2103 = arith.addi %xor3A_2097, %add3A_2102 : vector<16xi32>
      %select_n3A_2104 = arith.select %lt3A_2100, %add3A_2103, %xor3A_2097 : vector<16xi1>, vector<16xi32>
      %broadcast_in_dim3A_2105 = vector.shape_cast %select_n3A_2104 : vector<16xi32> to vector<16x1xi32>
      %gather3A_2106 = vector.shape_cast %broadcast_in_dim3A_2105 : vector<16x1xi32> to vector<16xi32>
      %gather3A_2107 = tpu.dynamic_gather %add3A_2094[%gather3A_2106] in [0] : vector<16xf32>, vector<16xi32> -> vector<16xf32>
      %add3A_2108 = arith.addf %add3A_2094, %gather3A_2107 : vector<16xf32>
      %eq3A_2109 = arith.constant 12 : i32
      %eq3A_2110 = vector.broadcast %eq3A_2109 : i32 to vector<16xi32>
      %eq3A_2111 = arith.cmpi eq, %iota3A, %eq3A_2110 : vector<16xi32>
      %select_n3A_2112 = arith.select %eq3A_2111, %add3A_2108, %select_n3A_1960 : vector<16xi1>, vector<16xf32>
      %add3A_2113 = arith.constant 13 : i32
      %add3A_2114 = arith.addi %mul3A_142, %add3A_2113 : i32
      %slice3A_2115 = vector.extract_strided_slice %get3A_144 {offsets = [13], sizes = [1], strides = [1]} : vector<16xi32> to vector<1xi32>
      %squeeze3A_2116 = vector.extract %slice3A_2115[0] : i32 from vector<1xi32>
      %get3A_2117 = arith.index_cast %add3A_2114 : i32 to index
      %get3A_2118 = arith.constant 0 : index
      %get3A_2119 = tpu.vector_load %arg6[%get3A_2117, %get3A_2118] {strides = array<i32>} : memref<512x128xf32, #tpu.memory_space<vmem>>, vector<1x16xf32>,
      %get3A_2120 = vector.shape_cast %get3A_2119 : vector<1x16xf32> to vector<16xf32>
      %get3A_2121 = arith.index_cast %squeeze3A_2116 : i32 to index
      %get3A_2122 = arith.constant 0 : index
      %get3A_2123 = tpu.vector_load %arg8[%get3A_2121, %get3A_2122] {strides = array<i32>} : memref<9x128xf32, #tpu.memory_space<vmem>>, vector<1x16xf32>,
      %get3A_2124 = vector.shape_cast %get3A_2123 : vector<1x16xf32> to vector<16xf32>
      %sub3A_2125 = arith.subf %get3A_2120, %get3A_2124 : vector<16xf32>
      %mul3A_2126 = arith.mulf %sub3A_2125, %sub3A_2125 : vector<16xf32>
      %add3A_2127 = arith.addf %broadcast_in_dim3A_9, %mul3A_2126 : vector<16xf32>
      %get3A_2128 = arith.index_cast %add3A_2114 : i32 to index
      %get3A_2129 = arith.constant 16 : index
      %get3A_2130 = tpu.vector_load %arg6[%get3A_2128, %get3A_2129] {strides = array<i32>} : memref<512x128xf32, #tpu.memory_space<vmem>>, vector<1x16xf32>,
      %get3A_2131 = vector.shape_cast %get3A_2130 : vector<1x16xf32> to vector<16xf32>
      %get3A_2132 = arith.index_cast %squeeze3A_2116 : i32 to index
      %get3A_2133 = arith.constant 16 : index
      %get3A_2134 = tpu.vector_load %arg8[%get3A_2132, %get3A_2133] {strides = array<i32>} : memref<9x128xf32, #tpu.memory_space<vmem>>, vector<1x16xf32>,
      %get3A_2135 = vector.shape_cast %get3A_2134 : vector<1x16xf32> to vector<16xf32>
      %sub3A_2136 = arith.subf %get3A_2131, %get3A_2135 : vector<16xf32>
      %mul3A_2137 = arith.mulf %sub3A_2136, %sub3A_2136 : vector<16xf32>
      %add3A_2138 = arith.addf %add3A_2127, %mul3A_2137 : vector<16xf32>
      %get3A_2139 = arith.index_cast %add3A_2114 : i32 to index
      %get3A_2140 = arith.constant 32 : index
      %get3A_2141 = tpu.vector_load %arg6[%get3A_2139, %get3A_2140] {strides = array<i32>} : memref<512x128xf32, #tpu.memory_space<vmem>>, vector<1x16xf32>,
      %get3A_2142 = vector.shape_cast %get3A_2141 : vector<1x16xf32> to vector<16xf32>
      %get3A_2143 = arith.index_cast %squeeze3A_2116 : i32 to index
      %get3A_2144 = arith.constant 32 : index
      %get3A_2145 = tpu.vector_load %arg8[%get3A_2143, %get3A_2144] {strides = array<i32>} : memref<9x128xf32, #tpu.memory_space<vmem>>, vector<1x16xf32>,
      %get3A_2146 = vector.shape_cast %get3A_2145 : vector<1x16xf32> to vector<16xf32>
      %sub3A_2147 = arith.subf %get3A_2142, %get3A_2146 : vector<16xf32>
      %mul3A_2148 = arith.mulf %sub3A_2147, %sub3A_2147 : vector<16xf32>
      %add3A_2149 = arith.addf %add3A_2138, %mul3A_2148 : vector<16xf32>
      %get3A_2150 = arith.index_cast %add3A_2114 : i32 to index
      %get3A_2151 = arith.constant 48 : index
      %get3A_2152 = tpu.vector_load %arg6[%get3A_2150, %get3A_2151] {strides = array<i32>} : memref<512x128xf32, #tpu.memory_space<vmem>>, vector<1x16xf32>,
      %get3A_2153 = vector.shape_cast %get3A_2152 : vector<1x16xf32> to vector<16xf32>
      %get3A_2154 = arith.index_cast %squeeze3A_2116 : i32 to index
      %get3A_2155 = arith.constant 48 : index
      %get3A_2156 = tpu.vector_load %arg8[%get3A_2154, %get3A_2155] {strides = array<i32>} : memref<9x128xf32, #tpu.memory_space<vmem>>, vector<1x16xf32>,
      %get3A_2157 = vector.shape_cast %get3A_2156 : vector<1x16xf32> to vector<16xf32>
      %sub3A_2158 = arith.subf %get3A_2153, %get3A_2157 : vector<16xf32>
      %mul3A_2159 = arith.mulf %sub3A_2158, %sub3A_2158 : vector<16xf32>
      %add3A_2160 = arith.addf %add3A_2149, %mul3A_2159 : vector<16xf32>
      %get3A_2161 = arith.index_cast %add3A_2114 : i32 to index
      %get3A_2162 = arith.constant 64 : index
      %get3A_2163 = tpu.vector_load %arg6[%get3A_2161, %get3A_2162] {strides = array<i32>} : memref<512x128xf32, #tpu.memory_space<vmem>>, vector<1x16xf32>,
      %get3A_2164 = vector.shape_cast %get3A_2163 : vector<1x16xf32> to vector<16xf32>
      %get3A_2165 = arith.index_cast %squeeze3A_2116 : i32 to index
      %get3A_2166 = arith.constant 64 : index
      %get3A_2167 = tpu.vector_load %arg8[%get3A_2165, %get3A_2166] {strides = array<i32>} : memref<9x128xf32, #tpu.memory_space<vmem>>, vector<1x16xf32>,
      %get3A_2168 = vector.shape_cast %get3A_2167 : vector<1x16xf32> to vector<16xf32>
      %sub3A_2169 = arith.subf %get3A_2164, %get3A_2168 : vector<16xf32>
      %mul3A_2170 = arith.mulf %sub3A_2169, %sub3A_2169 : vector<16xf32>
      %add3A_2171 = arith.addf %add3A_2160, %mul3A_2170 : vector<16xf32>
      %get3A_2172 = arith.index_cast %add3A_2114 : i32 to index
      %get3A_2173 = arith.constant 80 : index
      %get3A_2174 = tpu.vector_load %arg6[%get3A_2172, %get3A_2173] {strides = array<i32>} : memref<512x128xf32, #tpu.memory_space<vmem>>, vector<1x16xf32>,
      %get3A_2175 = vector.shape_cast %get3A_2174 : vector<1x16xf32> to vector<16xf32>
      %get3A_2176 = arith.index_cast %squeeze3A_2116 : i32 to index
      %get3A_2177 = arith.constant 80 : index
      %get3A_2178 = tpu.vector_load %arg8[%get3A_2176, %get3A_2177] {strides = array<i32>} : memref<9x128xf32, #tpu.memory_space<vmem>>, vector<1x16xf32>,
      %get3A_2179 = vector.shape_cast %get3A_2178 : vector<1x16xf32> to vector<16xf32>
      %sub3A_2180 = arith.subf %get3A_2175, %get3A_2179 : vector<16xf32>
      %mul3A_2181 = arith.mulf %sub3A_2180, %sub3A_2180 : vector<16xf32>
      %add3A_2182 = arith.addf %add3A_2171, %mul3A_2181 : vector<16xf32>
      %get3A_2183 = arith.index_cast %add3A_2114 : i32 to index
      %get3A_2184 = arith.constant 96 : index
      %get3A_2185 = tpu.vector_load %arg6[%get3A_2183, %get3A_2184] {strides = array<i32>} : memref<512x128xf32, #tpu.memory_space<vmem>>, vector<1x16xf32>,
      %get3A_2186 = vector.shape_cast %get3A_2185 : vector<1x16xf32> to vector<16xf32>
      %get3A_2187 = arith.index_cast %squeeze3A_2116 : i32 to index
      %get3A_2188 = arith.constant 96 : index
      %get3A_2189 = tpu.vector_load %arg8[%get3A_2187, %get3A_2188] {strides = array<i32>} : memref<9x128xf32, #tpu.memory_space<vmem>>, vector<1x16xf32>,
      %get3A_2190 = vector.shape_cast %get3A_2189 : vector<1x16xf32> to vector<16xf32>
      %sub3A_2191 = arith.subf %get3A_2186, %get3A_2190 : vector<16xf32>
      %mul3A_2192 = arith.mulf %sub3A_2191, %sub3A_2191 : vector<16xf32>
      %add3A_2193 = arith.addf %add3A_2182, %mul3A_2192 : vector<16xf32>
      %get3A_2194 = arith.index_cast %add3A_2114 : i32 to index
      %get3A_2195 = arith.constant 112 : index
      %get3A_2196 = tpu.vector_load %arg6[%get3A_2194, %get3A_2195] {strides = array<i32>} : memref<512x128xf32, #tpu.memory_space<vmem>>, vector<1x16xf32>,
      %get3A_2197 = vector.shape_cast %get3A_2196 : vector<1x16xf32> to vector<16xf32>
      %get3A_2198 = arith.index_cast %squeeze3A_2116 : i32 to index
      %get3A_2199 = arith.constant 112 : index
      %get3A_2200 = tpu.vector_load %arg8[%get3A_2198, %get3A_2199] {strides = array<i32>} : memref<9x128xf32, #tpu.memory_space<vmem>>, vector<1x16xf32>,
      %get3A_2201 = vector.shape_cast %get3A_2200 : vector<1x16xf32> to vector<16xf32>
      %sub3A_2202 = arith.subf %get3A_2197, %get3A_2201 : vector<16xf32>
      %mul3A_2203 = arith.mulf %sub3A_2202, %sub3A_2202 : vector<16xf32>
      %add3A_2204 = arith.addf %add3A_2193, %mul3A_2203 : vector<16xf32>
      %xor3A_2205 = arith.constant 8 : i32
      %xor3A_2206 = vector.broadcast %xor3A_2205 : i32 to vector<16xi32>
      %xor3A_2207 = arith.xori %iota3A, %xor3A_2206 : vector<16xi32>
      %lt3A_2208 = arith.constant 0 : i32
      %lt3A_2209 = vector.broadcast %lt3A_2208 : i32 to vector<16xi32>
      %lt3A_2210 = arith.cmpi slt, %xor3A_2207, %lt3A_2209 : vector<16xi32>
      %add3A_2211 = arith.constant 16 : i32
      %add3A_2212 = vector.broadcast %add3A_2211 : i32 to vector<16xi32>
      %add3A_2213 = arith.addi %xor3A_2207, %add3A_2212 : vector<16xi32>
      %select_n3A_2214 = arith.select %lt3A_2210, %add3A_2213, %xor3A_2207 : vector<16xi1>, vector<16xi32>
      %broadcast_in_dim3A_2215 = vector.shape_cast %select_n3A_2214 : vector<16xi32> to vector<16x1xi32>
      %gather3A_2216 = vector.shape_cast %broadcast_in_dim3A_2215 : vector<16x1xi32> to vector<16xi32>
      %gather3A_2217 = tpu.dynamic_gather %add3A_2204[%gather3A_2216] in [0] : vector<16xf32>, vector<16xi32> -> vector<16xf32>
      %add3A_2218 = arith.addf %add3A_2204, %gather3A_2217 : vector<16xf32>
      %xor3A_2219 = arith.constant 4 : i32
      %xor3A_2220 = vector.broadcast %xor3A_2219 : i32 to vector<16xi32>
      %xor3A_2221 = arith.xori %iota3A, %xor3A_2220 : vector<16xi32>
      %lt3A_2222 = arith.constant 0 : i32
      %lt3A_2223 = vector.broadcast %lt3A_2222 : i32 to vector<16xi32>
      %lt3A_2224 = arith.cmpi slt, %xor3A_2221, %lt3A_2223 : vector<16xi32>
      %add3A_2225 = arith.constant 16 : i32
      %add3A_2226 = vector.broadcast %add3A_2225 : i32 to vector<16xi32>
      %add3A_2227 = arith.addi %xor3A_2221, %add3A_2226 : vector<16xi32>
      %select_n3A_2228 = arith.select %lt3A_2224, %add3A_2227, %xor3A_2221 : vector<16xi1>, vector<16xi32>
      %broadcast_in_dim3A_2229 = vector.shape_cast %select_n3A_2228 : vector<16xi32> to vector<16x1xi32>
      %gather3A_2230 = vector.shape_cast %broadcast_in_dim3A_2229 : vector<16x1xi32> to vector<16xi32>
      %gather3A_2231 = tpu.dynamic_gather %add3A_2218[%gather3A_2230] in [0] : vector<16xf32>, vector<16xi32> -> vector<16xf32>
      %add3A_2232 = arith.addf %add3A_2218, %gather3A_2231 : vector<16xf32>
      %xor3A_2233 = arith.constant 2 : i32
      %xor3A_2234 = vector.broadcast %xor3A_2233 : i32 to vector<16xi32>
      %xor3A_2235 = arith.xori %iota3A, %xor3A_2234 : vector<16xi32>
      %lt3A_2236 = arith.constant 0 : i32
      %lt3A_2237 = vector.broadcast %lt3A_2236 : i32 to vector<16xi32>
      %lt3A_2238 = arith.cmpi slt, %xor3A_2235, %lt3A_2237 : vector<16xi32>
      %add3A_2239 = arith.constant 16 : i32
      %add3A_2240 = vector.broadcast %add3A_2239 : i32 to vector<16xi32>
      %add3A_2241 = arith.addi %xor3A_2235, %add3A_2240 : vector<16xi32>
      %select_n3A_2242 = arith.select %lt3A_2238, %add3A_2241, %xor3A_2235 : vector<16xi1>, vector<16xi32>
      %broadcast_in_dim3A_2243 = vector.shape_cast %select_n3A_2242 : vector<16xi32> to vector<16x1xi32>
      %gather3A_2244 = vector.shape_cast %broadcast_in_dim3A_2243 : vector<16x1xi32> to vector<16xi32>
      %gather3A_2245 = tpu.dynamic_gather %add3A_2232[%gather3A_2244] in [0] : vector<16xf32>, vector<16xi32> -> vector<16xf32>
      %add3A_2246 = arith.addf %add3A_2232, %gather3A_2245 : vector<16xf32>
      %xor3A_2247 = arith.constant 1 : i32
      %xor3A_2248 = vector.broadcast %xor3A_2247 : i32 to vector<16xi32>
      %xor3A_2249 = arith.xori %iota3A, %xor3A_2248 : vector<16xi32>
      %lt3A_2250 = arith.constant 0 : i32
      %lt3A_2251 = vector.broadcast %lt3A_2250 : i32 to vector<16xi32>
      %lt3A_2252 = arith.cmpi slt, %xor3A_2249, %lt3A_2251 : vector<16xi32>
      %add3A_2253 = arith.constant 16 : i32
      %add3A_2254 = vector.broadcast %add3A_2253 : i32 to vector<16xi32>
      %add3A_2255 = arith.addi %xor3A_2249, %add3A_2254 : vector<16xi32>
      %select_n3A_2256 = arith.select %lt3A_2252, %add3A_2255, %xor3A_2249 : vector<16xi1>, vector<16xi32>
      %broadcast_in_dim3A_2257 = vector.shape_cast %select_n3A_2256 : vector<16xi32> to vector<16x1xi32>
      %gather3A_2258 = vector.shape_cast %broadcast_in_dim3A_2257 : vector<16x1xi32> to vector<16xi32>
      %gather3A_2259 = tpu.dynamic_gather %add3A_2246[%gather3A_2258] in [0] : vector<16xf32>, vector<16xi32> -> vector<16xf32>
      %add3A_2260 = arith.addf %add3A_2246, %gather3A_2259 : vector<16xf32>
      %eq3A_2261 = arith.constant 13 : i32
      %eq3A_2262 = vector.broadcast %eq3A_2261 : i32 to vector<16xi32>
      %eq3A_2263 = arith.cmpi eq, %iota3A, %eq3A_2262 : vector<16xi32>
      %select_n3A_2264 = arith.select %eq3A_2263, %add3A_2260, %select_n3A_2112 : vector<16xi1>, vector<16xf32>
      %add3A_2265 = arith.constant 14 : i32
      %add3A_2266 = arith.addi %mul3A_142, %add3A_2265 : i32
      %slice3A_2267 = vector.extract_strided_slice %get3A_144 {offsets = [14], sizes = [1], strides = [1]} : vector<16xi32> to vector<1xi32>
      %squeeze3A_2268 = vector.extract %slice3A_2267[0] : i32 from vector<1xi32>
      %get3A_2269 = arith.index_cast %add3A_2266 : i32 to index
      %get3A_2270 = arith.constant 0 : index
      %get3A_2271 = tpu.vector_load %arg6[%get3A_2269, %get3A_2270] {strides = array<i32>} : memref<512x128xf32, #tpu.memory_space<vmem>>, vector<1x16xf32>,
      %get3A_2272 = vector.shape_cast %get3A_2271 : vector<1x16xf32> to vector<16xf32>
      %get3A_2273 = arith.index_cast %squeeze3A_2268 : i32 to index
      %get3A_2274 = arith.constant 0 : index
      %get3A_2275 = tpu.vector_load %arg8[%get3A_2273, %get3A_2274] {strides = array<i32>} : memref<9x128xf32, #tpu.memory_space<vmem>>, vector<1x16xf32>,
      %get3A_2276 = vector.shape_cast %get3A_2275 : vector<1x16xf32> to vector<16xf32>
      %sub3A_2277 = arith.subf %get3A_2272, %get3A_2276 : vector<16xf32>
      %mul3A_2278 = arith.mulf %sub3A_2277, %sub3A_2277 : vector<16xf32>
      %add3A_2279 = arith.addf %broadcast_in_dim3A_9, %mul3A_2278 : vector<16xf32>
      %get3A_2280 = arith.index_cast %add3A_2266 : i32 to index
      %get3A_2281 = arith.constant 16 : index
      %get3A_2282 = tpu.vector_load %arg6[%get3A_2280, %get3A_2281] {strides = array<i32>} : memref<512x128xf32, #tpu.memory_space<vmem>>, vector<1x16xf32>,
      %get3A_2283 = vector.shape_cast %get3A_2282 : vector<1x16xf32> to vector<16xf32>
      %get3A_2284 = arith.index_cast %squeeze3A_2268 : i32 to index
      %get3A_2285 = arith.constant 16 : index
      %get3A_2286 = tpu.vector_load %arg8[%get3A_2284, %get3A_2285] {strides = array<i32>} : memref<9x128xf32, #tpu.memory_space<vmem>>, vector<1x16xf32>,
      %get3A_2287 = vector.shape_cast %get3A_2286 : vector<1x16xf32> to vector<16xf32>
      %sub3A_2288 = arith.subf %get3A_2283, %get3A_2287 : vector<16xf32>
      %mul3A_2289 = arith.mulf %sub3A_2288, %sub3A_2288 : vector<16xf32>
      %add3A_2290 = arith.addf %add3A_2279, %mul3A_2289 : vector<16xf32>
      %get3A_2291 = arith.index_cast %add3A_2266 : i32 to index
      %get3A_2292 = arith.constant 32 : index
      %get3A_2293 = tpu.vector_load %arg6[%get3A_2291, %get3A_2292] {strides = array<i32>} : memref<512x128xf32, #tpu.memory_space<vmem>>, vector<1x16xf32>,
      %get3A_2294 = vector.shape_cast %get3A_2293 : vector<1x16xf32> to vector<16xf32>
      %get3A_2295 = arith.index_cast %squeeze3A_2268 : i32 to index
      %get3A_2296 = arith.constant 32 : index
      %get3A_2297 = tpu.vector_load %arg8[%get3A_2295, %get3A_2296] {strides = array<i32>} : memref<9x128xf32, #tpu.memory_space<vmem>>, vector<1x16xf32>,
      %get3A_2298 = vector.shape_cast %get3A_2297 : vector<1x16xf32> to vector<16xf32>
      %sub3A_2299 = arith.subf %get3A_2294, %get3A_2298 : vector<16xf32>
      %mul3A_2300 = arith.mulf %sub3A_2299, %sub3A_2299 : vector<16xf32>
      %add3A_2301 = arith.addf %add3A_2290, %mul3A_2300 : vector<16xf32>
      %get3A_2302 = arith.index_cast %add3A_2266 : i32 to index
      %get3A_2303 = arith.constant 48 : index
      %get3A_2304 = tpu.vector_load %arg6[%get3A_2302, %get3A_2303] {strides = array<i32>} : memref<512x128xf32, #tpu.memory_space<vmem>>, vector<1x16xf32>,
      %get3A_2305 = vector.shape_cast %get3A_2304 : vector<1x16xf32> to vector<16xf32>
      %get3A_2306 = arith.index_cast %squeeze3A_2268 : i32 to index
      %get3A_2307 = arith.constant 48 : index
      %get3A_2308 = tpu.vector_load %arg8[%get3A_2306, %get3A_2307] {strides = array<i32>} : memref<9x128xf32, #tpu.memory_space<vmem>>, vector<1x16xf32>,
      %get3A_2309 = vector.shape_cast %get3A_2308 : vector<1x16xf32> to vector<16xf32>
      %sub3A_2310 = arith.subf %get3A_2305, %get3A_2309 : vector<16xf32>
      %mul3A_2311 = arith.mulf %sub3A_2310, %sub3A_2310 : vector<16xf32>
      %add3A_2312 = arith.addf %add3A_2301, %mul3A_2311 : vector<16xf32>
      %get3A_2313 = arith.index_cast %add3A_2266 : i32 to index
      %get3A_2314 = arith.constant 64 : index
      %get3A_2315 = tpu.vector_load %arg6[%get3A_2313, %get3A_2314] {strides = array<i32>} : memref<512x128xf32, #tpu.memory_space<vmem>>, vector<1x16xf32>,
      %get3A_2316 = vector.shape_cast %get3A_2315 : vector<1x16xf32> to vector<16xf32>
      %get3A_2317 = arith.index_cast %squeeze3A_2268 : i32 to index
      %get3A_2318 = arith.constant 64 : index
      %get3A_2319 = tpu.vector_load %arg8[%get3A_2317, %get3A_2318] {strides = array<i32>} : memref<9x128xf32, #tpu.memory_space<vmem>>, vector<1x16xf32>,
      %get3A_2320 = vector.shape_cast %get3A_2319 : vector<1x16xf32> to vector<16xf32>
      %sub3A_2321 = arith.subf %get3A_2316, %get3A_2320 : vector<16xf32>
      %mul3A_2322 = arith.mulf %sub3A_2321, %sub3A_2321 : vector<16xf32>
      %add3A_2323 = arith.addf %add3A_2312, %mul3A_2322 : vector<16xf32>
      %get3A_2324 = arith.index_cast %add3A_2266 : i32 to index
      %get3A_2325 = arith.constant 80 : index
      %get3A_2326 = tpu.vector_load %arg6[%get3A_2324, %get3A_2325] {strides = array<i32>} : memref<512x128xf32, #tpu.memory_space<vmem>>, vector<1x16xf32>,
      %get3A_2327 = vector.shape_cast %get3A_2326 : vector<1x16xf32> to vector<16xf32>
      %get3A_2328 = arith.index_cast %squeeze3A_2268 : i32 to index
      %get3A_2329 = arith.constant 80 : index
      %get3A_2330 = tpu.vector_load %arg8[%get3A_2328, %get3A_2329] {strides = array<i32>} : memref<9x128xf32, #tpu.memory_space<vmem>>, vector<1x16xf32>,
      %get3A_2331 = vector.shape_cast %get3A_2330 : vector<1x16xf32> to vector<16xf32>
      %sub3A_2332 = arith.subf %get3A_2327, %get3A_2331 : vector<16xf32>
      %mul3A_2333 = arith.mulf %sub3A_2332, %sub3A_2332 : vector<16xf32>
      %add3A_2334 = arith.addf %add3A_2323, %mul3A_2333 : vector<16xf32>
      %get3A_2335 = arith.index_cast %add3A_2266 : i32 to index
      %get3A_2336 = arith.constant 96 : index
      %get3A_2337 = tpu.vector_load %arg6[%get3A_2335, %get3A_2336] {strides = array<i32>} : memref<512x128xf32, #tpu.memory_space<vmem>>, vector<1x16xf32>,
      %get3A_2338 = vector.shape_cast %get3A_2337 : vector<1x16xf32> to vector<16xf32>
      %get3A_2339 = arith.index_cast %squeeze3A_2268 : i32 to index
      %get3A_2340 = arith.constant 96 : index
      %get3A_2341 = tpu.vector_load %arg8[%get3A_2339, %get3A_2340] {strides = array<i32>} : memref<9x128xf32, #tpu.memory_space<vmem>>, vector<1x16xf32>,
      %get3A_2342 = vector.shape_cast %get3A_2341 : vector<1x16xf32> to vector<16xf32>
      %sub3A_2343 = arith.subf %get3A_2338, %get3A_2342 : vector<16xf32>
      %mul3A_2344 = arith.mulf %sub3A_2343, %sub3A_2343 : vector<16xf32>
      %add3A_2345 = arith.addf %add3A_2334, %mul3A_2344 : vector<16xf32>
      %get3A_2346 = arith.index_cast %add3A_2266 : i32 to index
      %get3A_2347 = arith.constant 112 : index
      %get3A_2348 = tpu.vector_load %arg6[%get3A_2346, %get3A_2347] {strides = array<i32>} : memref<512x128xf32, #tpu.memory_space<vmem>>, vector<1x16xf32>,
      %get3A_2349 = vector.shape_cast %get3A_2348 : vector<1x16xf32> to vector<16xf32>
      %get3A_2350 = arith.index_cast %squeeze3A_2268 : i32 to index
      %get3A_2351 = arith.constant 112 : index
      %get3A_2352 = tpu.vector_load %arg8[%get3A_2350, %get3A_2351] {strides = array<i32>} : memref<9x128xf32, #tpu.memory_space<vmem>>, vector<1x16xf32>,
      %get3A_2353 = vector.shape_cast %get3A_2352 : vector<1x16xf32> to vector<16xf32>
      %sub3A_2354 = arith.subf %get3A_2349, %get3A_2353 : vector<16xf32>
      %mul3A_2355 = arith.mulf %sub3A_2354, %sub3A_2354 : vector<16xf32>
      %add3A_2356 = arith.addf %add3A_2345, %mul3A_2355 : vector<16xf32>
      %xor3A_2357 = arith.constant 8 : i32
      %xor3A_2358 = vector.broadcast %xor3A_2357 : i32 to vector<16xi32>
      %xor3A_2359 = arith.xori %iota3A, %xor3A_2358 : vector<16xi32>
      %lt3A_2360 = arith.constant 0 : i32
      %lt3A_2361 = vector.broadcast %lt3A_2360 : i32 to vector<16xi32>
      %lt3A_2362 = arith.cmpi slt, %xor3A_2359, %lt3A_2361 : vector<16xi32>
      %add3A_2363 = arith.constant 16 : i32
      %add3A_2364 = vector.broadcast %add3A_2363 : i32 to vector<16xi32>
      %add3A_2365 = arith.addi %xor3A_2359, %add3A_2364 : vector<16xi32>
      %select_n3A_2366 = arith.select %lt3A_2362, %add3A_2365, %xor3A_2359 : vector<16xi1>, vector<16xi32>
      %broadcast_in_dim3A_2367 = vector.shape_cast %select_n3A_2366 : vector<16xi32> to vector<16x1xi32>
      %gather3A_2368 = vector.shape_cast %broadcast_in_dim3A_2367 : vector<16x1xi32> to vector<16xi32>
      %gather3A_2369 = tpu.dynamic_gather %add3A_2356[%gather3A_2368] in [0] : vector<16xf32>, vector<16xi32> -> vector<16xf32>
      %add3A_2370 = arith.addf %add3A_2356, %gather3A_2369 : vector<16xf32>
      %xor3A_2371 = arith.constant 4 : i32
      %xor3A_2372 = vector.broadcast %xor3A_2371 : i32 to vector<16xi32>
      %xor3A_2373 = arith.xori %iota3A, %xor3A_2372 : vector<16xi32>
      %lt3A_2374 = arith.constant 0 : i32
      %lt3A_2375 = vector.broadcast %lt3A_2374 : i32 to vector<16xi32>
      %lt3A_2376 = arith.cmpi slt, %xor3A_2373, %lt3A_2375 : vector<16xi32>
      %add3A_2377 = arith.constant 16 : i32
      %add3A_2378 = vector.broadcast %add3A_2377 : i32 to vector<16xi32>
      %add3A_2379 = arith.addi %xor3A_2373, %add3A_2378 : vector<16xi32>
      %select_n3A_2380 = arith.select %lt3A_2376, %add3A_2379, %xor3A_2373 : vector<16xi1>, vector<16xi32>
      %broadcast_in_dim3A_2381 = vector.shape_cast %select_n3A_2380 : vector<16xi32> to vector<16x1xi32>
      %gather3A_2382 = vector.shape_cast %broadcast_in_dim3A_2381 : vector<16x1xi32> to vector<16xi32>
      %gather3A_2383 = tpu.dynamic_gather %add3A_2370[%gather3A_2382] in [0] : vector<16xf32>, vector<16xi32> -> vector<16xf32>
      %add3A_2384 = arith.addf %add3A_2370, %gather3A_2383 : vector<16xf32>
      %xor3A_2385 = arith.constant 2 : i32
      %xor3A_2386 = vector.broadcast %xor3A_2385 : i32 to vector<16xi32>
      %xor3A_2387 = arith.xori %iota3A, %xor3A_2386 : vector<16xi32>
      %lt3A_2388 = arith.constant 0 : i32
      %lt3A_2389 = vector.broadcast %lt3A_2388 : i32 to vector<16xi32>
      %lt3A_2390 = arith.cmpi slt, %xor3A_2387, %lt3A_2389 : vector<16xi32>
      %add3A_2391 = arith.constant 16 : i32
      %add3A_2392 = vector.broadcast %add3A_2391 : i32 to vector<16xi32>
      %add3A_2393 = arith.addi %xor3A_2387, %add3A_2392 : vector<16xi32>
      %select_n3A_2394 = arith.select %lt3A_2390, %add3A_2393, %xor3A_2387 : vector<16xi1>, vector<16xi32>
      %broadcast_in_dim3A_2395 = vector.shape_cast %select_n3A_2394 : vector<16xi32> to vector<16x1xi32>
      %gather3A_2396 = vector.shape_cast %broadcast_in_dim3A_2395 : vector<16x1xi32> to vector<16xi32>
      %gather3A_2397 = tpu.dynamic_gather %add3A_2384[%gather3A_2396] in [0] : vector<16xf32>, vector<16xi32> -> vector<16xf32>
      %add3A_2398 = arith.addf %add3A_2384, %gather3A_2397 : vector<16xf32>
      %xor3A_2399 = arith.constant 1 : i32
      %xor3A_2400 = vector.broadcast %xor3A_2399 : i32 to vector<16xi32>
      %xor3A_2401 = arith.xori %iota3A, %xor3A_2400 : vector<16xi32>
      %lt3A_2402 = arith.constant 0 : i32
      %lt3A_2403 = vector.broadcast %lt3A_2402 : i32 to vector<16xi32>
      %lt3A_2404 = arith.cmpi slt, %xor3A_2401, %lt3A_2403 : vector<16xi32>
      %add3A_2405 = arith.constant 16 : i32
      %add3A_2406 = vector.broadcast %add3A_2405 : i32 to vector<16xi32>
      %add3A_2407 = arith.addi %xor3A_2401, %add3A_2406 : vector<16xi32>
      %select_n3A_2408 = arith.select %lt3A_2404, %add3A_2407, %xor3A_2401 : vector<16xi1>, vector<16xi32>
      %broadcast_in_dim3A_2409 = vector.shape_cast %select_n3A_2408 : vector<16xi32> to vector<16x1xi32>
      %gather3A_2410 = vector.shape_cast %broadcast_in_dim3A_2409 : vector<16x1xi32> to vector<16xi32>
      %gather3A_2411 = tpu.dynamic_gather %add3A_2398[%gather3A_2410] in [0] : vector<16xf32>, vector<16xi32> -> vector<16xf32>
      %add3A_2412 = arith.addf %add3A_2398, %gather3A_2411 : vector<16xf32>
      %eq3A_2413 = arith.constant 14 : i32
      %eq3A_2414 = vector.broadcast %eq3A_2413 : i32 to vector<16xi32>
      %eq3A_2415 = arith.cmpi eq, %iota3A, %eq3A_2414 : vector<16xi32>
      %select_n3A_2416 = arith.select %eq3A_2415, %add3A_2412, %select_n3A_2264 : vector<16xi1>, vector<16xf32>
      %add3A_2417 = arith.constant 15 : i32
      %add3A_2418 = arith.addi %mul3A_142, %add3A_2417 : i32
      %slice3A_2419 = vector.extract_strided_slice %get3A_144 {offsets = [15], sizes = [1], strides = [1]} : vector<16xi32> to vector<1xi32>
      %squeeze3A_2420 = vector.extract %slice3A_2419[0] : i32 from vector<1xi32>
      %get3A_2421 = arith.index_cast %add3A_2418 : i32 to index
      %get3A_2422 = arith.constant 0 : index
      %get3A_2423 = tpu.vector_load %arg6[%get3A_2421, %get3A_2422] {strides = array<i32>} : memref<512x128xf32, #tpu.memory_space<vmem>>, vector<1x16xf32>,
      %get3A_2424 = vector.shape_cast %get3A_2423 : vector<1x16xf32> to vector<16xf32>
      %get3A_2425 = arith.index_cast %squeeze3A_2420 : i32 to index
      %get3A_2426 = arith.constant 0 : index
      %get3A_2427 = tpu.vector_load %arg8[%get3A_2425, %get3A_2426] {strides = array<i32>} : memref<9x128xf32, #tpu.memory_space<vmem>>, vector<1x16xf32>,
      %get3A_2428 = vector.shape_cast %get3A_2427 : vector<1x16xf32> to vector<16xf32>
      %sub3A_2429 = arith.subf %get3A_2424, %get3A_2428 : vector<16xf32>
      %mul3A_2430 = arith.mulf %sub3A_2429, %sub3A_2429 : vector<16xf32>
      %add3A_2431 = arith.addf %broadcast_in_dim3A_9, %mul3A_2430 : vector<16xf32>
      %get3A_2432 = arith.index_cast %add3A_2418 : i32 to index
      %get3A_2433 = arith.constant 16 : index
      %get3A_2434 = tpu.vector_load %arg6[%get3A_2432, %get3A_2433] {strides = array<i32>} : memref<512x128xf32, #tpu.memory_space<vmem>>, vector<1x16xf32>,
      %get3A_2435 = vector.shape_cast %get3A_2434 : vector<1x16xf32> to vector<16xf32>
      %get3A_2436 = arith.index_cast %squeeze3A_2420 : i32 to index
      %get3A_2437 = arith.constant 16 : index
      %get3A_2438 = tpu.vector_load %arg8[%get3A_2436, %get3A_2437] {strides = array<i32>} : memref<9x128xf32, #tpu.memory_space<vmem>>, vector<1x16xf32>,
      %get3A_2439 = vector.shape_cast %get3A_2438 : vector<1x16xf32> to vector<16xf32>
      %sub3A_2440 = arith.subf %get3A_2435, %get3A_2439 : vector<16xf32>
      %mul3A_2441 = arith.mulf %sub3A_2440, %sub3A_2440 : vector<16xf32>
      %add3A_2442 = arith.addf %add3A_2431, %mul3A_2441 : vector<16xf32>
      %get3A_2443 = arith.index_cast %add3A_2418 : i32 to index
      %get3A_2444 = arith.constant 32 : index
      %get3A_2445 = tpu.vector_load %arg6[%get3A_2443, %get3A_2444] {strides = array<i32>} : memref<512x128xf32, #tpu.memory_space<vmem>>, vector<1x16xf32>,
      %get3A_2446 = vector.shape_cast %get3A_2445 : vector<1x16xf32> to vector<16xf32>
      %get3A_2447 = arith.index_cast %squeeze3A_2420 : i32 to index
      %get3A_2448 = arith.constant 32 : index
      %get3A_2449 = tpu.vector_load %arg8[%get3A_2447, %get3A_2448] {strides = array<i32>} : memref<9x128xf32, #tpu.memory_space<vmem>>, vector<1x16xf32>,
      %get3A_2450 = vector.shape_cast %get3A_2449 : vector<1x16xf32> to vector<16xf32>
      %sub3A_2451 = arith.subf %get3A_2446, %get3A_2450 : vector<16xf32>
      %mul3A_2452 = arith.mulf %sub3A_2451, %sub3A_2451 : vector<16xf32>
      %add3A_2453 = arith.addf %add3A_2442, %mul3A_2452 : vector<16xf32>
      %get3A_2454 = arith.index_cast %add3A_2418 : i32 to index
      %get3A_2455 = arith.constant 48 : index
      %get3A_2456 = tpu.vector_load %arg6[%get3A_2454, %get3A_2455] {strides = array<i32>} : memref<512x128xf32, #tpu.memory_space<vmem>>, vector<1x16xf32>,
      %get3A_2457 = vector.shape_cast %get3A_2456 : vector<1x16xf32> to vector<16xf32>
      %get3A_2458 = arith.index_cast %squeeze3A_2420 : i32 to index
      %get3A_2459 = arith.constant 48 : index
      %get3A_2460 = tpu.vector_load %arg8[%get3A_2458, %get3A_2459] {strides = array<i32>} : memref<9x128xf32, #tpu.memory_space<vmem>>, vector<1x16xf32>,
      %get3A_2461 = vector.shape_cast %get3A_2460 : vector<1x16xf32> to vector<16xf32>
      %sub3A_2462 = arith.subf %get3A_2457, %get3A_2461 : vector<16xf32>
      %mul3A_2463 = arith.mulf %sub3A_2462, %sub3A_2462 : vector<16xf32>
      %add3A_2464 = arith.addf %add3A_2453, %mul3A_2463 : vector<16xf32>
      %get3A_2465 = arith.index_cast %add3A_2418 : i32 to index
      %get3A_2466 = arith.constant 64 : index
      %get3A_2467 = tpu.vector_load %arg6[%get3A_2465, %get3A_2466] {strides = array<i32>} : memref<512x128xf32, #tpu.memory_space<vmem>>, vector<1x16xf32>,
      %get3A_2468 = vector.shape_cast %get3A_2467 : vector<1x16xf32> to vector<16xf32>
      %get3A_2469 = arith.index_cast %squeeze3A_2420 : i32 to index
      %get3A_2470 = arith.constant 64 : index
      %get3A_2471 = tpu.vector_load %arg8[%get3A_2469, %get3A_2470] {strides = array<i32>} : memref<9x128xf32, #tpu.memory_space<vmem>>, vector<1x16xf32>,
      %get3A_2472 = vector.shape_cast %get3A_2471 : vector<1x16xf32> to vector<16xf32>
      %sub3A_2473 = arith.subf %get3A_2468, %get3A_2472 : vector<16xf32>
      %mul3A_2474 = arith.mulf %sub3A_2473, %sub3A_2473 : vector<16xf32>
      %add3A_2475 = arith.addf %add3A_2464, %mul3A_2474 : vector<16xf32>
      %get3A_2476 = arith.index_cast %add3A_2418 : i32 to index
      %get3A_2477 = arith.constant 80 : index
      %get3A_2478 = tpu.vector_load %arg6[%get3A_2476, %get3A_2477] {strides = array<i32>} : memref<512x128xf32, #tpu.memory_space<vmem>>, vector<1x16xf32>,
      %get3A_2479 = vector.shape_cast %get3A_2478 : vector<1x16xf32> to vector<16xf32>
      %get3A_2480 = arith.index_cast %squeeze3A_2420 : i32 to index
      %get3A_2481 = arith.constant 80 : index
      %get3A_2482 = tpu.vector_load %arg8[%get3A_2480, %get3A_2481] {strides = array<i32>} : memref<9x128xf32, #tpu.memory_space<vmem>>, vector<1x16xf32>,
      %get3A_2483 = vector.shape_cast %get3A_2482 : vector<1x16xf32> to vector<16xf32>
      %sub3A_2484 = arith.subf %get3A_2479, %get3A_2483 : vector<16xf32>
      %mul3A_2485 = arith.mulf %sub3A_2484, %sub3A_2484 : vector<16xf32>
      %add3A_2486 = arith.addf %add3A_2475, %mul3A_2485 : vector<16xf32>
      %get3A_2487 = arith.index_cast %add3A_2418 : i32 to index
      %get3A_2488 = arith.constant 96 : index
      %get3A_2489 = tpu.vector_load %arg6[%get3A_2487, %get3A_2488] {strides = array<i32>} : memref<512x128xf32, #tpu.memory_space<vmem>>, vector<1x16xf32>,
      %get3A_2490 = vector.shape_cast %get3A_2489 : vector<1x16xf32> to vector<16xf32>
      %get3A_2491 = arith.index_cast %squeeze3A_2420 : i32 to index
      %get3A_2492 = arith.constant 96 : index
      %get3A_2493 = tpu.vector_load %arg8[%get3A_2491, %get3A_2492] {strides = array<i32>} : memref<9x128xf32, #tpu.memory_space<vmem>>, vector<1x16xf32>,
      %get3A_2494 = vector.shape_cast %get3A_2493 : vector<1x16xf32> to vector<16xf32>
      %sub3A_2495 = arith.subf %get3A_2490, %get3A_2494 : vector<16xf32>
      %mul3A_2496 = arith.mulf %sub3A_2495, %sub3A_2495 : vector<16xf32>
      %add3A_2497 = arith.addf %add3A_2486, %mul3A_2496 : vector<16xf32>
      %get3A_2498 = arith.index_cast %add3A_2418 : i32 to index
      %get3A_2499 = arith.constant 112 : index
      %get3A_2500 = tpu.vector_load %arg6[%get3A_2498, %get3A_2499] {strides = array<i32>} : memref<512x128xf32, #tpu.memory_space<vmem>>, vector<1x16xf32>,
      %get3A_2501 = vector.shape_cast %get3A_2500 : vector<1x16xf32> to vector<16xf32>
      %get3A_2502 = arith.index_cast %squeeze3A_2420 : i32 to index
      %get3A_2503 = arith.constant 112 : index
      %get3A_2504 = tpu.vector_load %arg8[%get3A_2502, %get3A_2503] {strides = array<i32>} : memref<9x128xf32, #tpu.memory_space<vmem>>, vector<1x16xf32>,
      %get3A_2505 = vector.shape_cast %get3A_2504 : vector<1x16xf32> to vector<16xf32>
      %sub3A_2506 = arith.subf %get3A_2501, %get3A_2505 : vector<16xf32>
      %mul3A_2507 = arith.mulf %sub3A_2506, %sub3A_2506 : vector<16xf32>
      %add3A_2508 = arith.addf %add3A_2497, %mul3A_2507 : vector<16xf32>
      %xor3A_2509 = arith.constant 8 : i32
      %xor3A_2510 = vector.broadcast %xor3A_2509 : i32 to vector<16xi32>
      %xor3A_2511 = arith.xori %iota3A, %xor3A_2510 : vector<16xi32>
      %lt3A_2512 = arith.constant 0 : i32
      %lt3A_2513 = vector.broadcast %lt3A_2512 : i32 to vector<16xi32>
      %lt3A_2514 = arith.cmpi slt, %xor3A_2511, %lt3A_2513 : vector<16xi32>
      %add3A_2515 = arith.constant 16 : i32
      %add3A_2516 = vector.broadcast %add3A_2515 : i32 to vector<16xi32>
      %add3A_2517 = arith.addi %xor3A_2511, %add3A_2516 : vector<16xi32>
      %select_n3A_2518 = arith.select %lt3A_2514, %add3A_2517, %xor3A_2511 : vector<16xi1>, vector<16xi32>
      %broadcast_in_dim3A_2519 = vector.shape_cast %select_n3A_2518 : vector<16xi32> to vector<16x1xi32>
      %gather3A_2520 = vector.shape_cast %broadcast_in_dim3A_2519 : vector<16x1xi32> to vector<16xi32>
      %gather3A_2521 = tpu.dynamic_gather %add3A_2508[%gather3A_2520] in [0] : vector<16xf32>, vector<16xi32> -> vector<16xf32>
      %add3A_2522 = arith.addf %add3A_2508, %gather3A_2521 : vector<16xf32>
      %xor3A_2523 = arith.constant 4 : i32
      %xor3A_2524 = vector.broadcast %xor3A_2523 : i32 to vector<16xi32>
      %xor3A_2525 = arith.xori %iota3A, %xor3A_2524 : vector<16xi32>
      %lt3A_2526 = arith.constant 0 : i32
      %lt3A_2527 = vector.broadcast %lt3A_2526 : i32 to vector<16xi32>
      %lt3A_2528 = arith.cmpi slt, %xor3A_2525, %lt3A_2527 : vector<16xi32>
      %add3A_2529 = arith.constant 16 : i32
      %add3A_2530 = vector.broadcast %add3A_2529 : i32 to vector<16xi32>
      %add3A_2531 = arith.addi %xor3A_2525, %add3A_2530 : vector<16xi32>
      %select_n3A_2532 = arith.select %lt3A_2528, %add3A_2531, %xor3A_2525 : vector<16xi1>, vector<16xi32>
      %broadcast_in_dim3A_2533 = vector.shape_cast %select_n3A_2532 : vector<16xi32> to vector<16x1xi32>
      %gather3A_2534 = vector.shape_cast %broadcast_in_dim3A_2533 : vector<16x1xi32> to vector<16xi32>
      %gather3A_2535 = tpu.dynamic_gather %add3A_2522[%gather3A_2534] in [0] : vector<16xf32>, vector<16xi32> -> vector<16xf32>
      %add3A_2536 = arith.addf %add3A_2522, %gather3A_2535 : vector<16xf32>
      %xor3A_2537 = arith.constant 2 : i32
      %xor3A_2538 = vector.broadcast %xor3A_2537 : i32 to vector<16xi32>
      %xor3A_2539 = arith.xori %iota3A, %xor3A_2538 : vector<16xi32>
      %lt3A_2540 = arith.constant 0 : i32
      %lt3A_2541 = vector.broadcast %lt3A_2540 : i32 to vector<16xi32>
      %lt3A_2542 = arith.cmpi slt, %xor3A_2539, %lt3A_2541 : vector<16xi32>
      %add3A_2543 = arith.constant 16 : i32
      %add3A_2544 = vector.broadcast %add3A_2543 : i32 to vector<16xi32>
      %add3A_2545 = arith.addi %xor3A_2539, %add3A_2544 : vector<16xi32>
      %select_n3A_2546 = arith.select %lt3A_2542, %add3A_2545, %xor3A_2539 : vector<16xi1>, vector<16xi32>
      %broadcast_in_dim3A_2547 = vector.shape_cast %select_n3A_2546 : vector<16xi32> to vector<16x1xi32>
      %gather3A_2548 = vector.shape_cast %broadcast_in_dim3A_2547 : vector<16x1xi32> to vector<16xi32>
      %gather3A_2549 = tpu.dynamic_gather %add3A_2536[%gather3A_2548] in [0] : vector<16xf32>, vector<16xi32> -> vector<16xf32>
      %add3A_2550 = arith.addf %add3A_2536, %gather3A_2549 : vector<16xf32>
      %xor3A_2551 = arith.constant 1 : i32
      %xor3A_2552 = vector.broadcast %xor3A_2551 : i32 to vector<16xi32>
      %xor3A_2553 = arith.xori %iota3A, %xor3A_2552 : vector<16xi32>
      %lt3A_2554 = arith.constant 0 : i32
      %lt3A_2555 = vector.broadcast %lt3A_2554 : i32 to vector<16xi32>
      %lt3A_2556 = arith.cmpi slt, %xor3A_2553, %lt3A_2555 : vector<16xi32>
      %add3A_2557 = arith.constant 16 : i32
      %add3A_2558 = vector.broadcast %add3A_2557 : i32 to vector<16xi32>
      %add3A_2559 = arith.addi %xor3A_2553, %add3A_2558 : vector<16xi32>
      %select_n3A_2560 = arith.select %lt3A_2556, %add3A_2559, %xor3A_2553 : vector<16xi1>, vector<16xi32>
      %broadcast_in_dim3A_2561 = vector.shape_cast %select_n3A_2560 : vector<16xi32> to vector<16x1xi32>
      %gather3A_2562 = vector.shape_cast %broadcast_in_dim3A_2561 : vector<16x1xi32> to vector<16xi32>
      %gather3A_2563 = tpu.dynamic_gather %add3A_2550[%gather3A_2562] in [0] : vector<16xf32>, vector<16xi32> -> vector<16xf32>
      %add3A_2564 = arith.addf %add3A_2550, %gather3A_2563 : vector<16xf32>
      %eq3A_2565 = arith.constant 15 : i32
      %eq3A_2566 = vector.broadcast %eq3A_2565 : i32 to vector<16xi32>
      %eq3A_2567 = arith.cmpi eq, %iota3A, %eq3A_2566 : vector<16xi32>
      %select_n3A_2568 = arith.select %eq3A_2567, %add3A_2564, %select_n3A_2416 : vector<16xi1>, vector<16xf32>
      %add3A_2569 = arith.constant 1.000000e+00 : f32
      %add3A_2570 = vector.broadcast %add3A_2569 : f32 to vector<16xf32>
      %add3A_2571 = arith.addf %select_n3A_2568, %add3A_2570 : vector<16xf32>
      %mul3A_2572 = arith.constant 5.000000e-01 : f32
      %mul3A_2573 = vector.broadcast %mul3A_2572 : f32 to vector<16xf32>
      %mul3A_2574 = arith.mulf %mul3A_2573, %add3A_2571 : vector<16xf32>
      %div3A = arith.divf %select_n3A_2568, %mul3A_2574 : vector<16xf32>
      %add3A_2575 = arith.addf %mul3A_2574, %div3A : vector<16xf32>
      %mul3A_2576 = arith.constant 5.000000e-01 : f32
      %mul3A_2577 = vector.broadcast %mul3A_2576 : f32 to vector<16xf32>
      %mul3A_2578 = arith.mulf %mul3A_2577, %add3A_2575 : vector<16xf32>
      %div3A_2579 = arith.divf %select_n3A_2568, %mul3A_2578 : vector<16xf32>
      %add3A_2580 = arith.addf %mul3A_2578, %div3A_2579 : vector<16xf32>
      %mul3A_2581 = arith.constant 5.000000e-01 : f32
      %mul3A_2582 = vector.broadcast %mul3A_2581 : f32 to vector<16xf32>
      %mul3A_2583 = arith.mulf %mul3A_2582, %add3A_2580 : vector<16xf32>
      %div3A_2584 = arith.divf %select_n3A_2568, %mul3A_2583 : vector<16xf32>
      %add3A_2585 = arith.addf %mul3A_2583, %div3A_2584 : vector<16xf32>
      %mul3A_2586 = arith.constant 5.000000e-01 : f32
      %mul3A_2587 = vector.broadcast %mul3A_2586 : f32 to vector<16xf32>
      %mul3A_2588 = arith.mulf %mul3A_2587, %add3A_2585 : vector<16xf32>
      %div3A_2589 = arith.divf %select_n3A_2568, %mul3A_2588 : vector<16xf32>
      %add3A_2590 = arith.addf %mul3A_2588, %div3A_2589 : vector<16xf32>
      %mul3A_2591 = arith.constant 5.000000e-01 : f32
      %mul3A_2592 = vector.broadcast %mul3A_2591 : f32 to vector<16xf32>
      %mul3A_2593 = arith.mulf %mul3A_2592, %add3A_2590 : vector<16xf32>
      %div3A_2594 = arith.divf %select_n3A_2568, %mul3A_2593 : vector<16xf32>
      %add3A_2595 = arith.addf %mul3A_2593, %div3A_2594 : vector<16xf32>
      %mul3A_2596 = arith.constant 5.000000e-01 : f32
      %mul3A_2597 = vector.broadcast %mul3A_2596 : f32 to vector<16xf32>
      %mul3A_2598 = arith.mulf %mul3A_2597, %add3A_2595 : vector<16xf32>
      %div3A_2599 = arith.divf %select_n3A_2568, %mul3A_2598 : vector<16xf32>
      %add3A_2600 = arith.addf %mul3A_2598, %div3A_2599 : vector<16xf32>
      %mul3A_2601 = arith.constant 5.000000e-01 : f32
      %mul3A_2602 = vector.broadcast %mul3A_2601 : f32 to vector<16xf32>
      %mul3A_2603 = arith.mulf %mul3A_2602, %add3A_2600 : vector<16xf32>
      %div3A_2604 = arith.divf %select_n3A_2568, %mul3A_2603 : vector<16xf32>
      %add3A_2605 = arith.addf %mul3A_2603, %div3A_2604 : vector<16xf32>
      %mul3A_2606 = arith.constant 5.000000e-01 : f32
      %mul3A_2607 = vector.broadcast %mul3A_2606 : f32 to vector<16xf32>
      %mul3A_2608 = arith.mulf %mul3A_2607, %add3A_2605 : vector<16xf32>
      %div3A_2609 = arith.divf %select_n3A_2568, %mul3A_2608 : vector<16xf32>
      %add3A_2610 = arith.addf %mul3A_2608, %div3A_2609 : vector<16xf32>
      %mul3A_2611 = arith.constant 5.000000e-01 : f32
      %mul3A_2612 = vector.broadcast %mul3A_2611 : f32 to vector<16xf32>
      %mul3A_2613 = arith.mulf %mul3A_2612, %add3A_2610 : vector<16xf32>
      %div3A_2614 = arith.divf %select_n3A_2568, %mul3A_2613 : vector<16xf32>
      %add3A_2615 = arith.addf %mul3A_2613, %div3A_2614 : vector<16xf32>
      %mul3A_2616 = arith.constant 5.000000e-01 : f32
      %mul3A_2617 = vector.broadcast %mul3A_2616 : f32 to vector<16xf32>
      %mul3A_2618 = arith.mulf %mul3A_2617, %add3A_2615 : vector<16xf32>
      %div3A_2619 = arith.divf %select_n3A_2568, %mul3A_2618 : vector<16xf32>
      %add3A_2620 = arith.addf %mul3A_2618, %div3A_2619 : vector<16xf32>
      %mul3A_2621 = arith.constant 5.000000e-01 : f32
      %mul3A_2622 = vector.broadcast %mul3A_2621 : f32 to vector<16xf32>
      %mul3A_2623 = arith.mulf %mul3A_2622, %add3A_2620 : vector<16xf32>
      %gt3A = arith.constant 0.000000e+00 : f32
      %gt3A_2624 = vector.broadcast %gt3A : f32 to vector<16xf32>
      %gt3A_2625 = arith.cmpf ogt, %select_n3A_2568, %gt3A_2624 : vector<16xf32>
      %jit3A = arith.constant 0.000000e+00 : f32
      %broadcast_in_dim3A_2626 = vector.broadcast %jit3A : f32 to vector<16xf32>
      %select_n3A_2627 = arith.select %gt3A_2625, %mul3A_2623, %broadcast_in_dim3A_2626 : vector<16xi1>, vector<16xf32>
      %eq3A_2628 = arith.constant 0 : i32
      %eq3A_2629 = vector.broadcast %eq3A_2628 : i32 to vector<16xi32>
      %eq3A_2630 = arith.cmpi eq, %get3A_144, %eq3A_2629 : vector<16xi32>
      %jit3A_2631 = arith.constant 0.000000e+00 : f32
      %broadcast_in_dim3A_2632 = vector.broadcast %jit3A_2631 : f32 to vector<16xf32>
      %select_n3A_2633 = arith.select %eq3A_2630, %select_n3A_2627, %broadcast_in_dim3A_2632 : vector<16xi1>, vector<16xf32>
      %add3A_2634 = arith.addf %scan3A_123, %select_n3A_2633 : vector<16xf32>
      %eq3A_2635 = arith.constant 1 : i32
      %eq3A_2636 = vector.broadcast %eq3A_2635 : i32 to vector<16xi32>
      %eq3A_2637 = arith.cmpi eq, %get3A_144, %eq3A_2636 : vector<16xi32>
      %jit3A_2638 = arith.constant 0.000000e+00 : f32
      %broadcast_in_dim3A_2639 = vector.broadcast %jit3A_2638 : f32 to vector<16xf32>
      %select_n3A_2640 = arith.select %eq3A_2637, %select_n3A_2627, %broadcast_in_dim3A_2639 : vector<16xi1>, vector<16xf32>
      %add3A_2641 = arith.addf %scan3A_124, %select_n3A_2640 : vector<16xf32>
      %eq3A_2642 = arith.constant 2 : i32
      %eq3A_2643 = vector.broadcast %eq3A_2642 : i32 to vector<16xi32>
      %eq3A_2644 = arith.cmpi eq, %get3A_144, %eq3A_2643 : vector<16xi32>
      %jit3A_2645 = arith.constant 0.000000e+00 : f32
      %broadcast_in_dim3A_2646 = vector.broadcast %jit3A_2645 : f32 to vector<16xf32>
      %select_n3A_2647 = arith.select %eq3A_2644, %select_n3A_2627, %broadcast_in_dim3A_2646 : vector<16xi1>, vector<16xf32>
      %add3A_2648 = arith.addf %scan3A_125, %select_n3A_2647 : vector<16xf32>
      %eq3A_2649 = arith.constant 3 : i32
      %eq3A_2650 = vector.broadcast %eq3A_2649 : i32 to vector<16xi32>
      %eq3A_2651 = arith.cmpi eq, %get3A_144, %eq3A_2650 : vector<16xi32>
      %jit3A_2652 = arith.constant 0.000000e+00 : f32
      %broadcast_in_dim3A_2653 = vector.broadcast %jit3A_2652 : f32 to vector<16xf32>
      %select_n3A_2654 = arith.select %eq3A_2651, %select_n3A_2627, %broadcast_in_dim3A_2653 : vector<16xi1>, vector<16xf32>
      %add3A_2655 = arith.addf %scan3A_126, %select_n3A_2654 : vector<16xf32>
      %eq3A_2656 = arith.constant 4 : i32
      %eq3A_2657 = vector.broadcast %eq3A_2656 : i32 to vector<16xi32>
      %eq3A_2658 = arith.cmpi eq, %get3A_144, %eq3A_2657 : vector<16xi32>
      %jit3A_2659 = arith.constant 0.000000e+00 : f32
      %broadcast_in_dim3A_2660 = vector.broadcast %jit3A_2659 : f32 to vector<16xf32>
      %select_n3A_2661 = arith.select %eq3A_2658, %select_n3A_2627, %broadcast_in_dim3A_2660 : vector<16xi1>, vector<16xf32>
      %add3A_2662 = arith.addf %scan3A_127, %select_n3A_2661 : vector<16xf32>
      %eq3A_2663 = arith.constant 5 : i32
      %eq3A_2664 = vector.broadcast %eq3A_2663 : i32 to vector<16xi32>
      %eq3A_2665 = arith.cmpi eq, %get3A_144, %eq3A_2664 : vector<16xi32>
      %jit3A_2666 = arith.constant 0.000000e+00 : f32
      %broadcast_in_dim3A_2667 = vector.broadcast %jit3A_2666 : f32 to vector<16xf32>
      %select_n3A_2668 = arith.select %eq3A_2665, %select_n3A_2627, %broadcast_in_dim3A_2667 : vector<16xi1>, vector<16xf32>
      %add3A_2669 = arith.addf %scan3A_128, %select_n3A_2668 : vector<16xf32>
      %eq3A_2670 = arith.constant 6 : i32
      %eq3A_2671 = vector.broadcast %eq3A_2670 : i32 to vector<16xi32>
      %eq3A_2672 = arith.cmpi eq, %get3A_144, %eq3A_2671 : vector<16xi32>
      %jit3A_2673 = arith.constant 0.000000e+00 : f32
      %broadcast_in_dim3A_2674 = vector.broadcast %jit3A_2673 : f32 to vector<16xf32>
      %select_n3A_2675 = arith.select %eq3A_2672, %select_n3A_2627, %broadcast_in_dim3A_2674 : vector<16xi1>, vector<16xf32>
      %add3A_2676 = arith.addf %scan3A_129, %select_n3A_2675 : vector<16xf32>
      %eq3A_2677 = arith.constant 7 : i32
      %eq3A_2678 = vector.broadcast %eq3A_2677 : i32 to vector<16xi32>
      %eq3A_2679 = arith.cmpi eq, %get3A_144, %eq3A_2678 : vector<16xi32>
      %jit3A_2680 = arith.constant 0.000000e+00 : f32
      %broadcast_in_dim3A_2681 = vector.broadcast %jit3A_2680 : f32 to vector<16xf32>
      %select_n3A_2682 = arith.select %eq3A_2679, %select_n3A_2627, %broadcast_in_dim3A_2681 : vector<16xi1>, vector<16xf32>
      %add3A_2683 = arith.addf %scan3A_130, %select_n3A_2682 : vector<16xf32>
      %eq3A_2684 = arith.constant 8 : i32
      %eq3A_2685 = vector.broadcast %eq3A_2684 : i32 to vector<16xi32>
      %eq3A_2686 = arith.cmpi eq, %get3A_144, %eq3A_2685 : vector<16xi32>
      %jit3A_2687 = arith.constant 0.000000e+00 : f32
      %broadcast_in_dim3A_2688 = vector.broadcast %jit3A_2687 : f32 to vector<16xf32>
      %select_n3A_2689 = arith.select %eq3A_2686, %select_n3A_2627, %broadcast_in_dim3A_2688 : vector<16xi1>, vector<16xf32>
      %add3A_2690 = arith.addf %scan3A_131, %select_n3A_2689 : vector<16xf32>
      %eq3A_2691 = arith.constant 0 : i32
      %eq3A_2692 = vector.broadcast %eq3A_2691 : i32 to vector<16xi32>
      %eq3A_2693 = arith.cmpi eq, %get3A_144, %eq3A_2692 : vector<16xi32>
      %jit3A_2694 = arith.constant 1.000000e+00 : f32
      %jit3A_2695 = arith.constant 0.000000e+00 : f32
      %broadcast_in_dim3A_2696 = vector.broadcast %jit3A_2694 : f32 to vector<16xf32>
      %broadcast_in_dim3A_2697 = vector.broadcast %jit3A_2695 : f32 to vector<16xf32>
      %select_n3A_2698 = arith.select %eq3A_2693, %broadcast_in_dim3A_2696, %broadcast_in_dim3A_2697 : vector<16xi1>, vector<16xf32>
      %add3A_2699 = arith.addf %scan3A_132, %select_n3A_2698 : vector<16xf32>
      %eq3A_2700 = arith.constant 1 : i32
      %eq3A_2701 = vector.broadcast %eq3A_2700 : i32 to vector<16xi32>
      %eq3A_2702 = arith.cmpi eq, %get3A_144, %eq3A_2701 : vector<16xi32>
      %jit3A_2703 = arith.constant 1.000000e+00 : f32
      %jit3A_2704 = arith.constant 0.000000e+00 : f32
      %broadcast_in_dim3A_2705 = vector.broadcast %jit3A_2703 : f32 to vector<16xf32>
      %broadcast_in_dim3A_2706 = vector.broadcast %jit3A_2704 : f32 to vector<16xf32>
      %select_n3A_2707 = arith.select %eq3A_2702, %broadcast_in_dim3A_2705, %broadcast_in_dim3A_2706 : vector<16xi1>, vector<16xf32>
      %add3A_2708 = arith.addf %scan3A_133, %select_n3A_2707 : vector<16xf32>
      %eq3A_2709 = arith.constant 2 : i32
      %eq3A_2710 = vector.broadcast %eq3A_2709 : i32 to vector<16xi32>
      %eq3A_2711 = arith.cmpi eq, %get3A_144, %eq3A_2710 : vector<16xi32>
      %jit3A_2712 = arith.constant 1.000000e+00 : f32
      %jit3A_2713 = arith.constant 0.000000e+00 : f32
      %broadcast_in_dim3A_2714 = vector.broadcast %jit3A_2712 : f32 to vector<16xf32>
      %broadcast_in_dim3A_2715 = vector.broadcast %jit3A_2713 : f32 to vector<16xf32>
      %select_n3A_2716 = arith.select %eq3A_2711, %broadcast_in_dim3A_2714, %broadcast_in_dim3A_2715 : vector<16xi1>, vector<16xf32>
      %add3A_2717 = arith.addf %scan3A_134, %select_n3A_2716 : vector<16xf32>
      %eq3A_2718 = arith.constant 3 : i32
      %eq3A_2719 = vector.broadcast %eq3A_2718 : i32 to vector<16xi32>
      %eq3A_2720 = arith.cmpi eq, %get3A_144, %eq3A_2719 : vector<16xi32>
      %jit3A_2721 = arith.constant 1.000000e+00 : f32
      %jit3A_2722 = arith.constant 0.000000e+00 : f32
      %broadcast_in_dim3A_2723 = vector.broadcast %jit3A_2721 : f32 to vector<16xf32>
      %broadcast_in_dim3A_2724 = vector.broadcast %jit3A_2722 : f32 to vector<16xf32>
      %select_n3A_2725 = arith.select %eq3A_2720, %broadcast_in_dim3A_2723, %broadcast_in_dim3A_2724 : vector<16xi1>, vector<16xf32>
      %add3A_2726 = arith.addf %scan3A_135, %select_n3A_2725 : vector<16xf32>
      %eq3A_2727 = arith.constant 4 : i32
      %eq3A_2728 = vector.broadcast %eq3A_2727 : i32 to vector<16xi32>
      %eq3A_2729 = arith.cmpi eq, %get3A_144, %eq3A_2728 : vector<16xi32>
      %jit3A_2730 = arith.constant 1.000000e+00 : f32
      %jit3A_2731 = arith.constant 0.000000e+00 : f32
      %broadcast_in_dim3A_2732 = vector.broadcast %jit3A_2730 : f32 to vector<16xf32>
      %broadcast_in_dim3A_2733 = vector.broadcast %jit3A_2731 : f32 to vector<16xf32>
      %select_n3A_2734 = arith.select %eq3A_2729, %broadcast_in_dim3A_2732, %broadcast_in_dim3A_2733 : vector<16xi1>, vector<16xf32>
      %add3A_2735 = arith.addf %scan3A_136, %select_n3A_2734 : vector<16xf32>
      %eq3A_2736 = arith.constant 5 : i32
      %eq3A_2737 = vector.broadcast %eq3A_2736 : i32 to vector<16xi32>
      %eq3A_2738 = arith.cmpi eq, %get3A_144, %eq3A_2737 : vector<16xi32>
      %jit3A_2739 = arith.constant 1.000000e+00 : f32
      %jit3A_2740 = arith.constant 0.000000e+00 : f32
      %broadcast_in_dim3A_2741 = vector.broadcast %jit3A_2739 : f32 to vector<16xf32>
      %broadcast_in_dim3A_2742 = vector.broadcast %jit3A_2740 : f32 to vector<16xf32>
      %select_n3A_2743 = arith.select %eq3A_2738, %broadcast_in_dim3A_2741, %broadcast_in_dim3A_2742 : vector<16xi1>, vector<16xf32>
      %add3A_2744 = arith.addf %scan3A_137, %select_n3A_2743 : vector<16xf32>
      %eq3A_2745 = arith.constant 6 : i32
      %eq3A_2746 = vector.broadcast %eq3A_2745 : i32 to vector<16xi32>
      %eq3A_2747 = arith.cmpi eq, %get3A_144, %eq3A_2746 : vector<16xi32>
      %jit3A_2748 = arith.constant 1.000000e+00 : f32
      %jit3A_2749 = arith.constant 0.000000e+00 : f32
      %broadcast_in_dim3A_2750 = vector.broadcast %jit3A_2748 : f32 to vector<16xf32>
      %broadcast_in_dim3A_2751 = vector.broadcast %jit3A_2749 : f32 to vector<16xf32>
      %select_n3A_2752 = arith.select %eq3A_2747, %broadcast_in_dim3A_2750, %broadcast_in_dim3A_2751 : vector<16xi1>, vector<16xf32>
      %add3A_2753 = arith.addf %scan3A_138, %select_n3A_2752 : vector<16xf32>
      %eq3A_2754 = arith.constant 7 : i32
      %eq3A_2755 = vector.broadcast %eq3A_2754 : i32 to vector<16xi32>
      %eq3A_2756 = arith.cmpi eq, %get3A_144, %eq3A_2755 : vector<16xi32>
      %jit3A_2757 = arith.constant 1.000000e+00 : f32
      %jit3A_2758 = arith.constant 0.000000e+00 : f32
      %broadcast_in_dim3A_2759 = vector.broadcast %jit3A_2757 : f32 to vector<16xf32>
      %broadcast_in_dim3A_2760 = vector.broadcast %jit3A_2758 : f32 to vector<16xf32>
      %select_n3A_2761 = arith.select %eq3A_2756, %broadcast_in_dim3A_2759, %broadcast_in_dim3A_2760 : vector<16xi1>, vector<16xf32>
      %add3A_2762 = arith.addf %scan3A_139, %select_n3A_2761 : vector<16xf32>
      %eq3A_2763 = arith.constant 8 : i32
      %eq3A_2764 = vector.broadcast %eq3A_2763 : i32 to vector<16xi32>
      %eq3A_2765 = arith.cmpi eq, %get3A_144, %eq3A_2764 : vector<16xi32>
      %jit3A_2766 = arith.constant 1.000000e+00 : f32
      %jit3A_2767 = arith.constant 0.000000e+00 : f32
      %broadcast_in_dim3A_2768 = vector.broadcast %jit3A_2766 : f32 to vector<16xf32>
      %broadcast_in_dim3A_2769 = vector.broadcast %jit3A_2767 : f32 to vector<16xf32>
      %select_n3A_2770 = arith.select %eq3A_2765, %broadcast_in_dim3A_2768, %broadcast_in_dim3A_2769 : vector<16xi1>, vector<16xf32>
      %add3A_2771 = arith.addf %scan3A_140, %select_n3A_2770 : vector<16xf32>
      scf.yield %add3A_2634, %add3A_2641, %add3A_2648, %add3A_2655, %add3A_2662, %add3A_2669, %add3A_2676, %add3A_2683, %add3A_2690, %add3A_2699, %add3A_2708, %add3A_2717, %add3A_2726, %add3A_2735, %add3A_2744, %add3A_2753, %add3A_2762, %add3A_2771 : vector<16xf32>, vector<16xf32>, vector<16xf32>, vector<16xf32>, vector<16xf32>, vector<16xf32>, vector<16xf32>, vector<16xf32>, vector<16xf32>, vector<16xf32>, vector<16xf32>, vector<16xf32>, vector<16xf32>, vector<16xf32>, vector<16xf32>, vector<16xf32>, vector<16xf32>, vector<16xf32>
    }
    %scan3A_14 = arith.constant 32 : i32
    %swap3A = arith.constant 0 : i32
    %swap3A_15 = arith.index_cast %swap3A : i32 to index
    %swap3A_16 = arith.constant 0 : index
    %swap3A_17 = tpu.vector_load %arg9[%swap3A_15, %swap3A_16] {strides = array<i32>} : memref<18x16xf32, #tpu.memory_space<vmem>>, vector<1x16xf32>,
    %swap3A_18 = vector.shape_cast %swap3A_17 : vector<1x16xf32> to vector<16xf32>
    %swap3A_19 = vector.shape_cast %scan3A_13#0 : vector<16xf32> to vector<1x16xf32>
    tpu.vector_store %arg9[%swap3A_15, %swap3A_16], %swap3A_19 {strides = array<i32>} : memref<18x16xf32, #tpu.memory_space<vmem>>, vector<1x16xf32>,
    %swap3A_20 = arith.constant 1 : i32
    %swap3A_21 = arith.index_cast %swap3A_20 : i32 to index
    %swap3A_22 = arith.constant 0 : index
    %swap3A_23 = tpu.vector_load %arg9[%swap3A_21, %swap3A_22] {strides = array<i32>} : memref<18x16xf32, #tpu.memory_space<vmem>>, vector<1x16xf32>,
    %swap3A_24 = vector.shape_cast %swap3A_23 : vector<1x16xf32> to vector<16xf32>
    %swap3A_25 = vector.shape_cast %scan3A_13#1 : vector<16xf32> to vector<1x16xf32>
    tpu.vector_store %arg9[%swap3A_21, %swap3A_22], %swap3A_25 {strides = array<i32>} : memref<18x16xf32, #tpu.memory_space<vmem>>, vector<1x16xf32>,
    %swap3A_26 = arith.constant 2 : i32
    %swap3A_27 = arith.index_cast %swap3A_26 : i32 to index
    %swap3A_28 = arith.constant 0 : index
    %swap3A_29 = tpu.vector_load %arg9[%swap3A_27, %swap3A_28] {strides = array<i32>} : memref<18x16xf32, #tpu.memory_space<vmem>>, vector<1x16xf32>,
    %swap3A_30 = vector.shape_cast %swap3A_29 : vector<1x16xf32> to vector<16xf32>
    %swap3A_31 = vector.shape_cast %scan3A_13#2 : vector<16xf32> to vector<1x16xf32>
    tpu.vector_store %arg9[%swap3A_27, %swap3A_28], %swap3A_31 {strides = array<i32>} : memref<18x16xf32, #tpu.memory_space<vmem>>, vector<1x16xf32>,
    %swap3A_32 = arith.constant 3 : i32
    %swap3A_33 = arith.index_cast %swap3A_32 : i32 to index
    %swap3A_34 = arith.constant 0 : index
    %swap3A_35 = tpu.vector_load %arg9[%swap3A_33, %swap3A_34] {strides = array<i32>} : memref<18x16xf32, #tpu.memory_space<vmem>>, vector<1x16xf32>,
    %swap3A_36 = vector.shape_cast %swap3A_35 : vector<1x16xf32> to vector<16xf32>
    %swap3A_37 = vector.shape_cast %scan3A_13#3 : vector<16xf32> to vector<1x16xf32>
    tpu.vector_store %arg9[%swap3A_33, %swap3A_34], %swap3A_37 {strides = array<i32>} : memref<18x16xf32, #tpu.memory_space<vmem>>, vector<1x16xf32>,
    %swap3A_38 = arith.constant 4 : i32
    %swap3A_39 = arith.index_cast %swap3A_38 : i32 to index
    %swap3A_40 = arith.constant 0 : index
    %swap3A_41 = tpu.vector_load %arg9[%swap3A_39, %swap3A_40] {strides = array<i32>} : memref<18x16xf32, #tpu.memory_space<vmem>>, vector<1x16xf32>,
    %swap3A_42 = vector.shape_cast %swap3A_41 : vector<1x16xf32> to vector<16xf32>
    %swap3A_43 = vector.shape_cast %scan3A_13#4 : vector<16xf32> to vector<1x16xf32>
    tpu.vector_store %arg9[%swap3A_39, %swap3A_40], %swap3A_43 {strides = array<i32>} : memref<18x16xf32, #tpu.memory_space<vmem>>, vector<1x16xf32>,
    %swap3A_44 = arith.constant 5 : i32
    %swap3A_45 = arith.index_cast %swap3A_44 : i32 to index
    %swap3A_46 = arith.constant 0 : index
    %swap3A_47 = tpu.vector_load %arg9[%swap3A_45, %swap3A_46] {strides = array<i32>} : memref<18x16xf32, #tpu.memory_space<vmem>>, vector<1x16xf32>,
    %swap3A_48 = vector.shape_cast %swap3A_47 : vector<1x16xf32> to vector<16xf32>
    %swap3A_49 = vector.shape_cast %scan3A_13#5 : vector<16xf32> to vector<1x16xf32>
    tpu.vector_store %arg9[%swap3A_45, %swap3A_46], %swap3A_49 {strides = array<i32>} : memref<18x16xf32, #tpu.memory_space<vmem>>, vector<1x16xf32>,
    %swap3A_50 = arith.constant 6 : i32
    %swap3A_51 = arith.index_cast %swap3A_50 : i32 to index
    %swap3A_52 = arith.constant 0 : index
    %swap3A_53 = tpu.vector_load %arg9[%swap3A_51, %swap3A_52] {strides = array<i32>} : memref<18x16xf32, #tpu.memory_space<vmem>>, vector<1x16xf32>,
    %swap3A_54 = vector.shape_cast %swap3A_53 : vector<1x16xf32> to vector<16xf32>
    %swap3A_55 = vector.shape_cast %scan3A_13#6 : vector<16xf32> to vector<1x16xf32>
    tpu.vector_store %arg9[%swap3A_51, %swap3A_52], %swap3A_55 {strides = array<i32>} : memref<18x16xf32, #tpu.memory_space<vmem>>, vector<1x16xf32>,
    %swap3A_56 = arith.constant 7 : i32
    %swap3A_57 = arith.index_cast %swap3A_56 : i32 to index
    %swap3A_58 = arith.constant 0 : index
    %swap3A_59 = tpu.vector_load %arg9[%swap3A_57, %swap3A_58] {strides = array<i32>} : memref<18x16xf32, #tpu.memory_space<vmem>>, vector<1x16xf32>,
    %swap3A_60 = vector.shape_cast %swap3A_59 : vector<1x16xf32> to vector<16xf32>
    %swap3A_61 = vector.shape_cast %scan3A_13#7 : vector<16xf32> to vector<1x16xf32>
    tpu.vector_store %arg9[%swap3A_57, %swap3A_58], %swap3A_61 {strides = array<i32>} : memref<18x16xf32, #tpu.memory_space<vmem>>, vector<1x16xf32>,
    %swap3A_62 = arith.constant 8 : i32
    %swap3A_63 = arith.index_cast %swap3A_62 : i32 to index
    %swap3A_64 = arith.constant 0 : index
    %swap3A_65 = tpu.vector_load %arg9[%swap3A_63, %swap3A_64] {strides = array<i32>} : memref<18x16xf32, #tpu.memory_space<vmem>>, vector<1x16xf32>,
    %swap3A_66 = vector.shape_cast %swap3A_65 : vector<1x16xf32> to vector<16xf32>
    %swap3A_67 = vector.shape_cast %scan3A_13#8 : vector<16xf32> to vector<1x16xf32>
    tpu.vector_store %arg9[%swap3A_63, %swap3A_64], %swap3A_67 {strides = array<i32>} : memref<18x16xf32, #tpu.memory_space<vmem>>, vector<1x16xf32>,
    %swap3A_68 = arith.constant 9 : i32
    %swap3A_69 = arith.index_cast %swap3A_68 : i32 to index
    %swap3A_70 = arith.constant 0 : index
    %swap3A_71 = tpu.vector_load %arg9[%swap3A_69, %swap3A_70] {strides = array<i32>} : memref<18x16xf32, #tpu.memory_space<vmem>>, vector<1x16xf32>,
    %swap3A_72 = vector.shape_cast %swap3A_71 : vector<1x16xf32> to vector<16xf32>
    %swap3A_73 = vector.shape_cast %scan3A_13#9 : vector<16xf32> to vector<1x16xf32>
    tpu.vector_store %arg9[%swap3A_69, %swap3A_70], %swap3A_73 {strides = array<i32>} : memref<18x16xf32, #tpu.memory_space<vmem>>, vector<1x16xf32>,
    %swap3A_74 = arith.constant 10 : i32
    %swap3A_75 = arith.index_cast %swap3A_74 : i32 to index
    %swap3A_76 = arith.constant 0 : index
    %swap3A_77 = tpu.vector_load %arg9[%swap3A_75, %swap3A_76] {strides = array<i32>} : memref<18x16xf32, #tpu.memory_space<vmem>>, vector<1x16xf32>,
    %swap3A_78 = vector.shape_cast %swap3A_77 : vector<1x16xf32> to vector<16xf32>
    %swap3A_79 = vector.shape_cast %scan3A_13#10 : vector<16xf32> to vector<1x16xf32>
    tpu.vector_store %arg9[%swap3A_75, %swap3A_76], %swap3A_79 {strides = array<i32>} : memref<18x16xf32, #tpu.memory_space<vmem>>, vector<1x16xf32>,
    %swap3A_80 = arith.constant 11 : i32
    %swap3A_81 = arith.index_cast %swap3A_80 : i32 to index
    %swap3A_82 = arith.constant 0 : index
    %swap3A_83 = tpu.vector_load %arg9[%swap3A_81, %swap3A_82] {strides = array<i32>} : memref<18x16xf32, #tpu.memory_space<vmem>>, vector<1x16xf32>,
    %swap3A_84 = vector.shape_cast %swap3A_83 : vector<1x16xf32> to vector<16xf32>
    %swap3A_85 = vector.shape_cast %scan3A_13#11 : vector<16xf32> to vector<1x16xf32>
    tpu.vector_store %arg9[%swap3A_81, %swap3A_82], %swap3A_85 {strides = array<i32>} : memref<18x16xf32, #tpu.memory_space<vmem>>, vector<1x16xf32>,
    %swap3A_86 = arith.constant 12 : i32
    %swap3A_87 = arith.index_cast %swap3A_86 : i32 to index
    %swap3A_88 = arith.constant 0 : index
    %swap3A_89 = tpu.vector_load %arg9[%swap3A_87, %swap3A_88] {strides = array<i32>} : memref<18x16xf32, #tpu.memory_space<vmem>>, vector<1x16xf32>,
    %swap3A_90 = vector.shape_cast %swap3A_89 : vector<1x16xf32> to vector<16xf32>
    %swap3A_91 = vector.shape_cast %scan3A_13#12 : vector<16xf32> to vector<1x16xf32>
    tpu.vector_store %arg9[%swap3A_87, %swap3A_88], %swap3A_91 {strides = array<i32>} : memref<18x16xf32, #tpu.memory_space<vmem>>, vector<1x16xf32>,
    %swap3A_92 = arith.constant 13 : i32
    %swap3A_93 = arith.index_cast %swap3A_92 : i32 to index
    %swap3A_94 = arith.constant 0 : index
    %swap3A_95 = tpu.vector_load %arg9[%swap3A_93, %swap3A_94] {strides = array<i32>} : memref<18x16xf32, #tpu.memory_space<vmem>>, vector<1x16xf32>,
    %swap3A_96 = vector.shape_cast %swap3A_95 : vector<1x16xf32> to vector<16xf32>
    %swap3A_97 = vector.shape_cast %scan3A_13#13 : vector<16xf32> to vector<1x16xf32>
    tpu.vector_store %arg9[%swap3A_93, %swap3A_94], %swap3A_97 {strides = array<i32>} : memref<18x16xf32, #tpu.memory_space<vmem>>, vector<1x16xf32>,
    %swap3A_98 = arith.constant 14 : i32
    %swap3A_99 = arith.index_cast %swap3A_98 : i32 to index
    %swap3A_100 = arith.constant 0 : index
    %swap3A_101 = tpu.vector_load %arg9[%swap3A_99, %swap3A_100] {strides = array<i32>} : memref<18x16xf32, #tpu.memory_space<vmem>>, vector<1x16xf32>,
    %swap3A_102 = vector.shape_cast %swap3A_101 : vector<1x16xf32> to vector<16xf32>
    %swap3A_103 = vector.shape_cast %scan3A_13#14 : vector<16xf32> to vector<1x16xf32>
    tpu.vector_store %arg9[%swap3A_99, %swap3A_100], %swap3A_103 {strides = array<i32>} : memref<18x16xf32, #tpu.memory_space<vmem>>, vector<1x16xf32>,
    %swap3A_104 = arith.constant 15 : i32
    %swap3A_105 = arith.index_cast %swap3A_104 : i32 to index
    %swap3A_106 = arith.constant 0 : index
    %swap3A_107 = tpu.vector_load %arg9[%swap3A_105, %swap3A_106] {strides = array<i32>} : memref<18x16xf32, #tpu.memory_space<vmem>>, vector<1x16xf32>,
    %swap3A_108 = vector.shape_cast %swap3A_107 : vector<1x16xf32> to vector<16xf32>
    %swap3A_109 = vector.shape_cast %scan3A_13#15 : vector<16xf32> to vector<1x16xf32>
    tpu.vector_store %arg9[%swap3A_105, %swap3A_106], %swap3A_109 {strides = array<i32>} : memref<18x16xf32, #tpu.memory_space<vmem>>, vector<1x16xf32>,
    %swap3A_110 = arith.constant 16 : i32
    %swap3A_111 = arith.index_cast %swap3A_110 : i32 to index
    %swap3A_112 = arith.constant 0 : index
    %swap3A_113 = tpu.vector_load %arg9[%swap3A_111, %swap3A_112] {strides = array<i32>} : memref<18x16xf32, #tpu.memory_space<vmem>>, vector<1x16xf32>,
    %swap3A_114 = vector.shape_cast %swap3A_113 : vector<1x16xf32> to vector<16xf32>
    %swap3A_115 = vector.shape_cast %scan3A_13#16 : vector<16xf32> to vector<1x16xf32>
    tpu.vector_store %arg9[%swap3A_111, %swap3A_112], %swap3A_115 {strides = array<i32>} : memref<18x16xf32, #tpu.memory_space<vmem>>, vector<1x16xf32>,
    %swap3A_116 = arith.constant 17 : i32
    %swap3A_117 = arith.index_cast %swap3A_116 : i32 to index
    %swap3A_118 = arith.constant 0 : index
    %swap3A_119 = tpu.vector_load %arg9[%swap3A_117, %swap3A_118] {strides = array<i32>} : memref<18x16xf32, #tpu.memory_space<vmem>>, vector<1x16xf32>,
    %swap3A_120 = vector.shape_cast %swap3A_119 : vector<1x16xf32> to vector<16xf32>
    %swap3A_121 = vector.shape_cast %scan3A_13#17 : vector<16xf32> to vector<1x16xf32>
    tpu.vector_store %arg9[%swap3A_117, %swap3A_118], %swap3A_121 {strides = array<i32>} : memref<18x16xf32, #tpu.memory_space<vmem>>, vector<1x16xf32>,
    "tpu.region"() ({
      %run_scoped3A = tpu.sem_alloc : memref<!tpu.dma_semaphore, #tpu.memory_space<semaphore_mem>>
      %dma_start3A_122 = arith.constant 0 : i32
      %dma_start3A_123 = arith.constant 0 : i32
      %dma_start3A_124 = tpu.memref_slice %arg5[%add3A, %dma_start3A_122, %dma_start3A_123] : memref<32x18x16xf32, #tpu.memory_space<hbm>> -> memref<1x18x16xf32, #tpu.memory_space<hbm>>
      %dma_start3A_125 = tpu.memref_squeeze %dma_start3A_124 : memref<1x18x16xf32, #tpu.memory_space<hbm>> -> memref<18x16xf32, #tpu.memory_space<hbm>>
      %dma_start3A_126 = arith.constant 0 : i32
      %dma_start3A_127 = arith.constant 0 : i32
      %dma_start3A_128 = tpu.memref_slice %arg5[%add3A, %dma_start3A_126, %dma_start3A_127] : memref<32x18x16xf32, #tpu.memory_space<hbm>> -> memref<1x18x16xf32, #tpu.memory_space<hbm>>
      %dma_start3A_129 = tpu.memref_squeeze %dma_start3A_128 : memref<1x18x16xf32, #tpu.memory_space<hbm>> -> memref<18x16xf32, #tpu.memory_space<hbm>>
      tpu.enqueue_dma source(%arg9 : memref<18x16xf32, #tpu.memory_space<vmem>>) target(%dma_start3A_129 : memref<18x16xf32, #tpu.memory_space<hbm>>) target_semaphore(%run_scoped3A : memref<!tpu.dma_semaphore, #tpu.memory_space<semaphore_mem>>)
      %dma_wait3A_130 = arith.constant 0 : i32
      %dma_wait3A_131 = arith.constant 0 : i32
      %dma_wait3A_132 = tpu.memref_slice %arg5[%add3A, %dma_wait3A_130, %dma_wait3A_131] : memref<32x18x16xf32, #tpu.memory_space<hbm>> -> memref<1x18x16xf32, #tpu.memory_space<hbm>>
      %dma_wait3A_133 = tpu.memref_squeeze %dma_wait3A_132 : memref<1x18x16xf32, #tpu.memory_space<hbm>> -> memref<18x16xf32, #tpu.memory_space<hbm>>
      %dma_wait3A_134 = arith.constant 0 : i32
      %dma_wait3A_135 = arith.constant 0 : i32
      %dma_wait3A_136 = tpu.memref_slice %arg5[%add3A, %dma_wait3A_134, %dma_wait3A_135] : memref<32x18x16xf32, #tpu.memory_space<hbm>> -> memref<1x18x16xf32, #tpu.memory_space<hbm>>
      %dma_wait3A_137 = tpu.memref_squeeze %dma_wait3A_136 : memref<1x18x16xf32, #tpu.memory_space<hbm>> -> memref<18x16xf32, #tpu.memory_space<hbm>>
      tpu.wait_dma2 semaphore(%run_scoped3A : memref<!tpu.dma_semaphore, #tpu.memory_space<semaphore_mem>>) src(%arg9 : memref<18x16xf32, #tpu.memory_space<vmem>>) dst(%dma_wait3A_137 : memref<18x16xf32, #tpu.memory_space<hbm>>)
      tpu.yield
    }) : () -> ()
    return
  }
}

</mosaic_0001>

<sc_bundles>
// kernel: kernel.3.cloned.1.call-start
scs
__scs_entry_jumppad:
0x0: {  	(pc) =	sbr.rel $0x88, $3  }
0x1: {  	(tag) =	ssettag $0x0;
	lr =	simm.s32 $0x1  }
0x2: {  	[smem:$0x3F9E] =	sst lr;
	_ =	strace $0xD0000000  }
0x3: {  	_ = 	snop  }
0x4: {  	_ = 	snop  }
0x5: {  	_ = 	snop  }
0x6: {  	_ = 	snop  }
0x7: {  	_ = 	snop  }
__scs_overlays_trampoline_lowered:
0x8: {  	[smem:$0x3FAD] =	sst s0  }
0x9: {  	[smem:$0x3FAE] =	sst s1  }
0xa: {  	[smem:$0x3FAF] =	sst s2  }
0xb: {  	[smem:$0x3FB0] =	sst s3  }
0xc: {  	[smem:$0x3FB1] =	sst s4  }
0xd: {  	[smem:$0x3FB2] =	sst s5  }
0xe: {  	[smem:$0x3FB3] =	sst s6  }
0xf: {  	[smem:$0x3FB4] =	sst s7  }
0x10: {  	[smem:$0x3FB5] =	sst s8  }
0x11: {  	[smem:$0x3FB6] =	sst s9;
	s0 =	simm.s32 @!p0 $0x0  }
0x12: {  	s1 =	sld [smem:$0x3F9C];
	s0 =	simm.s32 @p0 $0x1  }
0x13: {  	[smem:$0x3FB7] =	sst s0;
	s0 =	simm.s32 @!p1 $0x0  }
0x14: {  	s2 =	sld [smem:$0x3F9B];
	s0 =	simm.s32 @p1 $0x1  }
0x15: {  	[smem:$0x3FB8] =	sst s0;
	s0 =	simm.s32 @!p2 $0x0  }
0x16: {  	s3 =	sld [smem:$0x3FDB];
	s0 =	simm.s32 @p2 $0x1  }
0x17: {  	s4 =	simm.s32 $0x1BF5;
	[smem:$0x3FBA] =	sst s0  }
0x18: {  	s0 =	sld [smem:$0x3F9D];
	_ =	swait.ge [sflag:s4], $0x0  }
0x19: {  	s7 =	sld [smem:$0x3F9E]  }
0x1a: {  	s8 =	sadd.s32 $0xFFFFE003, lr  }
0x1b: {  	s9 =	sadd.s32 $0xFFFFFEF7, lr;
	s5 =	simm.s32 $0xFFFFFFFF;
	p2 =	slt.u32 s8, $0xFFFFF086  }
0x1c: {  	p1 =	slt.u32 s9, $0xF7A;
	s5 =	simm.s32 @!p2 $0x0  }
0x1d: {  	s5 =	simm.s32 @p1 $0x1;
	p0 =	seq.s32 s7, s2  }
0x1e: {  	s7 =	smul.u32 @!p0 $0xF7A, s2;
	p2 =	seq.s32 @!p0 s5, $0x0  }
0x1f: {  	s9 =	smul.u32 $0xF7A, s1;
	s8 =	simm.s32 @!p0 $0x1BF5;
	p2 =	por !p2, p0  }
0x20: {  	[sflag:s8] =	ssyncset.s32 @!p0 $0xFFFFF086;
	s6 =	sadd.s32 @!p0 s3, s7;
	s7 =	simm.s32 @!p0 $0x108  }
0x21: {  	s3 =	sadd.s32 s3, s9;
	s6 =	sadd.s32 @!p0 $0x88, s6;
	s7 =	simm.s32 @p2 $0x1082  }
0x22: {  	[simem:s7], [sflag:s8] =	dma.local @!p0 [hbm:s6], $0xF7A  }
0x23: {  	s9 =	sor.u32 $0xD0000000, s2;
	s6 =	simm.s32 $0x108;
	_ =	swait.ge @!p0 [sflag:s8], $0x0  }
0x24: {  	s3 =	sadd.s32 $0x88, s3;
	s6 =	simm.s32 @!p1 $0x1082;
	[sflag:s4] =	ssyncset.s32 $0xFFFFF086  }
0x25: {  	[simem:s6], [sflag:s4] =	dma.local [hbm:s3], $0xF7A  }
0x26: {  	[smem:$0x3F9E] =	sst s1;
	(tag) =	ssettag s2;
	_ =	strace s9  }
0x27: {  	s1 =	sld [smem:$0x3FAE]  }
0x28: {  	s2 =	sld [smem:$0x3FAF]  }
0x29: {  	s4 =	sld [smem:$0x3FB1]  }
0x2a: {  	p0 =	seq.s32 s5, $0x0;
	s5 =	sld [smem:$0x3FB2]  }
0x2b: {  	s6 =	sld [smem:$0x3FB3]  }
0x2c: {  	s7 =	sld [smem:$0x3FB4]  }
0x2d: {  	s3 =	simm.s32 $0x108;
	s8 =	sld [smem:$0x3FB5]  }
0x2e: {  	s3 =	simm.s32 @!p0 $0x1082;
	s9 =	sld [smem:$0x3FB6]  }
0x2f: {  	lr =	sadd.s32 s0, s3;
	s0 =	sld [smem:$0x3FAD]  }
0x30: {  	s3 =	sld [smem:$0x3FB0]  }
0x31: {  	[smem:$0x3FB9] =	sst s10  }
0x32: {  	s10 =	sld [smem:$0x3FB7];
	_ =	sdelay $0x3  }
0x33: {  	p0 =	seq.s32 s10, $0x1;
	s10 =	sld [smem:$0x3FB9];
	_ =	sdelay $0x3  }
0x34: {  	[smem:$0x3FB9] =	sst s10  }
0x35: {  	s10 =	sld [smem:$0x3FB8];
	_ =	sdelay $0x3  }
0x36: {  	p1 =	seq.s32 s10, $0x1;
	s10 =	sld [smem:$0x3FB9];
	_ =	sdelay $0x3  }
0x37: {  	[smem:$0x3FB9] =	sst s10  }
0x38: {  	s10 =	sld [smem:$0x3FBA]  }
0x39: {  	_ = 	snop;
	(pc) =	sbr.ind lr, $3  }
0x3a: {  	_ = 	snop  }
0x3b: {  	_ = 	snop  }
0x3c: {  	p2 =	seq.s32 s10, $0x1;
	s10 =	sld [smem:$0x3FB9]  }
0x3d: {  	_ =	shalt  }
0x3e: {  	_ =	shalt  }
0x3f: {  	_ =	shalt  }
0x40: {  	_ =	shalt  }
0x41: {  	_ =	shalt  }
0x42: {  	_ =	shalt  }
0x43: {  	_ =	shalt  }
0x44: {  	_ =	shalt  }
0x45: {  	_ =	shalt  }
0x46: {  	_ =	shalt  }
0x47: {  	_ =	shalt  }
0x48: {  	_ =	shalt  }
0x49: {  	_ =	shalt  }
0x4a: {  	_ =	shalt  }
0x4b: {  	_ =	shalt  }
0x4c: {  	_ =	shalt  }
0x4d: {  	_ =	shalt  }
0x4e: {  	_ =	shalt  }
0x4f: {  	_ =	shalt  }
0x50: {  	_ =	shalt  }
0x51: {  	_ =	shalt  }
0x52: {  	_ =	shalt  }
0x53: {  	_ =	shalt  }
0x54: {  	_ =	shalt  }
0x55: {  	_ =	shalt  }
0x56: {  	_ =	shalt  }
0x57: {  	_ =	shalt  }
0x58: {  	_ =	shalt  }
0x59: {  	_ =	shalt  }
0x5a: {  	_ =	shalt  }
0x5b: {  	_ =	shalt  }
0x5c: {  	_ =	shalt  }
0x5d: {  	_ =	shalt  }
0x5e: {  	_ =	shalt  }
0x5f: {  	_ =	shalt  }
0x60: {  	_ =	shalt  }
0x61: {  	_ =	shalt  }
0x62: {  	_ =	shalt  }
0x63: {  	_ =	shalt  }
0x64: {  	_ =	shalt  }
0x65: {  	_ =	shalt  }
0x66: {  	_ =	shalt  }
0x67: {  	_ =	shalt  }
0x68: {  	_ =	shalt  }
0x69: {  	_ =	shalt  }
0x6a: {  	_ =	shalt  }
0x6b: {  	_ =	shalt  }
0x6c: {  	_ =	shalt  }
0x6d: {  	_ =	shalt  }
0x6e: {  	_ =	shalt  }
0x6f: {  	_ =	shalt  }
0x70: {  	_ =	shalt  }
0x71: {  	_ =	shalt  }
0x72: {  	_ =	shalt  }
0x73: {  	_ =	shalt  }
0x74: {  	_ =	shalt  }
0x75: {  	_ =	shalt  }
0x76: {  	_ =	shalt  }
0x77: {  	_ =	shalt  }
0x78: {  	_ =	shalt  }
0x79: {  	_ =	shalt  }
0x7a: {  	_ =	shalt  }
0x7b: {  	_ =	shalt  }
0x7c: {  	_ =	shalt  }
0x7d: {  	_ =	shalt  }
0x7e: {  	_ =	shalt  }
0x7f: {  	_ =	shalt  }
0x80: {  	_ =	shalt  }
0x81: {  	_ =	shalt  }
0x82: {  	_ =	shalt  }
0x83: {  	_ =	shalt  }
0x84: {  	_ =	shalt  }
0x85: {  	_ =	shalt  }
0x86: {  	_ =	shalt  }
0x87: {  	_ =	shalt  }
.Lfunc_end0:
.L_simem_size_0:
called_computation_lowered:
.L_overlay_start_0:
0x88: {  	s2 =	sld [smem:$0x3FD9]  }
0x89: {  	s3 =	sld [smem:$0x3FFE];
	_ =	sdelay $0x1  }
0x8a: {  	s1 =	srdreg.scid  }
0x8b: {  	s0 =	sand.u32 $0x1, s1  }
0x8c: {  	s17 =	sshll.u32 s0, $0xA;
	s2 =	sadd.s32 s3, s2  }
0x8d: {  	s2 =	sadd.s32 s2, s17  }
0x8e: {  	[smem:$0x3FC5] =	sst s2  }
0x8f: {  	_ = 	snop  }
0x90: {  	s2 =	sld [smem:$0x3FC9]  }
0x91: {  	s18 =	sld [smem:$0x3FC8]  }
0x92: {  	s4 =	sld [smem:$0x3FC7];
	(tm) =	ssettm $0x1  }
0x93: {  	s5 =	sld [smem:$0x3FFB];
	_ =	sdelay $0x3  }
0x94: {  	_ =	strace s5  }
0x95: {  	s5 =	sld [smem:$0x3FFC];
	_ =	sdelay $0x3  }
0x96: {  	_ =	strace s5  }
0x97: {  	s5 =	sld [smem:$0x3FFD];
	_ =	sdelay $0x3  }
0x98: {  	_ =	strace s5  }
0x99: {  	_ =	strace $0x8FFFFFFF  }
0x9a: {  	s19 =	sld [smem:$0x3FDB];
	_ =	sdelay $0x1  }
0x9b: {  	s6 =	simm.s32 $_scs_section_size  }
0x9c: {  	s7 =	simm.s32 $_size__tile_overlayer_lowered;
	s8 =	simm.s32 $_tile_overlayer_lowered  }
0x9d: {  	s22 =	simm.s32 $0x1BFF;
	s21 =	sshll.u32 s8, $0x1;
	s5 =	sadd.s32 s6, s19  }
0x9e: {  	s9 =	simm.s32 $0x0;
	s20 =	sshll.u32 s7, $0x1;
	s7 =	sadd.s32 s21, s5  }
0x9f: {  	[timem:s9], [sflag:s22] =	dma.local [hbm:s7], s20  }
0xa0: {  	_ =	swait.ge [sflag:s22], s20  }
0xa1: {  	s6 =	ssub.s32 $0x0, s20;
	[sflag:s22] =	ssyncset.done $0x0  }
0xa2: {  	[sflag:s22] =	ssyncadd.s32 s6;
	_ =	sdelay $0x1  }
0xa3: {  	s23 =	simm.s32 $0x1B8B  }
0xa4: {  	_ =	swait.ge [sflag:s23], $0x1  }
0xa5: {  	[sflag:s23] =	ssyncset.done $0x0  }
0xa6: {  	s25 =	simm.s32 $0x1B8E;
	s24 =	sld [smem:$0x3FFE];
	[sflag:s23] =	ssyncadd.s32 $0xFFFFFFFF  }
0xa7: {  	s26 =	simm.s32 $execute0_lowered;
	[smem:$0x3FD2] =	sst s25  }
0xa8: {  	s7 =	sshll.u32 s26, $0x1;
	_ =	strace $0x80000046;
	[dreg:$0x1] =	wrdreg $0xFFFFFFFF  }
0xa9: {  	s28 =	simm.s32 $_size_execute0_lowered;
	s5 =	sadd.s32 s5, s7;
	[dreg:$0x0] =	wrdreg $0x0  }
0xaa: {  	s7 =	sshll.u32 s28, $0x1;
	[dreg:$0x2] =	wrdreg s5  }
0xab: {  	[dreg:$0x3] =	wrdreg s7  }
0xac: {  	[dreg:$0x4] =	wrdreg $0xC0  }
0xad: {  	_ =	task [dreg:s9], $0x5FFFF  }
0xae: {  	[dreg:$0x1] =	wrdreg $0xFFFFFFFF  }
0xaf: {  	[dreg:$0x0] =	wrdreg $0x60  }
0xb0: {  	[dreg:$0x2] =	wrdreg s2  }
0xb1: {  	[dreg:$0x3] =	wrdreg s18  }
0xb2: {  	[dreg:$0x4] =	wrdreg s4  }
0xb3: {  	[dreg:$0x5] =	wrdreg s24  }
0xb4: {  	[dreg:$0x6] =	wrdreg $0x9  }
0xb5: {  	_ =	task.clear_ibuf [dreg:s9], $0x7FFFF;
	_ =	strace $0x90000046  }
0xb6: {  	s29 =	simm.s32 $0x9;
	_ =	strace $0x80000048  }
0xb7: {  	_ =	swait.ge [sflag:s29], $0x1  }
0xb8: {  	[sflag:s29] =	ssyncadd.s32 $0xFFFFFFFF  }
0xb9: {  	_ =	strace $0x90000048  }
0xba: {  	_ =	sfence  }
0xbb: {  	s30 =	sld [smem:$0x0];
	_ =	sdelay $0x2  }
0xbc: {  	s31 =	sshll.u32 s1, $0xD;
	s1 =	sshrl.u32 s1, $0x2  }
0xbd: {  	s3 =	sand.u32 $0x4000, s31;
	s1 =	sadd.s32 s1, s30  }
0xbe: {  	s0 =	sor.u32 s3, s0;
	s1 =	sshll.u32 s1, $0x11  }
0xbf: {  	s0 =	sor.u32 s1, s0  }
0xc0: {  	s0 =	sadd.s32 $0x8F2B, s0  }
0xc1: {  	[sflag:s0] =	ssyncadd.remote.s32 $0x1  }
0xc2: {  	_ =	sfence.sel $0xFFFF  }
0xc3: {  	[dreg:$0x0] =	wrdreg $0xFFFFFFFF;
	(pc) =	sbr.abs _section_cstart, $3  }
0xc4: {  	[dreg:$0x1] =	wrdreg $0xFFFFFFFF  }
0xc5: {  	_ =	task.clear_ibuf [dreg:s9], $0x2FFFF;
	_ =	strace $0x9FFFFFFF  }
0xc6: {  	(tm) =	ssettm $0x7FFFFFFF  }
0xc7: {  	_ =	shalt  }
tec
execute0_lowered:
.L_overlay_start_1:
0x0: {  	(tag) =	ssettag $0x1  }
0x1: {  	v0 =	vimm.s32 $0xFEDCBA98;
	v1 =	vimm.s32 $0x76543210;
	v2 =	vimm.s32 $0xBA98FEDC  }
0x2: {  	v3 =	vimm.s32 $0x32107654;
	v4 =	vimm.s32 $0xDCFE98BA;
	v5 =	vimm.s32 $0x54761032  }
0x3: {  	v6 =	vimm.s32 $0xEFCDAB89;
	v7 =	vimm.s32 $0x67452301;
	v0 =	vunpack.c.l.s4.s8 v0  }
0x4: {  	v1 =	vunpack.c.l.s4.s8 v1;
	v2 =	vunpack.c.l.s4.s8 v2;
	v3 =	vunpack.c.l.s4.s8 v3  }
0x5: {  	v4 =	vunpack.c.l.s4.s8 v4;
	v5 =	vunpack.c.l.s4.s8 v5;
	v6 =	vunpack.c.l.s4.s8 v6  }
0x6: {  	v7 =	vunpack.c.l.s4.s8 v7;
	v0 =	vunpack.c.0.s8.s32 v0;
	v2 =	vunpack.c.0.s8.s32 v2  }
0x7: {  	v3 =	vunpack.c.0.s8.s32 v3;
	v4 =	vunpack.c.0.s8.s32 v4;
	v1 =	vunpack.c.0.s8.s32 v1  }
0x8: {  	s5 =	rddreg [dreg:$0x0];
	v5 =	vunpack.c.0.s8.s32 v5;
	v6 =	vunpack.c.0.s8.s32 v6;
	v0 =	vand.u32 $0xF, v0  }
0x9: {  	s4 =	rddreg [dreg:$0x1];
	v7 =	vunpack.c.0.s8.s32 v7;
	v2 =	vcombine.low v3, v2;
	v0 =	vcombine.low v0, v1  }
0xa: {  	s0 =	rddreg [dreg:$0x2];
	v44 =	vcombine.low v5, v4  }
0xb: {  	s6 =	rddreg [dreg:$0x3];
	s3 =	simm.s32 $0x0;
	v45 =	vcombine.low v7, v6;
	v46 =	vand.u32 $0xF, v2;
	[tilespmem:$0x1FED0] =	vst v0  }
0xc: {  	[smem:$0x7FF] =	sst s3;
	v47 =	vand.u32 $0xF, v44;
	[tilespmem:$0x1FEE0] =	vst v46  }
0xd: {  	s1 =	rddreg [dreg:$0x4];
	vm0 =	vmmov $0x1;
	v49 =	vimm.s32 $0x0;
	v48 =	vand.u32 $0xF, v45;
	_ =	strace $0x80000047;
	[tilespmem:$0x1FEF0] =	vst v47  }
0xe: {  	vm14 =	vmmov $0x3;
	v50 =	vimm.s32 $0x0;
	v0 =	vsel vm0, $0xFFFFFFFF, v49;
	[tilespmem:$0x1FF00] =	vst v48  }
0xf: {  	vm15 =	vmmov $0x7;
	v51 =	vimm.s32 $0x0;
	[tilespmem:$0x1FF10] =	vst v0;
	v0 =	vsel vm14, $0xFFFFFFFF, v50  }
0x10: {  	vm4 =	vmmov $0xf;
	v52 =	vimm.s32 $0x0;
	[tilespmem:$0x1FF20] =	vst v0;
	v0 =	vsel vm15, $0xFFFFFFFF, v51  }
0x11: {  	vm5 =	vmmov $0x1f;
	v53 =	vimm.s32 $0x0;
	[tilespmem:$0x1FF30] =	vst v0;
	v0 =	vsel vm4, $0xFFFFFFFF, v52  }
0x12: {  	vm6 =	vmmov $0x3f;
	v54 =	vimm.s32 $0x0;
	[tilespmem:$0x1FF40] =	vst v0;
	v0 =	vsel vm5, $0xFFFFFFFF, v53  }
0x13: {  	vm7 =	vmmov $0x7f;
	v55 =	vimm.s32 $0x0;
	[tilespmem:$0x1FF50] =	vst v0;
	v0 =	vsel vm6, $0xFFFFFFFF, v54  }
0x14: {  	vm8 =	vmmov $0xff;
	v56 =	vimm.s32 $0x0;
	[tilespmem:$0x1FF60] =	vst v0;
	v0 =	vsel vm7, $0xFFFFFFFF, v55  }
0x15: {  	vm9 =	vmmov $0x1ff;
	v57 =	vimm.s32 $0x0;
	[tilespmem:$0x1FF70] =	vst v0;
	v0 =	vsel vm8, $0xFFFFFFFF, v56  }
0x16: {  	s7 =	srdreg.scid;
	vm10 =	vmmov $0x3ff;
	v58 =	vimm.s32 $0x0;
	[tilespmem:$0x1FF80] =	vst v0;
	v0 =	vsel vm9, $0xFFFFFFFF, v57  }
0x17: {  	s2 =	stileid.u32;
	vm11 =	vmmov $0x7ff;
	v59 =	vimm.s32 $0x0;
	s7 =	sand.u32 $0x1, s7;
	[tilespmem:$0x1FF90] =	vst v0;
	v0 =	vsel vm10, $0xFFFFFFFF, v58  }
0x18: {  	vm12 =	vmmov $0xfff;
	v60 =	vimm.s32 $0x0;
	s12 =	simm.s32 $0x10A00;
	s8 =	sshll.u32 s2, $0x1;
	s9 =	ssub.s32 $0x2, s7;
	[tilespmem:$0x1FFA0] =	vst v0;
	v0 =	vsel vm11, $0xFFFFFFFF, v59  }
0x19: {  	vm13 =	vmmov $0x1fff;
	v61 =	vimm.s32 $0x0;
	s13 =	simm.s32 $0x0;
	s7 =	sor.u32 s7, s8;
	s31 =	sshrl.u32 s9, $0x1;
	[tilespmem:$0x1FFB0] =	vst v0;
	v0 =	vsel vm12, $0xFFFFFFFF, v60  }
0x1a: {  	v62 =	vimm.s32 $0x0;
	s10 =	sshll.u32 s7, $0x6;
	s11 =	smul.u32 $0x180, s7;
	s7 =	sshll.u32 s7, $0xD;
	vm14 =	vmmov $0x3fff;
	[tilespmem:$0x1FFC0] =	vst v0;
	v0 =	vsel vm13, $0xFFFFFFFF, v61  }
0x1b: {  	v63 =	vimm.s32 $0x0;
	s8 =	ssub.s32 s9, s31;
	s4 =	sadd.s32 s4, s10;
	s5 =	sadd.s32 s5, s7;
	vm15 =	vmmov $0x7fff;
	[tilespmem:$0x1FFD0] =	vst v0;
	v0 =	vsel vm14, $0xFFFFFFFF, v62  }
0x1c: {  	s9 =	simm.s32 $0x2;
	s10 =	simm.s32 $0x10200;
	s6 =	sadd.s32 s6, s11;
	[tilespmem:$0x1FFE0] =	vst v0;
	v0 =	vsel vm15, $0xFFFFFFFF, v63  }
0x1d: {  	s7 =	smax.u32 s8, $0x1;
	s8 =	simm.s32 $0x10000;
	s11 =	simm.s32 $0x1;
	[tilespmem:$0x1FFF0] =	vst v0  }
.LBB2_1:
0x1e: {  	[tilespmem:s8], [sflag:$0x2] =	stream.linear.gather [hbm4b:s4+s3], $0x200, $0x38;
	[tilespmem:$0x11600] =	vst v63  }
0x1f: {  	_ =	swait.ge [sflag:s9], $0x200  }
0x20: {  	[sflag:s9] =	ssyncset.done $0x0  }
0x21: {  	[sflag:s9] =	ssyncadd.s32 $0xFFFFFE00  }
0x22: {  	[tilespmem:s10], [sflag:$0x2] =	stream.linear.gather [hbm4b:s0+s3], $0x480, $0x38;
	[tilespmem:$0x11600] =	vst v63  }
0x23: {  	_ =	swait.ge [sflag:s9], $0x480  }
0x24: {  	[sflag:s9] =	ssyncset.done $0x0  }
0x25: {  	[sflag:s9] =	ssyncadd.s32 $0xFFFFFB80  }
0x26: {  	[tilespmem:s3], [sflag:$0x1] =	stream.linear.gather [hbm4b:s5+s3], $0x10000, $0x38;
	[tilespmem:$0x11600] =	vst v63  }
0x27: {  	_ =	swait.ge [sflag:s11], $0x10000  }
0x28: {  	[sflag:s11] =	ssyncset.done $0x0  }
0x29: {  	s14 =	simm.s32 $0x400;
	[sflag:s11] =	ssyncadd.s32 $0xFFFF0000  }
0x2a: {  	v0 =	vld [tilespmem:s14+$0x3F0];
	_ =	sdelay $0x4  }
0x2b: {  	[tilespmem:$0x1E430] =	vst v0;
	v0 =	vld [tilespmem:s14+$0x370];
	_ =	sdelay $0x4  }
0x2c: {  	[tilespmem:$0x1E450] =	vst v0;
	v0 =	vld [tilespmem:s14+$0x2F0];
	_ =	sdelay $0x4  }
0x2d: {  	[tilespmem:$0x1E440] =	vst v0;
	v0 =	vld [tilespmem:s14+$0x3E0];
	_ =	sdelay $0x4  }
0x2e: {  	[tilespmem:$0x1E470] =	vst v0;
	v0 =	vld [tilespmem:s14+$0x270];
	_ =	sdelay $0x4  }
0x2f: {  	[tilespmem:$0x1E460] =	vst v0;
	v0 =	vld [tilespmem:s14+$0x360];
	_ =	sdelay $0x4  }
0x30: {  	[tilespmem:$0x1E490] =	vst v0;
	v0 =	vld [tilespmem:s14+$0x1F0];
	_ =	sdelay $0x4  }
0x31: {  	[tilespmem:$0x1E480] =	vst v0;
	v0 =	vld [tilespmem:s14+$0x2E0];
	_ =	sdelay $0x4  }
0x32: {  	[tilespmem:$0x1E4A0] =	vst v0;
	v0 =	vld [tilespmem:s14+$0x3D0];
	_ =	sdelay $0x4  }
0x33: {  	[tilespmem:$0x1E4B0] =	vst v0;
	v0 =	vld [tilespmem:s14+$0x170];
	_ =	sdelay $0x4  }
0x34: {  	[tilespmem:$0x1E4C0] =	vst v0;
	v0 =	vld [tilespmem:s14+$0x260];
	_ =	sdelay $0x4  }
0x35: {  	[tilespmem:$0x1E4D0] =	vst v0;
	v0 =	vld [tilespmem:s14+$0x350];
	_ =	sdelay $0x4  }
0x36: {  	[tilespmem:$0x1E4F0] =	vst v0;
	v0 =	vld [tilespmem:s14+$0xF0];
	_ =	sdelay $0x4  }
0x37: {  	[tilespmem:$0x1E4E0] =	vst v0;
	v0 =	vld [tilespmem:s14+$0x1E0];
	_ =	sdelay $0x4  }
0x38: {  	[tilespmem:$0x1E500] =	vst v0;
	v0 =	vld [tilespmem:s14+$0x2D0];
	_ =	sdelay $0x4  }
0x39: {  	[tilespmem:$0x1E510] =	vst v0;
	v0 =	vld [tilespmem:s14+$0x3C0];
	_ =	sdelay $0x4  }
0x3a: {  	[tilespmem:$0x1E530] =	vst v0;
	v0 =	vld [tilespmem:s14+$0x70];
	_ =	sdelay $0x4  }
0x3b: {  	[tilespmem:$0x1E520] =	vst v0;
	v0 =	vld [tilespmem:s14+$0x160];
	_ =	sdelay $0x4  }
0x3c: {  	[tilespmem:$0x1E540] =	vst v0;
	v0 =	vld [tilespmem:s14+$0x250];
	_ =	sdelay $0x4  }
0x3d: {  	[tilespmem:$0x1E550] =	vst v0;
	v0 =	vld [tilespmem:s14+$0xFFFFFFF0];
	_ =	sdelay $0x4  }
0x3e: {  	[tilespmem:$0x1E560] =	vst v0;
	v0 =	vld [tilespmem:s14+$0xE0];
	_ =	sdelay $0x4  }
0x3f: {  	[tilespmem:$0x1E570] =	vst v0;
	v0 =	vld [tilespmem:s14+$0x1D0];
	_ =	sdelay $0x4  }
0x40: {  	[tilespmem:$0x1E580] =	vst v0;
	v0 =	vld [tilespmem:s14+$0x2C0];
	_ =	sdelay $0x4  }
0x41: {  	[tilespmem:$0x1E590] =	vst v0;
	v0 =	vld [tilespmem:s14+$0x3B0];
	_ =	sdelay $0x4  }
0x42: {  	[tilespmem:$0x1E5A0] =	vst v0;
	v0 =	vld [tilespmem:s14+$0xFFFFFF70];
	_ =	sdelay $0x4  }
0x43: {  	[tilespmem:$0x1E5B0] =	vst v0;
	v0 =	vld [tilespmem:s14+$0x60];
	_ =	sdelay $0x4  }
0x44: {  	[tilespmem:$0x1E5C0] =	vst v0;
	v0 =	vld [tilespmem:s14+$0x150];
	_ =	sdelay $0x4  }
0x45: {  	[tilespmem:$0x1E5D0] =	vst v0;
	v0 =	vld [tilespmem:s14+$0x240];
	_ =	sdelay $0x4  }
0x46: {  	[tilespmem:$0x1E5E0] =	vst v0;
	v0 =	vld [tilespmem:s14+$0x330];
	_ =	sdelay $0x4  }
0x47: {  	[tilespmem:$0x1E5F0] =	vst v0;
	v0 =	vld [tilespmem:s14+$0xFFFFFEF0];
	_ =	sdelay $0x4  }
0x48: {  	[tilespmem:$0x1E600] =	vst v0;
	v0 =	vld [tilespmem:s14+$0xFFFFFFE0];
	_ =	sdelay $0x4  }
0x49: {  	[tilespmem:$0x1E610] =	vst v0;
	v0 =	vld [tilespmem:s14+$0xD0];
	_ =	sdelay $0x4  }
0x4a: {  	[tilespmem:$0x1E620] =	vst v0;
	v0 =	vld [tilespmem:s14+$0x1C0];
	_ =	sdelay $0x4  }
0x4b: {  	[tilespmem:$0x1E630] =	vst v0;
	v0 =	vld [tilespmem:s14+$0x2B0];
	_ =	sdelay $0x4  }
0x4c: {  	[tilespmem:$0x1E640] =	vst v0;
	v0 =	vld [tilespmem:s14+$0x3A0];
	_ =	sdelay $0x4  }
0x4d: {  	[tilespmem:$0x1E650] =	vst v0;
	v0 =	vld [tilespmem:s14+$0xFFFFFE70];
	_ =	sdelay $0x4  }
0x4e: {  	[tilespmem:$0x1E660] =	vst v0;
	v0 =	vld [tilespmem:s14+$0xFFFFFF60];
	_ =	sdelay $0x4  }
0x4f: {  	[tilespmem:$0x1E670] =	vst v0;
	v0 =	vld [tilespmem:s14+$0x50];
	_ =	sdelay $0x4  }
0x50: {  	[tilespmem:$0x1E680] =	vst v0;
	v0 =	vld [tilespmem:s14+$0x140];
	_ =	sdelay $0x4  }
0x51: {  	[tilespmem:$0x1E690] =	vst v0;
	v0 =	vld [tilespmem:s14+$0x230];
	_ =	sdelay $0x4  }
0x52: {  	[tilespmem:$0x1E6A0] =	vst v0;
	v0 =	vld [tilespmem:s14+$0x320];
	_ =	sdelay $0x4  }
0x53: {  	[tilespmem:$0x1E6B0] =	vst v0;
	v0 =	vld [tilespmem:s14+$0xFFFFFDF0];
	_ =	sdelay $0x4  }
0x54: {  	[tilespmem:$0x1E6C0] =	vst v0;
	v0 =	vld [tilespmem:s14+$0xFFFFFEE0];
	_ =	sdelay $0x4  }
0x55: {  	[tilespmem:$0x1E6D0] =	vst v0;
	v0 =	vld [tilespmem:s14+$0xFFFFFFD0];
	_ =	sdelay $0x4  }
0x56: {  	[tilespmem:$0x1E6E0] =	vst v0;
	v0 =	vld [tilespmem:s14+$0xC0];
	_ =	sdelay $0x4  }
0x57: {  	[tilespmem:$0x1E6F0] =	vst v0;
	v0 =	vld [tilespmem:s14+$0x1B0];
	_ =	sdelay $0x4  }
0x58: {  	[tilespmem:$0x1E700] =	vst v0;
	v0 =	vld [tilespmem:s14+$0x2A0];
	_ =	sdelay $0x4  }
0x59: {  	[tilespmem:$0x1E710] =	vst v0;
	v0 =	vld [tilespmem:s14+$0x380];
	_ =	sdelay $0x4  }
0x5a: {  	[tilespmem:$0x1E720] =	vst v0;
	v0 =	vld [tilespmem:s14+$0x390];
	_ =	sdelay $0x4  }
0x5b: {  	[tilespmem:$0x1E730] =	vst v0;
	v0 =	vld [tilespmem:s14+$0xFFFFFD70];
	_ =	sdelay $0x4  }
0x5c: {  	[tilespmem:$0x1E740] =	vst v0;
	v0 =	vld [tilespmem:s14+$0xFFFFFE60];
	_ =	sdelay $0x4  }
0x5d: {  	[tilespmem:$0x1E750] =	vst v0;
	v0 =	vld [tilespmem:s14+$0xFFFFFF50];
	_ =	sdelay $0x4  }
0x5e: {  	[tilespmem:$0x1E760] =	vst v0;
	v0 =	vld [tilespmem:s14+$0x40];
	_ =	sdelay $0x4  }
0x5f: {  	[tilespmem:$0x1E770] =	vst v0;
	v0 =	vld [tilespmem:s14+$0x130];
	_ =	sdelay $0x4  }
0x60: {  	[tilespmem:$0x1E780] =	vst v0;
	v0 =	vld [tilespmem:s14+$0x220];
	_ =	sdelay $0x4  }
0x61: {  	[tilespmem:$0x1E790] =	vst v0;
	v0 =	vld [tilespmem:s14+$0x300];
	_ =	sdelay $0x4  }
0x62: {  	[tilespmem:$0x1E7A0] =	vst v0;
	v0 =	vld [tilespmem:s14+$0x310];
	_ =	sdelay $0x4  }
0x63: {  	[tilespmem:$0x1E7B0] =	vst v0;
	v0 =	vld [tilespmem:s14+$0xFFFFFC70];
	_ =	sdelay $0x4  }
0x64: {  	[tilespmem:$0x1E7C0] =	vst v0;
	v0 =	vld [tilespmem:s14+$0xFFFFFCF0];
	_ =	sdelay $0x4  }
0x65: {  	[tilespmem:$0x1E7D0] =	vst v0;
	v0 =	vld [tilespmem:s14+$0xFFFFFDE0];
	_ =	sdelay $0x4  }
0x66: {  	[tilespmem:$0x1E7E0] =	vst v0;
	v0 =	vld [tilespmem:s14+$0xFFFFFED0];
	_ =	sdelay $0x4  }
0x67: {  	[tilespmem:$0x1E7F0] =	vst v0;
	v0 =	vld [tilespmem:s14+$0xFFFFFFC0];
	_ =	sdelay $0x4  }
0x68: {  	[tilespmem:$0x1E800] =	vst v0;
	v0 =	vld [tilespmem:s14+$0xB0];
	_ =	sdelay $0x4  }
0x69: {  	[tilespmem:$0x1E820] =	vst v0;
	v0 =	vld [tilespmem:s14+$0x1A0];
	_ =	sdelay $0x4  }
0x6a: {  	[tilespmem:$0x1E840] =	vst v0;
	v0 =	vld [tilespmem:s14+$0x280];
	_ =	sdelay $0x4  }
0x6b: {  	[tilespmem:$0x1E860] =	vst v0;
	v0 =	vld [tilespmem:s14+$0x290];
	_ =	sdelay $0x4  }
0x6c: {  	[tilespmem:$0x1E880] =	vst v0;
	v0 =	vld [tilespmem:s14+$0xFFFFFD60];
	_ =	sdelay $0x4  }
0x6d: {  	[tilespmem:$0x1E8A0] =	vst v0;
	v0 =	vld [tilespmem:s14+$0xFFFFFE50];
	_ =	sdelay $0x4  }
0x6e: {  	[tilespmem:$0x1E8C0] =	vst v0;
	v0 =	vld [tilespmem:s14+$0xFFFFFF40];
	_ =	sdelay $0x4  }
0x6f: {  	[tilespmem:$0x1E8E0] =	vst v0;
	v0 =	vld [tilespmem:s14+$0x30];
	_ =	sdelay $0x4  }
0x70: {  	[tilespmem:$0x1E900] =	vst v0;
	v0 =	vld [tilespmem:s14+$0x120];
	_ =	sdelay $0x4  }
0x71: {  	[tilespmem:$0x1E920] =	vst v0;
	v0 =	vld [tilespmem:s14+$0x200];
	_ =	sdelay $0x4  }
0x72: {  	[tilespmem:$0x1E940] =	vst v0;
	v0 =	vld [tilespmem:s14+$0x210];
	_ =	sdelay $0x4  }
0x73: {  	[tilespmem:$0x1E960] =	vst v0;
	v0 =	vld [tilespmem:s14+$0xFFFFFC60];
	_ =	sdelay $0x4  }
0x74: {  	[tilespmem:$0x1E950] =	vst v0;
	v0 =	vld [tilespmem:s14+$0xFFFFFCE0];
	_ =	sdelay $0x4  }
0x75: {  	[tilespmem:$0x1E970] =	vst v0;
	v0 =	vld [tilespmem:s14+$0xFFFFFDD0];
	_ =	sdelay $0x4  }
0x76: {  	[tilespmem:$0x1E980] =	vst v0;
	v0 =	vld [tilespmem:s14+$0xFFFFFEC0];
	_ =	sdelay $0x4  }
0x77: {  	[tilespmem:$0x1E990] =	vst v0;
	v0 =	vld [tilespmem:s14+$0xFFFFFFB0];
	_ =	sdelay $0x4  }
0x78: {  	[tilespmem:$0x1E9A0] =	vst v0;
	v0 =	vld [tilespmem:s14+$0xA0];
	_ =	sdelay $0x4  }
0x79: {  	[tilespmem:$0x1E9B0] =	vst v0;
	v0 =	vld [tilespmem:s14+$0x180];
	_ =	sdelay $0x4  }
0x7a: {  	[tilespmem:$0x1E9C0] =	vst v0;
	v0 =	vld [tilespmem:s14+$0x190];
	_ =	sdelay $0x4  }
0x7b: {  	[tilespmem:$0x1E9E0] =	vst v0;
	v0 =	vld [tilespmem:s14+$0xFFFFFD50];
	_ =	sdelay $0x4  }
0x7c: {  	[tilespmem:$0x1E9D0] =	vst v0;
	v0 =	vld [tilespmem:s14+$0xFFFFFE40];
	_ =	sdelay $0x4  }
0x7d: {  	[tilespmem:$0x1E9F0] =	vst v0;
	v0 =	vld [tilespmem:s14+$0xFFFFFF30];
	_ =	sdelay $0x4  }
0x7e: {  	[tilespmem:$0x1EA00] =	vst v0;
	v0 =	vld [tilespmem:s14+$0x20];
	_ =	sdelay $0x4  }
0x7f: {  	[tilespmem:$0x1EA10] =	vst v0;
	v0 =	vld [tilespmem:s14+$0x100];
	_ =	sdelay $0x4  }
0x80: {  	[tilespmem:$0x1EA20] =	vst v0;
	v0 =	vld [tilespmem:s14+$0x110];
	_ =	sdelay $0x4  }
0x81: {  	[tilespmem:$0x1EA40] =	vst v0;
	v0 =	vld [tilespmem:s14+$0xFFFFFC50];
	_ =	sdelay $0x4  }
0x82: {  	[tilespmem:$0x1EA30] =	vst v0;
	v0 =	vld [tilespmem:s14+$0xFFFFFCD0];
	_ =	sdelay $0x4  }
0x83: {  	[tilespmem:$0x1EA50] =	vst v0;
	v0 =	vld [tilespmem:s14+$0xFFFFFDC0];
	_ =	sdelay $0x4  }
0x84: {  	[tilespmem:$0x1EA60] =	vst v0;
	v0 =	vld [tilespmem:s14+$0xFFFFFEB0];
	_ =	sdelay $0x4  }
0x85: {  	[tilespmem:$0x1EA70] =	vst v0;
	v0 =	vld [tilespmem:s14+$0xFFFFFFA0];
	_ =	sdelay $0x4  }
0x86: {  	[tilespmem:$0x1EA80] =	vst v0;
	v0 =	vld [tilespmem:s14+$0x80];
	_ =	sdelay $0x4  }
0x87: {  	[tilespmem:$0x1EA90] =	vst v0;
	v0 =	vld [tilespmem:s14+$0x90];
	_ =	sdelay $0x4  }
0x88: {  	[tilespmem:$0x1EAA0] =	vst v0;
	v0 =	vld [tilespmem:s14+$0xFFFFFD40];
	_ =	sdelay $0x4  }
0x89: {  	[tilespmem:$0x1EAB0] =	vst v0;
	v0 =	vld [tilespmem:s14+$0xFFFFFE30];
	_ =	sdelay $0x4  }
0x8a: {  	[tilespmem:$0x1EAC0] =	vst v0;
	v0 =	vld [tilespmem:s14+$0xFFFFFF20];
	_ =	sdelay $0x4  }
0x8b: {  	[tilespmem:$0x1EAD0] =	vst v0;
	v0 =	vld [tilespmem:s14+$0x0];
	_ =	sdelay $0x4  }
0x8c: {  	[tilespmem:$0x1EAE0] =	vst v0;
	v0 =	vld [tilespmem:s14+$0x10];
	_ =	sdelay $0x4  }
0x8d: {  	[tilespmem:$0x1EAF0] =	vst v0;
	v0 =	vld [tilespmem:s14+$0xFFFFFC40];
	_ =	sdelay $0x3  }
0x8e: {  	s15 =	simm.s32 $0x0  }
0x8f: {  	[tilespmem:$0x1EB00] =	vst v0;
	v0 =	vld [tilespmem:s15+$0x10000];
	_ =	sdelay $0x4  }
0x90: {  	v2 =	vshll.u32 v0, $0x9  }
0x91: {  	v2 =	vshra.s32 v2, $0x2  }
0x92: {  	(v2sf) =	vpush v2, $0xF  }
0x93: {  	(v2sf) =	vpush v2, $0xE  }
0x94: {  	(v2sf) =	vpush v2, $0xD  }
0x95: {  	(v2sf) =	vpush v2, $0xC  }
0x96: {  	(v2sf) =	vpush v2, $0xB  }
0x97: {  	(v2sf) =	vpush v2, $0xA  }
0x98: {  	(v2sf) =	vpush v2, $0x9;
	_ =	sdelay $0x8  }
0x99: {  	[tilespmem:$0x1FE70] =	vst v0;
	v0 =	vld [tilespmem:s14+$0xFFFFFF90];
	s20 =	spop (v2sf)  }
0x9a: {  	s16 =	spop (v2sf)  }
0x9b: {  	s29 =	spop (v2sf)  }
0x9c: {  	(v2sf) =	vpush v2, $0x8;
	s28 =	spop (v2sf)  }
0x9d: {  	(v2sf) =	vpush v2, $0x7;
	s26 =	spop (v2sf)  }
0x9e: {  	[tilespmem:$0x1EB50] =	vst v0;
	v0 =	vld [tilespmem:s14+$0xFFFFFD30];
	s25 =	spop (v2sf);
	(v2sf) =	vpush v2, $0x6  }
0x9f: {  	s24 =	spop (v2sf);
	(v2sf) =	vpush v2, $0x5;
	_ =	sdelay $0x3  }
0xa0: {  	[tilespmem:$0x1EB60] =	vst v0;
	v0 =	vld [tilespmem:s14+$0xFFFFFE20];
	_ =	sdelay $0x4  }
0xa1: {  	[tilespmem:$0x1EB70] =	vst v0;
	v0 =	vld [tilespmem:s14+$0xFFFFFF00];
	_ =	sdelay $0x1  }
0xa2: {  	(v2sf) =	vpush v2, $0x4  }
0xa3: {  	(v2sf) =	vpush v2, $0x3;
	s23 =	spop (v2sf)  }
0xa4: {  	(v2sf) =	vpush v2, $0x2;
	s22 =	spop (v2sf)  }
0xa5: {  	[tilespmem:$0x1EB80] =	vst v0;
	v0 =	vld [tilespmem:s14+$0xFFFFFF10];
	s21 =	spop (v2sf);
	(v2sf) =	vpush v2, $0x0  }
0xa6: {  	s19 =	spop (v2sf);
	(v2sf) =	vpush v2, $0x1;
	v2 =	vld [tilespmem:s22+$0x10240];
	_ =	sdelay $0x3  }
0xa7: {  	[tilespmem:$0x1EB90] =	vst v0;
	v0 =	vld [tilespmem:s14+$0xFFFFFC30]  }
0xa8: {  	[tilespmem:$0x1E810] =	vst v2;
	v2 =	vld [tilespmem:s24+$0x10230];
	_ =	sdelay $0x3  }
0xa9: {  	[tilespmem:$0x1EBA0] =	vst v0;
	v0 =	vld [tilespmem:s14+$0xFFFFFCB0]  }
0xaa: {  	[tilespmem:$0x1E830] =	vst v2;
	v2 =	vld [tilespmem:s26+$0x10220];
	_ =	sdelay $0x3  }
0xab: {  	[tilespmem:$0x1EBB0] =	vst v0;
	v0 =	vld [tilespmem:s14+$0xFFFFFDA0]  }
0xac: {  	[tilespmem:$0x1E850] =	vst v2;
	v2 =	vld [tilespmem:s29+$0x10200];
	_ =	sdelay $0x3  }
0xad: {  	[tilespmem:$0x1EBC0] =	vst v0;
	v0 =	vld [tilespmem:s14+$0xFFFFFE80]  }
0xae: {  	[tilespmem:$0x1E870] =	vst v2;
	v2 =	vld [tilespmem:s29+$0x10210];
	_ =	sdelay $0x1  }
0xaf: {  	s17 =	spop (v2sf)  }
0xb0: {  	s15 =	spop (v2sf)  }
0xb1: {  	s18 =	spop (v2sf);
	[tilespmem:$0x1EBD0] =	vst v0;
	v0 =	vld [tilespmem:s14+$0xFFFFFE90]  }
0xb2: {  	[tilespmem:$0x1E890] =	vst v2;
	v2 =	vld [tilespmem:s18+$0x10260];
	_ =	sdelay $0x3  }
0xb3: {  	[tilespmem:$0x1EBE0] =	vst v0;
	v0 =	vld [tilespmem:s14+$0xFFFFFD20]  }
0xb4: {  	[tilespmem:$0x1E8B0] =	vst v2;
	v2 =	vld [tilespmem:s17+$0x10250];
	_ =	sdelay $0x3  }
0xb5: {  	[tilespmem:$0x1EBF0] =	vst v0;
	v0 =	vld [tilespmem:s14+$0xFFFFFE00]  }
0xb6: {  	[tilespmem:$0x1E8D0] =	vst v2;
	v2 =	vld [tilespmem:s21+$0x10240];
	_ =	sdelay $0x3  }
0xb7: {  	[tilespmem:$0x1EC00] =	vst v0;
	v0 =	vld [tilespmem:s14+$0xFFFFFE10]  }
0xb8: {  	[tilespmem:$0x1E8F0] =	vst v2;
	v2 =	vld [tilespmem:s23+$0x10230];
	_ =	sdelay $0x3  }
0xb9: {  	[tilespmem:$0x1EC10] =	vst v0;
	v0 =	vld [tilespmem:s14+$0xFFFFFC20]  }
0xba: {  	[tilespmem:$0x1E910] =	vst v2;
	v2 =	vld [tilespmem:s25+$0x10220];
	_ =	sdelay $0x2  }
0xbb: {  	v14 =	vld [tilespmem:s20+$0x10270]  }
0xbc: {  	[tilespmem:$0x1EC20] =	vst v0;
	v0 =	vld [tilespmem:s14+$0xFFFFFCA0]  }
0xbd: {  	[tilespmem:$0x1E930] =	vst v2;
	v2 =	vld [tilespmem:$0x1E430];
	_ =	sdelay $0x4  }
0xbe: {  	[tilespmem:$0x1EC30] =	vst v0;
	v0 =	vld [tilespmem:s14+$0xFFFFFD80];
	v2 =	vsub.f32 v2, v14  }
0xbf: {  	v55 =	vld [tilespmem:s29+$0x10270]  }
0xc0: {  	[tilespmem:$0x1EFD0] =	vst v2;
	v2 =	vld [tilespmem:$0x1E440];
	_ =	sdelay $0x2  }
0xc1: {  	[tilespmem:$0x1EC40] =	vst v0;
	v0 =	vld [tilespmem:s14+$0xFFFFFD90];
	_ =	sdelay $0x1  }
0xc2: {  	v1 =	vld [tilespmem:s14+$0xFFFFFCC0];
	v2 =	vsub.f32 v2, v55  }
0xc3: {  	v39 =	vld [tilespmem:s16+$0x10270]  }
0xc4: {  	[tilespmem:$0x1EFE0] =	vst v2;
	v2 =	vld [tilespmem:$0x1E450]  }
0xc5: {  	[tilespmem:$0x1EC50] =	vst v0;
	v0 =	vld [tilespmem:s14+$0xFFFFFD00];
	_ =	sdelay $0x3  }
0xc6: {  	[tilespmem:$0x1EB10] =	vst v1;
	v1 =	vld [tilespmem:s14+$0xFFFFFDB0];
	v2 =	vsub.f32 v2, v39  }
0xc7: {  	[tilespmem:$0x1EC60] =	vst v0;
	v0 =	vld [tilespmem:s28+$0x10270]  }
0xc8: {  	[tilespmem:$0x1EFF0] =	vst v2;
	v2 =	vld [tilespmem:$0x1E460];
	_ =	sdelay $0x2  }
0xc9: {  	[tilespmem:$0x1EB20] =	vst v1;
	v1 =	vld [tilespmem:s14+$0xFFFFFEA0];
	_ =	sdelay $0x1  }
0xca: {  	v0 =	vsub.f32 v2, v0  }
0xcb: {  	v57 =	vld [tilespmem:s20+$0x10260]  }
0xcc: {  	[tilespmem:$0x1F000] =	vst v0;
	v0 =	vld [tilespmem:$0x1E470]  }
0xcd: {  	[tilespmem:$0x1EB30] =	vst v1;
	v1 =	vld [tilespmem:s14+$0xFFFFFF80];
	_ =	sdelay $0x3  }
0xce: {  	v0 =	vsub.f32 v0, v57  }
0xcf: {  	[tilespmem:$0x1EB40] =	vst v1;
	v1 =	vld [tilespmem:s26+$0x10270]  }
0xd0: {  	[tilespmem:$0x1EED0] =	vst v0;
	v0 =	vld [tilespmem:$0x1E480];
	_ =	sdelay $0x4  }
0xd1: {  	v0 =	vsub.f32 v0, v1  }
0xd2: {  	v15 =	vld [tilespmem:s16+$0x10260]  }
0xd3: {  	[tilespmem:$0x1F010] =	vst v0;
	v0 =	vld [tilespmem:$0x1E490];
	_ =	sdelay $0x4  }
0xd4: {  	v0 =	vsub.f32 v0, v15  }
0xd5: {  	v10 =	vld [tilespmem:s29+$0x10260]  }
0xd6: {  	[tilespmem:$0x1EEF0] =	vst v0;
	v0 =	vld [tilespmem:$0x1E4A0];
	_ =	sdelay $0x4  }
0xd7: {  	v0 =	vsub.f32 v0, v10  }
0xd8: {  	v7 =	vld [tilespmem:s20+$0x10250]  }
0xd9: {  	[tilespmem:$0x1EEE0] =	vst v0;
	v0 =	vld [tilespmem:$0x1E4B0];
	_ =	sdelay $0x4  }
0xda: {  	v0 =	vsub.f32 v0, v7  }
0xdb: {  	v6 =	vld [tilespmem:s25+$0x10270]  }
0xdc: {  	[tilespmem:$0x1EDD0] =	vst v0;
	v0 =	vld [tilespmem:$0x1E4C0];
	_ =	sdelay $0x4  }
0xdd: {  	v0 =	vsub.f32 v0, v6  }
0xde: {  	v12 =	vld [tilespmem:s28+$0x10260]  }
0xdf: {  	[tilespmem:$0x1F020] =	vst v0;
	v0 =	vld [tilespmem:$0x1E4D0];
	_ =	sdelay $0x4  }
0xe0: {  	v0 =	vsub.f32 v0, v12  }
0xe1: {  	v3 =	vld [tilespmem:s24+$0x10270]  }
0xe2: {  	[tilespmem:$0x1EF10] =	vst v0;
	v0 =	vld [tilespmem:$0x1E4E0];
	_ =	sdelay $0x4  }
0xe3: {  	v0 =	vsub.f32 v0, v3  }
0xe4: {  	v17 =	vld [tilespmem:s16+$0x10250]  }
0xe5: {  	[tilespmem:$0x1F030] =	vst v0;
	v0 =	vld [tilespmem:$0x1E4F0];
	_ =	sdelay $0x4  }
0xe6: {  	v0 =	vsub.f32 v0, v17  }
0xe7: {  	v8 =	vld [tilespmem:s26+$0x10260]  }
0xe8: {  	[tilespmem:$0x1EDF0] =	vst v0;
	v0 =	vld [tilespmem:$0x1E500];
	_ =	sdelay $0x4  }
0xe9: {  	v0 =	vsub.f32 v0, v8  }
0xea: {  	v9 =	vld [tilespmem:s29+$0x10250]  }
0xeb: {  	[tilespmem:$0x1EF00] =	vst v0;
	v0 =	vld [tilespmem:$0x1E510];
	_ =	sdelay $0x4  }
0xec: {  	v0 =	vsub.f32 v0, v9  }
0xed: {  	v4 =	vld [tilespmem:s23+$0x10270]  }
0xee: {  	[tilespmem:$0x1EDE0] =	vst v0;
	v0 =	vld [tilespmem:$0x1E520];
	_ =	sdelay $0x3  }
0xef: {  	v16 =	vld [tilespmem:s28+$0x10250]  }
0xf0: {  	v0 =	vsub.f32 v0, v4;
	v4 =	vld [tilespmem:$0x1E550];
	_ =	sdelay $0x4  }
0xf1: {  	v4 =	vsub.f32 v4, v16  }
0xf2: {  	v5 =	vld [tilespmem:s22+$0x10270]  }
0xf3: {  	[tilespmem:$0x1EE10] =	vst v4;
	v4 =	vld [tilespmem:$0x1E560]  }
0xf4: {  	v58 =	vld [tilespmem:s14+$0x340]  }
0xf5: {  	v27 =	vld [tilespmem:s16+$0x10240];
	_ =	sdelay $0x2  }
0xf6: {  	v18 =	vld [tilespmem:s20+$0x10240];
	v4 =	vsub.f32 v4, v5  }
0xf7: {  	v21 =	vld [tilespmem:s20+$0x10230]  }
0xf8: {  	v30 =	vld [tilespmem:s20+$0x10220];
	[tilespmem:$0x1F050] =	vst v4;
	v4 =	vsub.f32 v58, v27  }
0xf9: {  	v13 =	vld [tilespmem:s24+$0x10260]  }
0xfa: {  	[tilespmem:$0x1ED20] =	vst v4;
	v4 =	vld [tilespmem:$0x1E570]  }
0xfb: {  	v50 =	vld [tilespmem:s20+$0x10200]  }
0xfc: {  	v46 =	vld [tilespmem:s20+$0x10210]  }
0xfd: {  	v25 =	vld [tilespmem:s16+$0x10230]  }
0xfe: {  	v38 =	vld [tilespmem:s16+$0x10220]  }
0xff: {  	v62 =	vld [tilespmem:s16+$0x10200];
	v4 =	vsub.f32 v4, v13  }
0x100: {  	v19 =	vld [tilespmem:s26+$0x10250]  }
0x101: {  	[tilespmem:$0x1EF20] =	vst v4;
	v4 =	vld [tilespmem:$0x1E580]  }
0x102: {  	v54 =	vld [tilespmem:s16+$0x10210]  }
0x103: {  	v20 =	vld [tilespmem:s29+$0x10240]  }
0x104: {  	v32 =	vld [tilespmem:s29+$0x10230]  }
0x105: {  	v45 =	vld [tilespmem:s29+$0x10220]  }
0x106: {  	v26 =	vld [tilespmem:s28+$0x10240];
	v4 =	vsub.f32 v4, v19  }
0x107: {  	v47 =	vld [tilespmem:s28+$0x10230]  }
0x108: {  	[tilespmem:$0x1EE00] =	vst v4;
	v4 =	vld [tilespmem:$0x1E590]  }
0x109: {  	v53 =	vld [tilespmem:s28+$0x10220]  }
0x10a: {  	v31 =	vld [tilespmem:s26+$0x10240]  }
0x10b: {  	v44 =	vld [tilespmem:s26+$0x10230]  }
0x10c: {  	v11 =	vld [tilespmem:s25+$0x10260]  }
0x10d: {  	v24 =	vld [tilespmem:s25+$0x10250];
	v4 =	vsub.f32 v4, v20  }
0x10e: {  	v37 =	vld [tilespmem:s25+$0x10240]  }
0x10f: {  	[tilespmem:$0x1ED10] =	vst v4;
	v4 =	vld [tilespmem:$0x1E5A0]  }
0x110: {  	v59 =	vld [tilespmem:s25+$0x10230]  }
0x111: {  	v33 =	vld [tilespmem:s24+$0x10250]  }
0x112: {  	v42 =	vld [tilespmem:s24+$0x10240]  }
0x113: {  	v23 =	vld [tilespmem:s23+$0x10260]  }
0x114: {  	v43 =	vld [tilespmem:s23+$0x10250];
	v4 =	vsub.f32 v4, v21  }
0x115: {  	v22 =	vld [tilespmem:s21+$0x10270]  }
0x116: {  	[tilespmem:$0x1ECA0] =	vst v4;
	v4 =	vld [tilespmem:$0x1E5B0]  }
0x117: {  	v51 =	vld [tilespmem:s23+$0x10240]  }
0x118: {  	v29 =	vld [tilespmem:s22+$0x10260]  }
0x119: {  	v41 =	vld [tilespmem:s22+$0x10250]  }
0x11a: {  	v35 =	vld [tilespmem:s21+$0x10260]  }
0x11b: {  	v52 =	vld [tilespmem:s21+$0x10250];
	v4 =	vsub.f32 v4, v22  }
0x11c: {  	v28 =	vld [tilespmem:s19+$0x10270]  }
0x11d: {  	[tilespmem:$0x1F060] =	vst v4;
	v4 =	vld [tilespmem:$0x1E5C0]  }
0x11e: {  	v36 =	vld [tilespmem:s19+$0x10260]  }
0x11f: {  	v61 =	vld [tilespmem:s19+$0x10250]  }
0x120: {  	v34 =	vld [tilespmem:s17+$0x10270]  }
0x121: {  	v49 =	vld [tilespmem:s17+$0x10260]  }
0x122: {  	v40 =	vld [tilespmem:s15+$0x10270];
	v4 =	vsub.f32 v4, v23  }
0x123: {  	v63 =	vld [tilespmem:s15+$0x10260]  }
0x124: {  	[tilespmem:$0x1EF50] =	vst v4;
	v4 =	vld [tilespmem:$0x1E5D0]  }
0x125: {  	v48 =	vld [tilespmem:s18+$0x10270]  }
0x126: {  	s30 =	spop (v2sf);
	v3 =	vld [tilespmem:$0x1E530]  }
0x127: {  	s31 =	spop (v2sf);
	v56 =	vld [tilespmem:s30+$0x10270]  }
0x128: {  	v60 =	vld [tilespmem:s31+$0x10270]  }
0x129: {  	v14 =	vld [tilespmem:s28+$0x10200];
	v4 =	vsub.f32 v4, v24  }
0x12a: {  	v55 =	vld [tilespmem:s28+$0x10210]  }
0x12b: {  	v3 =	vsub.f32 v3, v18;
	[tilespmem:$0x1EE30] =	vst v4;
	v4 =	vld [tilespmem:$0x1E5E0]  }
0x12c: {  	v39 =	vld [tilespmem:s30+$0x10260]  }
0x12d: {  	[tilespmem:$0x1ED00] =	vst v3;
	v3 =	vld [tilespmem:$0x1E540]  }
0x12e: {  	v2 =	vld [tilespmem:s15+$0x10250]  }
0x12f: {  	v1 =	vld [tilespmem:s19+$0x10240]  }
0x130: {  	v15 =	vld [tilespmem:s31+$0x10260];
	v4 =	vsub.f32 v4, v26  }
0x131: {  	v6 =	vld [tilespmem:s21+$0x10230]  }
0x132: {  	v3 =	vsub.f32 v3, v11;
	[tilespmem:$0x1ED40] =	vst v4;
	v4 =	vld [tilespmem:$0x1E5F0]  }
0x133: {  	v12 =	vld [tilespmem:s22+$0x10230]  }
0x134: {  	[tilespmem:$0x1EF30] =	vst v3;
	v3 =	vld [tilespmem:s26+$0x10200]  }
0x135: {  	[tilespmem:$0x1F040] =	vst v0;
	v0 =	vld [tilespmem:s24+$0x10220]  }
0x136: {  	v5 =	vld [tilespmem:s26+$0x10210]  }
0x137: {  	v58 =	vld [tilespmem:s18+$0x10250];
	v4 =	vsub.f32 v4, v25  }
0x138: {  	v20 =	vld [tilespmem:s17+$0x10240]  }
0x139: {  	v22 =	vld [tilespmem:s23+$0x10220];
	[tilespmem:$0x1ECC0] =	vst v4  }
0x13a: {  	v4 =	vld [tilespmem:$0x1E600];
	_ =	sdelay $0x4  }
0x13b: {  	v4 =	vsub.f32 v4, v28;
	_ =	sdelay $0x1  }
0x13c: {  	[tilespmem:$0x1F070] =	vst v4;
	v4 =	vld [tilespmem:$0x1E610];
	_ =	sdelay $0x4  }
0x13d: {  	v4 =	vsub.f32 v4, v29;
	_ =	sdelay $0x1  }
0x13e: {  	[tilespmem:$0x1EF40] =	vst v4;
	v4 =	vld [tilespmem:$0x1E620];
	_ =	sdelay $0x4  }
0x13f: {  	v4 =	vsub.f32 v4, v33;
	_ =	sdelay $0x1  }
0x140: {  	[tilespmem:$0x1EE20] =	vst v4;
	v4 =	vld [tilespmem:$0x1E630];
	_ =	sdelay $0x4  }
0x141: {  	v4 =	vsub.f32 v4, v31;
	_ =	sdelay $0x1  }
0x142: {  	[tilespmem:$0x1ED30] =	vst v4;
	v4 =	vld [tilespmem:$0x1E640];
	_ =	sdelay $0x4  }
0x143: {  	v4 =	vsub.f32 v4, v32;
	_ =	sdelay $0x1  }
0x144: {  	[tilespmem:$0x1ECB0] =	vst v4;
	v4 =	vld [tilespmem:$0x1E650];
	_ =	sdelay $0x4  }
0x145: {  	v4 =	vsub.f32 v4, v30;
	_ =	sdelay $0x1  }
0x146: {  	[tilespmem:$0x1EC70] =	vst v4;
	v4 =	vld [tilespmem:$0x1E660];
	_ =	sdelay $0x4  }
0x147: {  	v4 =	vsub.f32 v4, v34;
	_ =	sdelay $0x1  }
0x148: {  	[tilespmem:$0x1F080] =	vst v4;
	v4 =	vld [tilespmem:$0x1E670];
	_ =	sdelay $0x4  }
0x149: {  	v4 =	vsub.f32 v4, v35;
	_ =	sdelay $0x1  }
0x14a: {  	[tilespmem:$0x1EF70] =	vst v4;
	v4 =	vld [tilespmem:$0x1E680];
	_ =	sdelay $0x4  }
0x14b: {  	v4 =	vsub.f32 v4, v43;
	_ =	sdelay $0x1  }
0x14c: {  	[tilespmem:$0x1EE50] =	vst v4;
	v4 =	vld [tilespmem:$0x1E690];
	_ =	sdelay $0x4  }
0x14d: {  	v4 =	vsub.f32 v4, v37;
	_ =	sdelay $0x1  }
0x14e: {  	[tilespmem:$0x1ED60] =	vst v4;
	v4 =	vld [tilespmem:$0x1E6A0];
	_ =	sdelay $0x4  }
0x14f: {  	v4 =	vsub.f32 v4, v47;
	_ =	sdelay $0x1  }
0x150: {  	[tilespmem:$0x1ECE0] =	vst v4;
	v4 =	vld [tilespmem:$0x1E6B0];
	_ =	sdelay $0x4  }
0x151: {  	v4 =	vsub.f32 v4, v38;
	_ =	sdelay $0x1  }
0x152: {  	[tilespmem:$0x1EC90] =	vst v4;
	v4 =	vld [tilespmem:$0x1E6C0];
	_ =	sdelay $0x4  }
0x153: {  	v4 =	vsub.f32 v4, v40;
	_ =	sdelay $0x1  }
0x154: {  	[tilespmem:$0x1F090] =	vst v4;
	v4 =	vld [tilespmem:$0x1E6D0];
	_ =	sdelay $0x4  }
0x155: {  	v4 =	vsub.f32 v4, v36;
	_ =	sdelay $0x1  }
0x156: {  	[tilespmem:$0x1EF60] =	vst v4;
	v4 =	vld [tilespmem:$0x1E6E0];
	_ =	sdelay $0x4  }
0x157: {  	v4 =	vsub.f32 v4, v41;
	_ =	sdelay $0x1  }
0x158: {  	[tilespmem:$0x1EE40] =	vst v4;
	v4 =	vld [tilespmem:$0x1E6F0];
	_ =	sdelay $0x4  }
0x159: {  	v4 =	vsub.f32 v4, v42;
	_ =	sdelay $0x1  }
0x15a: {  	[tilespmem:$0x1ED50] =	vst v4;
	v4 =	vld [tilespmem:$0x1E700];
	_ =	sdelay $0x4  }
0x15b: {  	v4 =	vsub.f32 v4, v44;
	_ =	sdelay $0x1  }
0x15c: {  	[tilespmem:$0x1ECD0] =	vst v4;
	v4 =	vld [tilespmem:$0x1E710];
	_ =	sdelay $0x4  }
0x15d: {  	v4 =	vsub.f32 v4, v45;
	_ =	sdelay $0x1  }
0x15e: {  	[tilespmem:$0x1EC80] =	vst v4;
	v4 =	vld [tilespmem:$0x1E720];
	_ =	sdelay $0x4  }
0x15f: {  	v44 =	vsub.f32 v4, v50;
	v4 =	vld [tilespmem:$0x1E730];
	_ =	sdelay $0x4  }
0x160: {  	v46 =	vsub.f32 v4, v46;
	v4 =	vld [tilespmem:$0x1E740];
	_ =	sdelay $0x4  }
0x161: {  	v4 =	vsub.f32 v4, v48;
	_ =	sdelay $0x1  }
0x162: {  	[tilespmem:$0x1F0A0] =	vst v4;
	v4 =	vld [tilespmem:$0x1E750];
	_ =	sdelay $0x4  }
0x163: {  	v4 =	vsub.f32 v4, v49;
	_ =	sdelay $0x1  }
0x164: {  	[tilespmem:$0x1EF90] =	vst v4;
	v4 =	vld [tilespmem:$0x1E760];
	_ =	sdelay $0x4  }
0x165: {  	v4 =	vsub.f32 v4, v52;
	_ =	sdelay $0x1  }
0x166: {  	[tilespmem:$0x1EE70] =	vst v4;
	v4 =	vld [tilespmem:$0x1E770];
	_ =	sdelay $0x4  }
0x167: {  	v4 =	vsub.f32 v4, v51;
	_ =	sdelay $0x1  }
0x168: {  	[tilespmem:$0x1ED80] =	vst v4;
	v4 =	vld [tilespmem:$0x1E780];
	_ =	sdelay $0x4  }
0x169: {  	v4 =	vsub.f32 v4, v59;
	_ =	sdelay $0x1  }
0x16a: {  	[tilespmem:$0x1ECF0] =	vst v4;
	v4 =	vld [tilespmem:$0x1E790];
	_ =	sdelay $0x4  }
0x16b: {  	v52 =	vsub.f32 v4, v53;
	v4 =	vld [tilespmem:$0x1E7A0];
	_ =	sdelay $0x4  }
0x16c: {  	v59 =	vsub.f32 v4, v62;
	v4 =	vld [tilespmem:$0x1E7B0];
	_ =	sdelay $0x4  }
0x16d: {  	v54 =	vsub.f32 v4, v54;
	v4 =	vld [tilespmem:$0x1E7C0];
	_ =	sdelay $0x4  }
0x16e: {  	v4 =	vsub.f32 v4, v56;
	_ =	sdelay $0x1  }
0x16f: {  	[tilespmem:$0x1F0B0] =	vst v4;
	v4 =	vld [tilespmem:$0x1E7D0];
	_ =	sdelay $0x4  }
0x170: {  	v4 =	vsub.f32 v4, v60;
	_ =	sdelay $0x1  }
0x171: {  	[tilespmem:$0x1F0C0] =	vst v4;
	v4 =	vld [tilespmem:$0x1E7E0];
	_ =	sdelay $0x4  }
0x172: {  	v4 =	vsub.f32 v4, v63;
	_ =	sdelay $0x1  }
0x173: {  	[tilespmem:$0x1EF80] =	vst v4;
	v4 =	vld [tilespmem:$0x1E7F0];
	_ =	sdelay $0x4  }
0x174: {  	v4 =	vsub.f32 v4, v61  }
0x175: {  	v7 =	vld [tilespmem:$0x1E810]  }
0x176: {  	[tilespmem:$0x1EE60] =	vst v4;
	v4 =	vld [tilespmem:$0x1E800];
	_ =	sdelay $0x4  }
0x177: {  	v4 =	vsub.f32 v4, v7  }
0x178: {  	v7 =	vld [tilespmem:$0x1E830]  }
0x179: {  	[tilespmem:$0x1ED70] =	vst v4;
	v4 =	vld [tilespmem:$0x1E820];
	_ =	sdelay $0x4  }
0x17a: {  	v62 =	vsub.f32 v4, v7;
	v4 =	vld [tilespmem:$0x1E840]  }
0x17b: {  	v7 =	vld [tilespmem:$0x1E850];
	_ =	sdelay $0x4  }
0x17c: {  	v43 =	vsub.f32 v4, v7;
	v4 =	vld [tilespmem:$0x1E860]  }
0x17d: {  	v7 =	vld [tilespmem:$0x1E870];
	_ =	sdelay $0x4  }
0x17e: {  	v31 =	vsub.f32 v4, v7;
	v4 =	vld [tilespmem:$0x1E880]  }
0x17f: {  	v7 =	vld [tilespmem:$0x1E890];
	_ =	sdelay $0x4  }
0x180: {  	v50 =	vsub.f32 v4, v7;
	v4 =	vld [tilespmem:$0x1E8A0]  }
0x181: {  	v7 =	vld [tilespmem:$0x1E8B0];
	_ =	sdelay $0x4  }
0x182: {  	v4 =	vsub.f32 v4, v7  }
0x183: {  	v7 =	vld [tilespmem:$0x1E8D0]  }
0x184: {  	[tilespmem:$0x1EFB0] =	vst v4;
	v4 =	vld [tilespmem:$0x1E8C0];
	_ =	sdelay $0x4  }
0x185: {  	v4 =	vsub.f32 v4, v7  }
0x186: {  	v7 =	vld [tilespmem:$0x1E8F0]  }
0x187: {  	[tilespmem:$0x1EE90] =	vst v4;
	v4 =	vld [tilespmem:$0x1E8E0];
	_ =	sdelay $0x4  }
0x188: {  	v4 =	vsub.f32 v4, v7  }
0x189: {  	v7 =	vld [tilespmem:$0x1E910]  }
0x18a: {  	[tilespmem:$0x1EDA0] =	vst v4;
	v4 =	vld [tilespmem:$0x1E900];
	_ =	sdelay $0x4  }
0x18b: {  	v60 =	vsub.f32 v4, v7;
	v4 =	vld [tilespmem:$0x1E920]  }
0x18c: {  	v7 =	vld [tilespmem:$0x1E930];
	_ =	sdelay $0x4  }
0x18d: {  	v36 =	vsub.f32 v4, v7;
	v4 =	vld [tilespmem:$0x1E940];
	_ =	sdelay $0x4  }
0x18e: {  	v25 =	vsub.f32 v4, v14;
	v4 =	vld [tilespmem:$0x1E950];
	_ =	sdelay $0x4  }
0x18f: {  	v4 =	vsub.f32 v4, v39;
	_ =	sdelay $0x1  }
0x190: {  	[tilespmem:$0x1EFA0] =	vst v4;
	v4 =	vld [tilespmem:$0x1E960];
	_ =	sdelay $0x4  }
0x191: {  	v39 =	vsub.f32 v4, v55;
	v4 =	vld [tilespmem:$0x1E970];
	_ =	sdelay $0x4  }
0x192: {  	v4 =	vsub.f32 v4, v15;
	_ =	sdelay $0x1  }
0x193: {  	[tilespmem:$0x1EFC0] =	vst v4;
	v4 =	vld [tilespmem:$0x1E980];
	_ =	sdelay $0x4  }
0x194: {  	v2 =	vsub.f32 v4, v2;
	_ =	sdelay $0x1  }
0x195: {  	[tilespmem:$0x1EE80] =	vst v2;
	v2 =	vld [tilespmem:$0x1E990];
	_ =	sdelay $0x4  }
0x196: {  	v1 =	vsub.f32 v2, v1;
	_ =	sdelay $0x1  }
0x197: {  	[tilespmem:$0x1ED90] =	vst v1;
	v1 =	vld [tilespmem:$0x1E9A0];
	_ =	sdelay $0x4  }
0x198: {  	v57 =	vsub.f32 v1, v12;
	v1 =	vld [tilespmem:$0x1E9B0];
	_ =	sdelay $0x4  }
0x199: {  	v32 =	vsub.f32 v1, v0;
	v0 =	vld [tilespmem:$0x1E9C0];
	_ =	sdelay $0x4  }
0x19a: {  	v21 =	vsub.f32 v0, v3;
	v0 =	vld [tilespmem:$0x1E9D0];
	_ =	sdelay $0x4  }
0x19b: {  	v0 =	vsub.f32 v0, v58;
	_ =	sdelay $0x1  }
0x19c: {  	[tilespmem:$0x1EEB0] =	vst v0;
	v0 =	vld [tilespmem:$0x1E9E0];
	_ =	sdelay $0x4  }
0x19d: {  	v18 =	vsub.f32 v0, v5;
	v0 =	vld [tilespmem:$0x1E9F0];
	_ =	sdelay $0x4  }
0x19e: {  	v0 =	vsub.f32 v0, v20;
	_ =	sdelay $0x1  }
0x19f: {  	[tilespmem:$0x1EDB0] =	vst v0;
	v0 =	vld [tilespmem:$0x1EA00];
	_ =	sdelay $0x4  }
0x1a0: {  	v55 =	vsub.f32 v0, v6;
	v0 =	vld [tilespmem:$0x1EA10];
	_ =	sdelay $0x3  }
0x1a1: {  	v26 =	vld [tilespmem:s25+$0x10200]  }
0x1a2: {  	v29 =	vsub.f32 v0, v22;
	v0 =	vld [tilespmem:$0x1EA20];
	_ =	sdelay $0x1  }
0x1a3: {  	v24 =	vld [tilespmem:s25+$0x10210]  }
0x1a4: {  	v11 =	vld [tilespmem:s31+$0x10250]  }
0x1a5: {  	v33 =	vld [tilespmem:s30+$0x10250]  }
0x1a6: {  	v26 =	vsub.f32 v0, v26;
	v0 =	vld [tilespmem:$0x1EA30]  }
0x1a7: {  	v10 =	vld [tilespmem:s22+$0x10200]  }
0x1a8: {  	v49 =	vld [tilespmem:s30+$0x10240]  }
0x1a9: {  	v51 =	vld [tilespmem:s23+$0x10200]  }
0x1aa: {  	v2 =	vld [tilespmem:$0x1EB00]  }
0x1ab: {  	v1 =	vld [tilespmem:$0x1EAE0];
	v0 =	vsub.f32 v0, v33  }
0x1ac: {  	v23 =	vld [tilespmem:s18+$0x10230]  }
0x1ad: {  	[tilespmem:$0x1EEA0] =	vst v0;
	v0 =	vld [tilespmem:$0x1EA40]  }
0x1ae: {  	v28 =	vld [tilespmem:s17+$0x10220]  }
0x1af: {  	v56 =	vld [tilespmem:s31+$0x10240]  }
0x1b0: {  	v13 =	vsub.f32 v1, v51;
	v51 =	vsub.f32 v2, v49;
	v2 =	vld [tilespmem:$0x1EB10]  }
0x1b1: {  	v3 =	vld [tilespmem:$0x1EB60]  }
0x1b2: {  	v17 =	vsub.f32 v0, v24;
	v0 =	vld [tilespmem:$0x1EA50]  }
0x1b3: {  	v34 =	vld [tilespmem:s15+$0x10240]  }
0x1b4: {  	v61 =	vld [tilespmem:s15+$0x10230]  }
0x1b5: {  	v49 =	vsub.f32 v2, v56;
	v2 =	vld [tilespmem:$0x1EB20]  }
0x1b6: {  	v35 =	vsub.f32 v3, v23;
	v3 =	vld [tilespmem:$0x1EB70]  }
0x1b7: {  	v63 =	vld [tilespmem:s19+$0x10220];
	v0 =	vsub.f32 v0, v11  }
0x1b8: {  	v15 =	vld [tilespmem:s21+$0x10200]  }
0x1b9: {  	[tilespmem:$0x1EEC0] =	vst v0;
	v0 =	vld [tilespmem:$0x1EA60]  }
0x1ba: {  	v61 =	vsub.f32 v2, v61;
	v2 =	vld [tilespmem:$0x1EB30]  }
0x1bb: {  	v27 =	vsub.f32 v3, v28;
	v3 =	vld [tilespmem:$0x1EB80]  }
0x1bc: {  	v37 =	vld [tilespmem:s19+$0x10230]  }
0x1bd: {  	v4 =	vld [tilespmem:s21+$0x10210]  }
0x1be: {  	v58 =	vsub.f32 v0, v34;
	v0 =	vld [tilespmem:$0x1EA70]  }
0x1bf: {  	v63 =	vsub.f32 v2, v63;
	v2 =	vld [tilespmem:$0x1EB40]  }
0x1c0: {  	v15 =	vsub.f32 v3, v15;
	v3 =	vld [tilespmem:$0x1EB90]  }
0x1c1: {  	v9 =	vld [tilespmem:s22+$0x10210]  }
0x1c2: {  	v38 =	vld [tilespmem:s22+$0x10220]  }
0x1c3: {  	v47 =	vsub.f32 v0, v37;
	v0 =	vld [tilespmem:$0x1EA80]  }
0x1c4: {  	v8 =	vld [tilespmem:s30+$0x10230]  }
0x1c5: {  	v12 =	vsub.f32 v2, v10;
	v10 =	vsub.f32 v3, v4;
	v4 =	vld [tilespmem:$0x1EBA0]  }
0x1c6: {  	v16 =	vld [tilespmem:s14+$0xFFFFFC00]  }
0x1c7: {  	v40 =	vld [tilespmem:s24+$0x10200]  }
0x1c8: {  	v37 =	vsub.f32 v0, v38;
	v0 =	vld [tilespmem:$0x1EA90]  }
0x1c9: {  	v19 =	vld [tilespmem:s19+$0x10200]  }
0x1ca: {  	v28 =	vsub.f32 v4, v8;
	v4 =	vld [tilespmem:$0x1EBB0]  }
0x1cb: {  	v24 =	vld [tilespmem:s31+$0x10230]  }
0x1cc: {  	v41 =	vld [tilespmem:s24+$0x10210]  }
0x1cd: {  	v38 =	vsub.f32 v0, v40;
	v0 =	vld [tilespmem:$0x1EAA0]  }
0x1ce: {  	v30 =	vld [tilespmem:s14+$0xFFFFFD10]  }
0x1cf: {  	v42 =	vld [tilespmem:s18+$0x10240]  }
0x1d0: {  	v33 =	vsub.f32 v4, v24;
	v4 =	vld [tilespmem:$0x1EBC0]  }
0x1d1: {  	v34 =	vld [tilespmem:s15+$0x10220]  }
0x1d2: {  	v41 =	vsub.f32 v0, v41;
	v0 =	vld [tilespmem:$0x1EAB0]  }
0x1d3: {  	v45 =	vld [tilespmem:s17+$0x10230]  }
0x1d4: {  	v48 =	vld [tilespmem:s21+$0x10220]  }
0x1d5: {  	v53 =	vld [tilespmem:s23+$0x10210]  }
0x1d6: {  	v2 =	vld [tilespmem:$0x1EB50]  }
0x1d7: {  	v34 =	vsub.f32 v4, v34;
	v4 =	vld [tilespmem:$0x1EBD0];
	v0 =	vsub.f32 v0, v42  }
0x1d8: {  	v7 =	vld [tilespmem:s30+$0x10220]  }
0x1d9: {  	[tilespmem:$0x1EDC0] =	vst v0;
	v0 =	vld [tilespmem:$0x1EAC0]  }
0x1da: {  	v14 =	vld [tilespmem:s14+$0xFFFFFC10]  }
0x1db: {  	v8 =	vld [tilespmem:$0x1EBE0]  }
0x1dc: {  	v11 =	vsub.f32 v2, v9;
	v9 =	vsub.f32 v4, v19;
	v19 =	vld [tilespmem:$0x1EC20]  }
0x1dd: {  	v42 =	vld [tilespmem:s19+$0x10210]  }
0x1de: {  	v45 =	vsub.f32 v0, v45;
	v0 =	vld [tilespmem:$0x1EAD0]  }
0x1df: {  	v1 =	vld [tilespmem:$0x1EAF0]  }
0x1e0: {  	v2 =	vld [tilespmem:s31+$0x10220]  }
0x1e1: {  	v19 =	vsub.f32 v19, v7;
	v7 =	vld [tilespmem:$0x1EC30]  }
0x1e2: {  	v42 =	vsub.f32 v8, v42;
	v8 =	vld [tilespmem:$0x1EBF0]  }
0x1e3: {  	v48 =	vsub.f32 v0, v48;
	v0 =	vld [tilespmem:s18+$0x10220]  }
0x1e4: {  	v53 =	vsub.f32 v1, v53;
	v1 =	vld [tilespmem:s17+$0x10200]  }
0x1e5: {  	v6 =	vld [tilespmem:s15+$0x10200]  }
0x1e6: {  	v23 =	vsub.f32 v7, v2;
	v7 =	vld [tilespmem:$0x1EC40]  }
0x1e7: {  	v56 =	vld [tilespmem:s17+$0x10210]  }
0x1e8: {  	v24 =	vsub.f32 v8, v0;
	v8 =	vld [tilespmem:$0x1EC00]  }
0x1e9: {  	v20 =	vld [tilespmem:s14+$0xFFFFFC80]  }
0x1ea: {  	v3 =	vld [tilespmem:s15+$0x10210]  }
0x1eb: {  	v6 =	vsub.f32 v7, v6;
	v7 =	vld [tilespmem:$0x1EC50]  }
0x1ec: {  	v22 =	vld [tilespmem:s14+$0xFFFFFC90]  }
0x1ed: {  	v8 =	vsub.f32 v8, v1;
	v1 =	vld [tilespmem:$0x1EC10]  }
0x1ee: {  	v4 =	vld [tilespmem:s18+$0x10210]  }
0x1ef: {  	v15 =	vmul.f32 v15, v15;
	v10 =	vmul.f32 v10, v10;
	v2 =	vld [tilespmem:s31+$0x10200]  }
0x1f0: {  	v21 =	vmul.f32 v21, v21;
	v7 =	vsub.f32 v7, v3;
	v3 =	vld [tilespmem:s31+$0x10210]  }
0x1f1: {  	v18 =	vmul.f32 v18, v18;
	v12 =	vmul.f32 v12, v12;
	v10 =	vadd.f32 v10, v15;
	v0 =	vld [tilespmem:s30+$0x10200]  }
0x1f2: {  	v15 =	vmul.f32 v32, v32;
	v26 =	vmul.f32 v26, v26;
	v56 =	vsub.f32 v1, v56;
	v1 =	vld [tilespmem:s30+$0x10210]  }
0x1f3: {  	v18 =	vadd.f32 v18, v21;
	v17 =	vmul.f32 v17, v17;
	v11 =	vmul.f32 v11, v11  }
0x1f4: {  	v9 =	vmul.f32 v9, v9;
	v4 =	vsub.f32 v30, v4;
	v2 =	vsub.f32 v20, v2  }
0x1f5: {  	v30 =	vmul.f32 v46, v46;
	v20 =	vmul.f32 v31, v31;
	v3 =	vsub.f32 v22, v3  }
0x1f6: {  	v17 =	vadd.f32 v17, v26;
	v31 =	vmul.f32 v50, v50;
	v2 =	vmul.f32 v2, v2  }
0x1f7: {  	v3 =	vmul.f32 v3, v3;
	v0 =	vsub.f32 v16, v0;
	v1 =	vsub.f32 v14, v1  }
0x1f8: {  	v20 =	vadd.f32 v31, v20;
	v31 =	vmul.f32 v41, v41;
	v6 =	vmul.f32 v6, v6  }
0x1f9: {  	v2 =	vadd.f32 v3, v2;
	v3 =	vld [tilespmem:$0x1EC80];
	v0 =	vmul.f32 v0, v0;
	v1 =	vmul.f32 v1, v1  }
0x1fa: {  	v11 =	vadd.f32 v11, v12;
	v26 =	vmul.f32 v42, v42;
	v7 =	vmul.f32 v7, v7  }
0x1fb: {  	v8 =	vmul.f32 v8, v8;
	v12 =	vmul.f32 v56, v56;
	v0 =	vadd.f32 v1, v0;
	v1 =	vld [tilespmem:$0x1EC70]  }
0x1fc: {  	v9 =	vadd.f32 v26, v9;
	v6 =	vadd.f32 v7, v6;
	v16 =	vmul.f32 v44, v44  }
0x1fd: {  	v22 =	vmul.f32 v25, v25;
	v7 =	vadd.f32 v12, v8;
	v8 =	vmul.f32 v43, v43  }
0x1fe: {  	v25 =	vmul.f32 v39, v39;
	v3 =	vmul.f32 v3, v3;
	v16 =	vadd.f32 v30, v16  }
0x1ff: {  	v30 =	vmul.f32 v38, v38;
	v8 =	vadd.f32 v8, v18;
	v18 =	vmul.f32 v63, v63  }
0x200: {  	v22 =	vadd.f32 v25, v22;
	v3 =	vadd.f32 v3, v20;
	v1 =	vmul.f32 v1, v1  }
0x201: {  	v25 =	vadd.f32 v31, v30;
	v9 =	vadd.f32 v18, v9;
	v18 =	vmul.f32 v23, v23  }
0x202: {  	v5 =	vld [tilespmem:s18+$0x10200];
	v20 =	vmul.f32 v34, v34;
	v1 =	vadd.f32 v1, v16;
	v16 =	vmul.f32 v37, v37  }
0x203: {  	v40 =	vld [tilespmem:$0x1EC60];
	v15 =	vadd.f32 v15, v25;
	v2 =	vadd.f32 v18, v2;
	v18 =	vmul.f32 v62, v62  }
0x204: {  	v11 =	vadd.f32 v16, v11;
	v16 =	vmul.f32 v48, v48  }
0x205: {  	v6 =	vadd.f32 v20, v6;
	v15 =	vadd.f32 v18, v15  }
0x206: {  	v18 =	vmul.f32 v61, v61;
	v10 =	vadd.f32 v16, v10;
	v16 =	vmul.f32 v19, v19;
	v19 =	vld [tilespmem:$0x1ECB0];
	_ =	sdelay $0x1  }
0x207: {  	v5 =	vsub.f32 v40, v5;
	v6 =	vadd.f32 v18, v6;
	v18 =	vld [tilespmem:$0x1ED10]  }
0x208: {  	v0 =	vadd.f32 v16, v0;
	v16 =	vld [tilespmem:$0x1ECA0]  }
0x209: {  	v4 =	vmul.f32 v4, v4;
	v5 =	vmul.f32 v5, v5  }
0x20a: {  	v19 =	vmul.f32 v19, v19  }
0x20b: {  	v4 =	vadd.f32 v4, v5;
	v5 =	vld [tilespmem:$0x1EC90]  }
0x20c: {  	v18 =	vmul.f32 v18, v18;
	v3 =	vadd.f32 v19, v3  }
0x20d: {  	v16 =	vmul.f32 v16, v16  }
0x20e: {  	v40 =	vmul.f32 v54, v54;
	v14 =	vmul.f32 v59, v59;
	v3 =	vadd.f32 v18, v3;
	v18 =	vld [tilespmem:$0x1ED70]  }
0x20f: {  	v1 =	vadd.f32 v16, v1;
	v16 =	vld [tilespmem:$0x1ECD0]  }
0x210: {  	v5 =	vmul.f32 v5, v5;
	v14 =	vadd.f32 v40, v14  }
0x211: {  	v19 =	vmul.f32 v57, v57  }
0x212: {  	v13 =	vmul.f32 v13, v13;
	v21 =	vmul.f32 v53, v53;
	v5 =	vadd.f32 v5, v14  }
0x213: {  	v14 =	vmul.f32 v36, v36;
	v11 =	vadd.f32 v19, v11;
	v18 =	vmul.f32 v18, v18  }
0x214: {  	v13 =	vadd.f32 v21, v13;
	s14 =	simm.s32 $0xC00;
	v16 =	vmul.f32 v16, v16  }
0x215: {  	v14 =	vadd.f32 v14, v17;
	v17 =	vmul.f32 v29, v29;
	v11 =	vadd.f32 v18, v11;
	v18 =	vld [tilespmem:s14+$0x3E0]  }
0x216: {  	v8 =	vadd.f32 v16, v8;
	v16 =	vld [tilespmem:$0x1ECF0]  }
0x217: {  	v13 =	vadd.f32 v17, v13;
	v17 =	vmul.f32 v27, v27;
	_ =	sdelay $0x1  }
0x218: {  	v7 =	vadd.f32 v17, v7;
	v17 =	vmul.f32 v24, v24  }
0x219: {  	[tilespmem:$0x1F1B0] =	vst v18;
	v18 =	vld [tilespmem:s14+$0x270]  }
0x21a: {  	v4 =	vadd.f32 v17, v4;
	v17 =	vld [tilespmem:$0x1ECC0];
	v16 =	vmul.f32 v16, v16  }
0x21b: {  	v19 =	vmul.f32 v28, v28  }
0x21c: {  	v14 =	vadd.f32 v16, v14;
	v16 =	vmul.f32 v47, v47  }
0x21d: {  	v0 =	vadd.f32 v19, v0  }
0x21e: {  	v9 =	vadd.f32 v16, v9;
	v16 =	vmul.f32 v45, v45;
	[tilespmem:$0x1F1A0] =	vst v18;
	v18 =	vmul.f32 v51, v51  }
0x21f: {  	v17 =	vmul.f32 v17, v17  }
0x220: {  	v7 =	vadd.f32 v16, v7;
	v16 =	vmul.f32 v33, v33;
	v0 =	vadd.f32 v18, v0;
	v18 =	vld [tilespmem:s14+$0x2E0]  }
0x221: {  	v5 =	vadd.f32 v17, v5;
	v17 =	vld [tilespmem:$0x1ECE0]  }
0x222: {  	v2 =	vadd.f32 v16, v2;
	v16 =	vld [tilespmem:$0x1ED20];
	_ =	sdelay $0x1  }
0x223: {  	v12 =	vmul.f32 v52, v52  }
0x224: {  	[tilespmem:$0x1F1F0] =	vst v18;
	v18 =	vld [tilespmem:s14+$0x3D0]  }
0x225: {  	v12 =	vadd.f32 v12, v22;
	v17 =	vmul.f32 v17, v17  }
0x226: {  	v16 =	vmul.f32 v16, v16  }
0x227: {  	v12 =	vadd.f32 v17, v12;
	v17 =	vmul.f32 v60, v60;
	v19 =	vld [tilespmem:$0x1ED30]  }
0x228: {  	v5 =	vadd.f32 v16, v5;
	v16 =	vld [tilespmem:$0x1ED50]  }
0x229: {  	v13 =	vadd.f32 v17, v13;
	v17 =	vmul.f32 v55, v55;
	[tilespmem:$0x1F200] =	vst v18;
	v18 =	vld [tilespmem:$0x1EE00];
	_ =	sdelay $0x1  }
0x22a: {  	v10 =	vadd.f32 v17, v10;
	v17 =	vmul.f32 v35, v35  }
0x22b: {  	v19 =	vmul.f32 v19, v19  }
0x22c: {  	v4 =	vadd.f32 v17, v4;
	v17 =	vld [tilespmem:$0x1ED00];
	v16 =	vmul.f32 v16, v16  }
0x22d: {  	v8 =	vadd.f32 v19, v8;
	v18 =	vmul.f32 v18, v18  }
0x22e: {  	v15 =	vadd.f32 v16, v15;
	v16 =	vld [tilespmem:$0x1ED80]  }
0x22f: {  	v8 =	vadd.f32 v18, v8;
	v18 =	vld [tilespmem:s14+$0x350];
	_ =	sdelay $0x1  }
0x230: {  	v17 =	vmul.f32 v17, v17  }
0x231: {  	v19 =	vld [tilespmem:s14+$0x370]  }
0x232: {  	v1 =	vadd.f32 v17, v1;
	v17 =	vld [tilespmem:$0x1ED40]  }
0x233: {  	v16 =	vmul.f32 v16, v16;
	[tilespmem:$0x1F240] =	vst v18;
	v18 =	vld [tilespmem:s14+$0xF0];
	_ =	sdelay $0x1  }
0x234: {  	v13 =	vadd.f32 v16, v13;
	v16 =	vmul.f32 v58, v58  }
0x235: {  	[tilespmem:$0x1F190] =	vst v19;
	v19 =	vld [tilespmem:$0x1ED90]  }
0x236: {  	v6 =	vadd.f32 v16, v6;
	v16 =	vld [tilespmem:$0x1EDC0]  }
0x237: {  	v17 =	vmul.f32 v17, v17;
	[tilespmem:$0x1F230] =	vst v18;
	v18 =	vld [tilespmem:$0x1EE60];
	_ =	sdelay $0x1  }
0x238: {  	v12 =	vadd.f32 v17, v12;
	v17 =	vld [tilespmem:$0x1ED60]  }
0x239: {  	v19 =	vmul.f32 v19, v19  }
0x23a: {  	v16 =	vmul.f32 v16, v16  }
0x23b: {  	v9 =	vadd.f32 v19, v9;
	v18 =	vmul.f32 v18, v18  }
0x23c: {  	v4 =	vadd.f32 v16, v4;
	v16 =	vld [tilespmem:$0x1EDE0]  }
0x23d: {  	v17 =	vmul.f32 v17, v17;
	v9 =	vadd.f32 v18, v9;
	v18 =	vld [tilespmem:s14+$0x3C0];
	_ =	sdelay $0x1  }
0x23e: {  	v14 =	vadd.f32 v17, v14;
	v17 =	vld [tilespmem:$0x1EDA0];
	_ =	sdelay $0x2  }
0x23f: {  	v16 =	vmul.f32 v16, v16;
	[tilespmem:$0x1F2A0] =	vst v18;
	v18 =	vld [tilespmem:s14+$0x70];
	_ =	sdelay $0x1  }
0x240: {  	v17 =	vmul.f32 v17, v17;
	v3 =	vadd.f32 v16, v3;
	v16 =	vld [tilespmem:$0x1EE10]  }
0x241: {  	v19 =	vld [tilespmem:s14+$0x360]  }
0x242: {  	v10 =	vadd.f32 v17, v10;
	v17 =	vld [tilespmem:$0x1EDB0]  }
0x243: {  	[tilespmem:$0x1F290] =	vst v18;
	v18 =	vld [tilespmem:$0x1EEC0];
	_ =	sdelay $0x1  }
0x244: {  	v16 =	vmul.f32 v16, v16  }
0x245: {  	[tilespmem:$0x1F1D0] =	vst v19;
	v19 =	vmul.f32 v49, v49  }
0x246: {  	v17 =	vmul.f32 v17, v17;
	v12 =	vadd.f32 v16, v12;
	v16 =	vld [tilespmem:$0x1EE40]  }
0x247: {  	v2 =	vadd.f32 v19, v2;
	v18 =	vmul.f32 v18, v18  }
0x248: {  	v7 =	vadd.f32 v17, v7;
	v17 =	vld [tilespmem:$0x1EDD0]  }
0x249: {  	v2 =	vadd.f32 v18, v2;
	v18 =	vld [tilespmem:s14+$0x340];
	_ =	sdelay $0x1  }
0x24a: {  	v16 =	vmul.f32 v16, v16  }
0x24b: {  	v19 =	vld [tilespmem:s14+$0x170]  }
0x24c: {  	v11 =	vadd.f32 v16, v11;
	v16 =	vld [tilespmem:$0x1EE70]  }
0x24d: {  	v17 =	vmul.f32 v17, v17;
	[tilespmem:$0x1F2F0] =	vst v18;
	v18 =	vld [tilespmem:s14+$0xFFFFFFF0];
	_ =	sdelay $0x1  }
0x24e: {  	v1 =	vadd.f32 v17, v1;
	v17 =	vld [tilespmem:$0x1EDF0]  }
0x24f: {  	[tilespmem:$0x1F210] =	vst v19;
	v19 =	vld [tilespmem:$0x1EE20];
	_ =	sdelay $0x1  }
0x250: {  	v16 =	vmul.f32 v16, v16;
	[tilespmem:$0x1F2E0] =	vst v18;
	v18 =	vld [tilespmem:$0x1EF20];
	_ =	sdelay $0x1  }
0x251: {  	v17 =	vmul.f32 v17, v17;
	v10 =	vadd.f32 v16, v10;
	v16 =	vld [tilespmem:$0x1EEA0]  }
0x252: {  	v19 =	vmul.f32 v19, v19  }
0x253: {  	v5 =	vadd.f32 v17, v5;
	v17 =	vld [tilespmem:$0x1EE30]  }
0x254: {  	v20 =	vld [tilespmem:s14+$0x2F0];
	v15 =	vadd.f32 v19, v15;
	v18 =	vmul.f32 v18, v18;
	_ =	sdelay $0x1  }
0x255: {  	v16 =	vmul.f32 v16, v16;
	v15 =	vadd.f32 v18, v15;
	v18 =	vld [tilespmem:s14+$0x2C0]  }
0x256: {  	v19 =	vld [tilespmem:s14+$0x1E0]  }
0x257: {  	v17 =	vmul.f32 v17, v17;
	v0 =	vadd.f32 v16, v0;
	v16 =	vld [tilespmem:$0x1EED0]  }
0x258: {  	[tilespmem:$0x1F180] =	vst v20;
	v20 =	vld [tilespmem:s14+$0x1F0]  }
0x259: {  	v14 =	vadd.f32 v17, v14;
	v17 =	vld [tilespmem:$0x1EE50]  }
0x25a: {  	[tilespmem:$0x1F330] =	vst v18;
	v18 =	vld [tilespmem:s14+$0x3B0]  }
0x25b: {  	[tilespmem:$0x1F260] =	vst v19;
	v19 =	vld [tilespmem:$0x1EE80]  }
0x25c: {  	v16 =	vmul.f32 v16, v16  }
0x25d: {  	[tilespmem:$0x1F1C0] =	vst v20;
	v20 =	vld [tilespmem:s14+$0x260]  }
0x25e: {  	v1 =	vadd.f32 v16, v1;
	v16 =	vld [tilespmem:$0x1EF00]  }
0x25f: {  	v17 =	vmul.f32 v17, v17;
	[tilespmem:$0x1F350] =	vst v18;
	v18 =	vld [tilespmem:$0x1EF80]  }
0x260: {  	v19 =	vmul.f32 v19, v19  }
0x261: {  	v13 =	vadd.f32 v17, v13;
	v17 =	vld [tilespmem:$0x1EE90]  }
0x262: {  	v6 =	vadd.f32 v19, v6;
	v19 =	vld [tilespmem:s14+$0x160]  }
0x263: {  	v16 =	vmul.f32 v16, v16  }
0x264: {  	[tilespmem:$0x1F220] =	vst v20;
	v20 =	vld [tilespmem:s14+$0x2D0];
	v18 =	vmul.f32 v18, v18  }
0x265: {  	v8 =	vadd.f32 v16, v8;
	v16 =	vld [tilespmem:$0x1EF30]  }
0x266: {  	v17 =	vmul.f32 v17, v17;
	v6 =	vadd.f32 v18, v6;
	v18 =	vld [tilespmem:s14+$0x150]  }
0x267: {  	[tilespmem:$0x1F2C0] =	vst v19;
	v19 =	vld [tilespmem:$0x1EEE0]  }
0x268: {  	v7 =	vadd.f32 v17, v7;
	v17 =	vld [tilespmem:$0x1EEB0];
	_ =	sdelay $0x2  }
0x269: {  	v16 =	vmul.f32 v16, v16;
	[tilespmem:$0x1F3B0] =	vst v18;
	v18 =	vld [tilespmem:s14+$0x240]  }
0x26a: {  	[tilespmem:$0x1F280] =	vst v20;
	v20 =	vld [tilespmem:s14+$0x250];
	v19 =	vmul.f32 v19, v19  }
0x26b: {  	v17 =	vmul.f32 v17, v17;
	v14 =	vadd.f32 v16, v14;
	v16 =	vld [tilespmem:$0x1EF60]  }
0x26c: {  	v3 =	vadd.f32 v19, v3;
	v19 =	vld [tilespmem:s14+$0xE0]  }
0x26d: {  	v4 =	vadd.f32 v17, v4;
	v17 =	vld [tilespmem:$0x1EEF0]  }
0x26e: {  	[tilespmem:$0x1F3D0] =	vst v18;
	v18 =	vld [tilespmem:$0x1EFD0];
	_ =	sdelay $0x1  }
0x26f: {  	[tilespmem:$0x1F2D0] =	vst v20;
	v20 =	vld [tilespmem:s14+$0x1D0];
	v16 =	vmul.f32 v16, v16  }
0x270: {  	[tilespmem:$0x1F310] =	vst v19;
	v19 =	vld [tilespmem:$0x1EF40]  }
0x271: {  	v17 =	vmul.f32 v17, v17;
	v9 =	vadd.f32 v16, v9;
	v16 =	vld [tilespmem:$0x1EF90]  }
0x272: {  	v18 =	vmul.f32 v18, v18  }
0x273: {  	v5 =	vadd.f32 v17, v5;
	v17 =	vld [tilespmem:$0x1EF10]  }
0x274: {  	v1 =	vadd.f32 v18, v1;
	v18 =	vld [tilespmem:s14+$0xFFFFFFE0]  }
0x275: {  	v19 =	vmul.f32 v19, v19  }
0x276: {  	[tilespmem:$0x1F320] =	vst v20;
	v20 =	vld [tilespmem:s14+$0x60];
	v16 =	vmul.f32 v16, v16  }
0x277: {  	v11 =	vadd.f32 v19, v11;
	v19 =	vld [tilespmem:s14+$0xFFFFFF70]  }
0x278: {  	v17 =	vmul.f32 v17, v17;
	v7 =	vadd.f32 v16, v7;
	v16 =	vld [tilespmem:$0x1EFC0]  }
0x279: {  	[tilespmem:$0x1F420] =	vst v18;
	v18 =	vld [tilespmem:$0x1F030]  }
0x27a: {  	v12 =	vadd.f32 v17, v12;
	v17 =	vld [tilespmem:$0x1EF50];
	_ =	sdelay $0x1  }
0x27b: {  	[tilespmem:$0x1F390] =	vst v20;
	v20 =	vld [tilespmem:$0x1F000]  }
0x27c: {  	v16 =	vmul.f32 v16, v16  }
0x27d: {  	[tilespmem:$0x1F370] =	vst v19;
	v19 =	vld [tilespmem:$0x1EFA0];
	v18 =	vmul.f32 v18, v18  }
0x27e: {  	v17 =	vmul.f32 v17, v17;
	v2 =	vadd.f32 v16, v2;
	v16 =	vld [tilespmem:s14+$0xFFFFFEF0]  }
0x27f: {  	v15 =	vadd.f32 v18, v15;
	v18 =	vld [tilespmem:s14+$0xFFFFFE70]  }
0x280: {  	v20 =	vmul.f32 v20, v20;
	v13 =	vadd.f32 v17, v13;
	v17 =	vld [tilespmem:$0x1EF70]  }
0x281: {  	v22 =	vld [tilespmem:$0x1F040]  }
0x282: {  	v12 =	vadd.f32 v20, v12;
	v20 =	vld [tilespmem:s14+$0x3A0]  }
0x283: {  	v19 =	vmul.f32 v19, v19;
	[tilespmem:$0x1F400] =	vst v16;
	v16 =	vld [tilespmem:$0x1F010]  }
0x284: {  	[tilespmem:$0x1F480] =	vst v18;
	v18 =	vld [tilespmem:$0x1F0C0]  }
0x285: {  	v0 =	vadd.f32 v19, v0;
	v19 =	vld [tilespmem:$0x1EFE0];
	v17 =	vmul.f32 v17, v17  }
0x286: {  	v21 =	vld [tilespmem:$0x1F020]  }
0x287: {  	v22 =	vmul.f32 v22, v22;
	v10 =	vadd.f32 v17, v10;
	v17 =	vld [tilespmem:$0x1EFB0]  }
0x288: {  	[tilespmem:$0x1F470] =	vst v20;
	v20 =	vld [tilespmem:$0x1F0B0];
	v16 =	vmul.f32 v16, v16  }
0x289: {  	v13 =	vadd.f32 v22, v13;
	v22 =	vld [tilespmem:$0x1FED0];
	v18 =	vmul.f32 v18, v18  }
0x28a: {  	v19 =	vmul.f32 v19, v19;
	v8 =	vadd.f32 v16, v8;
	v16 =	vld [tilespmem:s14+$0x2B0]  }
0x28b: {  	v2 =	vadd.f32 v18, v2;
	v18 =	vld [tilespmem:s14+$0x320]  }
0x28c: {  	v21 =	vmul.f32 v21, v21;
	v3 =	vadd.f32 v19, v3;
	v19 =	vld [tilespmem:s14+$0xD0];
	v17 =	vmul.f32 v17, v17;
	_ =	sdelay $0x1  }
0x28d: {  	v14 =	vadd.f32 v21, v14;
	v20 =	vmul.f32 v20, v20;
	v4 =	vadd.f32 v17, v4;
	v17 =	vld [tilespmem:s14+$0x330]  }
0x28e: {  	[tilespmem:$0x1F460] =	vst v16  }
0x28f: {  	v0 =	vadd.f32 v20, v0;
	v20 =	vperm.xlane v12, v22;
	v16 =	vld [tilespmem:$0x1F090];
	[tilespmem:$0x1F500] =	vst v18;
	v18 =	vperm.xlane v14, v22  }
0x290: {  	[tilespmem:$0x1F440] =	vst v19;
	v19 =	vld [tilespmem:$0x1F050]  }
0x291: {  	v12 =	vadd.f32 v12, v20;
	v20 =	vld [tilespmem:s14+$0xFFFFFFD0];
	v14 =	vadd.f32 v14, v18;
	v18 =	vperm.xlane v15, v22  }
0x292: {  	[tilespmem:$0x1F3F0] =	vst v17;
	v17 =	vld [tilespmem:$0x1EFF0]  }
0x293: {  	v15 =	vadd.f32 v15, v18;
	v18 =	vld [tilespmem:s14+$0x1B0]  }
0x294: {  	v16 =	vmul.f32 v16, v16  }
0x295: {  	v19 =	vmul.f32 v19, v19  }
0x296: {  	v6 =	vadd.f32 v16, v6  }
0x297: {  	v11 =	vadd.f32 v19, v11;
	v19 =	vld [tilespmem:s14+$0xFFFFFF60];
	[tilespmem:$0x1F560] =	vst v20;
	v17 =	vmul.f32 v17, v17  }
0x298: {  	v20 =	vld [tilespmem:s14+$0x380];
	[tilespmem:$0x1F590] =	vst v18;
	v18 =	vperm.xlane v6, v22  }
0x299: {  	v5 =	vadd.f32 v17, v5;
	v17 =	vld [tilespmem:s14+$0x1C0]  }
0x29a: {  	v6 =	vadd.f32 v6, v18;
	v18 =	vld [tilespmem:s14+$0x390];
	_ =	sdelay $0x1  }
0x29b: {  	[tilespmem:$0x1F4A0] =	vst v19;
	v19 =	vld [tilespmem:s14+$0x50]  }
0x29c: {  	[tilespmem:$0x1F5C0] =	vst v20;
	v20 =	vld [tilespmem:$0x1FEE0]  }
0x29d: {  	[tilespmem:$0x1F450] =	vst v17;
	v17 =	vld [tilespmem:$0x1F070]  }
0x29e: {  	[tilespmem:$0x1F5E0] =	vst v18;
	v18 =	vld [tilespmem:s14+$0xFFFFFD70]  }
0x29f: {  	v21 =	vperm.xlane v5, v22;
	_ =	sdelay $0x1  }
0x2a0: {  	v23 =	vld [tilespmem:$0x1F060];
	v5 =	vadd.f32 v5, v21  }
0x2a1: {  	[tilespmem:$0x1F4C0] =	vst v19;
	v19 =	vperm.xlane v3, v22;
	v17 =	vmul.f32 v17, v17  }
0x2a2: {  	[tilespmem:$0x1F600] =	vst v18;
	v18 =	vperm.xlane v5, v20  }
0x2a3: {  	v3 =	vadd.f32 v3, v19;
	v19 =	vld [tilespmem:s14+$0xFFFFFEE0];
	v9 =	vadd.f32 v17, v9;
	v17 =	vperm.xlane v1, v22  }
0x2a4: {  	v5 =	vadd.f32 v5, v18;
	v18 =	vld [tilespmem:s14+$0x40]  }
0x2a5: {  	v23 =	vmul.f32 v23, v23;
	v1 =	vadd.f32 v1, v17;
	v17 =	vld [tilespmem:s14+$0xFFFFFDF0];
	_ =	sdelay $0x1  }
0x2a6: {  	v10 =	vadd.f32 v23, v10  }
0x2a7: {  	v24 =	vld [tilespmem:$0x1F080];
	[tilespmem:$0x1F540] =	vst v19  }
0x2a8: {  	v19 =	vperm.xlane v10, v22;
	[tilespmem:$0x1F670] =	vst v18;
	v18 =	vld [tilespmem:s14+$0x130]  }
0x2a9: {  	v25 =	vld [tilespmem:$0x1F0A0];
	[tilespmem:$0x1F510] =	vst v17;
	v17 =	vperm.xlane v13, v22  }
0x2aa: {  	v10 =	vadd.f32 v10, v19;
	v19 =	vld [tilespmem:s14+$0x2A0]  }
0x2ab: {  	v13 =	vadd.f32 v13, v17  }
0x2ac: {  	v17 =	vld [tilespmem:s14+$0xC0]  }
0x2ad: {  	v24 =	vmul.f32 v24, v24;
	[tilespmem:$0x1F680] =	vst v18;
	v18 =	vperm.xlane v13, v20  }
0x2ae: {  	v25 =	vmul.f32 v25, v25;
	v16 =	vperm.xlane v8, v22  }
0x2af: {  	v7 =	vadd.f32 v24, v7;
	[tilespmem:$0x1F5A0] =	vst v19;
	v19 =	vperm.xlane v0, v22;
	v13 =	vadd.f32 v13, v18;
	v18 =	vld [tilespmem:s14+$0x310]  }
0x2b0: {  	v8 =	vadd.f32 v8, v16;
	v16 =	vperm.xlane v11, v22  }
0x2b1: {  	v4 =	vadd.f32 v25, v4;
	v0 =	vadd.f32 v0, v19;
	v19 =	vld [tilespmem:s14+$0xFFFFFE60];
	[tilespmem:$0x1F580] =	vst v17;
	v17 =	vperm.xlane v7, v22  }
0x2b2: {  	v11 =	vadd.f32 v11, v16;
	v16 =	vperm.xlane v9, v22  }
0x2b3: {  	v7 =	vadd.f32 v7, v17;
	v17 =	vperm.xlane v4, v22  }
0x2b4: {  	v9 =	vadd.f32 v9, v16;
	v16 =	vperm.xlane v2, v22;
	[tilespmem:$0x1F6B0] =	vst v18;
	v18 =	vld [tilespmem:s14+$0xFFFFFC70]  }
0x2b5: {  	v4 =	vadd.f32 v4, v17;
	v17 =	vperm.xlane v1, v20  }
0x2b6: {  	[tilespmem:$0x1F620] =	vst v19;
	v19 =	vperm.xlane v12, v20;
	v2 =	vadd.f32 v2, v16;
	v16 =	vperm.xlane v3, v20  }
0x2b7: {  	v1 =	vadd.f32 v1, v17;
	v17 =	vperm.xlane v8, v20  }
0x2b8: {  	v12 =	vadd.f32 v12, v19;
	v3 =	vadd.f32 v3, v16;
	v16 =	vperm.xlane v15, v20  }
0x2b9: {  	v19 =	vld [tilespmem:s14+$0x220];
	v8 =	vadd.f32 v8, v17;
	v17 =	vperm.xlane v14, v20;
	[tilespmem:$0x1F6C0] =	vst v18;
	v18 =	vperm.xlane v0, v20  }
0x2ba: {  	v15 =	vadd.f32 v15, v16;
	v16 =	vperm.xlane v11, v20  }
0x2bb: {  	v14 =	vadd.f32 v14, v17;
	v17 =	vperm.xlane v9, v20;
	v0 =	vadd.f32 v0, v18;
	v18 =	vld [tilespmem:s14+$0xFFFFFED0]  }
0x2bc: {  	v11 =	vadd.f32 v11, v16;
	v16 =	vperm.xlane v7, v20  }
0x2bd: {  	v9 =	vadd.f32 v9, v17;
	v17 =	vperm.xlane v6, v20  }
0x2be: {  	v21 =	vld [tilespmem:s14+$0xFFFFFF50];
	[tilespmem:$0x1F690] =	vst v19;
	v19 =	vperm.xlane v10, v20;
	v7 =	vadd.f32 v7, v16  }
0x2bf: {  	v16 =	vperm.xlane v4, v20;
	v6 =	vadd.f32 v6, v17;
	v17 =	vperm.xlane v2, v20;
	v20 =	vld [tilespmem:$0x1FEF0]  }
0x2c0: {  	[tilespmem:$0x1F720] =	vst v18;
	v18 =	vld [tilespmem:s14+$0xFFFFFFC0];
	_ =	sdelay $0x2  }
0x2c1: {  	[tilespmem:$0x1F650] =	vst v21;
	v21 =	vld [tilespmem:s14+$0x300];
	_ =	sdelay $0x1  }
0x2c2: {  	[tilespmem:$0x1F740] =	vst v18;
	v18 =	vperm.xlane v14, v20;
	_ =	sdelay $0x1  }
0x2c3: {  	v14 =	vadd.f32 v14, v18;
	v18 =	vld [tilespmem:s14+$0x280]  }
0x2c4: {  	[tilespmem:$0x1F6A0] =	vst v21;
	v21 =	vld [tilespmem:s14+$0xFFFFFDE0];
	_ =	sdelay $0x3  }
0x2c5: {  	[tilespmem:$0x1F770] =	vst v18;
	v18 =	vld [tilespmem:s14+$0x290]  }
0x2c6: {  	[tilespmem:$0x1F700] =	vst v21;
	v21 =	vld [tilespmem:s14+$0x1A0];
	_ =	sdelay $0x1  }
0x2c7: {  	v4 =	vadd.f32 v4, v16;
	_ =	sdelay $0x1  }
0x2c8: {  	[tilespmem:$0x1F780] =	vst v18;
	v18 =	vperm.xlane v4, v20  }
0x2c9: {  	[tilespmem:$0x1F760] =	vst v21;
	v21 =	vld [tilespmem:s14+$0xFFFFFE50]  }
0x2ca: {  	v16 =	vperm.xlane v1, v20;
	v4 =	vadd.f32 v4, v18;
	v18 =	vld [tilespmem:s14+$0xFFFFFF40];
	_ =	sdelay $0x1  }
0x2cb: {  	v10 =	vadd.f32 v10, v19;
	v19 =	vld [tilespmem:s14+$0xFFFFFCF0];
	v1 =	vadd.f32 v1, v16;
	v16 =	vperm.xlane v3, v20;
	_ =	sdelay $0x1  }
0x2cc: {  	[tilespmem:$0x1F7B0] =	vst v21;
	v21 =	vld [tilespmem:$0x1FF00];
	v2 =	vadd.f32 v2, v17;
	v3 =	vadd.f32 v3, v16;
	v16 =	vperm.xlane v15, v20  }
0x2cd: {  	[tilespmem:$0x1F7D0] =	vst v18;
	v18 =	vld [tilespmem:s14+$0x30]  }
0x2ce: {  	v15 =	vadd.f32 v15, v16;
	v16 =	vperm.xlane v2, v20  }
0x2cf: {  	[tilespmem:$0x1F6E0] =	vst v19;
	v19 =	vperm.xlane v5, v20  }
0x2d0: {  	v2 =	vadd.f32 v2, v16  }
0x2d1: {  	v5 =	vadd.f32 v5, v19;
	v19 =	vld [tilespmem:s14+$0xB0]  }
0x2d2: {  	[tilespmem:$0x1F7E0] =	vst v18;
	v18 =	vperm.xlane v2, v21;
	_ =	sdelay $0x1  }
0x2d3: {  	v2 =	vadd.f32 v2, v18;
	v18 =	vld [tilespmem:s14+$0x210];
	_ =	sdelay $0x1  }
0x2d4: {  	[tilespmem:$0x1F750] =	vst v19;
	v19 =	vperm.xlane v13, v20;
	_ =	sdelay $0x1  }
0x2d5: {  	v17 =	vperm.xlane v12, v20;
	v13 =	vadd.f32 v13, v19;
	v19 =	vld [tilespmem:s14+$0xFFFFFD60]  }
0x2d6: {  	[tilespmem:$0x1F830] =	vst v18;
	v18 =	vld [tilespmem:s14+$0xFFFFFC60]  }
0x2d7: {  	v12 =	vadd.f32 v12, v17;
	v17 =	vperm.xlane v8, v20;
	_ =	sdelay $0x1  }
0x2d8: {  	v8 =	vadd.f32 v8, v17;
	v17 =	vperm.xlane v0, v20  }
0x2d9: {  	[tilespmem:$0x1F790] =	vst v19  }
0x2da: {  	v0 =	vadd.f32 v0, v17;
	v16 =	vperm.xlane v7, v20;
	v19 =	vperm.xlane v6, v20;
	[tilespmem:$0x1F810] =	vst v18;
	v18 =	vld [tilespmem:$0x1FF10];
	_ =	sdelay $0x1  }
0x2db: {  	v7 =	vadd.f32 v7, v16;
	v16 =	vperm.xlane v0, v21;
	v6 =	vadd.f32 v6, v19;
	_ =	sdelay $0x1  }
0x2dc: {  	v0 =	vadd.f32 v0, v16;
	v16 =	vperm.xlane v6, v21  }
0x2dd: {  	vm0 =	vnez.u8 v18  }
0x2de: {  	v0 =	vsel vm0, v0, v2;
	v2 =	vadd.f32 v6, v16;
	v16 =	vld [tilespmem:s14+$0xFFFFFCE0];
	_ =	sdelay $0x4  }
0x2df: {  	[tilespmem:$0x1F840] =	vst v16;
	v16 =	vld [tilespmem:$0x1FF20];
	_ =	sdelay $0x4  }
0x2e0: {  	vm0 =	vnez.u8 v16;
	v16 =	vld [tilespmem:s14+$0xFFFFFDD0]  }
0x2e1: {  	v19 =	vld [tilespmem:s14+$0x120];
	_ =	sdelay $0x1  }
0x2e2: {  	v17 =	vperm.xlane v11, v20;
	_ =	sdelay $0x1  }
0x2e3: {  	v11 =	vadd.f32 v11, v17;
	v17 =	vperm.xlane v9, v20;
	[tilespmem:$0x1F860] =	vst v16;
	v16 =	vld [tilespmem:$0x1FF30]  }
0x2e4: {  	[tilespmem:$0x1F7F0] =	vst v19;
	v19 =	vperm.xlane v4, v21  }
0x2e5: {  	v9 =	vadd.f32 v9, v17  }
0x2e6: {  	v4 =	vadd.f32 v4, v19  }
0x2e7: {  	v6 =	vperm.xlane v9, v21  }
0x2e8: {  	v0 =	vsel vm0, v0, v4;
	vm0 =	vnez.u8 v16  }
0x2e9: {  	v0 =	vsel vm0, v0, v2;
	v2 =	vadd.f32 v9, v6;
	v9 =	vld [tilespmem:s14+$0xFFFFFEC0];
	_ =	sdelay $0x4  }
0x2ea: {  	[tilespmem:$0x1F880] =	vst v9;
	v9 =	vld [tilespmem:$0x1FF40];
	_ =	sdelay $0x4  }
0x2eb: {  	vm0 =	vnez.u8 v9;
	v9 =	vld [tilespmem:s14+$0xFFFFFFB0];
	_ =	sdelay $0x3  }
0x2ec: {  	v17 =	vperm.xlane v10, v20  }
0x2ed: {  	[tilespmem:$0x1F890] =	vst v9;
	v9 =	vld [tilespmem:$0x1FF50]  }
0x2ee: {  	v10 =	vadd.f32 v10, v17;
	v17 =	vperm.xlane v7, v21;
	_ =	sdelay $0x1  }
0x2ef: {  	v4 =	vadd.f32 v7, v17;
	_ =	sdelay $0x1  }
0x2f0: {  	v0 =	vsel vm0, v0, v4;
	vm0 =	vnez.u8 v9;
	v9 =	vld [tilespmem:s14+$0xA0];
	_ =	sdelay $0x4  }
0x2f1: {  	[tilespmem:$0x1F8A0] =	vst v9;
	v9 =	vld [tilespmem:$0x1FF60];
	_ =	sdelay $0x4  }
0x2f2: {  	v0 =	vsel vm0, v0, v2;
	vm0 =	vnez.u8 v9;
	v9 =	vld [tilespmem:s14+$0x180];
	_ =	sdelay $0x4  }
0x2f3: {  	[tilespmem:$0x1F8B0] =	vst v9;
	v9 =	vld [tilespmem:$0x1FF70]  }
0x2f4: {  	v7 =	vperm.xlane v10, v21;
	_ =	sdelay $0x1  }
0x2f5: {  	v4 =	vadd.f32 v10, v7;
	_ =	sdelay $0x1  }
0x2f6: {  	v0 =	vsel vm0, v0, v4;
	vm0 =	vnez.u8 v9;
	v9 =	vld [tilespmem:s14+$0x190];
	_ =	sdelay $0x4  }
0x2f7: {  	[tilespmem:$0x1F8E0] =	vst v9;
	v9 =	vld [tilespmem:$0x1FF80]  }
0x2f8: {  	v6 =	vperm.xlane v11, v21;
	_ =	sdelay $0x1  }
0x2f9: {  	v2 =	vadd.f32 v11, v6;
	_ =	sdelay $0x1  }
0x2fa: {  	v0 =	vsel vm0, v0, v2;
	vm0 =	vnez.u8 v9;
	v9 =	vld [tilespmem:s14+$0xFFFFFD50];
	_ =	sdelay $0x4  }
0x2fb: {  	[tilespmem:$0x1F8C0] =	vst v9;
	v9 =	vld [tilespmem:$0x1FF90]  }
0x2fc: {  	v7 =	vperm.xlane v13, v21  }
0x2fd: {  	v6 =	vperm.xlane v15, v21  }
0x2fe: {  	v4 =	vadd.f32 v13, v7  }
0x2ff: {  	v2 =	vadd.f32 v15, v6;
	v6 =	vperm.xlane v8, v21  }
0x300: {  	v0 =	vsel vm0, v0, v4;
	vm0 =	vnez.u8 v9  }
0x301: {  	v0 =	vsel vm0, v0, v2;
	v2 =	vadd.f32 v8, v6;
	v8 =	vld [tilespmem:s14+$0xFFFFFE40];
	_ =	sdelay $0x4  }
0x302: {  	[tilespmem:$0x1F8F0] =	vst v8;
	v8 =	vld [tilespmem:$0x1FFA0];
	_ =	sdelay $0x4  }
0x303: {  	vm0 =	vnez.u8 v8;
	v8 =	vld [tilespmem:s14+$0xFFFFFF30];
	_ =	sdelay $0x4  }
0x304: {  	[tilespmem:$0x1F900] =	vst v8;
	v8 =	vld [tilespmem:$0x1FFB0]  }
0x305: {  	v7 =	vperm.xlane v14, v21;
	_ =	sdelay $0x1  }
0x306: {  	v4 =	vadd.f32 v14, v7  }
0x307: {  	v6 =	vperm.xlane v3, v21  }
0x308: {  	v0 =	vsel vm0, v0, v4;
	vm0 =	vnez.u8 v8  }
0x309: {  	v0 =	vsel vm0, v0, v2;
	v2 =	vadd.f32 v3, v6;
	v6 =	vld [tilespmem:s14+$0x20];
	_ =	sdelay $0x4  }
0x30a: {  	[tilespmem:$0x1F910] =	vst v6;
	v6 =	vld [tilespmem:$0x1FFC0];
	_ =	sdelay $0x1  }
0x30b: {  	v7 =	vperm.xlane v12, v21;
	_ =	sdelay $0x1  }
0x30c: {  	v4 =	vadd.f32 v12, v7;
	v7 =	vperm.xlane v5, v21  }
0x30d: {  	vm0 =	vnez.u8 v6  }
0x30e: {  	v0 =	vsel vm0, v0, v4;
	v4 =	vadd.f32 v5, v7;
	v5 =	vld [tilespmem:s14+$0x100];
	_ =	sdelay $0x4  }
0x30f: {  	[tilespmem:$0x1F920] =	vst v5;
	v5 =	vld [tilespmem:$0x1FFD0];
	_ =	sdelay $0x4  }
0x310: {  	vm0 =	vnez.u8 v5  }
0x311: {  	v0 =	vsel vm0, v0, v2;
	v2 =	vld [tilespmem:s14+$0x110];
	_ =	sdelay $0x4  }
0x312: {  	[tilespmem:$0x1F950] =	vst v2;
	v2 =	vld [tilespmem:$0x1FFE0];
	_ =	sdelay $0x4  }
0x313: {  	vm0 =	vnez.u8 v2;
	v2 =	vld [tilespmem:s14+$0xFFFFFC50];
	_ =	sdelay $0x4  }
0x314: {  	[tilespmem:$0x1F930] =	vst v2;
	v2 =	vld [tilespmem:$0x1FFF0];
	_ =	sdelay $0x1  }
0x315: {  	v3 =	vperm.xlane v1, v21;
	_ =	sdelay $0x1  }
0x316: {  	v1 =	vadd.f32 v1, v3  }
0x317: {  	v0 =	vsel vm0, v0, v4;
	vm0 =	vnez.u8 v2  }
0x318: {  	v7 =	vsel vm0, v0, v1;
	v0 =	vld [tilespmem:s14+$0xFFFFFCD0];
	_ =	sdelay $0x4  }
0x319: {  	[tilespmem:$0x1F960] =	vst v0;
	v0 =	vld [tilespmem:s14+$0xFFFFFDC0];
	_ =	sdelay $0x4  }
0x31a: {  	[tilespmem:$0x1F980] =	vst v0;
	v0 =	vld [tilespmem:s14+$0xFFFFFEB0];
	_ =	sdelay $0x4  }
0x31b: {  	[tilespmem:$0x1F990] =	vst v0;
	v0 =	vld [tilespmem:s14+$0xFFFFFFA0];
	_ =	sdelay $0x4  }
0x31c: {  	[tilespmem:$0x1F9A0] =	vst v0;
	v0 =	vld [tilespmem:s14+$0x80];
	_ =	sdelay $0x4  }
0x31d: {  	[tilespmem:$0x1F9B0] =	vst v0;
	v0 =	vld [tilespmem:s14+$0x90];
	_ =	sdelay $0x4  }
0x31e: {  	[tilespmem:$0x1F9C0] =	vst v0;
	v0 =	vld [tilespmem:s14+$0xFFFFFD40];
	_ =	sdelay $0x4  }
0x31f: {  	[tilespmem:$0x1F9D0] =	vst v0;
	v0 =	vld [tilespmem:s14+$0xFFFFFE30];
	_ =	sdelay $0x4  }
0x320: {  	[tilespmem:$0x1F9F0] =	vst v0;
	v0 =	vld [tilespmem:s14+$0xFFFFFF20];
	_ =	sdelay $0x4  }
0x321: {  	[tilespmem:$0x1FA00] =	vst v0;
	v0 =	vld [tilespmem:s14+$0x0];
	_ =	sdelay $0x4  }
0x322: {  	[tilespmem:$0x1FA10] =	vst v0;
	v0 =	vld [tilespmem:s14+$0x10];
	_ =	sdelay $0x4  }
0x323: {  	[tilespmem:$0x1FA20] =	vst v0;
	v0 =	vld [tilespmem:s14+$0xFFFFFC40];
	_ =	sdelay $0x4  }
0x324: {  	[tilespmem:$0x1FA30] =	vst v0;
	v0 =	vld [tilespmem:s14+$0xFFFFFCC0];
	_ =	sdelay $0x4  }
0x325: {  	[tilespmem:$0x1FA50] =	vst v0;
	v0 =	vld [tilespmem:s14+$0xFFFFFDB0];
	_ =	sdelay $0x4  }
0x326: {  	[tilespmem:$0x1FA70] =	vst v0;
	v0 =	vld [tilespmem:s14+$0xFFFFFEA0];
	_ =	sdelay $0x4  }
0x327: {  	[tilespmem:$0x1FA80] =	vst v0;
	v0 =	vld [tilespmem:s14+$0xFFFFFF80]  }
0x328: {  	v1 =	vadd.f32 $1.000000000e+00, v7;
	_ =	sdelay $0x1  }
0x329: {  	v1 =	vmul.f32 $5.000000000e-01, v1;
	_ =	sdelay $0x1  }
0x32a: {  	(erf) = vrcp.f32 v1;
	[tilespmem:$0x1FA90] =	vst v0;
	v0 =	vld [tilespmem:s14+$0xFFFFFF90];
	_ =	sdelay $0x2  }
0x32b: {  	v23 =	vld [tilespmem:s14+$0x140];
	_ =	sdelay $0x1  }
0x32c: {  	[tilespmem:$0x1FAA0] =	vst v0;
	v0 =	vld [tilespmem:s14+$0xFFFFFD30]  }
0x32d: {  	s29 =	simm.s32 $0x10  }
0x32e: {  	v13 =	vld [tilespmem:s29+$0x10000]  }
0x32f: {  	[tilespmem:$0x1F4D0] =	vst v23;
	v23 =	vld [tilespmem:s14+$0x230]  }
0x330: {  	v20 =	vld [tilespmem:s14+$0x200];
	v2 =	vpop (erf)  }
0x331: {  	v2 =	vmul.f32 v2, v7;
	[tilespmem:$0x1FAB0] =	vst v0;
	v0 =	vld [tilespmem:s14+$0xFFFFFE20];
	_ =	sdelay $0x1  }
0x332: {  	v1 =	vadd.f32 v2, v1;
	v2 =	vshll.u32 v13, $0x9  }
0x333: {  	[tilespmem:$0x1F4E0] =	vst v23;
	v2 =	vshra.s32 v2, $0x2  }
0x334: {  	[tilespmem:$0x1F800] =	vst v20;
	(v2sf) =	vpush v2, $0xF  }
0x335: {  	v46 =	vld [tilespmem:s14+$0x3F0];
	(v2sf) =	vpush v2, $0xE;
	[tilespmem:$0x1FAC0] =	vst v0  }
0x336: {  	v0 =	vld [tilespmem:s14+$0xFFFFFF00];
	_ =	sdelay $0x4  }
0x337: {  	[tilespmem:$0x1FAD0] =	vst v0;
	v0 =	vld [tilespmem:s14+$0xFFFFFF10];
	_ =	sdelay $0x4  }
0x338: {  	[tilespmem:$0x1FAE0] =	vst v0;
	v0 =	vld [tilespmem:s14+$0xFFFFFC30];
	_ =	sdelay $0x4  }
0x339: {  	[tilespmem:$0x1FAF0] =	vst v0;
	v0 =	vld [tilespmem:s14+$0xFFFFFCB0];
	_ =	sdelay $0x4  }
0x33a: {  	[tilespmem:$0x1FB00] =	vst v0;
	v0 =	vld [tilespmem:s14+$0xFFFFFDA0];
	_ =	sdelay $0x4  }
0x33b: {  	[tilespmem:$0x1FB10] =	vst v0;
	v0 =	vld [tilespmem:s14+$0xFFFFFE80];
	_ =	sdelay $0x4  }
0x33c: {  	[tilespmem:$0x1FB20] =	vst v0;
	v0 =	vld [tilespmem:s14+$0xFFFFFE90];
	_ =	sdelay $0x4  }
0x33d: {  	[tilespmem:$0x1FB30] =	vst v0;
	v0 =	vld [tilespmem:s14+$0xFFFFFD20];
	_ =	sdelay $0x4  }
0x33e: {  	[tilespmem:$0x1FB40] =	vst v0;
	v0 =	vld [tilespmem:s14+$0xFFFFFE00];
	_ =	sdelay $0x4  }
0x33f: {  	[tilespmem:$0x1FB50] =	vst v0;
	v0 =	vld [tilespmem:s14+$0xFFFFFE10];
	_ =	sdelay $0x4  }
0x340: {  	[tilespmem:$0x1FB60] =	vst v0;
	v0 =	vld [tilespmem:s14+$0xFFFFFC20];
	_ =	sdelay $0x4  }
0x341: {  	[tilespmem:$0x1FB70] =	vst v0;
	v0 =	vld [tilespmem:s14+$0xFFFFFCA0];
	_ =	sdelay $0x4  }
0x342: {  	[tilespmem:$0x1FB80] =	vst v0;
	v0 =	vld [tilespmem:s14+$0xFFFFFD80];
	_ =	sdelay $0x4  }
0x343: {  	[tilespmem:$0x1FB90] =	vst v0;
	v0 =	vld [tilespmem:s14+$0xFFFFFD90];
	_ =	sdelay $0x1  }
0x344: {  	(v2sf) =	vpush v2, $0xD  }
0x345: {  	(v2sf) =	vpush v2, $0xC  }
0x346: {  	(v2sf) =	vpush v2, $0xB  }
0x347: {  	[tilespmem:$0x1FBA0] =	vst v0;
	v0 =	vld [tilespmem:s14+$0xFFFFFD00];
	_ =	sdelay $0x2  }
0x348: {  	s30 =	spop (v2sf)  }
0x349: {  	s31 =	spop (v2sf)  }
0x34a: {  	[tilespmem:$0x1FBB0] =	vst v0;
	v0 =	vld [tilespmem:s31+$0x10260];
	_ =	sdelay $0x4  }
0x34b: {  	[tilespmem:$0x1F1E0] =	vst v0;
	v0 =	vld [tilespmem:s31+$0x10250];
	_ =	sdelay $0x1  }
0x34c: {  	s29 =	spop (v2sf)  }
0x34d: {  	s28 =	spop (v2sf)  }
0x34e: {  	s26 =	spop (v2sf)  }
0x34f: {  	[tilespmem:$0x1F250] =	vst v0;
	v0 =	vld [tilespmem:s26+$0x10260];
	_ =	sdelay $0x4  }
0x350: {  	(v2sf) =	vpush v2, $0xA;
	[tilespmem:$0x1F270] =	vst v0;
	v0 =	vld [tilespmem:s30+$0x10240]  }
0x351: {  	(v2sf) =	vpush v2, $0x9  }
0x352: {  	(v2sf) =	vpush v2, $0x8  }
0x353: {  	(v2sf) =	vpush v2, $0x7  }
0x354: {  	v1 =	vmul.f32 $5.000000000e-01, v1;
	(v2sf) =	vpush v2, $0x6  }
0x355: {  	[tilespmem:$0x1F2B0] =	vst v0;
	v0 =	vld [tilespmem:s31+$0x10240]  }
0x356: {  	(erf) = vrcp.f32 v1;
	_ =	sdelay $0x3  }
0x357: {  	[tilespmem:$0x1F300] =	vst v0;
	v0 =	vld [tilespmem:s29+$0x10240];
	_ =	sdelay $0x4  }
0x358: {  	v3 =	vpop (erf);
	s25 =	spop (v2sf);
	[tilespmem:$0x1F340] =	vst v0;
	v0 =	vld [tilespmem:s30+$0x10230]  }
0x359: {  	v3 =	vmul.f32 v3, v7;
	s24 =	spop (v2sf)  }
0x35a: {  	s23 =	spop (v2sf)  }
0x35b: {  	v1 =	vadd.f32 v3, v1;
	s22 =	spop (v2sf)  }
0x35c: {  	s20 =	spop (v2sf)  }
0x35d: {  	v1 =	vmul.f32 $5.000000000e-01, v1;
	[tilespmem:$0x1F360] =	vst v0;
	v0 =	vld [tilespmem:s20+$0x10270];
	_ =	sdelay $0x1  }
0x35e: {  	(erf) = vrcp.f32 v1;
	_ =	sdelay $0x2  }
0x35f: {  	[tilespmem:$0x1F380] =	vst v0;
	v0 =	vld [tilespmem:s23+$0x10260];
	_ =	sdelay $0x1  }
0x360: {  	(v2sf) =	vpush v2, $0x5  }
0x361: {  	(v2sf) =	vpush v2, $0x4  }
0x362: {  	(v2sf) =	vpush v2, $0x3  }
0x363: {  	[tilespmem:$0x1F3A0] =	vst v0;
	v0 =	vld [tilespmem:s25+$0x10250]  }
0x364: {  	v3 =	vpop (erf)  }
0x365: {  	v3 =	vmul.f32 v3, v7;
	_ =	sdelay $0x1  }
0x366: {  	v1 =	vadd.f32 v3, v1  }
0x367: {  	[tilespmem:$0x1F3C0] =	vst v0;
	v0 =	vld [tilespmem:s28+$0x10240]  }
0x368: {  	v1 =	vmul.f32 $5.000000000e-01, v1;
	_ =	sdelay $0x1  }
0x369: {  	(erf) = vrcp.f32 v1;
	_ =	sdelay $0x1  }
0x36a: {  	[tilespmem:$0x1F3E0] =	vst v0;
	v0 =	vld [tilespmem:s28+$0x10230];
	_ =	sdelay $0x1  }
0x36b: {  	s16 =	spop (v2sf)  }
0x36c: {  	s17 =	spop (v2sf)  }
0x36d: {  	s15 =	spop (v2sf)  }
0x36e: {  	[tilespmem:$0x1F4F0] =	vst v0;
	v0 =	vld [tilespmem:s15+$0x10270];
	_ =	sdelay $0x1  }
0x36f: {  	v3 =	vpop (erf)  }
0x370: {  	v3 =	vmul.f32 v3, v7;
	_ =	sdelay $0x1  }
0x371: {  	v1 =	vadd.f32 v3, v1;
	[tilespmem:$0x1F520] =	vst v0;
	v0 =	vld [tilespmem:s29+$0x10220];
	_ =	sdelay $0x1  }
0x372: {  	v1 =	vmul.f32 $5.000000000e-01, v1;
	_ =	sdelay $0x1  }
0x373: {  	(erf) = vrcp.f32 v1  }
0x374: {  	[tilespmem:$0x1F5B0] =	vst v0;
	v0 =	vld [tilespmem:s30+$0x10200];
	_ =	sdelay $0x4  }
0x375: {  	[tilespmem:$0x1F5D0] =	vst v0;
	v0 =	vld [tilespmem:s30+$0x10210]  }
0x376: {  	(v2sf) =	vpush v2, $0x2  }
0x377: {  	(v2sf) =	vpush v2, $0x0  }
0x378: {  	v14 =	vld [tilespmem:$0x1FE70];
	(v2sf) =	vpush v2, $0x1;
	v2 =	vpop (erf)  }
0x379: {  	v2 =	vmul.f32 v2, v7  }
0x37a: {  	[tilespmem:$0x1F5F0] =	vst v0;
	v0 =	vld [tilespmem:s17+$0x10260]  }
0x37b: {  	v1 =	vadd.f32 v2, v1;
	_ =	sdelay $0x1  }
0x37c: {  	v37 =	vimm.f32 $0.0e+00;
	vm7 =	veq.s32 v14, $0x0;
	v1 =	vmul.f32 $5.000000000e-01, v1  }
0x37d: {  	vm0 =	veq.s32 v13, $0x0;
	v2 =	vsel vm7, $0x3F800000, v37  }
0x37e: {  	v2 =	vadd.f32 v2, v37;
	(erf) = vrcp.f32 v1;
	[tilespmem:$0x1F630] =	vst v0;
	v0 =	vimm.s32 $0x0  }
0x37f: {  	v3 =	vsel vm0, $0x3F800000, v37;
	v0 =	vsel vm0, $0xFFFFFFFF, v0  }
0x380: {  	vm8 =	veq.s32 v14, $0x1;
	[tilespmem:$0x1F0D0] =	vst v0;
	v0 =	vadd.f32 v3, v2  }
0x381: {  	vm10 =	veq.s32 v14, $0x2;
	vm0 =	veq.s32 v13, $0x1;
	v2 =	vsel vm8, $0x3F800000, v37  }
0x382: {  	v3 =	vsel vm10, $0x3F800000, v37;
	v2 =	vadd.f32 v2, v37;
	[tilespmem:$0x1F0E0] =	vst v0;
	v0 =	vimm.s32 $0x0  }
0x383: {  	v4 =	vsel vm0, $0x3F800000, v37;
	v3 =	vadd.f32 v3, v37;
	v0 =	vsel vm0, $0xFFFFFFFF, v0  }
0x384: {  	vm1 =	veq.s32 v13, $0x2;
	[tilespmem:$0x1F0F0] =	vst v0;
	v0 =	vadd.f32 v4, v2  }
0x385: {  	vm11 =	veq.s32 v14, $0x3;
	v2 =	vsel vm1, $0x3F800000, v37  }
0x386: {  	[tilespmem:$0x1F100] =	vst v0;
	v0 =	vadd.f32 v2, v3;
	v2 =	vsel vm11, $0x3F800000, v37  }
0x387: {  	vm3 =	veq.s32 v13, $0x3;
	vm12 =	veq.s32 v14, $0x4;
	v3 =	vpop (erf);
	v5 =	vadd.f32 v2, v37  }
0x388: {  	v4 =	vsel vm12, $0x3F800000, v37;
	v3 =	vmul.f32 v3, v7;
	[tilespmem:$0x1F110] =	vst v0;
	v0 =	vsel vm3, $0x3F800000, v37  }
0x389: {  	vm2 =	veq.s32 v13, $0x4;
	v4 =	vadd.f32 v4, v37;
	v0 =	vadd.f32 v0, v5  }
0x38a: {  	v2 =	vadd.f32 v3, v1;
	v1 =	vsel vm2, $0x3F800000, v37  }
0x38b: {  	vm6 =	veq.s32 v13, $0x5;
	vm13 =	veq.s32 v14, $0x5;
	[tilespmem:$0x1F120] =	vst v0;
	v0 =	vadd.f32 v1, v4  }
0x38c: {  	vm14 =	veq.s32 v14, $0x6;
	vm15 =	veq.s32 v14, $0x7;
	v4 =	vsel vm13, $0x3F800000, v37  }
0x38d: {  	v5 =	vsel vm14, $0x3F800000, v37;
	v4 =	vadd.f32 v4, v37;
	[tilespmem:$0x1F130] =	vst v0;
	v0 =	vsel vm15, $0x3F800000, v37  }
0x38e: {  	v3 =	vmul.f32 $5.000000000e-01, v2;
	v2 =	vadd.f32 v0, v37;
	v0 =	vsel vm6, $0x3F800000, v37  }
0x38f: {  	vm5 =	veq.s32 v13, $0x6;
	v5 =	vadd.f32 v5, v37;
	v0 =	vadd.f32 v0, v4  }
0x390: {  	v1 =	vsel vm5, $0x3F800000, v37  }
0x391: {  	[tilespmem:$0x1F150] =	vst v0;
	v0 =	vadd.f32 v1, v5  }
0x392: {  	vm4 =	veq.s32 v13, $0x7  }
0x393: {  	v9 =	vld [tilespmem:s26+$0x10270];
	[tilespmem:$0x1F160] =	vst v0;
	v0 =	vsel vm4, $0x3F800000, v37  }
0x394: {  	v0 =	vadd.f32 v0, v2;
	v2 =	vld [tilespmem:$0x1F1C0];
	_ =	sdelay $0x4  }
0x395: {  	v2 =	vsub.f32 v2, v9  }
0x396: {  	v4 =	vld [tilespmem:$0x1F1E0]  }
0x397: {  	[tilespmem:$0x1FD10] =	vst v2;
	v2 =	vld [tilespmem:$0x1F1D0];
	_ =	sdelay $0x4  }
0x398: {  	v2 =	vsub.f32 v2, v4  }
0x399: {  	v10 =	vld [tilespmem:s29+$0x10260]  }
0x39a: {  	[tilespmem:$0x1FCF0] =	vst v2;
	v2 =	vld [tilespmem:$0x1F1F0];
	_ =	sdelay $0x4  }
0x39b: {  	v2 =	vsub.f32 v2, v10  }
0x39c: {  	v36 =	vld [tilespmem:s30+$0x10250]  }
0x39d: {  	[tilespmem:$0x1FD20] =	vst v2;
	v2 =	vld [tilespmem:$0x1F200];
	_ =	sdelay $0x4  }
0x39e: {  	v2 =	vsub.f32 v2, v36  }
0x39f: {  	v12 =	vld [tilespmem:s25+$0x10270]  }
0x3a0: {  	[tilespmem:$0x1FD40] =	vst v2;
	v2 =	vld [tilespmem:$0x1F210];
	_ =	sdelay $0x4  }
0x3a1: {  	v2 =	vsub.f32 v2, v12  }
0x3a2: {  	v8 =	vld [tilespmem:s28+$0x10260]  }
0x3a3: {  	[tilespmem:$0x1FD30] =	vst v2;
	v2 =	vld [tilespmem:$0x1F220];
	_ =	sdelay $0x4  }
0x3a4: {  	v2 =	vsub.f32 v2, v8  }
0x3a5: {  	v32 =	vld [tilespmem:s24+$0x10270]  }
0x3a6: {  	[tilespmem:$0x1FD50] =	vst v2;
	v2 =	vld [tilespmem:$0x1F230];
	_ =	sdelay $0x4  }
0x3a7: {  	v2 =	vsub.f32 v2, v32  }
0x3a8: {  	v4 =	vld [tilespmem:$0x1F250]  }
0x3a9: {  	[tilespmem:$0x1FD70] =	vst v2;
	v2 =	vld [tilespmem:$0x1F240];
	_ =	sdelay $0x3  }
0x3aa: {  	v8 =	vld [tilespmem:$0x1F270]  }
0x3ab: {  	v2 =	vsub.f32 v2, v4;
	v4 =	vld [tilespmem:$0x1F260];
	_ =	sdelay $0x4  }
0x3ac: {  	v4 =	vsub.f32 v4, v8  }
0x3ad: {  	v31 =	vld [tilespmem:s29+$0x10250]  }
0x3ae: {  	[tilespmem:$0x1FD80] =	vst v4;
	v4 =	vld [tilespmem:$0x1F280];
	_ =	sdelay $0x4  }
0x3af: {  	v4 =	vsub.f32 v4, v31  }
0x3b0: {  	v49 =	vld [tilespmem:s23+$0x10270]  }
0x3b1: {  	[tilespmem:$0x1FD90] =	vst v4;
	v4 =	vld [tilespmem:$0x1F290];
	_ =	sdelay $0x4  }
0x3b2: {  	v4 =	vsub.f32 v4, v49  }
0x3b3: {  	v8 =	vld [tilespmem:$0x1F2B0]  }
0x3b4: {  	[tilespmem:$0x1FDA0] =	vst v4;
	v4 =	vld [tilespmem:$0x1F2A0];
	_ =	sdelay $0x4  }
0x3b5: {  	v4 =	vsub.f32 v4, v8  }
0x3b6: {  	v55 =	vld [tilespmem:s25+$0x10260]  }
0x3b7: {  	[tilespmem:$0x1FC40] =	vst v4;
	v4 =	vld [tilespmem:$0x1F2C0];
	_ =	sdelay $0x4  }
0x3b8: {  	v4 =	vsub.f32 v4, v55  }
0x3b9: {  	v56 =	vld [tilespmem:s28+$0x10250]  }
0x3ba: {  	[tilespmem:$0x1FDB0] =	vst v4;
	v4 =	vld [tilespmem:$0x1F2D0];
	_ =	sdelay $0x4  }
0x3bb: {  	v4 =	vsub.f32 v4, v56  }
0x3bc: {  	v24 =	vld [tilespmem:s22+$0x10270]  }
0x3bd: {  	[tilespmem:$0x1FDC0] =	vst v4;
	v4 =	vld [tilespmem:$0x1F2E0];
	_ =	sdelay $0x4  }
0x3be: {  	v4 =	vsub.f32 v4, v24  }
0x3bf: {  	v8 =	vld [tilespmem:$0x1F300]  }
0x3c0: {  	[tilespmem:$0x1FDD0] =	vst v4;
	v4 =	vld [tilespmem:$0x1F2F0];
	_ =	sdelay $0x4  }
0x3c1: {  	v4 =	vsub.f32 v4, v8  }
0x3c2: {  	v63 =	vld [tilespmem:s24+$0x10260]  }
0x3c3: {  	[tilespmem:$0x1FC80] =	vst v4;
	v4 =	vld [tilespmem:$0x1F310];
	_ =	sdelay $0x4  }
0x3c4: {  	v4 =	vsub.f32 v4, v63  }
0x3c5: {  	v57 =	vld [tilespmem:s26+$0x10250]  }
0x3c6: {  	[tilespmem:$0x1FDE0] =	vst v4;
	v4 =	vld [tilespmem:$0x1F320];
	_ =	sdelay $0x4  }
0x3c7: {  	v4 =	vsub.f32 v4, v57  }
0x3c8: {  	v8 =	vld [tilespmem:$0x1F340]  }
0x3c9: {  	[tilespmem:$0x1FDF0] =	vst v4;
	v4 =	vld [tilespmem:$0x1F330];
	_ =	sdelay $0x4  }
0x3ca: {  	v4 =	vsub.f32 v4, v8  }
0x3cb: {  	v8 =	vld [tilespmem:$0x1F360]  }
0x3cc: {  	[tilespmem:$0x1FC60] =	vst v4;
	v4 =	vld [tilespmem:$0x1F350];
	_ =	sdelay $0x4  }
0x3cd: {  	v4 =	vsub.f32 v4, v8  }
0x3ce: {  	v8 =	vld [tilespmem:$0x1F380]  }
0x3cf: {  	[tilespmem:$0x1FBD0] =	vst v4;
	v4 =	vld [tilespmem:$0x1F370];
	_ =	sdelay $0x4  }
0x3d0: {  	v4 =	vsub.f32 v4, v8  }
0x3d1: {  	v8 =	vld [tilespmem:$0x1F3A0]  }
0x3d2: {  	[tilespmem:$0x1FE00] =	vst v4;
	v4 =	vld [tilespmem:$0x1F390];
	_ =	sdelay $0x4  }
0x3d3: {  	v4 =	vsub.f32 v4, v8  }
0x3d4: {  	v8 =	vld [tilespmem:$0x1F3C0]  }
0x3d5: {  	[tilespmem:$0x1FE10] =	vst v4;
	v4 =	vld [tilespmem:$0x1F3B0];
	_ =	sdelay $0x4  }
0x3d6: {  	v4 =	vsub.f32 v4, v8  }
0x3d7: {  	v8 =	vld [tilespmem:$0x1F3E0]  }
0x3d8: {  	[tilespmem:$0x1FE20] =	vst v4;
	v4 =	vld [tilespmem:$0x1F3D0];
	_ =	sdelay $0x4  }
0x3d9: {  	v4 =	vsub.f32 v4, v8  }
0x3da: {  	v50 =	vld [tilespmem:s31+$0x10230]  }
0x3db: {  	[tilespmem:$0x1FCC0] =	vst v4;
	v4 =	vld [tilespmem:$0x1F3F0];
	_ =	sdelay $0x4  }
0x3dc: {  	v4 =	vsub.f32 v4, v50  }
0x3dd: {  	v51 =	vld [tilespmem:s16+$0x10270]  }
0x3de: {  	[tilespmem:$0x1FBE0] =	vst v4;
	v4 =	vld [tilespmem:$0x1F400];
	_ =	sdelay $0x4  }
0x3df: {  	v4 =	vsub.f32 v4, v51  }
0x3e0: {  	v26 =	vld [tilespmem:s22+$0x10260]  }
0x3e1: {  	[tilespmem:$0x1F410] =	vst v4;
	v4 =	vld [tilespmem:$0x1F420];
	_ =	sdelay $0x4  }
0x3e2: {  	v4 =	vsub.f32 v4, v26  }
0x3e3: {  	v59 =	vld [tilespmem:s24+$0x10250]  }
0x3e4: {  	[tilespmem:$0x1F430] =	vst v4;
	v4 =	vld [tilespmem:$0x1F440];
	_ =	sdelay $0x4  }
0x3e5: {  	v4 =	vsub.f32 v4, v59  }
0x3e6: {  	v53 =	vld [tilespmem:s26+$0x10240]  }
0x3e7: {  	[tilespmem:$0x1FE30] =	vst v4;
	v4 =	vld [tilespmem:$0x1F450];
	_ =	sdelay $0x4  }
0x3e8: {  	v4 =	vsub.f32 v4, v53  }
0x3e9: {  	v39 =	vld [tilespmem:s29+$0x10230]  }
0x3ea: {  	[tilespmem:$0x1FCA0] =	vst v4;
	v4 =	vld [tilespmem:$0x1F460];
	_ =	sdelay $0x4  }
0x3eb: {  	v4 =	vsub.f32 v4, v39  }
0x3ec: {  	v25 =	vld [tilespmem:s30+$0x10220]  }
0x3ed: {  	[tilespmem:$0x1FBF0] =	vst v4;
	v4 =	vld [tilespmem:$0x1F470];
	_ =	sdelay $0x3  }
0x3ee: {  	v33 =	vld [tilespmem:s17+$0x10270]  }
0x3ef: {  	v50 =	vsub.f32 v4, v25;
	v4 =	vld [tilespmem:$0x1F480];
	_ =	sdelay $0x4  }
0x3f0: {  	v4 =	vsub.f32 v4, v33  }
0x3f1: {  	v40 =	vld [tilespmem:s20+$0x10260]  }
0x3f2: {  	[tilespmem:$0x1F490] =	vst v4;
	v4 =	vld [tilespmem:$0x1F4A0];
	_ =	sdelay $0x4  }
0x3f3: {  	v4 =	vsub.f32 v4, v40  }
0x3f4: {  	v54 =	vld [tilespmem:s23+$0x10250]  }
0x3f5: {  	[tilespmem:$0x1F4B0] =	vst v4;
	v4 =	vld [tilespmem:$0x1F4C0];
	_ =	sdelay $0x4  }
0x3f6: {  	v4 =	vsub.f32 v4, v54  }
0x3f7: {  	v58 =	vld [tilespmem:s25+$0x10240]  }
0x3f8: {  	[tilespmem:$0x1FE40] =	vst v4;
	v4 =	vld [tilespmem:$0x1F4D0];
	_ =	sdelay $0x4  }
0x3f9: {  	v4 =	vsub.f32 v4, v58  }
0x3fa: {  	v8 =	vld [tilespmem:$0x1F4F0]  }
0x3fb: {  	[tilespmem:$0x1FD00] =	vst v4;
	v4 =	vld [tilespmem:$0x1F4E0]  }
0x3fc: {  	v16 =	vld [tilespmem:s30+$0x10270];
	_ =	sdelay $0x3  }
0x3fd: {  	v60 =	vld [tilespmem:s31+$0x10220];
	v4 =	vsub.f32 v4, v8  }
0x3fe: {  	v11 =	vld [tilespmem:s29+$0x10270];
	[tilespmem:$0x1F170] =	vst v0;
	v0 =	vsub.f32 v46, v16  }
0x3ff: {  	[tilespmem:$0x1FC10] =	vst v4;
	v4 =	vld [tilespmem:$0x1F500]  }
0x400: {  	[tilespmem:$0x1FC50] =	vst v0;
	v0 =	vld [tilespmem:$0x1F180];
	_ =	sdelay $0x3  }
0x401: {  	v4 =	vsub.f32 v4, v60  }
0x402: {  	v0 =	vsub.f32 v0, v11;
	v11 =	vld [tilespmem:$0x1F520]  }
0x403: {  	[tilespmem:$0x1FBC0] =	vst v4;
	v4 =	vld [tilespmem:$0x1F510];
	_ =	sdelay $0x4  }
0x404: {  	v4 =	vsub.f32 v4, v11  }
0x405: {  	v35 =	vld [tilespmem:s16+$0x10260]  }
0x406: {  	[tilespmem:$0x1F530] =	vst v4;
	v4 =	vld [tilespmem:$0x1F540];
	_ =	sdelay $0x4  }
0x407: {  	v4 =	vsub.f32 v4, v35  }
0x408: {  	v61 =	vld [tilespmem:s22+$0x10250]  }
0x409: {  	[tilespmem:$0x1F550] =	vst v4;
	v4 =	vld [tilespmem:$0x1F560];
	_ =	sdelay $0x4  }
0x40a: {  	v4 =	vsub.f32 v4, v61  }
0x40b: {  	v62 =	vld [tilespmem:s24+$0x10240]  }
0x40c: {  	[tilespmem:$0x1F570] =	vst v4;
	v4 =	vld [tilespmem:$0x1F580];
	_ =	sdelay $0x4  }
0x40d: {  	v4 =	vsub.f32 v4, v62  }
0x40e: {  	v6 =	vld [tilespmem:s26+$0x10230]  }
0x40f: {  	[tilespmem:$0x1FCE0] =	vst v4;
	v4 =	vld [tilespmem:$0x1F590];
	_ =	sdelay $0x4  }
0x410: {  	v4 =	vsub.f32 v4, v6  }
0x411: {  	(erf) = vrcp.f32 v3;
	v6 =	vld [tilespmem:$0x1F5B0]  }
0x412: {  	[tilespmem:$0x1FC00] =	vst v4;
	v4 =	vld [tilespmem:$0x1F5A0];
	_ =	sdelay $0x1  }
0x413: {  	v41 =	vld [tilespmem:s28+$0x10270]  }
0x414: {  	v1 =	vld [tilespmem:$0x1F1A0];
	_ =	sdelay $0x1  }
0x415: {  	v60 =	vsub.f32 v4, v6;
	v4 =	vld [tilespmem:$0x1F5C0]  }
0x416: {  	v6 =	vld [tilespmem:$0x1F5D0];
	_ =	sdelay $0x1  }
0x417: {  	v1 =	vsub.f32 v1, v41;
	v41 =	vpop (erf)  }
0x418: {  	v46 =	vmul.f32 v41, v7;
	_ =	sdelay $0x1  }
0x419: {  	v3 =	vadd.f32 v46, v3;
	v46 =	vsub.f32 v4, v6;
	v4 =	vld [tilespmem:$0x1F5E0]  }
0x41a: {  	v6 =	vld [tilespmem:$0x1F5F0];
	_ =	sdelay $0x2  }
0x41b: {  	s18 =	spop (v2sf)  }
0x41c: {  	v45 =	vld [tilespmem:s18+$0x10270]  }
0x41d: {  	v62 =	vsub.f32 v4, v6;
	v4 =	vld [tilespmem:$0x1F600];
	_ =	sdelay $0x4  }
0x41e: {  	v4 =	vsub.f32 v4, v45  }
0x41f: {  	v11 =	vld [tilespmem:$0x1F630]  }
0x420: {  	[tilespmem:$0x1F610] =	vst v4;
	v4 =	vld [tilespmem:$0x1F620];
	_ =	sdelay $0x4  }
0x421: {  	v4 =	vsub.f32 v4, v11  }
0x422: {  	v34 =	vld [tilespmem:s20+$0x10250]  }
0x423: {  	[tilespmem:$0x1F640] =	vst v4;
	v4 =	vld [tilespmem:$0x1F650];
	_ =	sdelay $0x4  }
0x424: {  	v4 =	vsub.f32 v4, v34  }
0x425: {  	v44 =	vld [tilespmem:s23+$0x10240]  }
0x426: {  	[tilespmem:$0x1F660] =	vst v4;
	v4 =	vld [tilespmem:$0x1F670];
	_ =	sdelay $0x4  }
0x427: {  	v4 =	vsub.f32 v4, v44  }
0x428: {  	v42 =	vld [tilespmem:s25+$0x10230]  }
0x429: {  	[tilespmem:$0x1FE50] =	vst v4;
	v4 =	vld [tilespmem:$0x1F680];
	_ =	sdelay $0x4  }
0x42a: {  	v4 =	vsub.f32 v4, v42  }
0x42b: {  	v43 =	vld [tilespmem:s28+$0x10220]  }
0x42c: {  	[tilespmem:$0x1FC20] =	vst v4;
	v4 =	vld [tilespmem:$0x1F690];
	_ =	sdelay $0x3  }
0x42d: {  	v38 =	vld [tilespmem:s31+$0x10200]  }
0x42e: {  	v58 =	vsub.f32 v4, v43;
	v4 =	vld [tilespmem:$0x1F6A0];
	_ =	sdelay $0x3  }
0x42f: {  	v29 =	vld [tilespmem:s31+$0x10210]  }
0x430: {  	v44 =	vsub.f32 v4, v38;
	v4 =	vld [tilespmem:$0x1F6B0];
	_ =	sdelay $0x2  }
0x431: {  	v17 =	vld [tilespmem:s30+$0x10260];
	s30 =	spop (v2sf)  }
0x432: {  	v30 =	vld [tilespmem:s30+$0x10270]  }
0x433: {  	v43 =	vsub.f32 v4, v29;
	v4 =	vld [tilespmem:$0x1F6C0];
	_ =	sdelay $0x4  }
0x434: {  	v15 =	vld [tilespmem:s31+$0x10270];
	s31 =	spop (v2sf);
	v4 =	vsub.f32 v4, v30  }
0x435: {  	v47 =	vld [tilespmem:s31+$0x10270]  }
0x436: {  	[tilespmem:$0x1F6D0] =	vst v4;
	v4 =	vld [tilespmem:$0x1F6E0];
	_ =	sdelay $0x4  }
0x437: {  	v4 =	vsub.f32 v4, v47  }
0x438: {  	v28 =	vld [tilespmem:s15+$0x10260]  }
0x439: {  	[tilespmem:$0x1F6F0] =	vst v4;
	v4 =	vld [tilespmem:$0x1F700];
	_ =	sdelay $0x4  }
0x43a: {  	v4 =	vsub.f32 v4, v28  }
0x43b: {  	v52 =	vld [tilespmem:s16+$0x10250]  }
0x43c: {  	[tilespmem:$0x1F710] =	vst v4;
	v4 =	vld [tilespmem:$0x1F720];
	_ =	sdelay $0x4  }
0x43d: {  	v4 =	vsub.f32 v4, v52  }
0x43e: {  	v27 =	vld [tilespmem:s22+$0x10240]  }
0x43f: {  	[tilespmem:$0x1F730] =	vst v4;
	v4 =	vld [tilespmem:$0x1F740];
	_ =	sdelay $0x4  }
0x440: {  	v4 =	vsub.f32 v4, v27  }
0x441: {  	v23 =	vld [tilespmem:s24+$0x10230]  }
0x442: {  	[tilespmem:$0x1FE60] =	vst v4;
	v4 =	vld [tilespmem:$0x1F750];
	_ =	sdelay $0x4  }
0x443: {  	v4 =	vsub.f32 v4, v23  }
0x444: {  	v22 =	vld [tilespmem:s26+$0x10220]  }
0x445: {  	[tilespmem:$0x1FC30] =	vst v4;
	v4 =	vld [tilespmem:$0x1F760];
	_ =	sdelay $0x3  }
0x446: {  	v21 =	vld [tilespmem:s29+$0x10200]  }
0x447: {  	v55 =	vsub.f32 v4, v22;
	v4 =	vld [tilespmem:$0x1F770];
	_ =	sdelay $0x3  }
0x448: {  	v20 =	vld [tilespmem:s29+$0x10210]  }
0x449: {  	v34 =	vsub.f32 v4, v21;
	v4 =	vld [tilespmem:$0x1F780];
	_ =	sdelay $0x3  }
0x44a: {  	v19 =	vld [tilespmem:s18+$0x10260]  }
0x44b: {  	v42 =	vsub.f32 v4, v20;
	v4 =	vld [tilespmem:$0x1F790];
	_ =	sdelay $0x4  }
0x44c: {  	v4 =	vsub.f32 v4, v19  }
0x44d: {  	v48 =	vld [tilespmem:s17+$0x10250]  }
0x44e: {  	[tilespmem:$0x1F7A0] =	vst v4;
	v4 =	vld [tilespmem:$0x1F7B0];
	_ =	sdelay $0x1  }
0x44f: {  	v3 =	vmul.f32 $5.000000000e-01, v3;
	_ =	sdelay $0x1  }
0x450: {  	(erf) = vrcp.f32 v3  }
0x451: {  	v4 =	vsub.f32 v4, v48  }
0x452: {  	v18 =	vld [tilespmem:s20+$0x10240]  }
0x453: {  	[tilespmem:$0x1F7C0] =	vst v4;
	v4 =	vld [tilespmem:$0x1F7D0];
	_ =	sdelay $0x3  }
0x454: {  	[tilespmem:$0x1FC70] =	vst v0;
	v0 =	vld [tilespmem:$0x1F190]  }
0x455: {  	v4 =	vsub.f32 v4, v18  }
0x456: {  	v16 =	vld [tilespmem:s23+$0x10230];
	v25 =	vpop (erf)  }
0x457: {  	v25 =	vmul.f32 v25, v7;
	[tilespmem:$0x1FE80] =	vst v4;
	v4 =	vld [tilespmem:$0x1F7E0];
	_ =	sdelay $0x1  }
0x458: {  	[tilespmem:$0x1FCD0] =	vst v1;
	v1 =	vld [tilespmem:$0x1F1B0];
	v0 =	vsub.f32 v0, v15;
	v3 =	vadd.f32 v25, v3;
	_ =	sdelay $0x1  }
0x459: {  	[tilespmem:$0x1FC90] =	vst v0;
	v0 =	vld [tilespmem:s25+$0x10220];
	v3 =	vmul.f32 $5.000000000e-01, v3  }
0x45a: {  	v63 =	vsub.f32 v4, v16;
	v4 =	vld [tilespmem:$0x1F7F0]  }
0x45b: {  	(erf) = vrcp.f32 v3  }
0x45c: {  	v1 =	vsub.f32 v1, v17;
	_ =	sdelay $0x1  }
0x45d: {  	[tilespmem:$0x1FCB0] =	vst v1;
	v1 =	vld [tilespmem:s28+$0x10200]  }
0x45e: {  	v49 =	vsub.f32 v4, v0;
	v0 =	vld [tilespmem:$0x1F800];
	_ =	sdelay $0x4  }
0x45f: {  	v26 =	vsub.f32 v0, v1;
	v0 =	vpop (erf)  }
0x460: {  	v0 =	vmul.f32 v0, v7  }
0x461: {  	v36 =	vld [tilespmem:s22+$0x10230]  }
0x462: {  	v3 =	vadd.f32 v0, v3;
	v0 =	vld [tilespmem:$0x1F890];
	_ =	sdelay $0x3  }
0x463: {  	v32 =	vld [tilespmem:s24+$0x10220]  }
0x464: {  	v59 =	vsub.f32 v0, v36;
	v0 =	vld [tilespmem:$0x1F8A0];
	_ =	sdelay $0x3  }
0x465: {  	v24 =	vld [tilespmem:s26+$0x10200]  }
0x466: {  	v36 =	vsub.f32 v0, v32;
	v0 =	vld [tilespmem:$0x1F8B0];
	_ =	sdelay $0x3  }
0x467: {  	v57 =	vld [tilespmem:s18+$0x10250]  }
0x468: {  	v20 =	vsub.f32 v0, v24;
	v0 =	vld [tilespmem:$0x1F8C0];
	_ =	sdelay $0x4  }
0x469: {  	v0 =	vsub.f32 v0, v57  }
0x46a: {  	v14 =	vld [tilespmem:s26+$0x10210]  }
0x46b: {  	[tilespmem:$0x1F8D0] =	vst v0;
	v0 =	vld [tilespmem:$0x1F8E0];
	_ =	sdelay $0x3  }
0x46c: {  	v12 =	vld [tilespmem:s17+$0x10240]  }
0x46d: {  	v18 =	vsub.f32 v0, v14;
	v0 =	vld [tilespmem:$0x1F8F0];
	_ =	sdelay $0x4  }
0x46e: {  	v0 =	vsub.f32 v0, v12  }
0x46f: {  	v10 =	vld [tilespmem:s20+$0x10230]  }
0x470: {  	[tilespmem:$0x1FEB0] =	vst v0;
	v0 =	vld [tilespmem:$0x1F900];
	_ =	sdelay $0x3  }
0x471: {  	v41 =	vld [tilespmem:s23+$0x10220]  }
0x472: {  	v56 =	vsub.f32 v0, v10;
	v0 =	vld [tilespmem:$0x1F910];
	_ =	sdelay $0x1  }
0x473: {  	v9 =	vld [tilespmem:s25+$0x10200]  }
0x474: {  	v15 =	vld [tilespmem:s30+$0x10260]  }
0x475: {  	v1 =	vld [tilespmem:$0x1F810]  }
0x476: {  	v41 =	vsub.f32 v0, v41;
	v0 =	vld [tilespmem:$0x1F920];
	_ =	sdelay $0x3  }
0x477: {  	v39 =	vld [tilespmem:s30+$0x10250]  }
0x478: {  	v1 =	vsub.f32 v1, v15;
	v15 =	vsub.f32 v0, v9;
	v0 =	vld [tilespmem:$0x1F930];
	_ =	sdelay $0x4  }
0x479: {  	v0 =	vsub.f32 v0, v39  }
0x47a: {  	v51 =	vld [tilespmem:s25+$0x10210]  }
0x47b: {  	[tilespmem:$0x1F940] =	vst v0;
	v0 =	vld [tilespmem:$0x1F950];
	_ =	sdelay $0x3  }
0x47c: {  	v33 =	vld [tilespmem:s31+$0x10250]  }
0x47d: {  	v51 =	vsub.f32 v0, v51;
	v0 =	vld [tilespmem:$0x1F960];
	_ =	sdelay $0x4  }
0x47e: {  	v0 =	vsub.f32 v0, v33  }
0x47f: {  	v54 =	vld [tilespmem:s15+$0x10240]  }
0x480: {  	[tilespmem:$0x1F970] =	vst v0;
	v0 =	vld [tilespmem:$0x1F980];
	_ =	sdelay $0x4  }
0x481: {  	v0 =	vsub.f32 v0, v54  }
0x482: {  	v8 =	vld [tilespmem:s16+$0x10230]  }
0x483: {  	[tilespmem:$0x1FEC0] =	vst v0;
	v0 =	vld [tilespmem:$0x1F990];
	_ =	sdelay $0x3  }
0x484: {  	v35 =	vld [tilespmem:s22+$0x10220]  }
0x485: {  	v53 =	vsub.f32 v0, v8;
	v0 =	vld [tilespmem:$0x1F9A0];
	_ =	sdelay $0x3  }
0x486: {  	v61 =	vld [tilespmem:s24+$0x10200]  }
0x487: {  	v57 =	vsub.f32 v0, v35;
	v0 =	vld [tilespmem:$0x1F9B0];
	_ =	sdelay $0x3  }
0x488: {  	[tilespmem:$0x1F140] =	vst v13;
	v13 =	vld [tilespmem:s24+$0x10210]  }
0x489: {  	v54 =	vsub.f32 v0, v61;
	v0 =	vld [tilespmem:$0x1F9C0];
	_ =	sdelay $0x1  }
0x48a: {  	v17 =	vld [tilespmem:s28+$0x10210]  }
0x48b: {  	v40 =	vld [tilespmem:s18+$0x10240]  }
0x48c: {  	[tilespmem:$0x1F820] =	vst v1;
	v1 =	vld [tilespmem:$0x1F830]  }
0x48d: {  	v13 =	vsub.f32 v0, v13;
	v0 =	vld [tilespmem:$0x1F9D0];
	_ =	sdelay $0x2  }
0x48e: {  	v5 =	vld [tilespmem:s31+$0x10260]  }
0x48f: {  	v25 =	vsub.f32 v1, v17;
	v1 =	vld [tilespmem:$0x1F840]  }
0x490: {  	v0 =	vsub.f32 v0, v40  }
0x491: {  	v6 =	vld [tilespmem:s17+$0x10230]  }
0x492: {  	[tilespmem:$0x1F9E0] =	vst v0;
	v0 =	vld [tilespmem:$0x1F9F0];
	_ =	sdelay $0x1  }
0x493: {  	[tilespmem:$0x1FD60] =	vst v2;
	v2 =	vld [tilespmem:s15+$0x10250];
	v1 =	vsub.f32 v1, v5  }
0x494: {  	v45 =	vld [tilespmem:s20+$0x10220]  }
0x495: {  	[tilespmem:$0x1F850] =	vst v1;
	v1 =	vld [tilespmem:$0x1F860]  }
0x496: {  	v52 =	vsub.f32 v0, v6;
	v0 =	vld [tilespmem:$0x1FA00];
	_ =	sdelay $0x2  }
0x497: {  	v31 =	vld [tilespmem:s16+$0x10240]  }
0x498: {  	v11 =	vld [tilespmem:s23+$0x10200];
	v1 =	vsub.f32 v1, v2  }
0x499: {  	v45 =	vsub.f32 v0, v45;
	v0 =	vld [tilespmem:$0x1FA10]  }
0x49a: {  	[tilespmem:$0x1F870] =	vst v1;
	v1 =	vld [tilespmem:$0x1F880];
	_ =	sdelay $0x2  }
0x49b: {  	v38 =	vld [tilespmem:s23+$0x10210]  }
0x49c: {  	v9 =	vsub.f32 v0, v11;
	v0 =	vld [tilespmem:$0x1FA20]  }
0x49d: {  	v1 =	vsub.f32 v1, v31  }
0x49e: {  	v23 =	vld [tilespmem:s22+$0x10200]  }
0x49f: {  	[tilespmem:$0x1FE90] =	vst v1;
	v1 =	vld [tilespmem:$0x1FA90]  }
0x4a0: {  	v30 =	vld [tilespmem:s30+$0x10240]  }
0x4a1: {  	v11 =	vsub.f32 v0, v38;
	v0 =	vld [tilespmem:$0x1FA30];
	_ =	sdelay $0x1  }
0x4a2: {  	v19 =	vld [tilespmem:s22+$0x10210]  }
0x4a3: {  	v23 =	vsub.f32 v1, v23;
	v1 =	vld [tilespmem:$0x1FAA0];
	_ =	sdelay $0x1  }
0x4a4: {  	v28 =	vld [tilespmem:s31+$0x10240];
	v0 =	vsub.f32 v0, v30  }
0x4a5: {  	v16 =	vld [tilespmem:s18+$0x10230]  }
0x4a6: {  	[tilespmem:$0x1FA40] =	vst v0;
	v0 =	vld [tilespmem:$0x1FA50]  }
0x4a7: {  	v19 =	vsub.f32 v1, v19;
	v1 =	vld [tilespmem:$0x1FAB0];
	_ =	sdelay $0x2  }
0x4a8: {  	v27 =	vld [tilespmem:s15+$0x10230]  }
0x4a9: {  	v4 =	vld [tilespmem:s17+$0x10220];
	v0 =	vsub.f32 v0, v28  }
0x4aa: {  	v35 =	vsub.f32 v1, v16;
	v1 =	vld [tilespmem:$0x1FAC0]  }
0x4ab: {  	[tilespmem:$0x1FA60] =	vst v0;
	v0 =	vld [tilespmem:$0x1FA70];
	_ =	sdelay $0x3  }
0x4ac: {  	v2 =	vld [tilespmem:s20+$0x10200]  }
0x4ad: {  	v48 =	vsub.f32 v0, v27;
	v27 =	vsub.f32 v1, v4;
	v4 =	vld [tilespmem:$0x1FAD0];
	_ =	sdelay $0x3  }
0x4ae: {  	v47 =	vld [tilespmem:s20+$0x10210]  }
0x4af: {  	v8 =	vsub.f32 v4, v2;
	v2 =	vld [tilespmem:$0x1FAE0];
	_ =	sdelay $0x3  }
0x4b0: {  	v39 =	vld [tilespmem:s30+$0x10230]  }
0x4b1: {  	v47 =	vsub.f32 v2, v47;
	v2 =	vld [tilespmem:$0x1FAF0];
	_ =	sdelay $0x3  }
0x4b2: {  	v24 =	vmul.f32 $5.000000000e-01, v3;
	v3 =	vld [tilespmem:s31+$0x10230]  }
0x4b3: {  	v39 =	vsub.f32 v2, v39;
	v2 =	vld [tilespmem:$0x1FB00];
	_ =	sdelay $0x1  }
0x4b4: {  	v22 =	vld [tilespmem:s16+$0x10220]  }
0x4b5: {  	v14 =	vld [tilespmem:s15+$0x10220]  }
0x4b6: {  	v0 =	vld [tilespmem:$0x1FA80]  }
0x4b7: {  	v33 =	vsub.f32 v2, v3;
	v2 =	vld [tilespmem:$0x1FB10]  }
0x4b8: {  	v21 =	vld [tilespmem:s18+$0x10220];
	(erf) = vrcp.f32 v24  }
0x4b9: {  	v17 =	vld [tilespmem:s14+$0xFFFFFD10]  }
0x4ba: {  	v32 =	vld [tilespmem:s14+$0xFFFFFC00]  }
0x4bb: {  	v61 =	vld [tilespmem:s16+$0x10200]  }
0x4bc: {  	v29 =	vsub.f32 v0, v22;
	v22 =	vsub.f32 v2, v14;
	v2 =	vld [tilespmem:$0x1FB20]  }
0x4bd: {  	v5 =	vld [tilespmem:s18+$0x10200]  }
0x4be: {  	v16 =	vld [tilespmem:$0x1FB80]  }
0x4bf: {  	v40 =	vld [tilespmem:s16+$0x10210]  }
0x4c0: {  	v6 =	vld [tilespmem:s31+$0x10220]  }
0x4c1: {  	v30 =	vpop (erf);
	v61 =	vsub.f32 v2, v61;
	v2 =	vld [tilespmem:$0x1FB30]  }
0x4c2: {  	v31 =	vld [tilespmem:s14+$0xFFFFFC10];
	v30 =	vmul.f32 v30, v7  }
0x4c3: {  	vm9 =	vgt.f32 v7, $0.0e+00;
	v7 =	vld [tilespmem:$0x1FBA0]  }
0x4c4: {  	v24 =	vadd.f32 v30, v24;
	v30 =	vld [tilespmem:s15+$0x10210]  }
0x4c5: {  	v16 =	vsub.f32 v16, v6;
	v6 =	vld [tilespmem:$0x1FB90]  }
0x4c6: {  	v40 =	vsub.f32 v2, v40;
	v2 =	vld [tilespmem:$0x1FB40]  }
0x4c7: {  	v38 =	vld [tilespmem:s17+$0x10200]  }
0x4c8: {  	v28 =	vld [tilespmem:s17+$0x10210]  }
0x4c9: {  	v7 =	vsub.f32 v7, v30;
	v30 =	vld [tilespmem:$0x1FBB0]  }
0x4ca: {  	v1 =	vld [tilespmem:s15+$0x10200]  }
0x4cb: {  	v21 =	vsub.f32 v2, v21;
	v2 =	vld [tilespmem:$0x1FB50]  }
0x4cc: {  	v14 =	vld [tilespmem:$0x1FB60]  }
0x4cd: {  	v20 =	vmul.f32 v20, v20;
	v18 =	vmul.f32 v18, v18;
	v0 =	vld [tilespmem:s30+$0x10220]  }
0x4ce: {  	v4 =	vld [tilespmem:s18+$0x10210]  }
0x4cf: {  	v18 =	vadd.f32 v18, v20;
	v3 =	vld [tilespmem:s30+$0x10200]  }
0x4d0: {  	v20 =	vmul.f32 v54, v54;
	v13 =	vmul.f32 v13, v13;
	v38 =	vsub.f32 v2, v38;
	v2 =	vld [tilespmem:s30+$0x10210]  }
0x4d1: {  	v26 =	vmul.f32 v26, v26;
	v25 =	vmul.f32 v25, v25;
	v28 =	vsub.f32 v14, v28;
	v14 =	vld [tilespmem:$0x1FB70]  }
0x4d2: {  	v19 =	vmul.f32 v19, v19;
	v15 =	vmul.f32 v15, v15;
	v13 =	vadd.f32 v13, v20  }
0x4d3: {  	v12 =	vld [tilespmem:s14+$0xFFFFFC80];
	v20 =	vmul.f32 v23, v23;
	v9 =	vmul.f32 v9, v9;
	v5 =	vsub.f32 v30, v5  }
0x4d4: {  	v10 =	vld [tilespmem:s14+$0xFFFFFC90];
	v11 =	vmul.f32 v11, v11;
	v6 =	vsub.f32 v6, v1;
	v4 =	vsub.f32 v17, v4  }
0x4d5: {  	v7 =	vmul.f32 v7, v7;
	v1 =	vld [tilespmem:s31+$0x10210];
	v3 =	vsub.f32 v32, v3;
	v2 =	vsub.f32 v31, v2  }
0x4d6: {  	v5 =	vmul.f32 v5, v5;
	v4 =	vmul.f32 v4, v4;
	v14 =	vsub.f32 v14, v0;
	v0 =	vld [tilespmem:s31+$0x10200]  }
0x4d7: {  	v3 =	vmul.f32 v3, v3;
	v2 =	vmul.f32 v2, v2  }
0x4d8: {  	v25 =	vadd.f32 v25, v26;
	v30 =	vmul.f32 v46, v46;
	v8 =	vmul.f32 v8, v8  }
0x4d9: {  	v6 =	vmul.f32 v6, v6;
	v2 =	vadd.f32 v2, v3;
	v3 =	vadd.f32 v4, v5;
	v5 =	vld [tilespmem:$0x1FBC0]  }
0x4da: {  	v19 =	vadd.f32 v19, v20;
	v17 =	vmul.f32 v50, v50;
	v50 =	vmul.f32 v43, v43  }
0x4db: {  	v1 =	vsub.f32 v10, v1;
	v0 =	vsub.f32 v12, v0;
	v12 =	vmul.f32 v44, v44  }
0x4dc: {  	v9 =	vadd.f32 v11, v9;
	v10 =	vmul.f32 v34, v34;
	v31 =	vmul.f32 v62, v62  }
0x4dd: {  	v23 =	vmul.f32 v47, v47;
	v1 =	vmul.f32 v1, v1;
	v12 =	vadd.f32 v50, v12  }
0x4de: {  	v30 =	vadd.f32 v31, v30;
	v31 =	vmul.f32 v51, v51;
	v5 =	vmul.f32 v5, v5  }
0x4df: {  	v6 =	vadd.f32 v7, v6;
	v28 =	vmul.f32 v28, v28;
	v11 =	vmul.f32 v38, v38  }
0x4e0: {  	v15 =	vadd.f32 v31, v15;
	v5 =	vadd.f32 v5, v12;
	v12 =	vmul.f32 v49, v49  }
0x4e1: {  	v8 =	vadd.f32 v23, v8;
	v0 =	vmul.f32 v0, v0;
	v7 =	vadd.f32 v28, v11  }
0x4e2: {  	v11 =	vmul.f32 v55, v55;
	v12 =	vadd.f32 v12, v15;
	v15 =	vmul.f32 v41, v41  }
0x4e3: {  	v22 =	vmul.f32 v22, v22;
	v14 =	vmul.f32 v14, v14;
	v0 =	vadd.f32 v1, v0  }
0x4e4: {  	v11 =	vadd.f32 v11, v18;
	v9 =	vadd.f32 v15, v9;
	v15 =	vmul.f32 v27, v27  }
0x4e5: {  	v18 =	vmul.f32 v57, v57;
	v1 =	vadd.f32 v17, v30;
	v17 =	vmul.f32 v36, v36  }
0x4e6: {  	v14 =	vadd.f32 v14, v2;
	v2 =	vld [tilespmem:$0x1FBD0];
	v7 =	vadd.f32 v15, v7;
	v15 =	vmul.f32 v16, v16  }
0x4e7: {  	v20 =	vmul.f32 v61, v61;
	v62 =	vmul.f32 v42, v42;
	v13 =	vadd.f32 v17, v13;
	v16 =	vld [tilespmem:$0x1FBF0]  }
0x4e8: {  	v17 =	vadd.f32 v18, v19;
	v18 =	vmul.f32 v45, v45;
	v15 =	vadd.f32 v15, v0;
	v0 =	vld [tilespmem:$0x1FC00]  }
0x4e9: {  	v26 =	vmul.f32 v40, v40;
	v10 =	vadd.f32 v62, v10;
	v4 =	vmul.f32 v60, v60  }
0x4ea: {  	v8 =	vadd.f32 v18, v8;
	v18 =	vadd.f32 v22, v6;
	v6 =	vmul.f32 v21, v21  }
0x4eb: {  	v20 =	vadd.f32 v26, v20;
	v2 =	vmul.f32 v2, v2  }
0x4ec: {  	v4 =	vadd.f32 v4, v10;
	v3 =	vadd.f32 v6, v3;
	v6 =	vld [tilespmem:$0x1FBE0];
	v16 =	vmul.f32 v16, v16  }
0x4ed: {  	v19 =	vmul.f32 v29, v29;
	v1 =	vadd.f32 v2, v1;
	v2 =	vld [tilespmem:$0x1FC10];
	v0 =	vmul.f32 v0, v0  }
0x4ee: {  	v16 =	vadd.f32 v16, v4;
	v4 =	vld [tilespmem:$0x1FC30]  }
0x4ef: {  	v19 =	vadd.f32 v19, v20;
	v20 =	vadd.f32 v0, v11;
	v0 =	vld [tilespmem:$0x1FC20]  }
0x4f0: {  	v10 =	vmul.f32 v58, v58  }
0x4f1: {  	v6 =	vmul.f32 v6, v6  }
0x4f2: {  	v10 =	vadd.f32 v10, v25;
	v2 =	vmul.f32 v2, v2  }
0x4f3: {  	v5 =	vadd.f32 v6, v5;
	v4 =	vmul.f32 v4, v4  }
0x4f4: {  	v21 =	vadd.f32 v2, v10;
	v2 =	vmul.f32 v63, v63;
	v0 =	vmul.f32 v0, v0  }
0x4f5: {  	v6 =	vmul.f32 v59, v59;
	v22 =	vadd.f32 v4, v13;
	v4 =	vmul.f32 v53, v53  }
0x4f6: {  	v2 =	vadd.f32 v2, v9;
	v9 =	vmul.f32 v56, v56;
	v12 =	vadd.f32 v0, v12  }
0x4f7: {  	v0 =	vadd.f32 v6, v17;
	v6 =	vadd.f32 v4, v19;
	v4 =	vmul.f32 v52, v52  }
0x4f8: {  	v10 =	vadd.f32 v9, v8;
	v9 =	vmul.f32 v39, v39;
	v13 =	vmul.f32 v33, v33  }
0x4f9: {  	v4 =	vadd.f32 v4, v7  }
0x4fa: {  	v7 =	vadd.f32 v9, v14;
	v9 =	vadd.f32 v13, v15;
	v13 =	vld [tilespmem:$0x1FC50]  }
0x4fb: {  	v8 =	vmul.f32 v35, v35  }
0x4fc: {  	v24 =	vmul.f32 $5.000000000e-01, v24  }
0x4fd: {  	v8 =	vadd.f32 v8, v3;
	v3 =	vld [tilespmem:$0x1FC40]  }
0x4fe: {  	v24 =	vnsel vm9, $0x0, v24  }
0x4ff: {  	v40 =	vmov v24;
	v24 =	vmul.f32 v13, v13;
	v13 =	vld [tilespmem:$0x1FC60];
	_ =	sdelay $0x2  }
0x500: {  	v3 =	vmul.f32 v3, v3;
	_ =	sdelay $0x1  }
0x501: {  	v14 =	vmul.f32 v13, v13;
	v13 =	vadd.f32 v3, v1;
	v1 =	vld [tilespmem:$0x1FC70];
	_ =	sdelay $0x4  }
0x502: {  	v41 =	vmul.f32 v1, v1;
	v1 =	vld [tilespmem:$0x1FC80];
	_ =	sdelay $0x4  }
0x503: {  	v1 =	vmul.f32 v1, v1;
	_ =	sdelay $0x1  }
0x504: {  	v15 =	vadd.f32 v1, v5;
	v1 =	vld [tilespmem:$0x1FCB0];
	_ =	sdelay $0x3  }
0x505: {  	v3 =	vld [tilespmem:$0x1FC90]  }
0x506: {  	v51 =	vmul.f32 v1, v1;
	v1 =	vld [tilespmem:$0x1FCC0];
	_ =	sdelay $0x4  }
0x507: {  	v42 =	vmul.f32 v3, v3;
	v3 =	vld [tilespmem:$0x1FCA0];
	v1 =	vmul.f32 v1, v1;
	_ =	sdelay $0x1  }
0x508: {  	v25 =	vadd.f32 v1, v21;
	v1 =	vld [tilespmem:$0x1FCF0];
	_ =	sdelay $0x2  }
0x509: {  	v3 =	vmul.f32 v3, v3;
	_ =	sdelay $0x1  }
0x50a: {  	v17 =	vadd.f32 v3, v20;
	v20 =	vmul.f32 v1, v1;
	v1 =	vld [tilespmem:$0x1FD00];
	_ =	sdelay $0x4  }
0x50b: {  	v1 =	vmul.f32 v1, v1;
	_ =	sdelay $0x1  }
0x50c: {  	v30 =	vadd.f32 v1, v12;
	v1 =	vld [tilespmem:$0x1FD30];
	_ =	sdelay $0x4  }
0x50d: {  	v44 =	vmul.f32 v1, v1;
	v1 =	vld [tilespmem:$0x1FD40];
	_ =	sdelay $0x2  }
0x50e: {  	v11 =	vmul.f32 v48, v48;
	_ =	sdelay $0x1  }
0x50f: {  	v11 =	vadd.f32 v11, v18;
	v18 =	vmul.f32 v1, v1;
	v1 =	vld [tilespmem:$0x1FD50];
	_ =	sdelay $0x4  }
0x510: {  	v55 =	vmul.f32 v1, v1;
	v1 =	vld [tilespmem:$0x1FD60];
	_ =	sdelay $0x4  }
0x511: {  	v19 =	vmul.f32 v1, v1;
	v1 =	vld [tilespmem:$0x1FD70];
	_ =	sdelay $0x4  }
0x512: {  	v47 =	vmul.f32 v1, v1;
	v1 =	vld [tilespmem:$0x1FD80];
	_ =	sdelay $0x4  }
0x513: {  	v59 =	vmul.f32 v1, v1;
	v1 =	vld [tilespmem:$0x1FD90];
	_ =	sdelay $0x4  }
0x514: {  	v21 =	vmul.f32 v1, v1;
	v1 =	vld [tilespmem:$0x1FDA0];
	_ =	sdelay $0x2  }
0x515: {  	v3 =	vld [tilespmem:$0x1FCD0];
	_ =	sdelay $0x1  }
0x516: {  	v48 =	vmul.f32 v1, v1;
	v1 =	vld [tilespmem:$0x1FDB0];
	_ =	sdelay $0x2  }
0x517: {  	v43 =	vmul.f32 v3, v3;
	v3 =	vld [tilespmem:$0x1FCE0];
	_ =	sdelay $0x1  }
0x518: {  	v61 =	vmul.f32 v1, v1;
	v1 =	vld [tilespmem:$0x1FDC0];
	_ =	sdelay $0x2  }
0x519: {  	v3 =	vmul.f32 v3, v3;
	_ =	sdelay $0x1  }
0x51a: {  	v29 =	vadd.f32 v3, v22;
	v22 =	vmul.f32 v1, v1;
	v1 =	vld [tilespmem:$0x1FDD0];
	_ =	sdelay $0x4  }
0x51b: {  	v49 =	vmul.f32 v1, v1;
	v1 =	vld [tilespmem:$0x1FDE0];
	_ =	sdelay $0x4  }
0x51c: {  	v62 =	vmul.f32 v1, v1;
	v1 =	vld [tilespmem:$0x1FDF0];
	_ =	sdelay $0x4  }
0x51d: {  	v23 =	vmul.f32 v1, v1;
	v1 =	vld [tilespmem:$0x1FE00];
	_ =	sdelay $0x4  }
0x51e: {  	v36 =	vmul.f32 v1, v1;
	v1 =	vld [tilespmem:$0x1FE10];
	_ =	sdelay $0x4  }
0x51f: {  	v60 =	vmul.f32 v1, v1;
	v1 =	vld [tilespmem:$0x1FE20];
	_ =	sdelay $0x4  }
0x520: {  	v52 =	vmul.f32 v1, v1;
	v1 =	vld [tilespmem:$0x1FE30];
	_ =	sdelay $0x3  }
0x521: {  	v3 =	vld [tilespmem:$0x1FD10]  }
0x522: {  	v53 =	vmul.f32 v1, v1;
	v1 =	vld [tilespmem:$0x1FE40];
	_ =	sdelay $0x3  }
0x523: {  	v45 =	vmul.f32 v3, v3;
	v3 =	vld [tilespmem:$0x1FD20]  }
0x524: {  	v56 =	vmul.f32 v1, v1;
	v1 =	vld [tilespmem:$0x1FE50];
	_ =	sdelay $0x4  }
0x525: {  	v54 =	vmul.f32 v3, v3;
	v3 =	vmul.f32 v1, v1;
	v1 =	vld [tilespmem:$0x1FE60];
	_ =	sdelay $0x4  }
0x526: {  	v12 =	vmul.f32 v1, v1;
	v1 =	vld [tilespmem:$0x1FE70]  }
0x527: {  	v5 =	vld [tilespmem:$0x1FE90];
	_ =	sdelay $0x1  }
0x528: {  	vm9 =	vmmov vm8  }
0x529: {  	vm8 =	vmmov vm10;
	vm10 =	vmmov vm12;
	vm12 =	vmmov vm13  }
0x52a: {  	vm13 =	vmmov vm14;
	vm14 =	vmmov vm15;
	vm15 =	veq.s32 v1, $0x8  }
0x52b: {  	v26 =	vmul.f32 v5, v5;
	v5 =	vnsel vm15, $0x0, v40  }
0x52c: {  	v14 =	vadd.f32 v14, v16;
	v16 =	vld [tilespmem:$0x1FEC0];
	v5 =	vadd.f32 v5, v37  }
0x52d: {  	v1 =	vld [tilespmem:$0x1FE80]  }
0x52e: {  	[tilespmem:$0x1FEA0] =	vst v5;
	v5 =	vld [tilespmem:$0x1FEB0]  }
0x52f: {  	vm7 =	vmmov vm7;
	vm11 =	vmmov vm11  }
0x530: {  	v34 =	vimm.f32 $0.0e+00;
	v32 =	vimm.f32 $0.0e+00;
	v50 =	vimm.f32 $0.0e+00  }
0x531: {  	v38 =	vimm.f32 $0.0e+00;
	v31 =	vimm.f32 $0.0e+00;
	v39 =	vimm.f32 $0.0e+00  }
0x532: {  	v35 =	vimm.f32 $0.0e+00;
	v33 =	vimm.f32 $0.0e+00;
	v28 =	vmul.f32 v16, v16  }
0x533: {  	s14 =	simm.s32 $0x1400;
	s15 =	simm.s32 $0x80;
	v37 =	vimm.f32 $0.0e+00;
	v1 =	vmul.f32 v1, v1;
	v5 =	vmul.f32 v5, v5  }
.LBB2_2:
0x534: {  	v16 =	vld [tilespmem:$0x1F9E0]  }
0x535: {  	v0 =	vadd.f32 v12, v0;
	v12 =	vld [tilespmem:s14+$0x360];
	_ =	sdelay $0x1  }
0x536: {  	v2 =	vadd.f32 v3, v2;
	v3 =	vld [tilespmem:$0x1FA40];
	_ =	sdelay $0x1  }
0x537: {  	v1 =	vadd.f32 v1, v10;
	v10 =	vld [tilespmem:$0x1FA60];
	v27 =	vmul.f32 v16, v16  }
0x538: {  	[tilespmem:$0x1D7B0] =	vst v12;
	v12 =	vld [tilespmem:$0x1F730]  }
0x539: {  	v4 =	vadd.f32 v5, v4;
	v5 =	vadd.f32 v27, v8;
	v8 =	vld [tilespmem:s14+$0x270]  }
0x53a: {  	v3 =	vmul.f32 v3, v3  }
0x53b: {  	v16 =	vld [tilespmem:s14+$0x2E0]  }
0x53c: {  	v10 =	vmul.f32 v10, v10;
	v3 =	vadd.f32 v3, v7;
	v7 =	vld [tilespmem:$0x1F570]  }
0x53d: {  	v11 =	vadd.f32 v28, v11;
	v28 =	vld [tilespmem:s14+$0xFFFFFFE0];
	v6 =	vadd.f32 v26, v6;
	v12 =	vmul.f32 v12, v12  }
0x53e: {  	[tilespmem:$0x1D790] =	vst v8;
	v8 =	vadd.f32 v10, v9;
	v9 =	vld [tilespmem:$0x1F660]  }
0x53f: {  	v6 =	vadd.f32 v12, v6;
	v12 =	vld [tilespmem:s14+$0x350]  }
0x540: {  	[tilespmem:$0x1D7C0] =	vst v16;
	v16 =	vld [tilespmem:$0x1F870];
	v10 =	vadd.f32 v18, v13  }
0x541: {  	v7 =	vmul.f32 v7, v7;
	v13 =	vadd.f32 v21, v14;
	v14 =	vadd.f32 v19, v15;
	v15 =	vld [tilespmem:s14+$0x1F0]  }
0x542: {  	v17 =	vadd.f32 v23, v17;
	v18 =	vld [tilespmem:s14+$0x3C0]  }
0x543: {  	v23 =	vadd.f32 v53, v29;
	v0 =	vadd.f32 v7, v0;
	v7 =	vld [tilespmem:s14+$0x170]  }
0x544: {  	v9 =	vmul.f32 v9, v9;
	[tilespmem:$0x1D810] =	vst v12;
	v12 =	vld [tilespmem:s14+$0xF0]  }
0x545: {  	v19 =	vadd.f32 v62, v23;
	v23 =	vld [tilespmem:s14+$0x150]  }
0x546: {  	v1 =	vadd.f32 v9, v1;
	v9 =	vld [tilespmem:s14+$0x260]  }
0x547: {  	v14 =	vadd.f32 v20, v14;
	v20 =	vld [tilespmem:s14+$0x70]  }
0x548: {  	[tilespmem:$0x1D7E0] =	vst v7;
	v7 =	vld [tilespmem:$0x1F940]  }
0x549: {  	[tilespmem:$0x1D800] =	vst v12;
	v12 =	vld [tilespmem:s14+$0x1E0]  }
0x54a: {  	[tilespmem:$0x1D7A0] =	vst v15;
	v15 =	vld [tilespmem:$0x1F7C0]  }
0x54b: {  	v10 =	vadd.f32 v51, v10;
	[tilespmem:$0x1D7F0] =	vst v9;
	v9 =	vld [tilespmem:$0x1F970]  }
0x54c: {  	v21 =	vadd.f32 v22, v25;
	v22 =	vmul.f32 v16, v16;
	v16 =	vld [tilespmem:s14+$0x3D0]  }
0x54d: {  	v10 =	vadd.f32 v24, v10;
	v24 =	vld [tilespmem:$0x1FED0]  }
0x54e: {  	v7 =	vmul.f32 v7, v7;
	[tilespmem:$0x1D820] =	vst v12;
	v12 =	vld [tilespmem:$0x1F550]  }
0x54f: {  	[tilespmem:$0x1D850] =	vst v18;
	v18 =	vld [tilespmem:$0x1F710];
	v15 =	vmul.f32 v15, v15  }
0x550: {  	v3 =	vadd.f32 v7, v3;
	v7 =	vld [tilespmem:$0x1F430];
	v9 =	vmul.f32 v9, v9  }
0x551: {  	v4 =	vadd.f32 v15, v4;
	v15 =	vld [tilespmem:s14+$0x2D0]  }
0x552: {  	v8 =	vadd.f32 v9, v8;
	v9 =	vld [tilespmem:$0x1F4B0]  }
0x553: {  	[tilespmem:$0x1D840] =	vst v20;
	v20 =	vld [tilespmem:$0x1F7A0];
	v12 =	vmul.f32 v12, v12  }
0x554: {  	[tilespmem:$0x1D7D0] =	vst v16;
	v16 =	vld [tilespmem:$0x1F8D0]  }
0x555: {  	v7 =	vmul.f32 v7, v7;
	v6 =	vadd.f32 v12, v6;
	v12 =	vld [tilespmem:s14+$0x340]  }
0x556: {  	[tilespmem:$0x1D830] =	vst v15;
	v15 =	vld [tilespmem:$0x1F640]  }
0x557: {  	v0 =	vadd.f32 v7, v0;
	v7 =	vld [tilespmem:s14+$0x160];
	v9 =	vmul.f32 v9, v9  }
0x558: {  	v11 =	vadd.f32 v22, v11;
	v22 =	vmul.f32 v20, v20;
	v20 =	vld [tilespmem:s14+$0x2C0]  }
0x559: {  	v25 =	vadd.f32 v52, v30;
	v1 =	vadd.f32 v9, v1;
	v9 =	vld [tilespmem:s14+$0x250]  }
0x55a: {  	v26 =	vmul.f32 v16, v16;
	v16 =	vadd.f32 v55, v21;
	[tilespmem:$0x1D890] =	vst v12;
	v12 =	vld [tilespmem:s14+$0xFFFFFFF0]  }
0x55b: {  	v21 =	vmul.f32 v18, v18;
	v18 =	vadd.f32 v61, v25;
	v25 =	vld [tilespmem:s14+$0x240];
	v15 =	vmul.f32 v15, v15  }
0x55c: {  	[tilespmem:$0x1D860] =	vst v7;
	v7 =	vld [tilespmem:$0x1F820]  }
0x55d: {  	v4 =	vadd.f32 v15, v4;
	v15 =	vld [tilespmem:s14+$0x1D0]  }
0x55e: {  	[tilespmem:$0x1D870] =	vst v9;
	v9 =	vld [tilespmem:$0x1F850]  }
0x55f: {  	v2 =	vadd.f32 v56, v2;
	v5 =	vadd.f32 v26, v5;
	[tilespmem:$0x1D880] =	vst v12;
	v12 =	vld [tilespmem:s14+$0xE0]  }
0x560: {  	v11 =	vadd.f32 v21, v11;
	v21 =	vld [tilespmem:s14+$0x3B0]  }
0x561: {  	v2 =	vadd.f32 v60, v2;
	v5 =	vadd.f32 v22, v5;
	v22 =	vld [tilespmem:s14+$0xFFFFFF70];
	v7 =	vmul.f32 v7, v7  }
0x562: {  	v17 =	vadd.f32 v59, v17;
	[tilespmem:$0x1D8B0] =	vst v15;
	v15 =	vld [tilespmem:$0x1F610]  }
0x563: {  	v2 =	vadd.f32 v48, v2;
	v3 =	vadd.f32 v7, v3;
	v7 =	vld [tilespmem:$0x1F410];
	v9 =	vmul.f32 v9, v9  }
0x564: {  	v17 =	vadd.f32 v45, v17;
	v13 =	vadd.f32 v54, v13;
	[tilespmem:$0x1D8A0] =	vst v12;
	v12 =	vld [tilespmem:$0x1F530]  }
0x565: {  	v16 =	vadd.f32 v43, v16;
	v8 =	vadd.f32 v9, v8;
	v9 =	vld [tilespmem:$0x1F490]  }
0x566: {  	v27 =	vld [tilespmem:s14+$0xFFFFFEF0];
	v19 =	vadd.f32 v47, v19;
	[tilespmem:$0x1D900] =	vst v23;
	v18 =	vadd.f32 v44, v18  }
0x567: {  	v13 =	vadd.f32 v41, v13;
	v26 =	vld [tilespmem:s14+$0x330];
	v23 =	vperm.xlane v16, v24;
	[tilespmem:$0x1D910] =	vst v25;
	v15 =	vmul.f32 v15, v15  }
0x568: {  	v14 =	vadd.f32 v42, v14;
	v25 =	vperm.xlane v18, v24;
	[tilespmem:$0x1D8D0] =	vst v21;
	v21 =	vld [tilespmem:$0x1F6F0];
	v7 =	vmul.f32 v7, v7  }
0x569: {  	[tilespmem:$0x1D8C0] =	vst v20;
	v20 =	vld [tilespmem:$0x1F6D0];
	v5 =	vadd.f32 v15, v5;
	v15 =	vperm.xlane v19, v24;
	v12 =	vmul.f32 v12, v12  }
0x56a: {  	[tilespmem:$0x1D8E0] =	vst v22;
	v22 =	vld [tilespmem:s14+$0x60];
	v6 =	vadd.f32 v7, v6;
	v7 =	vperm.xlane v10, v24;
	v9 =	vmul.f32 v9, v9  }
0x56b: {  	v15 =	vadd.f32 v19, v15;
	v19 =	vld [tilespmem:s14+$0x3A0];
	v11 =	vadd.f32 v12, v11;
	v12 =	vperm.xlane v17, v24  }
0x56c: {  	[tilespmem:$0x1D940] =	vst v28;
	v7 =	vadd.f32 v10, v7;
	v10 =	vld [tilespmem:s14+$0xD0];
	v4 =	vadd.f32 v9, v4;
	v9 =	vperm.xlane v13, v24  }
0x56d: {  	[tilespmem:$0x1D930] =	vst v27;
	v0 =	vadd.f32 v49, v0;
	v21 =	vmul.f32 v21, v21;
	v12 =	vadd.f32 v17, v12;
	v17 =	vld [tilespmem:s14+$0x2B0]  }
0x56e: {  	[tilespmem:$0x1D920] =	vst v26;
	v20 =	vmul.f32 v20, v20;
	v1 =	vadd.f32 v36, v1;
	v9 =	vadd.f32 v13, v9;
	v13 =	vld [tilespmem:s14+$0x1C0]  }
0x56f: {  	v26 =	vperm.xlane v2, v24;
	[tilespmem:$0x1D8F0] =	vst v22;
	v22 =	vperm.xlane v14, v24;
	v8 =	vadd.f32 v21, v8  }
0x570: {  	v27 =	vperm.xlane v1, v24;
	v3 =	vadd.f32 v20, v3;
	v20 =	vperm.xlane v0, v24;
	[tilespmem:$0x1D980] =	vst v19  }
0x571: {  	v21 =	vperm.xlane v6, v24;
	v19 =	vperm.xlane v8, v24;
	[tilespmem:$0x1D950] =	vst v10  }
0x572: {  	v0 =	vadd.f32 v0, v20;
	v20 =	vld [tilespmem:s14+$0xFFFFFE70];
	v28 =	vperm.xlane v4, v24;
	v10 =	vperm.xlane v11, v24;
	[tilespmem:$0x1D970] =	vst v17  }
0x573: {  	v17 =	vperm.xlane v3, v24;
	[tilespmem:$0x1D960] =	vst v13;
	v13 =	vperm.xlane v5, v24;
	v24 =	vld [tilespmem:$0x1FEE0]  }
0x574: {  	v6 =	vadd.f32 v6, v21;
	v21 =	vld [tilespmem:s14+$0xFFFFFF60]  }
0x575: {  	v16 =	vadd.f32 v16, v23;
	v14 =	vadd.f32 v14, v22;
	v22 =	vld [tilespmem:s14+$0x50]  }
0x576: {  	v23 =	vld [tilespmem:s14+$0x140];
	v18 =	vadd.f32 v18, v25;
	v2 =	vadd.f32 v2, v26  }
0x577: {  	v8 =	vadd.f32 v8, v19;
	v10 =	vadd.f32 v11, v10  }
0x578: {  	v25 =	vld [tilespmem:s14+$0x230];
	[tilespmem:$0x1D990] =	vst v20;
	v3 =	vadd.f32 v3, v17;
	v20 =	vperm.xlane v7, v24;
	v11 =	vperm.xlane v9, v24  }
0x579: {  	v26 =	vld [tilespmem:s14+$0x320];
	[tilespmem:$0x1D9A0] =	vst v21;
	v5 =	vadd.f32 v5, v13;
	v21 =	vperm.xlane v14, v24;
	v13 =	vperm.xlane v12, v24  }
0x57a: {  	[tilespmem:$0x1D9B0] =	vst v22;
	v22 =	vperm.xlane v16, v24;
	v17 =	vperm.xlane v15, v24;
	v7 =	vadd.f32 v7, v20;
	v20 =	vld [tilespmem:s14+$0xFFFFFDF0]  }
0x57b: {  	[tilespmem:$0x1D9C0] =	vst v23;
	v23 =	vperm.xlane v18, v24;
	v9 =	vadd.f32 v9, v11;
	v11 =	vadd.f32 v14, v21;
	v14 =	vld [tilespmem:s14+$0xFFFFFEE0]  }
0x57c: {  	v19 =	vperm.xlane v0, v24;
	v12 =	vadd.f32 v12, v13;
	v13 =	vadd.f32 v16, v22;
	v16 =	vld [tilespmem:s14+$0xFFFFFFD0]  }
0x57d: {  	[tilespmem:$0x1D9D0] =	vst v25;
	v15 =	vadd.f32 v15, v17;
	v17 =	vadd.f32 v18, v23;
	v18 =	vld [tilespmem:s14+$0xC0]  }
0x57e: {  	[tilespmem:$0x1D9E0] =	vst v26;
	v0 =	vadd.f32 v0, v19;
	v19 =	vld [tilespmem:s14+$0x1B0]  }
0x57f: {  	v1 =	vadd.f32 v1, v27;
	v4 =	vadd.f32 v4, v28;
	[tilespmem:$0x1D9F0] =	vst v20  }
0x580: {  	v25 =	vperm.xlane v2, v24;
	v26 =	vperm.xlane v6, v24;
	[tilespmem:$0x1DA00] =	vst v14  }
0x581: {  	v27 =	vperm.xlane v1, v24;
	v20 =	vperm.xlane v4, v24;
	[tilespmem:$0x1DA10] =	vst v16  }
0x582: {  	v14 =	vperm.xlane v10, v24;
	v16 =	vperm.xlane v5, v24;
	[tilespmem:$0x1DA20] =	vst v18  }
0x583: {  	v18 =	vperm.xlane v3, v24;
	[tilespmem:$0x1DA30] =	vst v19;
	v19 =	vperm.xlane v8, v24;
	v24 =	vld [tilespmem:$0x1FEF0];
	_ =	sdelay $0x2  }
0x584: {  	v2 =	vadd.f32 v2, v25;
	_ =	sdelay $0x1  }
0x585: {  	v3 =	vadd.f32 v3, v18;
	v18 =	vperm.xlane v2, v24;
	_ =	sdelay $0x1  }
0x586: {  	v2 =	vadd.f32 v2, v18;
	v18 =	vld [tilespmem:s14+$0x300];
	_ =	sdelay $0x1  }
0x587: {  	v21 =	vld [tilespmem:s14+$0x2A0];
	_ =	sdelay $0x1  }
0x588: {  	v4 =	vadd.f32 v4, v20;
	v20 =	vperm.xlane v11, v24  }
0x589: {  	[tilespmem:$0x1DAD0] =	vst v18;
	v18 =	vld [tilespmem:s14+$0x310]  }
0x58a: {  	v11 =	vadd.f32 v11, v20;
	v20 =	vld [tilespmem:s14+$0x40]  }
0x58b: {  	[tilespmem:$0x1DA40] =	vst v21;
	v21 =	vperm.xlane v7, v24;
	_ =	sdelay $0x1  }
0x58c: {  	v7 =	vadd.f32 v7, v21;
	v21 =	vld [tilespmem:$0x1FF00]  }
0x58d: {  	[tilespmem:$0x1DAE0] =	vst v18;
	v18 =	vld [tilespmem:s14+$0xFFFFFC70]  }
0x58e: {  	[tilespmem:$0x1DAA0] =	vst v20;
	v20 =	vperm.xlane v3, v24;
	_ =	sdelay $0x1  }
0x58f: {  	v3 =	vadd.f32 v3, v20  }
0x590: {  	v5 =	vadd.f32 v5, v16;
	v16 =	vperm.xlane v17, v24  }
0x591: {  	[tilespmem:$0x1DAF0] =	vst v18;
	v18 =	vperm.xlane v3, v21  }
0x592: {  	v16 =	vadd.f32 v17, v16;
	v17 =	vld [tilespmem:s14+$0x220]  }
0x593: {  	v3 =	vadd.f32 v3, v18;
	v18 =	vld [tilespmem:s14+$0xFFFFFED0]  }
0x594: {  	v10 =	vadd.f32 v10, v14;
	v14 =	vperm.xlane v13, v24;
	_ =	sdelay $0x1  }
0x595: {  	v13 =	vadd.f32 v13, v14;
	v14 =	vld [tilespmem:s14+$0x130]  }
0x596: {  	[tilespmem:$0x1DAC0] =	vst v17  }
0x597: {  	v17 =	vperm.xlane v5, v24;
	[tilespmem:$0x1DB20] =	vst v18;
	v18 =	vld [tilespmem:s14+$0xFFFFFFC0]  }
0x598: {  	v8 =	vadd.f32 v8, v19  }
0x599: {  	v5 =	vadd.f32 v5, v17;
	v17 =	vperm.xlane v4, v24  }
0x59a: {  	[tilespmem:$0x1DAB0] =	vst v14;
	v14 =	vperm.xlane v8, v24  }
0x59b: {  	v4 =	vadd.f32 v4, v17;
	v17 =	vld [tilespmem:s14+$0xFFFFFDE0]  }
0x59c: {  	v8 =	vadd.f32 v8, v14;
	v14 =	vperm.xlane v10, v24;
	[tilespmem:$0x1DB30] =	vst v18;
	v18 =	vld [tilespmem:$0x1FF10];
	_ =	sdelay $0x1  }
0x59d: {  	v20 =	vperm.xlane v8, v21;
	v10 =	vadd.f32 v10, v14;
	_ =	sdelay $0x1  }
0x59e: {  	v8 =	vadd.f32 v8, v20;
	[tilespmem:$0x1DB10] =	vst v17;
	v17 =	vperm.xlane v10, v21  }
0x59f: {  	vm0 =	vnez.u8 v18  }
0x5a0: {  	v3 =	vsel vm0, v3, v8;
	v8 =	vadd.f32 v10, v17;
	v17 =	vld [tilespmem:s14+$0xB0]  }
0x5a1: {  	v1 =	vadd.f32 v1, v27;
	v27 =	vld [tilespmem:s14+$0xFFFFFF50]  }
0x5a2: {  	v14 =	vld [tilespmem:s14+$0xFFFFFCF0];
	_ =	sdelay $0x1  }
0x5a3: {  	v6 =	vadd.f32 v6, v26  }
0x5a4: {  	[tilespmem:$0x1DB40] =	vst v17;
	v17 =	vld [tilespmem:$0x1FF20]  }
0x5a5: {  	[tilespmem:$0x1DA90] =	vst v27;
	v27 =	vperm.xlane v6, v24  }
0x5a6: {  	v19 =	vperm.xlane v1, v24;
	[tilespmem:$0x1DB00] =	vst v14;
	v14 =	vperm.xlane v5, v21  }
0x5a7: {  	v6 =	vadd.f32 v6, v27  }
0x5a8: {  	v1 =	vadd.f32 v1, v19;
	v5 =	vadd.f32 v5, v14;
	v14 =	vperm.xlane v4, v21  }
0x5a9: {  	v10 =	vperm.xlane v6, v21;
	vm0 =	vnez.u8 v17  }
0x5aa: {  	v4 =	vadd.f32 v4, v14;
	v14 =	vld [tilespmem:s14+$0x1A0];
	v3 =	vsel vm0, v3, v5;
	v5 =	vperm.xlane v1, v21  }
0x5ab: {  	v6 =	vadd.f32 v6, v10;
	v10 =	vld [tilespmem:s14+$0x280]  }
0x5ac: {  	v1 =	vadd.f32 v1, v5;
	v5 =	vld [tilespmem:s14+$0x290];
	_ =	sdelay $0x2  }
0x5ad: {  	[tilespmem:$0x1DB50] =	vst v14;
	v14 =	vld [tilespmem:$0x1FF30]  }
0x5ae: {  	[tilespmem:$0x1DB60] =	vst v10;
	v10 =	vld [tilespmem:$0x1FF40]  }
0x5af: {  	[tilespmem:$0x1DB70] =	vst v5;
	v5 =	vld [tilespmem:$0x1FF50];
	_ =	sdelay $0x2  }
0x5b0: {  	vm0 =	vnez.u8 v14  }
0x5b1: {  	v25 =	vld [tilespmem:s14+$0xFFFFFD70];
	v3 =	vsel vm0, v3, v8;
	vm0 =	vnez.u8 v10  }
0x5b2: {  	v26 =	vld [tilespmem:s14+$0xFFFFFE60];
	v3 =	vsel vm0, v3, v4;
	v4 =	vperm.xlane v2, v21;
	vm0 =	vnez.u8 v5  }
0x5b3: {  	v3 =	vsel vm0, v3, v6;
	v6 =	vld [tilespmem:s14+$0xFFFFFD60]  }
0x5b4: {  	v2 =	vadd.f32 v2, v4;
	v4 =	vld [tilespmem:s14+$0xFFFFFE50];
	_ =	sdelay $0x1  }
0x5b5: {  	[tilespmem:$0x1DA70] =	vst v25  }
0x5b6: {  	[tilespmem:$0x1DA80] =	vst v26;
	v26 =	vperm.xlane v0, v24  }
0x5b7: {  	[tilespmem:$0x1DB80] =	vst v6;
	v6 =	vld [tilespmem:$0x1FF60]  }
0x5b8: {  	v25 =	vperm.xlane v15, v24;
	v0 =	vadd.f32 v0, v26;
	[tilespmem:$0x1DB90] =	vst v4;
	v4 =	vld [tilespmem:$0x1FF70];
	_ =	sdelay $0x1  }
0x5b9: {  	v15 =	vadd.f32 v15, v25;
	v8 =	vperm.xlane v0, v21;
	_ =	sdelay $0x1  }
0x5ba: {  	v0 =	vadd.f32 v0, v8;
	v5 =	vperm.xlane v15, v21;
	vm0 =	vnez.u8 v6  }
0x5bb: {  	v1 =	vsel vm0, v3, v1;
	vm0 =	vnez.u8 v4  }
0x5bc: {  	v0 =	vsel vm0, v1, v0;
	v1 =	vadd.f32 v15, v5;
	v5 =	vld [tilespmem:s14+$0xFFFFFF40];
	_ =	sdelay $0x4  }
0x5bd: {  	[tilespmem:$0x1DBA0] =	vst v5;
	v5 =	vld [tilespmem:$0x1FF80];
	_ =	sdelay $0x4  }
0x5be: {  	vm0 =	vnez.u8 v5;
	v5 =	vld [tilespmem:s14+$0x30];
	_ =	sdelay $0x4  }
0x5bf: {  	[tilespmem:$0x1DBB0] =	vst v5;
	v5 =	vld [tilespmem:$0x1FF90];
	_ =	sdelay $0x4  }
0x5c0: {  	v0 =	vsel vm0, v0, v2;
	vm0 =	vnez.u8 v5;
	v5 =	vld [tilespmem:s14+$0x120];
	_ =	sdelay $0x4  }
0x5c1: {  	[tilespmem:$0x1DBC0] =	vst v5;
	v5 =	vld [tilespmem:$0x1FFA0];
	_ =	sdelay $0x4  }
0x5c2: {  	v0 =	vsel vm0, v0, v1;
	vm0 =	vnez.u8 v5;
	v5 =	vld [tilespmem:s14+$0x200];
	_ =	sdelay $0x4  }
0x5c3: {  	[tilespmem:$0x1DBD0] =	vst v5;
	v5 =	vld [tilespmem:$0x1FFB0]  }
0x5c4: {  	v3 =	vperm.xlane v16, v21  }
0x5c5: {  	v23 =	vld [tilespmem:s14+$0x390]  }
0x5c6: {  	v2 =	vadd.f32 v16, v3;
	_ =	sdelay $0x1  }
0x5c7: {  	v0 =	vsel vm0, v0, v2;
	vm0 =	vnez.u8 v5;
	v5 =	vld [tilespmem:s14+$0x210];
	_ =	sdelay $0x1  }
0x5c8: {  	[tilespmem:$0x1DA60] =	vst v23;
	v23 =	vperm.xlane v12, v24;
	_ =	sdelay $0x1  }
0x5c9: {  	v12 =	vadd.f32 v12, v23  }
0x5ca: {  	[tilespmem:$0x1DBF0] =	vst v5;
	v5 =	vld [tilespmem:$0x1FFC0]  }
0x5cb: {  	v4 =	vperm.xlane v12, v21;
	_ =	sdelay $0x1  }
0x5cc: {  	v1 =	vadd.f32 v12, v4;
	_ =	sdelay $0x1  }
0x5cd: {  	v0 =	vsel vm0, v0, v1;
	vm0 =	vnez.u8 v5;
	v5 =	vld [tilespmem:s14+$0xFFFFFC60];
	_ =	sdelay $0x4  }
0x5ce: {  	[tilespmem:$0x1DBE0] =	vst v5;
	v5 =	vld [tilespmem:$0x1FFD0]  }
0x5cf: {  	v3 =	vperm.xlane v13, v21  }
0x5d0: {  	v22 =	vld [tilespmem:s14+$0x380]  }
0x5d1: {  	v2 =	vadd.f32 v13, v3;
	_ =	sdelay $0x1  }
0x5d2: {  	v0 =	vsel vm0, v0, v2;
	vm0 =	vnez.u8 v5;
	v5 =	vld [tilespmem:s14+$0xFFFFFCE0]  }
0x5d3: {  	v6 =	vld [tilespmem:s14+$0xFFFFFDD0]  }
0x5d4: {  	[tilespmem:$0x1DA50] =	vst v22;
	v22 =	vperm.xlane v9, v24;
	_ =	sdelay $0x1  }
0x5d5: {  	v9 =	vadd.f32 v9, v22  }
0x5d6: {  	[tilespmem:$0x1DC00] =	vst v5;
	v5 =	vld [tilespmem:$0x1FFE0]  }
0x5d7: {  	[tilespmem:$0x1DC10] =	vst v6;
	v6 =	vld [tilespmem:$0x1FFF0];
	v4 =	vperm.xlane v9, v21  }
0x5d8: {  	v3 =	vperm.xlane v11, v21  }
0x5d9: {  	v1 =	vadd.f32 v9, v4;
	v4 =	vperm.xlane v7, v21  }
0x5da: {  	v2 =	vadd.f32 v11, v3  }
0x5db: {  	v0 =	vsel vm0, v0, v1;
	v1 =	vadd.f32 v7, v4;
	vm0 =	vnez.u8 v5  }
0x5dc: {  	v0 =	vsel vm0, v0, v2;
	vm0 =	vnez.u8 v6  }
0x5dd: {  	v56 =	vsel vm0, v0, v1;
	v0 =	vnsel vm10, $0x0, v40  }
0x5de: {  	v35 =	vadd.f32 v0, v35;
	v0 =	vld [tilespmem:$0x1F0D0];
	_ =	sdelay $0x4  }
0x5df: {  	vm0 =	vnez.u8 v0;
	v0 =	vld [tilespmem:s14+$0x190];
	_ =	sdelay $0x4  }
0x5e0: {  	[tilespmem:$0x1DC70] =	vst v0;
	v0 =	vld [tilespmem:s14+$0xFFFFFD50];
	_ =	sdelay $0x4  }
0x5e1: {  	[tilespmem:$0x1DC60] =	vst v0;
	v0 =	vld [tilespmem:$0x1F0F0];
	_ =	sdelay $0x4  }
0x5e2: {  	v3 =	vnsel vm7, $0x0, v40;
	vm7 =	vmmov vm0;
	vm0 =	vnez.u8 v0;
	v0 =	vld [tilespmem:s14+$0xFFFFFE40];
	_ =	sdelay $0x4  }
0x5e3: {  	[tilespmem:$0x1DC80] =	vst v0;
	v0 =	vld [tilespmem:s14+$0xFFFFFF30];
	_ =	sdelay $0x4  }
0x5e4: {  	[tilespmem:$0x1DC90] =	vst v0;
	v0 =	vld [tilespmem:s14+$0x20];
	_ =	sdelay $0x4  }
0x5e5: {  	[tilespmem:$0x1DCA0] =	vst v0;
	v0 =	vld [tilespmem:s14+$0x100];
	_ =	sdelay $0x1  }
0x5e6: {  	v6 =	vld [tilespmem:s14+$0xFFFFFEC0]  }
0x5e7: {  	v4 =	vnsel vm9, $0x0, v40  }
0x5e8: {  	v38 =	vadd.f32 v4, v38;
	v4 =	vld [tilespmem:s14+$0xA0]  }
0x5e9: {  	[tilespmem:$0x1DCB0] =	vst v0;
	v0 =	vld [tilespmem:s14+$0x110];
	_ =	sdelay $0x1  }
0x5ea: {  	[tilespmem:$0x1DC20] =	vst v6;
	v6 =	vadd.f32 $1.000000000e+00, v56;
	_ =	sdelay $0x1  }
0x5eb: {  	[tilespmem:$0x1DC40] =	vst v4;
	v4 =	vmul.f32 $5.000000000e-01, v6  }
0x5ec: {  	[tilespmem:$0x1DCC0] =	vst v0;
	v0 =	vld [tilespmem:s14+$0xFFFFFCD0]  }
0x5ed: {  	(erf) = vrcp.f32 v4;
	_ =	sdelay $0x3  }
0x5ee: {  	[tilespmem:$0x1DCD0] =	vst v0;
	v0 =	vld [tilespmem:s14+$0xFFFFFDC0];
	_ =	sdelay $0x3  }
0x5ef: {  	v2 =	vnsel vm8, $0x0, v40  }
0x5f0: {  	v37 =	vadd.f32 v2, v37;
	v2 =	vld [tilespmem:s14+$0x180];
	[tilespmem:$0x1DCE0] =	vst v0;
	v0 =	vpop (erf)  }
0x5f1: {  	v0 =	vmul.f32 v0, v56;
	_ =	sdelay $0x1  }
0x5f2: {  	v0 =	vadd.f32 v0, v4;
	_ =	sdelay $0x1  }
0x5f3: {  	[tilespmem:$0x1DC50] =	vst v2;
	v2 =	vmul.f32 $5.000000000e-01, v0;
	v0 =	vld [tilespmem:s14+$0xFFFFFE30];
	_ =	sdelay $0x4  }
0x5f4: {  	[tilespmem:$0x1DD40] =	vst v0;
	v0 =	vld [tilespmem:s14+$0xFFFFFF20];
	_ =	sdelay $0x4  }
0x5f5: {  	[tilespmem:$0x1DD50] =	vst v0;
	v0 =	vld [tilespmem:s14+$0x0];
	_ =	sdelay $0x4  }
0x5f6: {  	[tilespmem:$0x1DD60] =	vst v0;
	v0 =	vld [tilespmem:s14+$0x10];
	_ =	sdelay $0x4  }
0x5f7: {  	[tilespmem:$0x1DD80] =	vst v0;
	v0 =	vld [tilespmem:s14+$0xFFFFFC40];
	_ =	sdelay $0x4  }
0x5f8: {  	[tilespmem:$0x1DDB0] =	vst v0;
	v0 =	vld [tilespmem:s14+$0xFFFFFCC0];
	_ =	sdelay $0x4  }
0x5f9: {  	[tilespmem:$0x1DDD0] =	vst v0;
	v0 =	vld [tilespmem:s14+$0xFFFFFDB0];
	_ =	sdelay $0x4  }
0x5fa: {  	[tilespmem:$0x1DDF0] =	vst v0;
	v0 =	vld [tilespmem:s14+$0xFFFFFEA0];
	_ =	sdelay $0x4  }
0x5fb: {  	[tilespmem:$0x1DE00] =	vst v0;
	v0 =	vld [tilespmem:s14+$0xFFFFFF80];
	_ =	sdelay $0x4  }
0x5fc: {  	[tilespmem:$0x1DE20] =	vst v0;
	v0 =	vld [tilespmem:s14+$0xFFFFFF90];
	_ =	sdelay $0x4  }
0x5fd: {  	[tilespmem:$0x1DE30] =	vst v0;
	v0 =	vld [tilespmem:s14+$0xFFFFFD30];
	_ =	sdelay $0x4  }
0x5fe: {  	[tilespmem:$0x1DE50] =	vst v0;
	v0 =	vld [tilespmem:s14+$0xFFFFFE20];
	_ =	sdelay $0x4  }
0x5ff: {  	[tilespmem:$0x1DE70] =	vst v0;
	v0 =	vld [tilespmem:s14+$0xFFFFFF00];
	_ =	sdelay $0x4  }
0x600: {  	[tilespmem:$0x1DEC0] =	vst v0;
	v0 =	vld [tilespmem:s14+$0xFFFFFF10];
	_ =	sdelay $0x2  }
0x601: {  	s16 =	sshra.s32 s15, $0x2  }
0x602: {  	v11 =	vld [tilespmem:s16+$0x10000]  }
0x603: {  	[tilespmem:$0x1DEF0] =	vst v0;
	v0 =	vld [tilespmem:s14+$0xFFFFFC30];
	_ =	sdelay $0x4  }
0x604: {  	vm9 =	vmmov vm0;
	vm0 =	veq.s32 v11, $0x0;
	[tilespmem:$0x1DF50] =	vst v0;
	v0 =	vimm.s32 $0x0  }
0x605: {  	v10 =	vimm.f32 $0.0e+00;
	v39 =	vadd.f32 v3, v39;
	v0 =	vsel vm0, $0xFFFFFFFF, v0  }
0x606: {  	v3 =	vsel vm15, $0x3F800000, v10;
	vm15 =	veq.s32 v11, $0x1;
	[tilespmem:$0x1F0D0] =	vst v0;
	v0 =	vimm.s32 $0x0  }
0x607: {  	v0 =	vsel vm15, $0xFFFFFFFF, v0  }
0x608: {  	[tilespmem:$0x1F0F0] =	vst v0;
	v0 =	vld [tilespmem:s14+$0xFFFFFCB0];
	_ =	sdelay $0x4  }
0x609: {  	[tilespmem:$0x1DF60] =	vst v0;
	v0 =	vld [tilespmem:s14+$0xFFFFFDA0];
	_ =	sdelay $0x4  }
0x60a: {  	[tilespmem:$0x1DF90] =	vst v0;
	v0 =	vld [tilespmem:s14+$0xFFFFFE80];
	_ =	sdelay $0x1  }
0x60b: {  	(erf) = vrcp.f32 v2;
	_ =	sdelay $0x2  }
0x60c: {  	[tilespmem:$0x1DFB0] =	vst v0;
	v0 =	vld [tilespmem:s14+$0xFFFFFE90];
	_ =	sdelay $0x4  }
0x60d: {  	[tilespmem:$0x1DFE0] =	vst v0;
	v0 =	vld [tilespmem:$0x1F0E0]  }
0x60e: {  	v31 =	vadd.f32 v3, v31;
	v3 =	vpop (erf)  }
0x60f: {  	v3 =	vmul.f32 v3, v56;
	_ =	sdelay $0x1  }
0x610: {  	v2 =	vadd.f32 v3, v2;
	v3 =	vsel vm0, $0x3F800000, v10  }
0x611: {  	v0 =	vadd.f32 v3, v0;
	_ =	sdelay $0x1  }
0x612: {  	[tilespmem:$0x1F0E0] =	vst v0;
	v0 =	vld [tilespmem:$0x1F100];
	_ =	sdelay $0x3  }
0x613: {  	v4 =	vsel vm15, $0x3F800000, v10  }
0x614: {  	v1 =	vnsel vm12, $0x0, v40;
	v0 =	vadd.f32 v4, v0  }
0x615: {  	v34 =	vadd.f32 v1, v34;
	v1 =	vld [tilespmem:s14+$0xFFFFFEB0]  }
0x616: {  	[tilespmem:$0x1F100] =	vst v0;
	v0 =	vld [tilespmem:s14+$0xFFFFFD20];
	_ =	sdelay $0x3  }
0x617: {  	[tilespmem:$0x1DCF0] =	vst v1;
	v1 =	vld [tilespmem:s14+$0xFFFFFFA0]  }
0x618: {  	[tilespmem:$0x1E010] =	vst v0;
	v0 =	vld [tilespmem:$0x1F110];
	_ =	sdelay $0x2  }
0x619: {  	v5 =	vnsel vm11, $0x0, v40;
	vm8 =	vmmov vm1;
	vm1 =	veq.s32 v11, $0x2  }
0x61a: {  	v50 =	vadd.f32 v5, v50;
	v5 =	vmul.f32 $5.000000000e-01, v2;
	v2 =	vsel vm1, $0x3F800000, v10  }
0x61b: {  	[tilespmem:$0x1DD00] =	vst v1;
	v1 =	vld [tilespmem:s14+$0x80];
	v0 =	vadd.f32 v2, v0;
	_ =	sdelay $0x1  }
0x61c: {  	[tilespmem:$0x1F110] =	vst v0;
	v0 =	vld [tilespmem:$0x1F120]  }
0x61d: {  	v9 =	vld [tilespmem:s14+$0xFFFFFFB0]  }
0x61e: {  	v8 =	vnsel vm14, $0x0, v40  }
0x61f: {  	v32 =	vadd.f32 v8, v32;
	vm11 =	vmmov vm3;
	vm3 =	veq.s32 v11, $0x3;
	[tilespmem:$0x1DD10] =	vst v1;
	v1 =	vld [tilespmem:s14+$0x90]  }
0x620: {  	v6 =	vsel vm3, $0x3F800000, v10  }
0x621: {  	[tilespmem:$0x1E1B0] =	vst v32;
	v0 =	vadd.f32 v6, v0  }
0x622: {  	[tilespmem:$0x1DC30] =	vst v9  }
0x623: {  	[tilespmem:$0x1F120] =	vst v0;
	v0 =	vld [tilespmem:s14+$0xFFFFFE00]  }
0x624: {  	[tilespmem:$0x1DD20] =	vst v1;
	v1 =	vld [tilespmem:s14+$0xFFFFFD40]  }
0x625: {  	[tilespmem:$0x1E130] =	vst v39  }
0x626: {  	[tilespmem:$0x1E420] =	vst v31  }
0x627: {  	v7 =	vnsel vm13, $0x0, v40;
	[tilespmem:$0x1E1D0] =	vst v38  }
0x628: {  	v33 =	vadd.f32 v7, v33;
	[tilespmem:$0x1E020] =	vst v0;
	v0 =	vld [tilespmem:$0x1F130]  }
0x629: {  	[tilespmem:$0x1DD30] =	vst v1;
	v1 =	vshll.u32 v11, $0x9  }
0x62a: {  	[tilespmem:$0x1E200] =	vst v33;
	v1 =	vshra.s32 v1, $0x2  }
0x62b: {  	v46 =	vld [tilespmem:s14+$0x3F0];
	vm10 =	vmmov vm2;
	vm2 =	veq.s32 v11, $0x4;
	[tilespmem:$0x1E2D0] =	vst v50;
	(v2sf) =	vpush v1, $0xF  }
0x62c: {  	v57 =	vld [tilespmem:s14+$0x370];
	v7 =	vsel vm2, $0x3F800000, v10;
	[tilespmem:$0x1E1E0] =	vst v37;
	(v2sf) =	vpush v1, $0xE  }
0x62d: {  	v58 =	vld [tilespmem:s14+$0x2F0];
	[tilespmem:$0x1E1F0] =	vst v35;
	(v2sf) =	vpush v1, $0xD;
	v0 =	vadd.f32 v7, v0  }
0x62e: {  	v63 =	vld [tilespmem:s14+$0x3E0];
	[tilespmem:$0x1E1C0] =	vst v34;
	(v2sf) =	vpush v1, $0xC  }
0x62f: {  	v61 =	vld [tilespmem:s14+$0xFFFFFC50];
	(v2sf) =	vpush v1, $0xB;
	(erf) = vrcp.f32 v5;
	[tilespmem:$0x1F130] =	vst v0  }
0x630: {  	(v2sf) =	vpush v1, $0xA;
	_ =	sdelay $0x5  }
0x631: {  	v0 =	vld [tilespmem:s14+$0xFFFFFE10];
	_ =	sdelay $0x3  }
0x632: {  	v2 =	vpop (erf);
	s19 =	spop (v2sf)  }
0x633: {  	v4 =	vmul.f32 v2, v56;
	s20 =	spop (v2sf);
	[tilespmem:$0x1E040] =	vst v0;
	v0 =	vld [tilespmem:$0x1F150]  }
0x634: {  	(v2sf) =	vpush v1, $0x9;
	s30 =	spop (v2sf)  }
0x635: {  	(v2sf) =	vpush v1, $0x8;
	v5 =	vadd.f32 v4, v5;
	s29 =	spop (v2sf)  }
0x636: {  	vm12 =	vmmov vm6;
	vm6 =	veq.s32 v11, $0x5;
	(v2sf) =	vpush v1, $0x7;
	s28 =	spop (v2sf)  }
0x637: {  	v8 =	vsel vm6, $0x3F800000, v10;
	v16 =	vmul.f32 $5.000000000e-01, v5;
	s26 =	spop (v2sf);
	(v2sf) =	vpush v1, $0x6  }
0x638: {  	v0 =	vadd.f32 v8, v0  }
0x639: {  	(erf) = vrcp.f32 v16  }
0x63a: {  	[tilespmem:$0x1F150] =	vst v0;
	v0 =	vld [tilespmem:$0x1F160];
	_ =	sdelay $0x2  }
0x63b: {  	vm13 =	vmmov vm5;
	vm5 =	veq.s32 v11, $0x6  }
0x63c: {  	v9 =	vsel vm5, $0x3F800000, v10  }
0x63d: {  	v0 =	vadd.f32 v9, v0;
	_ =	sdelay $0x1  }
0x63e: {  	[tilespmem:$0x1F160] =	vst v0;
	v0 =	vld [tilespmem:s14+$0xFFFFFC20]  }
0x63f: {  	v18 =	vpop (erf)  }
0x640: {  	s25 =	spop (v2sf);
	v18 =	vmul.f32 v18, v56  }
0x641: {  	(v2sf) =	vpush v1, $0x5;
	s24 =	spop (v2sf)  }
0x642: {  	s23 =	spop (v2sf);
	(v2sf) =	vpush v1, $0x4;
	v16 =	vadd.f32 v18, v16  }
0x643: {  	[tilespmem:$0x1E050] =	vst v0;
	v0 =	vld [tilespmem:$0x1F170];
	s22 =	spop (v2sf);
	(v2sf) =	vpush v1, $0x3  }
0x644: {  	v16 =	vmul.f32 $5.000000000e-01, v16;
	_ =	sdelay $0x1  }
0x645: {  	vm14 =	vmmov vm4;
	vm4 =	veq.s32 v11, $0x7;
	(erf) = vrcp.f32 v16  }
0x646: {  	v10 =	vsel vm4, $0x3F800000, v10  }
0x647: {  	v0 =	vadd.f32 v10, v0;
	_ =	sdelay $0x1  }
0x648: {  	[tilespmem:$0x1F170] =	vst v0;
	v0 =	vld [tilespmem:s14+$0xFFFFFCA0];
	_ =	sdelay $0x4  }
0x649: {  	v18 =	vpop (erf);
	[tilespmem:$0x1E070] =	vst v0;
	v0 =	vld [tilespmem:s14+$0xFFFFFD80]  }
0x64a: {  	s17 =	spop (v2sf);
	v18 =	vmul.f32 v18, v56  }
0x64b: {  	(v2sf) =	vpush v1, $0x2;
	s18 =	spop (v2sf)  }
0x64c: {  	v4 =	vld [tilespmem:s29+$0x10270];
	v16 =	vadd.f32 v18, v16;
	s16 =	spop (v2sf);
	(v2sf) =	vpush v1, $0x0  }
0x64d: {  	(v2sf) =	vpush v1, $0x1;
	v1 =	vld [tilespmem:$0x1D790]  }
0x64e: {  	v16 =	vmul.f32 $5.000000000e-01, v16;
	[tilespmem:$0x1E080] =	vst v0;
	v0 =	vld [tilespmem:s14+$0xFFFFFD90];
	_ =	sdelay $0x1  }
0x64f: {  	(erf) = vrcp.f32 v16  }
0x650: {  	v9 =	vld [tilespmem:s28+$0x10270]  }
0x651: {  	v60 =	vsub.f32 v1, v4;
	v1 =	vld [tilespmem:$0x1D7A0]  }
0x652: {  	[tilespmem:$0x1E0A0] =	vst v0;
	v0 =	vld [tilespmem:s14+$0xFFFFFD00];
	_ =	sdelay $0x2  }
0x653: {  	v25 =	vld [tilespmem:s19+$0x10270]  }
0x654: {  	v10 =	vld [tilespmem:s20+$0x10260];
	v1 =	vsub.f32 v1, v9  }
0x655: {  	[tilespmem:$0x1E0B0] =	vst v0;
	v0 =	vld [tilespmem:s20+$0x10270]  }
0x656: {  	v18 =	vpop (erf);
	[tilespmem:$0x1DD70] =	vst v1;
	v1 =	vld [tilespmem:$0x1D7B0]  }
0x657: {  	v18 =	vmul.f32 v18, v56;
	_ =	sdelay $0x1  }
0x658: {  	v62 =	vld [tilespmem:s19+$0x10260];
	v18 =	vadd.f32 v18, v16  }
0x659: {  	v12 =	vld [tilespmem:s30+$0x10260];
	v54 =	vsub.f32 v46, v25  }
0x65a: {  	v46 =	vsub.f32 v57, v0;
	v0 =	vmul.f32 $5.000000000e-01, v18;
	v18 =	vsub.f32 v1, v10;
	v1 =	vld [tilespmem:$0x1D7C0];
	_ =	sdelay $0x3  }
0x65b: {  	v6 =	vld [tilespmem:s19+$0x10250]  }
0x65c: {  	v62 =	vsub.f32 v63, v62;
	v63 =	vsub.f32 v1, v12;
	v1 =	vld [tilespmem:$0x1D7D0];
	_ =	sdelay $0x4  }
0x65d: {  	v1 =	vsub.f32 v1, v6  }
0x65e: {  	v7 =	vld [tilespmem:s26+$0x10270]  }
0x65f: {  	[tilespmem:$0x1DDA0] =	vst v1;
	v1 =	vld [tilespmem:$0x1D7E0];
	_ =	sdelay $0x4  }
0x660: {  	v1 =	vsub.f32 v1, v7  }
0x661: {  	v43 =	vld [tilespmem:s29+$0x10260]  }
0x662: {  	[tilespmem:$0x1DD90] =	vst v1;
	v1 =	vld [tilespmem:$0x1D7F0];
	_ =	sdelay $0x4  }
0x663: {  	v1 =	vsub.f32 v1, v43  }
0x664: {  	v45 =	vld [tilespmem:s25+$0x10270]  }
0x665: {  	[tilespmem:$0x1DDC0] =	vst v1;
	v1 =	vld [tilespmem:$0x1D800];
	_ =	sdelay $0x4  }
0x666: {  	v1 =	vsub.f32 v1, v45  }
0x667: {  	v41 =	vld [tilespmem:s20+$0x10250]  }
0x668: {  	[tilespmem:$0x1DDE0] =	vst v1;
	v1 =	vld [tilespmem:$0x1D810];
	_ =	sdelay $0x3  }
0x669: {  	v44 =	vld [tilespmem:s28+$0x10260]  }
0x66a: {  	v41 =	vsub.f32 v1, v41;
	v1 =	vld [tilespmem:$0x1D820];
	_ =	sdelay $0x3  }
0x66b: {  	v8 =	vld [tilespmem:s30+$0x10250]  }
0x66c: {  	v44 =	vsub.f32 v1, v44;
	v1 =	vld [tilespmem:$0x1D830];
	_ =	sdelay $0x2  }
0x66d: {  	v55 =	vld [tilespmem:s24+$0x10270]  }
0x66e: {  	v13 =	vld [tilespmem:s23+$0x10270]  }
0x66f: {  	v57 =	vsub.f32 v1, v8;
	v1 =	vld [tilespmem:$0x1D840]  }
0x670: {  	v8 =	vld [tilespmem:$0x1D880];
	_ =	sdelay $0x3  }
0x671: {  	v51 =	vld [tilespmem:s19+$0x10240];
	v1 =	vsub.f32 v1, v55  }
0x672: {  	v35 =	vld [tilespmem:s20+$0x10240];
	v8 =	vsub.f32 v8, v13  }
0x673: {  	[tilespmem:$0x1DE10] =	vst v1;
	v1 =	vld [tilespmem:$0x1D850]  }
0x674: {  	[tilespmem:$0x1DE40] =	vst v8;
	v8 =	vld [tilespmem:$0x1D890];
	_ =	sdelay $0x1  }
0x675: {  	v52 =	vld [tilespmem:s26+$0x10260]  }
0x676: {  	v34 =	vld [tilespmem:s25+$0x10260]  }
0x677: {  	v51 =	vsub.f32 v1, v51;
	v1 =	vld [tilespmem:$0x1D860]  }
0x678: {  	v45 =	vsub.f32 v8, v35;
	v8 =	vld [tilespmem:$0x1D8A0];
	_ =	sdelay $0x3  }
0x679: {  	v33 =	vld [tilespmem:s28+$0x10250]  }
0x67a: {  	v43 =	vsub.f32 v1, v52;
	v52 =	vsub.f32 v8, v34;
	v8 =	vld [tilespmem:$0x1D8B0];
	_ =	sdelay $0x4  }
0x67b: {  	v8 =	vsub.f32 v8, v33  }
0x67c: {  	v36 =	vld [tilespmem:s30+$0x10240]  }
0x67d: {  	[tilespmem:$0x1DE60] =	vst v8;
	v8 =	vld [tilespmem:$0x1D8C0];
	_ =	sdelay $0x4  }
0x67e: {  	v8 =	vsub.f32 v8, v36  }
0x67f: {  	v37 =	vld [tilespmem:s19+$0x10230]  }
0x680: {  	[tilespmem:$0x1DE80] =	vst v8;
	v8 =	vld [tilespmem:$0x1D8D0];
	_ =	sdelay $0x4  }
0x681: {  	v8 =	vsub.f32 v8, v37  }
0x682: {  	v39 =	vld [tilespmem:s22+$0x10270]  }
0x683: {  	[tilespmem:$0x1DE90] =	vst v8;
	v8 =	vld [tilespmem:$0x1D8E0];
	_ =	sdelay $0x4  }
0x684: {  	v8 =	vsub.f32 v8, v39  }
0x685: {  	v40 =	vld [tilespmem:s24+$0x10260]  }
0x686: {  	[tilespmem:$0x1DEA0] =	vst v8;
	v8 =	vld [tilespmem:$0x1D8F0];
	_ =	sdelay $0x4  }
0x687: {  	v8 =	vsub.f32 v8, v40  }
0x688: {  	v42 =	vld [tilespmem:s26+$0x10250]  }
0x689: {  	[tilespmem:$0x1DEB0] =	vst v8;
	v8 =	vld [tilespmem:$0x1D900];
	_ =	sdelay $0x3  }
0x68a: {  	v31 =	vld [tilespmem:s19+$0x10220]  }
0x68b: {  	v47 =	vld [tilespmem:s29+$0x10240];
	v8 =	vsub.f32 v8, v42  }
0x68c: {  	v39 =	vld [tilespmem:$0x1D980]  }
0x68d: {  	[tilespmem:$0x1DED0] =	vst v8;
	v8 =	vld [tilespmem:$0x1D910];
	_ =	sdelay $0x3  }
0x68e: {  	v23 =	vld [tilespmem:s18+$0x10270]  }
0x68f: {  	v8 =	vsub.f32 v8, v47;
	v47 =	vsub.f32 v39, v31;
	v31 =	vld [tilespmem:$0x1D990];
	_ =	sdelay $0x3  }
0x690: {  	v27 =	vld [tilespmem:s22+$0x10260]  }
0x691: {  	v23 =	vsub.f32 v31, v23;
	v31 =	vld [tilespmem:$0x1D9A0];
	_ =	sdelay $0x3  }
0x692: {  	v48 =	vld [tilespmem:s20+$0x10230]  }
0x693: {  	v30 =	vld [tilespmem:s24+$0x10250];
	v27 =	vsub.f32 v31, v27  }
0x694: {  	[tilespmem:$0x1DEE0] =	vst v8;
	v8 =	vld [tilespmem:$0x1D920]  }
0x695: {  	[tilespmem:$0x1F4B0] =	vst v27;
	v27 =	vld [tilespmem:$0x1D9B0];
	_ =	sdelay $0x3  }
0x696: {  	v24 =	vld [tilespmem:s26+$0x10240]  }
0x697: {  	v8 =	vsub.f32 v8, v48;
	v48 =	vsub.f32 v27, v30;
	v27 =	vld [tilespmem:$0x1D9C0];
	_ =	sdelay $0x3  }
0x698: {  	v29 =	vld [tilespmem:s29+$0x10230]  }
0x699: {  	v31 =	vsub.f32 v27, v24;
	v27 =	vld [tilespmem:$0x1D9D0];
	_ =	sdelay $0x4  }
0x69a: {  	v27 =	vsub.f32 v27, v29  }
0x69b: {  	v22 =	vld [tilespmem:s20+$0x10220]  }
0x69c: {  	[tilespmem:$0x1DF30] =	vst v27;
	v27 =	vld [tilespmem:$0x1D9E0];
	_ =	sdelay $0x4  }
0x69d: {  	v22 =	vsub.f32 v27, v22  }
0x69e: {  	v21 =	vld [tilespmem:s16+$0x10270]  }
0x69f: {  	[tilespmem:$0x1DF40] =	vst v22;
	v22 =	vld [tilespmem:$0x1D9F0];
	_ =	sdelay $0x4  }
0x6a0: {  	v21 =	vsub.f32 v22, v21  }
0x6a1: {  	v19 =	vld [tilespmem:s17+$0x10260]  }
0x6a2: {  	[tilespmem:$0x1F530] =	vst v21;
	v21 =	vld [tilespmem:$0x1DA00]  }
0x6a3: {  	(erf) = vrcp.f32 v0;
	_ =	sdelay $0x2  }
0x6a4: {  	v14 =	vld [tilespmem:s23+$0x10250]  }
0x6a5: {  	v19 =	vsub.f32 v21, v19;
	v21 =	vld [tilespmem:$0x1DA10];
	_ =	sdelay $0x3  }
0x6a6: {  	v38 =	vld [tilespmem:s30+$0x10230]  }
0x6a7: {  	v5 =	vld [tilespmem:s25+$0x10240];
	v37 =	vpop (erf);
	v14 =	vsub.f32 v21, v14  }
0x6a8: {  	v33 =	vmul.f32 v37, v56;
	v37 =	vld [tilespmem:$0x1D970]  }
0x6a9: {  	[tilespmem:$0x1F570] =	vst v14;
	v14 =	vld [tilespmem:$0x1DA20];
	_ =	sdelay $0x3  }
0x6aa: {  	v20 =	vld [tilespmem:s28+$0x10230];
	v0 =	vadd.f32 v33, v0  }
0x6ab: {  	v33 =	vsub.f32 v37, v38;
	v37 =	vsub.f32 v14, v5;
	v5 =	vld [tilespmem:$0x1DA30];
	_ =	sdelay $0x3  }
0x6ac: {  	v15 =	vld [tilespmem:s30+$0x10220]  }
0x6ad: {  	v39 =	vsub.f32 v5, v20;
	v5 =	vld [tilespmem:$0x1DA40];
	_ =	sdelay $0x4  }
0x6ae: {  	v5 =	vsub.f32 v5, v15  }
0x6af: {  	v26 =	vld [tilespmem:s19+$0x10200]  }
0x6b0: {  	[tilespmem:$0x1DF70] =	vst v5;
	v5 =	vld [tilespmem:$0x1DA50];
	_ =	sdelay $0x4  }
0x6b1: {  	v5 =	vsub.f32 v5, v26  }
0x6b2: {  	v17 =	vld [tilespmem:s19+$0x10210]  }
0x6b3: {  	[tilespmem:$0x1DF80] =	vst v5;
	v5 =	vld [tilespmem:$0x1DA60];
	_ =	sdelay $0x4  }
0x6b4: {  	s19 =	spop (v2sf);
	v5 =	vsub.f32 v5, v17  }
0x6b5: {  	v28 =	vld [tilespmem:s19+$0x10270]  }
0x6b6: {  	[tilespmem:$0x1DFA0] =	vst v5;
	v5 =	vld [tilespmem:$0x1DA70];
	_ =	sdelay $0x4  }
0x6b7: {  	v5 =	vsub.f32 v5, v28  }
0x6b8: {  	v25 =	vld [tilespmem:s18+$0x10260]  }
0x6b9: {  	[tilespmem:$0x1F610] =	vst v5;
	v5 =	vld [tilespmem:$0x1DA80];
	_ =	sdelay $0x4  }
0x6ba: {  	v5 =	vsub.f32 v5, v25  }
0x6bb: {  	v16 =	vld [tilespmem:s22+$0x10250]  }
0x6bc: {  	[tilespmem:$0x1F640] =	vst v5;
	v5 =	vld [tilespmem:$0x1DA90];
	_ =	sdelay $0x4  }
0x6bd: {  	v5 =	vsub.f32 v5, v16  }
0x6be: {  	v4 =	vld [tilespmem:s24+$0x10240]  }
0x6bf: {  	[tilespmem:$0x1F660] =	vst v5;
	v5 =	vld [tilespmem:$0x1DAA0];
	_ =	sdelay $0x3  }
0x6c0: {  	v3 =	vld [tilespmem:s26+$0x10230]  }
0x6c1: {  	v26 =	vsub.f32 v5, v4;
	v4 =	vld [tilespmem:$0x1DAB0];
	_ =	sdelay $0x4  }
0x6c2: {  	v3 =	vsub.f32 v4, v3  }
0x6c3: {  	v9 =	vld [tilespmem:s29+$0x10220]  }
0x6c4: {  	[tilespmem:$0x1DFC0] =	vst v3;
	v3 =	vld [tilespmem:$0x1DAC0];
	_ =	sdelay $0x4  }
0x6c5: {  	v3 =	vsub.f32 v3, v9  }
0x6c6: {  	v10 =	vld [tilespmem:s20+$0x10200]  }
0x6c7: {  	v0 =	vmul.f32 $5.000000000e-01, v0;
	[tilespmem:$0x1DFD0] =	vst v3;
	v3 =	vld [tilespmem:$0x1DAD0];
	_ =	sdelay $0x1  }
0x6c8: {  	(erf) = vrcp.f32 v0;
	_ =	sdelay $0x2  }
0x6c9: {  	v3 =	vsub.f32 v3, v10  }
0x6ca: {  	v7 =	vld [tilespmem:s20+$0x10210]  }
0x6cb: {  	[tilespmem:$0x1DFF0] =	vst v3;
	v3 =	vld [tilespmem:$0x1DAE0];
	_ =	sdelay $0x3  }
0x6cc: {  	v9 =	vpop (erf)  }
0x6cd: {  	v3 =	vsub.f32 v3, v7;
	v7 =	vmul.f32 v9, v56  }
0x6ce: {  	v34 =	vld [tilespmem:s25+$0x10230]  }
0x6cf: {  	v0 =	vadd.f32 v7, v0;
	v7 =	vld [tilespmem:$0x1DB40];
	_ =	sdelay $0x3  }
0x6d0: {  	v42 =	vld [tilespmem:s28+$0x10220]  }
0x6d1: {  	v15 =	vsub.f32 v7, v34;
	v7 =	vld [tilespmem:$0x1DB50]  }
0x6d2: {  	v49 =	vld [tilespmem:s17+$0x10270]  }
0x6d3: {  	[tilespmem:$0x1DF00] =	vst v8;
	v8 =	vld [tilespmem:$0x1D930]  }
0x6d4: {  	v59 =	vld [tilespmem:s25+$0x10250]  }
0x6d5: {  	v36 =	vld [tilespmem:s30+$0x10200]  }
0x6d6: {  	v30 =	vsub.f32 v7, v42;
	v7 =	vld [tilespmem:$0x1DB60]  }
0x6d7: {  	v50 =	vld [tilespmem:s23+$0x10260]  }
0x6d8: {  	v55 =	vld [tilespmem:$0x1D950];
	v8 =	vsub.f32 v8, v49  }
0x6d9: {  	v49 =	vld [tilespmem:s30+$0x10210]  }
0x6da: {  	[tilespmem:$0x1F410] =	vst v8;
	v8 =	vld [tilespmem:$0x1D940]  }
0x6db: {  	v9 =	vsub.f32 v7, v36;
	v7 =	vld [tilespmem:$0x1DB70];
	_ =	sdelay $0x3  }
0x6dc: {  	v32 =	vld [tilespmem:s28+$0x10240];
	v8 =	vsub.f32 v8, v50  }
0x6dd: {  	v55 =	vsub.f32 v55, v59;
	v59 =	vld [tilespmem:$0x1D960];
	v7 =	vsub.f32 v7, v49  }
0x6de: {  	[tilespmem:$0x1F430] =	vst v8;
	v8 =	vld [tilespmem:s19+$0x10260]  }
0x6df: {  	[tilespmem:$0x1E030] =	vst v7;
	v7 =	vld [tilespmem:$0x1DB80];
	_ =	sdelay $0x3  }
0x6e0: {  	v32 =	vsub.f32 v59, v32  }
0x6e1: {  	v7 =	vsub.f32 v7, v8  }
0x6e2: {  	[tilespmem:$0x1DF10] =	vst v32;
	v32 =	vld [tilespmem:s18+$0x10250]  }
0x6e3: {  	[tilespmem:$0x1F7A0] =	vst v7;
	v7 =	vld [tilespmem:$0x1DB90];
	_ =	sdelay $0x4  }
0x6e4: {  	v7 =	vsub.f32 v7, v32  }
0x6e5: {  	[tilespmem:$0x1F490] =	vst v23;
	v23 =	vld [tilespmem:s22+$0x10240]  }
0x6e6: {  	[tilespmem:$0x1F7C0] =	vst v7;
	v7 =	vld [tilespmem:$0x1DBA0];
	_ =	sdelay $0x4  }
0x6e7: {  	v7 =	vsub.f32 v7, v23  }
0x6e8: {  	v38 =	vld [tilespmem:s24+$0x10230]  }
0x6e9: {  	[tilespmem:$0x1E320] =	vst v7;
	v7 =	vld [tilespmem:$0x1DBB0];
	_ =	sdelay $0x3  }
0x6ea: {  	v24 =	vld [tilespmem:s26+$0x10220]  }
0x6eb: {  	v10 =	vsub.f32 v7, v38;
	v7 =	vld [tilespmem:$0x1DBC0];
	_ =	sdelay $0x3  }
0x6ec: {  	[tilespmem:$0x1F550] =	vst v19;
	v19 =	vld [tilespmem:s29+$0x10200]  }
0x6ed: {  	v28 =	vsub.f32 v7, v24;
	v7 =	vld [tilespmem:$0x1DBD0];
	_ =	sdelay $0x2  }
0x6ee: {  	s21 =	spop (v2sf)  }
0x6ef: {  	v21 =	vld [tilespmem:s21+$0x10260]  }
0x6f0: {  	v38 =	vsub.f32 v7, v19;
	v7 =	vld [tilespmem:$0x1DBE0];
	_ =	sdelay $0x4  }
0x6f1: {  	v7 =	vsub.f32 v7, v21  }
0x6f2: {  	v14 =	vld [tilespmem:s29+$0x10210]  }
0x6f3: {  	[tilespmem:$0x1F820] =	vst v7;
	v7 =	vld [tilespmem:$0x1DBF0];
	_ =	sdelay $0x4  }
0x6f4: {  	s31 =	spop (v2sf);
	v7 =	vsub.f32 v7, v14  }
0x6f5: {  	v20 =	vld [tilespmem:s31+$0x10260]  }
0x6f6: {  	[tilespmem:$0x1E060] =	vst v7;
	v7 =	vld [tilespmem:$0x1DC00];
	_ =	sdelay $0x4  }
0x6f7: {  	v7 =	vsub.f32 v7, v20  }
0x6f8: {  	v22 =	vld [tilespmem:s16+$0x10250]  }
0x6f9: {  	[tilespmem:$0x1F850] =	vst v7;
	v7 =	vld [tilespmem:$0x1DC10];
	_ =	sdelay $0x2  }
0x6fa: {  	v2 =	vld [tilespmem:s30+$0x10270];
	_ =	sdelay $0x1  }
0x6fb: {  	v7 =	vsub.f32 v7, v22  }
0x6fc: {  	v40 =	vld [tilespmem:s17+$0x10240]  }
0x6fd: {  	[tilespmem:$0x1F870] =	vst v7;
	v7 =	vld [tilespmem:$0x1DC20]  }
0x6fe: {  	v58 =	vsub.f32 v58, v2;
	v2 =	vld [tilespmem:s21+$0x10270]  }
0x6ff: {  	[tilespmem:$0x1E000] =	vst v3;
	v3 =	vld [tilespmem:$0x1DAF0];
	_ =	sdelay $0x2  }
0x700: {  	v53 =	vld [tilespmem:s29+$0x10250];
	v7 =	vsub.f32 v7, v40  }
0x701: {  	v5 =	vld [tilespmem:s23+$0x10230]  }
0x702: {  	v2 =	vsub.f32 v3, v2;
	[tilespmem:$0x1E350] =	vst v7;
	v7 =	vld [tilespmem:$0x1DC30]  }
0x703: {  	v6 =	vld [tilespmem:s31+$0x10270]  }
0x704: {  	[tilespmem:$0x1F6D0] =	vst v2;
	v2 =	vld [tilespmem:$0x1DB00]  }
0x705: {  	v1 =	vld [tilespmem:$0x1D870];
	_ =	sdelay $0x1  }
0x706: {  	v5 =	vsub.f32 v7, v5  }
0x707: {  	v4 =	vld [tilespmem:s25+$0x10220]  }
0x708: {  	v2 =	vsub.f32 v2, v6;
	[tilespmem:$0x1E220] =	vst v5;
	v5 =	vld [tilespmem:$0x1DC40]  }
0x709: {  	v53 =	vsub.f32 v1, v53;
	v1 =	vld [tilespmem:s16+$0x10260]  }
0x70a: {  	[tilespmem:$0x1F6F0] =	vst v2;
	v2 =	vld [tilespmem:$0x1DB10];
	_ =	sdelay $0x1  }
0x70b: {  	v6 =	vld [tilespmem:s28+$0x10200]  }
0x70c: {  	v25 =	vsub.f32 v5, v4;
	v4 =	vld [tilespmem:$0x1DC50]  }
0x70d: {  	v12 =	vld [tilespmem:s17+$0x10250]  }
0x70e: {  	v1 =	vsub.f32 v2, v1;
	v2 =	vld [tilespmem:$0x1DB20];
	_ =	sdelay $0x1  }
0x70f: {  	[tilespmem:$0x1F710] =	vst v1;
	v1 =	vld [tilespmem:s19+$0x10250]  }
0x710: {  	v27 =	vsub.f32 v4, v6;
	v4 =	vld [tilespmem:$0x1DC60];
	_ =	sdelay $0x1  }
0x711: {  	v13 =	vld [tilespmem:s23+$0x10240];
	v2 =	vsub.f32 v2, v12  }
0x712: {  	v3 =	vld [tilespmem:s28+$0x10210]  }
0x713: {  	[tilespmem:$0x1F730] =	vst v2;
	v2 =	vld [tilespmem:$0x1DB30]  }
0x714: {  	v1 =	vsub.f32 v4, v1;
	v4 =	vld [tilespmem:$0x1DC70];
	_ =	sdelay $0x3  }
0x715: {  	v2 =	vsub.f32 v2, v13  }
0x716: {  	v3 =	vsub.f32 v4, v3  }
0x717: {  	[tilespmem:$0x1E310] =	vst v2;
	v2 =	vld [tilespmem:s18+$0x10240]  }
0x718: {  	[tilespmem:$0x1E090] =	vst v3;
	v3 =	vld [tilespmem:$0x1DC80];
	_ =	sdelay $0x4  }
0x719: {  	v2 =	vsub.f32 v3, v2  }
0x71a: {  	v42 =	vld [tilespmem:s22+$0x10230]  }
0x71b: {  	[tilespmem:$0x1E3A0] =	vst v2;
	v2 =	vld [tilespmem:$0x1DC90];
	_ =	sdelay $0x4  }
0x71c: {  	v2 =	vsub.f32 v2, v42  }
0x71d: {  	v49 =	vld [tilespmem:s24+$0x10220]  }
0x71e: {  	[tilespmem:$0x1E230] =	vst v2;
	v2 =	vld [tilespmem:$0x1DCA0];
	_ =	sdelay $0x2  }
0x71f: {  	v23 =	vld [tilespmem:s26+$0x10200]  }
0x720: {  	v19 =	vld [tilespmem:s21+$0x10250]  }
0x721: {  	v14 =	vsub.f32 v2, v49;
	v2 =	vld [tilespmem:$0x1DCB0];
	_ =	sdelay $0x4  }
0x722: {  	v17 =	vsub.f32 v2, v23;
	v2 =	vsub.f32 v61, v19  }
0x723: {  	v50 =	vld [tilespmem:s26+$0x10210]  }
0x724: {  	[tilespmem:$0x1F940] =	vst v2;
	v2 =	vld [tilespmem:$0x1DCC0];
	_ =	sdelay $0x3  }
0x725: {  	v21 =	vld [tilespmem:s31+$0x10250]  }
0x726: {  	v13 =	vsub.f32 v2, v50;
	v2 =	vld [tilespmem:$0x1DCD0];
	_ =	sdelay $0x4  }
0x727: {  	v0 =	vmul.f32 $5.000000000e-01, v0;
	v2 =	vsub.f32 v2, v21  }
0x728: {  	v20 =	vld [tilespmem:s16+$0x10240]  }
0x729: {  	(erf) = vrcp.f32 v0;
	[tilespmem:$0x1F970] =	vst v2;
	v2 =	vld [tilespmem:$0x1DCE0];
	_ =	sdelay $0x4  }
0x72a: {  	v2 =	vsub.f32 v2, v20  }
0x72b: {  	v22 =	vld [tilespmem:s17+$0x10230]  }
0x72c: {  	[tilespmem:$0x1E3F0] =	vst v2;
	v2 =	vld [tilespmem:$0x1DCF0];
	_ =	sdelay $0x1  }
0x72d: {  	v23 =	vpop (erf)  }
0x72e: {  	v23 =	vmul.f32 v23, v56  }
0x72f: {  	[tilespmem:$0x1F8D0] =	vst v1;
	v1 =	vld [tilespmem:s23+$0x10220]  }
0x730: {  	v2 =	vsub.f32 v2, v22;
	v22 =	vadd.f32 v23, v0;
	v0 =	vld [tilespmem:$0x1DD00];
	_ =	sdelay $0x4  }
0x731: {  	v0 =	vsub.f32 v0, v1  }
0x732: {  	v3 =	vld [tilespmem:s25+$0x10200]  }
0x733: {  	[tilespmem:$0x1E150] =	vst v0;
	v0 =	vld [tilespmem:$0x1DD10];
	_ =	sdelay $0x4  }
0x734: {  	v0 =	vsub.f32 v0, v3;
	_ =	sdelay $0x1  }
0x735: {  	[tilespmem:$0x1E0C0] =	vst v0;
	v0 =	vld [tilespmem:$0x1F140];
	_ =	sdelay $0x4  }
0x736: {  	v24 =	vld [tilespmem:s25+$0x10210];
	vm15 =	veq.s32 v0, $0x8;
	v0 =	vmov v11  }
0x737: {  	[tilespmem:$0x1F140] =	vst v0;
	v0 =	vld [tilespmem:$0x1DD20];
	_ =	sdelay $0x4  }
0x738: {  	v7 =	vsub.f32 v0, v24;
	v0 =	vmul.f32 v54, v54  }
0x739: {  	v19 =	vld [tilespmem:s19+$0x10240]  }
0x73a: {  	[tilespmem:$0x1E2F0] =	vst v0;
	v0 =	vld [tilespmem:$0x1DD30];
	_ =	sdelay $0x4  }
0x73b: {  	v0 =	vsub.f32 v0, v19;
	_ =	sdelay $0x1  }
0x73c: {  	[tilespmem:$0x1F9E0] =	vst v0;
	v0 =	vmul.f32 v58, v58;
	_ =	sdelay $0x1  }
0x73d: {  	[tilespmem:$0x1E100] =	vst v0;
	v0 =	vmul.f32 v46, v46  }
0x73e: {  	v20 =	vld [tilespmem:s18+$0x10230]  }
0x73f: {  	[tilespmem:$0x1E0F0] =	vst v0;
	v0 =	vld [tilespmem:$0x1DD40];
	_ =	sdelay $0x4  }
0x740: {  	v0 =	vsub.f32 v0, v20;
	_ =	sdelay $0x1  }
0x741: {  	[tilespmem:$0x1E280] =	vst v0;
	v0 =	vmul.f32 v62, v62  }
0x742: {  	v21 =	vld [tilespmem:s22+$0x10220]  }
0x743: {  	[tilespmem:$0x1E110] =	vst v0;
	v0 =	vld [tilespmem:$0x1DD50];
	_ =	sdelay $0x4  }
0x744: {  	v0 =	vsub.f32 v0, v21;
	_ =	sdelay $0x1  }
0x745: {  	[tilespmem:$0x1E160] =	vst v0;
	v0 =	vmul.f32 v60, v60;
	_ =	sdelay $0x1  }
0x746: {  	[tilespmem:$0x1E140] =	vst v0;
	v0 =	vmul.f32 v18, v18  }
0x747: {  	v23 =	vld [tilespmem:s24+$0x10200]  }
0x748: {  	[tilespmem:$0x1E2E0] =	vst v0;
	v0 =	vld [tilespmem:$0x1DD60];
	_ =	sdelay $0x4  }
0x749: {  	[tilespmem:$0x1E250] =	vst v2;
	v2 =	vsub.f32 v0, v23;
	v0 =	vld [tilespmem:$0x1DD70];
	_ =	sdelay $0x4  }
0x74a: {  	v0 =	vmul.f32 v0, v0;
	_ =	sdelay $0x1  }
0x74b: {  	[tilespmem:$0x1E0D0] =	vst v0;
	v0 =	vmul.f32 v63, v63  }
0x74c: {  	v3 =	vld [tilespmem:s24+$0x10210]  }
0x74d: {  	[tilespmem:$0x1E120] =	vst v0;
	v0 =	vld [tilespmem:$0x1DD80];
	_ =	sdelay $0x4  }
0x74e: {  	v63 =	vsub.f32 v0, v3;
	v0 =	vld [tilespmem:$0x1DD90];
	_ =	sdelay $0x4  }
0x74f: {  	v0 =	vmul.f32 v0, v0;
	_ =	sdelay $0x1  }
0x750: {  	[tilespmem:$0x1E0E0] =	vst v0;
	v0 =	vld [tilespmem:$0x1DDA0];
	_ =	sdelay $0x4  }
0x751: {  	v0 =	vmul.f32 v0, v0  }
0x752: {  	v11 =	vmul.f32 $5.000000000e-01, v22;
	v22 =	vld [tilespmem:s21+$0x10240]  }
0x753: {  	[tilespmem:$0x1E390] =	vst v0;
	v0 =	vld [tilespmem:$0x1DDB0];
	_ =	sdelay $0x4  }
0x754: {  	v0 =	vsub.f32 v0, v22;
	_ =	sdelay $0x1  }
0x755: {  	[tilespmem:$0x1FA40] =	vst v0;
	v0 =	vld [tilespmem:$0x1DDC0];
	_ =	sdelay $0x4  }
0x756: {  	v29 =	vmul.f32 v0, v0;
	v0 =	vmul.f32 v41, v41  }
0x757: {  	v19 =	vld [tilespmem:s31+$0x10240]  }
0x758: {  	[tilespmem:$0x1E340] =	vst v0;
	v0 =	vld [tilespmem:$0x1DDD0];
	_ =	sdelay $0x4  }
0x759: {  	v0 =	vsub.f32 v0, v19;
	_ =	sdelay $0x1  }
0x75a: {  	[tilespmem:$0x1FA60] =	vst v0;
	v0 =	vld [tilespmem:$0x1DDE0];
	_ =	sdelay $0x4  }
0x75b: {  	v0 =	vmul.f32 v0, v0;
	_ =	sdelay $0x1  }
0x75c: {  	[tilespmem:$0x1E170] =	vst v0;
	v0 =	vmul.f32 v44, v44  }
0x75d: {  	v20 =	vld [tilespmem:s16+$0x10230]  }
0x75e: {  	[tilespmem:$0x1E190] =	vst v0;
	v0 =	vld [tilespmem:$0x1DDF0];
	_ =	sdelay $0x4  }
0x75f: {  	v0 =	vsub.f32 v0, v20;
	_ =	sdelay $0x1  }
0x760: {  	[tilespmem:$0x1E2A0] =	vst v0;
	v0 =	vmul.f32 v57, v57;
	_ =	sdelay $0x1  }
0x761: {  	[tilespmem:$0x1E3C0] =	vst v0;
	v0 =	vmul.f32 v51, v51  }
0x762: {  	v18 =	vld [tilespmem:s17+$0x10220]  }
0x763: {  	[tilespmem:$0x1E330] =	vst v0;
	v0 =	vld [tilespmem:$0x1DE00];
	_ =	sdelay $0x4  }
0x764: {  	v0 =	vsub.f32 v0, v18;
	_ =	sdelay $0x1  }
0x765: {  	[tilespmem:$0x1E180] =	vst v0;
	v0 =	vld [tilespmem:$0x1DE10];
	_ =	sdelay $0x4  }
0x766: {  	v6 =	vmul.f32 v0, v0;
	v0 =	vmul.f32 v43, v43  }
0x767: {  	v24 =	vld [tilespmem:s23+$0x10200]  }
0x768: {  	[tilespmem:$0x1E210] =	vst v0;
	v0 =	vld [tilespmem:$0x1DE20];
	_ =	sdelay $0x4  }
0x769: {  	v41 =	vsub.f32 v0, v24;
	v0 =	vmul.f32 v53, v53;
	_ =	sdelay $0x1  }
0x76a: {  	[tilespmem:$0x1E370] =	vst v0;
	v0 =	vmul.f32 v45, v45  }
0x76b: {  	v3 =	vld [tilespmem:s23+$0x10210]  }
0x76c: {  	[tilespmem:$0x1E380] =	vst v0;
	v0 =	vld [tilespmem:$0x1DE30];
	_ =	sdelay $0x4  }
0x76d: {  	v42 =	vsub.f32 v0, v3;
	v0 =	vld [tilespmem:$0x1DE40];
	_ =	sdelay $0x3  }
0x76e: {  	v58 =	vld [tilespmem:s19+$0x10230]  }
0x76f: {  	v8 =	vmul.f32 v0, v0;
	v0 =	vld [tilespmem:$0x1DE50];
	_ =	sdelay $0x4  }
0x770: {  	v0 =	vsub.f32 v0, v58;
	_ =	sdelay $0x1  }
0x771: {  	[tilespmem:$0x1E2B0] =	vst v0;
	v0 =	vld [tilespmem:$0x1DE60];
	_ =	sdelay $0x4  }
0x772: {  	v0 =	vmul.f32 v0, v0  }
0x773: {  	v20 =	vld [tilespmem:s18+$0x10220]  }
0x774: {  	[tilespmem:$0x1E3E0] =	vst v0;
	v0 =	vld [tilespmem:$0x1DE70];
	_ =	sdelay $0x4  }
0x775: {  	v0 =	vsub.f32 v0, v20;
	_ =	sdelay $0x1  }
0x776: {  	[tilespmem:$0x1E1A0] =	vst v0;
	v0 =	vld [tilespmem:$0x1DE80];
	_ =	sdelay $0x4  }
0x777: {  	v0 =	vmul.f32 v0, v0;
	_ =	sdelay $0x1  }
0x778: {  	[tilespmem:$0x1E360] =	vst v0;
	v0 =	vld [tilespmem:$0x1DE90];
	_ =	sdelay $0x4  }
0x779: {  	v0 =	vmul.f32 v0, v0;
	_ =	sdelay $0x1  }
0x77a: {  	[tilespmem:$0x1E240] =	vst v0;
	v0 =	vld [tilespmem:$0x1DEA0];
	_ =	sdelay $0x4  }
0x77b: {  	v0 =	vmul.f32 v0, v0;
	_ =	sdelay $0x1  }
0x77c: {  	[tilespmem:$0x1E300] =	vst v0;
	v0 =	vld [tilespmem:$0x1DEB0];
	_ =	sdelay $0x3  }
0x77d: {  	v59 =	vld [tilespmem:s22+$0x10200]  }
0x77e: {  	v60 =	vmul.f32 v0, v0;
	v0 =	vld [tilespmem:$0x1DEC0];
	_ =	sdelay $0x4  }
0x77f: {  	[tilespmem:$0x1DF20] =	vst v33;
	v33 =	vsub.f32 v0, v59;
	v0 =	vld [tilespmem:$0x1DED0];
	_ =	sdelay $0x4  }
0x780: {  	v5 =	vmul.f32 v52, v52;
	v52 =	vmul.f32 v0, v0;
	v0 =	vld [tilespmem:$0x1DEE0];
	_ =	sdelay $0x4  }
0x781: {  	v0 =	vmul.f32 v0, v0  }
0x782: {  	v24 =	vld [tilespmem:s22+$0x10210]  }
0x783: {  	[tilespmem:$0x1E3D0] =	vst v0;
	v0 =	vld [tilespmem:$0x1DEF0];
	_ =	sdelay $0x4  }
0x784: {  	v62 =	vsub.f32 v0, v24;
	v0 =	vld [tilespmem:$0x1DF00];
	_ =	sdelay $0x4  }
0x785: {  	v0 =	vmul.f32 v0, v0;
	_ =	sdelay $0x1  }
0x786: {  	[tilespmem:$0x1E270] =	vst v0;
	v0 =	vld [tilespmem:$0x1DF10];
	_ =	sdelay $0x4  }
0x787: {  	v0 =	vmul.f32 v0, v0;
	_ =	sdelay $0x1  }
0x788: {  	[tilespmem:$0x1E3B0] =	vst v0;
	v0 =	vld [tilespmem:$0x1DF20];
	_ =	sdelay $0x4  }
0x789: {  	v0 =	vmul.f32 v0, v0;
	_ =	sdelay $0x1  }
0x78a: {  	[tilespmem:$0x1E260] =	vst v0;
	v0 =	vmul.f32 v31, v31  }
0x78b: {  	(erf) = vrcp.f32 v11  }
0x78c: {  	[tilespmem:$0x1E410] =	vst v0;
	v0 =	vld [tilespmem:$0x1DF30];
	_ =	sdelay $0x4  }
0x78d: {  	v0 =	vmul.f32 v0, v0;
	_ =	sdelay $0x1  }
0x78e: {  	[tilespmem:$0x1E290] =	vst v0;
	v0 =	vld [tilespmem:$0x1DF40]  }
0x78f: {  	v3 =	vpop (erf)  }
0x790: {  	v3 =	vmul.f32 v3, v56;
	_ =	sdelay $0x1  }
0x791: {  	v3 =	vadd.f32 v3, v11  }
0x792: {  	v59 =	vmul.f32 v0, v0;
	v0 =	vld [tilespmem:$0x1FEA0]  }
0x793: {  	v3 =	vmul.f32 $5.000000000e-01, v3  }
0x794: {  	vm0 =	vgt.f32 v56, $0.0e+00  }
0x795: {  	v4 =	vnsel vm0, $0x0, v3  }
0x796: {  	v3 =	vnsel vm15, $0x0, v4  }
0x797: {  	v0 =	vadd.f32 v3, v0  }
0x798: {  	v36 =	vld [tilespmem:s21+$0x10230]  }
0x799: {  	[tilespmem:$0x1FEA0] =	vst v0;
	v0 =	vld [tilespmem:$0x1DF50];
	_ =	sdelay $0x4  }
0x79a: {  	v0 =	vsub.f32 v0, v36;
	_ =	sdelay $0x1  }
0x79b: {  	[tilespmem:$0x1E2C0] =	vst v0;
	v0 =	vmul.f32 v37, v37  }
0x79c: {  	v61 =	vld [tilespmem:s31+$0x10230]  }
0x79d: {  	[tilespmem:$0x1E400] =	vst v0;
	v0 =	vld [tilespmem:$0x1DF60];
	_ =	sdelay $0x4  }
0x79e: {  	v36 =	vsub.f32 v0, v61;
	v0 =	vld [tilespmem:$0x1DF70];
	_ =	sdelay $0x4  }
0x79f: {  	v18 =	vmul.f32 v0, v0;
	v0 =	vld [tilespmem:$0x1DF80];
	_ =	sdelay $0x3  }
0x7a0: {  	v43 =	vld [tilespmem:s16+$0x10220]  }
0x7a1: {  	v19 =	vmul.f32 v0, v0;
	v0 =	vld [tilespmem:$0x1DF90]  }
0x7a2: {  	v12 =	vmul.f32 v39, v39;
	v39 =	vld [tilespmem:s18+$0x10200]  }
0x7a3: {  	v1 =	vld [tilespmem:$0x1E020];
	_ =	sdelay $0x2  }
0x7a4: {  	v34 =	vsub.f32 v0, v43;
	v0 =	vld [tilespmem:$0x1DFA0];
	_ =	sdelay $0x1  }
0x7a5: {  	v58 =	vsub.f32 v1, v39;
	v1 =	vmul.f32 v9, v9;
	v9 =	vld [tilespmem:$0x1E030];
	_ =	sdelay $0x1  }
0x7a6: {  	v46 =	vld [tilespmem:s17+$0x10200]  }
0x7a7: {  	v43 =	vmul.f32 v0, v0;
	v0 =	vld [tilespmem:$0x1DFB0];
	_ =	sdelay $0x1  }
0x7a8: {  	v22 =	vmul.f32 v9, v9;
	v9 =	vld [tilespmem:$0x1E040]  }
0x7a9: {  	v31 =	vld [tilespmem:s18+$0x10210];
	_ =	sdelay $0x1  }
0x7aa: {  	v57 =	vsub.f32 v0, v46;
	v0 =	vld [tilespmem:$0x1DFC0];
	_ =	sdelay $0x1  }
0x7ab: {  	v20 =	vld [tilespmem:s21+$0x10220]  }
0x7ac: {  	v31 =	vsub.f32 v9, v31;
	v9 =	vld [tilespmem:$0x1E050];
	_ =	sdelay $0x1  }
0x7ad: {  	v3 =	vmul.f32 v26, v26;
	v26 =	vmul.f32 v0, v0;
	v0 =	vld [tilespmem:$0x1DFD0];
	_ =	sdelay $0x2  }
0x7ae: {  	v20 =	vsub.f32 v9, v20;
	v9 =	vld [tilespmem:$0x1E060]  }
0x7af: {  	v53 =	vmul.f32 v55, v55;
	v55 =	vld [tilespmem:s17+$0x10210]  }
0x7b0: {  	v32 =	vmul.f32 v0, v0;
	v0 =	vld [tilespmem:$0x1DFE0];
	_ =	sdelay $0x1  }
0x7b1: {  	v35 =	vld [tilespmem:s31+$0x10220]  }
0x7b2: {  	v37 =	vmul.f32 v9, v9;
	v9 =	vld [tilespmem:$0x1E070];
	_ =	sdelay $0x1  }
0x7b3: {  	v49 =	vsub.f32 v0, v55;
	v0 =	vld [tilespmem:$0x1DFF0];
	_ =	sdelay $0x2  }
0x7b4: {  	v61 =	vsub.f32 v9, v35;
	v9 =	vld [tilespmem:$0x1E080]  }
0x7b5: {  	v46 =	vld [tilespmem:s16+$0x10200]  }
0x7b6: {  	v21 =	vmul.f32 v0, v0;
	v0 =	vld [tilespmem:$0x1E000];
	_ =	sdelay $0x2  }
0x7b7: {  	v16 =	vld [tilespmem:s19+$0x10220]  }
0x7b8: {  	v55 =	vsub.f32 v9, v46;
	v9 =	vld [tilespmem:$0x1E090]  }
0x7b9: {  	v45 =	vmul.f32 v0, v0;
	v0 =	vld [tilespmem:$0x1E010];
	_ =	sdelay $0x2  }
0x7ba: {  	v40 =	vld [tilespmem:s14+$0xFFFFFC80]  }
0x7bb: {  	v44 =	vmul.f32 v9, v9;
	v9 =	vld [tilespmem:$0x1E0A0]  }
0x7bc: {  	v16 =	vsub.f32 v0, v16;
	v0 =	vld [tilespmem:s16+$0x10210]  }
0x7bd: {  	v50 =	vld [tilespmem:s14+$0xFFFFFC00]  }
0x7be: {  	v54 =	vld [tilespmem:s14+$0xFFFFFC10]  }
0x7bf: {  	v56 =	vmul.f32 v48, v48;
	v48 =	vld [tilespmem:s19+$0x10200]  }
0x7c0: {  	v46 =	vld [tilespmem:s31+$0x10200]  }
0x7c1: {  	v0 =	vsub.f32 v9, v0;
	v9 =	vld [tilespmem:$0x1E0B0]  }
0x7c2: {  	v23 =	vld [tilespmem:s19+$0x10210]  }
0x7c3: {  	v51 =	vld [tilespmem:s14+$0xFFFFFD10]  }
0x7c4: {  	v24 =	vld [tilespmem:s21+$0x10200]  }
0x7c5: {  	v35 =	vld [tilespmem:s21+$0x10210]  }
0x7c6: {  	v40 =	vsub.f32 v40, v46;
	v48 =	vsub.f32 v9, v48;
	v9 =	vld [tilespmem:$0x1E0C0];
	_ =	sdelay $0x2  }
0x7c7: {  	v17 =	vmul.f32 v17, v17;
	v13 =	vmul.f32 v13, v13;
	v23 =	vsub.f32 v51, v23  }
0x7c8: {  	v51 =	vmul.f32 v63, v63;
	v24 =	vsub.f32 v50, v24;
	v63 =	vmul.f32 v40, v40;
	v40 =	vmovc v4;
	v4 =	vld [tilespmem:$0x1E150]  }
0x7c9: {  	v7 =	vmul.f32 v7, v7;
	v35 =	vsub.f32 v54, v35;
	v9 =	vmul.f32 v9, v9  }
0x7ca: {  	v24 =	vmul.f32 v24, v24  }
0x7cb: {  	v7 =	vadd.f32 v7, v9;
	v9 =	vadd.f32 v13, v17;
	v13 =	vmul.f32 v35, v35  }
0x7cc: {  	v11 =	vld [tilespmem:s14+$0xFFFFFC90]  }
0x7cd: {  	v13 =	vadd.f32 v13, v24;
	v24 =	vmul.f32 v4, v4;
	v4 =	vld [tilespmem:$0x1E160]  }
0x7ce: {  	v39 =	vld [tilespmem:s31+$0x10210];
	_ =	sdelay $0x1  }
0x7cf: {  	v33 =	vmul.f32 v33, v33;
	v50 =	vmul.f32 v62, v62;
	_ =	sdelay $0x1  }
0x7d0: {  	v33 =	vadd.f32 v50, v33;
	v50 =	vmul.f32 v4, v4;
	v4 =	vld [tilespmem:$0x1E180]  }
0x7d1: {  	v11 =	vsub.f32 v11, v39  }
0x7d2: {  	v2 =	vmul.f32 v2, v2  }
0x7d3: {  	v11 =	vmul.f32 v11, v11  }
0x7d4: {  	v47 =	vmul.f32 v47, v47;
	v2 =	vadd.f32 v51, v2;
	v51 =	vld [tilespmem:$0x1E110];
	v39 =	vmul.f32 v58, v58  }
0x7d5: {  	v31 =	vmul.f32 v31, v31;
	v11 =	vadd.f32 v11, v63;
	v63 =	vmul.f32 v4, v4;
	v4 =	vld [tilespmem:$0x1E1A0]  }
0x7d6: {  	v30 =	vmul.f32 v30, v30;
	v14 =	vmul.f32 v14, v14;
	v62 =	vmov v5;
	v5 =	vld [tilespmem:$0x1E2B0]  }
0x7d7: {  	v38 =	vmul.f32 v38, v38;
	v25 =	vmul.f32 v25, v25;
	v31 =	vadd.f32 v31, v39;
	v39 =	vld [tilespmem:$0x1E130]  }
0x7d8: {  	v27 =	vmul.f32 v27, v27;
	v2 =	vadd.f32 v14, v2;
	v1 =	vadd.f32 v22, v1;
	v54 =	vld [tilespmem:$0x1E120]  }
0x7d9: {  	v22 =	vmul.f32 v23, v23;
	v14 =	vmul.f32 v20, v20;
	v19 =	vadd.f32 v43, v19;
	v43 =	vld [tilespmem:$0x1E140]  }
0x7da: {  	v1 =	vadd.f32 v18, v1;
	v58 =	vmul.f32 v48, v48;
	v48 =	vmovc v6;
	v6 =	vmul.f32 v4, v4;
	v4 =	vld [tilespmem:$0x1E230]  }
0x7db: {  	v19 =	vadd.f32 v47, v19;
	v47 =	vld [tilespmem:$0x1E170];
	v46 =	vmul.f32 v57, v57;
	v57 =	vmul.f32 v55, v55  }
0x7dc: {  	v23 =	vadd.f32 v44, v27;
	v44 =	vld [tilespmem:$0x1E0E0];
	v27 =	vadd.f32 v37, v38;
	v16 =	vmul.f32 v16, v16  }
0x7dd: {  	v38 =	vld [tilespmem:$0x1E1D0];
	v22 =	vadd.f32 v22, v58;
	v7 =	vadd.f32 v25, v7;
	v25 =	vmul.f32 v61, v61  }
0x7de: {  	v21 =	vadd.f32 v45, v21;
	v45 =	vld [tilespmem:$0x1E0D0];
	v0 =	vmul.f32 v0, v0;
	v13 =	vadd.f32 v14, v13  }
0x7df: {  	v14 =	vadd.f32 v16, v22;
	v16 =	vadd.f32 v25, v11;
	v11 =	vmul.f32 v4, v4;
	v4 =	vld [tilespmem:$0x1E240]  }
0x7e0: {  	v18 =	vadd.f32 v59, v21;
	v59 =	vld [tilespmem:$0x1E190];
	v21 =	vadd.f32 v30, v23  }
0x7e1: {  	v23 =	vadd.f32 v32, v27;
	v32 =	vld [tilespmem:$0x1E1B0];
	v27 =	vmul.f32 v34, v34;
	v0 =	vadd.f32 v0, v57  }
0x7e2: {  	v34 =	vld [tilespmem:$0x1E1C0]  }
0x7e3: {  	v41 =	vmul.f32 v41, v41;
	v42 =	vmul.f32 v42, v42;
	v27 =	vadd.f32 v27, v0;
	v0 =	vld [tilespmem:$0x1E220]  }
0x7e4: {  	v19 =	vadd.f32 v4, v19;
	v4 =	vld [tilespmem:$0x1E250]  }
0x7e5: {  	v17 =	vadd.f32 v42, v41;
	v42 =	vld [tilespmem:$0x1E0F0]  }
0x7e6: {  	v15 =	vmul.f32 v15, v15;
	v41 =	vld [tilespmem:$0x1E100]  }
0x7e7: {  	v28 =	vmul.f32 v28, v28;
	v49 =	vmul.f32 v49, v49;
	v35 =	vld [tilespmem:$0x1E1F0]  }
0x7e8: {  	v5 =	vmul.f32 v5, v5;
	v30 =	vadd.f32 v15, v7;
	v7 =	vld [tilespmem:$0x1E2C0]  }
0x7e9: {  	v9 =	vadd.f32 v28, v9;
	v28 =	vadd.f32 v6, v31;
	v6 =	vmul.f32 v4, v4;
	v4 =	vld [tilespmem:$0x1E260]  }
0x7ea: {  	v37 =	vadd.f32 v49, v46;
	v61 =	vld [tilespmem:$0x1E210]  }
0x7eb: {  	v49 =	vmovc v8;
	v8 =	vadd.f32 v5, v14;
	v5 =	vld [tilespmem:$0x1E330];
	v31 =	vadd.f32 v26, v9;
	v9 =	vmul.f32 v36, v36  }
0x7ec: {  	v17 =	vadd.f32 v24, v17;
	v24 =	vadd.f32 v50, v33;
	v33 =	vld [tilespmem:$0x1E200]  }
0x7ed: {  	v9 =	vadd.f32 v9, v16;
	v16 =	vld [tilespmem:$0x1E3B0]  }
0x7ee: {  	v7 =	vmul.f32 v7, v7;
	v22 =	vadd.f32 v4, v1;
	v1 =	vld [tilespmem:$0x1E270]  }
0x7ef: {  	v21 =	vadd.f32 v12, v21;
	v4 =	vld [tilespmem:$0x1E290]  }
0x7f0: {  	v0 =	vmul.f32 v0, v0;
	v7 =	vadd.f32 v7, v13;
	v13 =	vadd.f32 v5, v19;
	v5 =	vld [tilespmem:$0x1E350]  }
0x7f1: {  	v50 =	vld [tilespmem:$0x1E2D0]  }
0x7f2: {  	v0 =	vadd.f32 v0, v17;
	v17 =	vadd.f32 v16, v21;
	v16 =	vld [tilespmem:$0x1E3D0]  }
0x7f3: {  	v18 =	vadd.f32 v1, v18;
	v1 =	vld [tilespmem:$0x1E280]  }
0x7f4: {  	v23 =	vadd.f32 v4, v23;
	v4 =	vld [tilespmem:$0x1E2A0]  }
0x7f5: {  	v26 =	vmul.f32 v5, v5;
	v5 =	vld [tilespmem:$0x1E360]  }
0x7f6: {  	v10 =	vmul.f32 v10, v10;
	v20 =	vadd.f32 v63, v37;
	v37 =	vld [tilespmem:$0x1E1E0]  }
0x7f7: {  	v25 =	vadd.f32 v16, v23;
	v16 =	vld [tilespmem:$0x1E3F0]  }
0x7f8: {  	v2 =	vadd.f32 v10, v2;
	v36 =	vld [tilespmem:$0x1E300]  }
0x7f9: {  	v10 =	vadd.f32 v11, v24;
	v24 =	vld [tilespmem:$0x1E2F0];
	v1 =	vmul.f32 v1, v1;
	v4 =	vmul.f32 v4, v4  }
0x7fa: {  	v14 =	vadd.f32 v5, v22;
	v5 =	vld [tilespmem:$0x1E380]  }
0x7fb: {  	v11 =	vadd.f32 v4, v27;
	v4 =	vadd.f32 v1, v28;
	v1 =	vld [tilespmem:$0x1E310]  }
0x7fc: {  	v28 =	vmul.f32 v16, v16;
	v16 =	vld [tilespmem:$0x1E400]  }
0x7fd: {  	v21 =	vld [tilespmem:$0x1E3C0]  }
0x7fe: {  	v19 =	vld [tilespmem:$0x1E340]  }
0x7ff: {  	v15 =	vadd.f32 v5, v18;
	v5 =	vld [tilespmem:$0x1E3A0]  }
0x800: {  	v12 =	vmul.f32 v1, v1;
	v1 =	vld [tilespmem:$0x1E320]  }
0x801: {  	p0 =	sne.s32 s15, $0x7C0;
	v55 =	vmov v29;
	v29 =	vadd.f32 v16, v30;
	v16 =	vld [tilespmem:$0x1E410]  }
.Ltmp0:
0x802: {  	v6 =	vadd.f32 v6, v20;
	v20 =	vld [tilespmem:$0x1E2E0];
	(pc) =	sbr.rel @p0 .LBB2_2-.Ltmp0, $4  }
0x803: {  	v22 =	vld [tilespmem:$0x1E370]  }
0x804: {  	v18 =	vld [tilespmem:$0x1E390]  }
0x805: {  	v23 =	vld [tilespmem:$0x1E3E0]  }
0x806: {  	s15 =	sadd.s32 $0x40, s15;
	s14 =	sadd.s32 $0x800, s14;
	v5 =	vmul.f32 v5, v5;
	v1 =	vmul.f32 v1, v1;
	v30 =	vadd.f32 v16, v31;
	v31 =	vld [tilespmem:$0x1E420]  }
0x807: {  	v0 =	vadd.f32 v12, v0;
	v27 =	vld [tilespmem:$0x1FA40]  }
0x808: {  	v2 =	vadd.f32 v3, v2;
	v3 =	vadd.f32 v26, v6;
	v46 =	vld [tilespmem:$0x1F9E0]  }
0x809: {  	v57 =	vld [tilespmem:$0x1FA60];
	v63 =	vadd.f32 v21, v14;
	v21 =	vadd.f32 v19, v15  }
0x80a: {  	v26 =	vld [tilespmem:$0x1F570];
	v1 =	vadd.f32 v1, v10;
	v10 =	vadd.f32 v28, v11  }
0x80b: {  	v16 =	vld [tilespmem:$0x1F730];
	v4 =	vadd.f32 v5, v4;
	v28 =	vadd.f32 v53, v29  }
0x80c: {  	v29 =	vadd.f32 v52, v30;
	v30 =	vld [tilespmem:$0x1F660];
	v58 =	vadd.f32 v18, v13  }
0x80d: {  	v52 =	vld [tilespmem:$0x1F7C0];
	v2 =	vadd.f32 v56, v2;
	v23 =	vadd.f32 v23, v17  }
0x80e: {  	v53 =	vld [tilespmem:$0x1F940];
	v15 =	vadd.f32 v62, v28;
	v17 =	vadd.f32 v61, v29  }
0x80f: {  	v56 =	vld [tilespmem:$0x1F8D0];
	v2 =	vadd.f32 v60, v2;
	v6 =	vmul.f32 v27, v27;
	v11 =	vmul.f32 v46, v46  }
0x810: {  	v62 =	vld [tilespmem:$0x1F4B0];
	v13 =	vmul.f32 v26, v26;
	v27 =	vadd.f32 v22, v25;
	v26 =	vadd.f32 v47, v15  }
0x811: {  	v12 =	vmul.f32 v57, v57;
	v46 =	vld [tilespmem:$0x1F870];
	v28 =	vadd.f32 v44, v17;
	v2 =	vadd.f32 v48, v2  }
0x812: {  	v57 =	vld [tilespmem:$0x1F970];
	v5 =	vadd.f32 v6, v7;
	v6 =	vadd.f32 v11, v8  }
0x813: {  	v16 =	vmul.f32 v16, v16;
	v7 =	vadd.f32 v12, v9;
	v8 =	vadd.f32 v51, v58;
	v58 =	vld [tilespmem:$0x1F430]  }
0x814: {  	v18 =	vmul.f32 v53, v53;
	v0 =	vadd.f32 v13, v0;
	v11 =	vadd.f32 v20, v21;
	v21 =	vld [tilespmem:$0x1F820]  }
0x815: {  	v13 =	vmul.f32 v30, v30;
	v3 =	vadd.f32 v16, v3;
	v12 =	vadd.f32 v59, v23;
	v23 =	vld [tilespmem:$0x1F850]  }
0x816: {  	v9 =	vadd.f32 v54, v63;
	v14 =	vadd.f32 v55, v27;
	v27 =	vld [tilespmem:$0x1F410]  }
0x817: {  	v30 =	vld [tilespmem:$0x1F530];
	v1 =	vadd.f32 v13, v1;
	v13 =	vmul.f32 v52, v52;
	v5 =	vadd.f32 v18, v5  }
0x818: {  	v59 =	vld [tilespmem:$0x1F550];
	v8 =	vadd.f32 v24, v8;
	v11 =	vadd.f32 v42, v11;
	v16 =	vmul.f32 v46, v46  }
0x819: {  	v25 =	vadd.f32 v43, v14;
	v42 =	vld [tilespmem:$0x1F6F0];
	v19 =	vmul.f32 v57, v57;
	v4 =	vadd.f32 v13, v4  }
0x81a: {  	v43 =	vld [tilespmem:$0x1FED0];
	v10 =	vadd.f32 v16, v10;
	v16 =	vmul.f32 v56, v56;
	v13 =	vmul.f32 v58, v58  }
0x81b: {  	v7 =	vadd.f32 v19, v7;
	v18 =	vmul.f32 v21, v21;
	v19 =	vmul.f32 v23, v23  }
0x81c: {  	v9 =	vadd.f32 v41, v9;
	v15 =	vmul.f32 v27, v27;
	v17 =	vmul.f32 v30, v30  }
0x81d: {  	v6 =	vadd.f32 v16, v6;
	v16 =	vmul.f32 v59, v59;
	v0 =	vadd.f32 v13, v0  }
0x81e: {  	v63 =	vld [tilespmem:$0x1F710];
	v13 =	vmul.f32 v62, v62;
	v7 =	vadd.f32 v19, v7;
	v19 =	vmul.f32 v42, v42  }
0x81f: {  	v20 =	vld [tilespmem:$0x1F640];
	v12 =	vadd.f32 v45, v12;
	v44 =	vperm.xlane v11, v43;
	v45 =	vperm.xlane v8, v43  }
0x820: {  	v5 =	vadd.f32 v18, v5;
	v46 =	vperm.xlane v9, v43;
	v47 =	vperm.xlane v25, v43  }
0x821: {  	v22 =	vld [tilespmem:$0x1F7A0];
	v48 =	vperm.xlane v12, v43;
	v51 =	vperm.xlane v2, v43;
	v3 =	vadd.f32 v16, v3  }
0x822: {  	v29 =	vld [tilespmem:$0x1F490];
	v52 =	vperm.xlane v26, v43;
	v1 =	vadd.f32 v13, v1;
	v0 =	vadd.f32 v49, v0  }
0x823: {  	v61 =	vld [tilespmem:$0x1FEE0];
	v16 =	vmul.f32 v63, v63;
	v7 =	vadd.f32 v19, v7;
	v11 =	vadd.f32 v11, v44  }
0x824: {  	v13 =	vmul.f32 v20, v20;
	v8 =	vadd.f32 v8, v45;
	v9 =	vadd.f32 v9, v46  }
0x825: {  	v49 =	vperm.xlane v28, v43;
	v12 =	vadd.f32 v12, v48;
	v2 =	vadd.f32 v2, v51  }
0x826: {  	v14 =	vadd.f32 v26, v52;
	v10 =	vadd.f32 v16, v10;
	v16 =	vmul.f32 v22, v22  }
0x827: {  	v41 =	vld [tilespmem:$0x1F6D0];
	v3 =	vadd.f32 v15, v3;
	v15 =	vmul.f32 v29, v29;
	v53 =	vperm.xlane v0, v43  }
0x828: {  	v4 =	vadd.f32 v13, v4;
	v60 =	vperm.xlane v7, v43;
	v62 =	vperm.xlane v8, v61  }
0x829: {  	v1 =	vadd.f32 v36, v1;
	v63 =	vperm.xlane v9, v61;
	v21 =	vperm.xlane v11, v61  }
0x82a: {  	v13 =	vadd.f32 v25, v47;
	v22 =	vperm.xlane v12, v61;
	v24 =	vperm.xlane v14, v61  }
0x82b: {  	v27 =	vperm.xlane v2, v61;
	v6 =	vadd.f32 v16, v6;
	v4 =	vadd.f32 v15, v4  }
0x82c: {  	v15 =	vmul.f32 v41, v41;
	v10 =	vadd.f32 v17, v10;
	v16 =	vadd.f32 v28, v49  }
0x82d: {  	v44 =	vld [tilespmem:$0x1FEF0];
	v54 =	vperm.xlane v1, v43;
	v0 =	vadd.f32 v0, v53;
	v7 =	vadd.f32 v7, v60  }
0x82e: {  	v55 =	vperm.xlane v3, v43;
	v8 =	vadd.f32 v8, v62;
	v9 =	vadd.f32 v9, v63  }
0x82f: {  	v23 =	vperm.xlane v13, v61;
	v11 =	vadd.f32 v11, v21;
	v12 =	vadd.f32 v12, v22  }
0x830: {  	v14 =	vadd.f32 v14, v24;
	v2 =	vadd.f32 v2, v27;
	v56 =	vperm.xlane v4, v43  }
0x831: {  	v36 =	vld [tilespmem:$0x1F610];
	v5 =	vadd.f32 v15, v5;
	v57 =	vperm.xlane v10, v43;
	v25 =	vperm.xlane v16, v61  }
0x832: {  	v1 =	vadd.f32 v1, v54;
	v26 =	vperm.xlane v0, v61;
	v45 =	vperm.xlane v11, v44  }
0x833: {  	v3 =	vadd.f32 v3, v55;
	v46 =	vperm.xlane v8, v44;
	v48 =	vperm.xlane v9, v44  }
0x834: {  	v13 =	vadd.f32 v13, v23;
	v51 =	vperm.xlane v12, v44;
	v52 =	vperm.xlane v2, v44  }
0x835: {  	v53 =	vperm.xlane v14, v44;
	v4 =	vadd.f32 v4, v56;
	v10 =	vadd.f32 v10, v57  }
0x836: {  	v18 =	vmul.f32 v36, v36;
	v15 =	vadd.f32 v16, v25;
	v0 =	vadd.f32 v0, v26  }
0x837: {  	v59 =	vperm.xlane v5, v43;
	v11 =	vadd.f32 v11, v45;
	v8 =	vadd.f32 v8, v46  }
0x838: {  	v28 =	vperm.xlane v3, v61;
	v9 =	vadd.f32 v9, v48;
	v12 =	vadd.f32 v12, v51  }
0x839: {  	v29 =	vperm.xlane v1, v61;
	v2 =	vadd.f32 v2, v52;
	v14 =	vadd.f32 v14, v53  }
0x83a: {  	v47 =	vperm.xlane v13, v44;
	v6 =	vadd.f32 v18, v6;
	v5 =	vadd.f32 v5, v59  }
0x83b: {  	v21 =	vld [tilespmem:$0x1FF00];
	v30 =	vperm.xlane v4, v61;
	v36 =	vperm.xlane v10, v61;
	v3 =	vadd.f32 v3, v28  }
0x83c: {  	v25 =	vld [tilespmem:$0x1FF10];
	v1 =	vadd.f32 v1, v29;
	v49 =	vperm.xlane v15, v44;
	v57 =	vperm.xlane v0, v44  }
0x83d: {  	v13 =	vadd.f32 v13, v47;
	v58 =	vperm.xlane v6, v43;
	v43 =	vperm.xlane v7, v61  }
0x83e: {  	v42 =	vperm.xlane v5, v61;
	v4 =	vadd.f32 v4, v30;
	v10 =	vadd.f32 v10, v36  }
0x83f: {  	v15 =	vadd.f32 v15, v49;
	v60 =	vperm.xlane v3, v44;
	v0 =	vadd.f32 v0, v57  }
0x840: {  	v63 =	vperm.xlane v1, v44;
	v49 =	vperm.xlane v12, v21;
	v6 =	vadd.f32 v6, v58  }
0x841: {  	v53 =	vperm.xlane v13, v21;
	v7 =	vadd.f32 v7, v43;
	vm0 =	vnez.u8 v25  }
0x842: {  	v5 =	vadd.f32 v5, v42;
	v58 =	vperm.xlane v10, v44;
	v41 =	vperm.xlane v6, v61  }
0x843: {  	v59 =	vperm.xlane v4, v44;
	v3 =	vadd.f32 v3, v60;
	v36 =	vperm.xlane v0, v21  }
0x844: {  	v42 =	vperm.xlane v2, v21;
	v46 =	vperm.xlane v15, v21;
	v6 =	vadd.f32 v6, v41  }
0x845: {  	v1 =	vadd.f32 v1, v63;
	v55 =	vperm.xlane v7, v44;
	v54 =	vperm.xlane v5, v44  }
0x846: {  	v10 =	vadd.f32 v10, v58;
	v4 =	vadd.f32 v4, v59;
	v56 =	vperm.xlane v6, v44  }
0x847: {  	v27 =	vperm.xlane v3, v21;
	v7 =	vadd.f32 v7, v55;
	v5 =	vadd.f32 v5, v54  }
0x848: {  	v28 =	vld [tilespmem:$0x1FF20];
	v29 =	vperm.xlane v1, v21;
	v0 =	vadd.f32 v0, v36;
	v6 =	vadd.f32 v6, v56  }
0x849: {  	v30 =	vld [tilespmem:$0x1FF30];
	v2 =	vadd.f32 v2, v42;
	v62 =	vperm.xlane v7, v21;
	v61 =	vperm.xlane v5, v21  }
0x84a: {  	v52 =	vadd.f32 v15, v46;
	v58 =	vadd.f32 v13, v53;
	v41 =	vld [tilespmem:$0x1FF40];
	v22 =	vperm.xlane v6, v21  }
0x84b: {  	v43 =	vld [tilespmem:$0x1FF50];
	v23 =	vperm.xlane v10, v21;
	v7 =	vadd.f32 v7, v62;
	v5 =	vadd.f32 v5, v61  }
0x84c: {  	v45 =	vld [tilespmem:$0x1FF60];
	v59 =	vperm.xlane v11, v21;
	v24 =	vperm.xlane v4, v21;
	v6 =	vadd.f32 v6, v22  }
0x84d: {  	v47 =	vld [tilespmem:$0x1FF70];
	v26 =	vadd.f32 v10, v23;
	v5 =	vsel vm0, v5, v7;
	vm0 =	vnez.u8 v28  }
0x84e: {  	v51 =	vld [tilespmem:$0x1FF80];
	v4 =	vadd.f32 v4, v24;
	v5 =	vsel vm0, v5, v6;
	vm0 =	vnez.u8 v30  }
0x84f: {  	v3 =	vadd.f32 v3, v27;
	v54 =	vld [tilespmem:$0x1FF90];
	v5 =	vsel vm0, v5, v26;
	vm0 =	vnez.u8 v41  }
0x850: {  	v57 =	vld [tilespmem:$0x1FFA0];
	v1 =	vadd.f32 v1, v29;
	v4 =	vsel vm0, v5, v4;
	vm0 =	vnez.u8 v43  }
0x851: {  	v60 =	vld [tilespmem:$0x1FFB0];
	v44 =	vperm.xlane v14, v21;
	v3 =	vsel vm0, v4, v3;
	vm0 =	vnez.u8 v45  }
0x852: {  	v63 =	vld [tilespmem:$0x1FFC0];
	v55 =	vadd.f32 v12, v49;
	v1 =	vsel vm0, v3, v1;
	vm0 =	vnez.u8 v47  }
0x853: {  	v48 =	vadd.f32 v14, v44;
	v7 =	vld [tilespmem:$0x1FFD0];
	v0 =	vsel vm0, v1, v0;
	vm0 =	vnez.u8 v51  }
0x854: {  	v10 =	vld [tilespmem:$0x1FFE0];
	v56 =	vperm.xlane v9, v21;
	v0 =	vsel vm0, v0, v2;
	vm0 =	vnez.u8 v54  }
0x855: {  	v6 =	vadd.f32 v11, v59;
	v11 =	vld [tilespmem:$0x1FFF0];
	v0 =	vsel vm0, v0, v48;
	vm0 =	vnez.u8 v57  }
0x856: {  	v62 =	vperm.xlane v8, v21;
	v0 =	vsel vm0, v0, v52;
	vm0 =	vnez.u8 v60  }
0x857: {  	v61 =	vadd.f32 v9, v56;
	v0 =	vsel vm0, v0, v55;
	vm0 =	vnez.u8 v63  }
0x858: {  	v0 =	vsel vm0, v0, v58;
	vm0 =	vnez.u8 v7  }
0x859: {  	v9 =	vadd.f32 v8, v62;
	v0 =	vsel vm0, v0, v61;
	vm0 =	vnez.u8 v10  }
0x85a: {  	v0 =	vsel vm0, v0, v6;
	vm0 =	vnez.u8 v11  }
0x85b: {  	v0 =	vsel vm0, v0, v9  }
0x85c: {  	v1 =	vadd.f32 $1.000000000e+00, v0;
	_ =	sdelay $0x1  }
0x85d: {  	v1 =	vmul.f32 $5.000000000e-01, v1;
	_ =	sdelay $0x1  }
0x85e: {  	(erf) = vrcp.f32 v1;
	_ =	sdelay $0x8  }
0x85f: {  	v12 =	vpop (erf)  }
0x860: {  	v2 =	vmul.f32 v12, v0;
	_ =	sdelay $0x1  }
0x861: {  	v1 =	vadd.f32 v2, v1;
	_ =	sdelay $0x1  }
0x862: {  	v1 =	vmul.f32 $5.000000000e-01, v1;
	_ =	sdelay $0x1  }
0x863: {  	(erf) = vrcp.f32 v1;
	_ =	sdelay $0x8  }
0x864: {  	v13 =	vpop (erf)  }
0x865: {  	v2 =	vmul.f32 v13, v0;
	_ =	sdelay $0x1  }
0x866: {  	v1 =	vadd.f32 v2, v1;
	_ =	sdelay $0x1  }
0x867: {  	v1 =	vmul.f32 $5.000000000e-01, v1;
	_ =	sdelay $0x1  }
0x868: {  	(erf) = vrcp.f32 v1;
	_ =	sdelay $0x8  }
0x869: {  	v14 =	vpop (erf)  }
0x86a: {  	v2 =	vmul.f32 v14, v0;
	_ =	sdelay $0x1  }
0x86b: {  	v1 =	vadd.f32 v2, v1;
	_ =	sdelay $0x1  }
0x86c: {  	v1 =	vmul.f32 $5.000000000e-01, v1;
	_ =	sdelay $0x1  }
0x86d: {  	(erf) = vrcp.f32 v1;
	_ =	sdelay $0x8  }
0x86e: {  	v15 =	vpop (erf)  }
0x86f: {  	v2 =	vmul.f32 v15, v0;
	_ =	sdelay $0x1  }
0x870: {  	v1 =	vadd.f32 v2, v1;
	_ =	sdelay $0x1  }
0x871: {  	v1 =	vmul.f32 $5.000000000e-01, v1;
	_ =	sdelay $0x1  }
0x872: {  	(erf) = vrcp.f32 v1;
	_ =	sdelay $0x8  }
0x873: {  	v16 =	vpop (erf)  }
0x874: {  	v2 =	vmul.f32 v16, v0;
	_ =	sdelay $0x1  }
0x875: {  	v1 =	vadd.f32 v2, v1;
	_ =	sdelay $0x1  }
0x876: {  	v1 =	vmul.f32 $5.000000000e-01, v1;
	_ =	sdelay $0x1  }
0x877: {  	(erf) = vrcp.f32 v1;
	_ =	sdelay $0x8  }
0x878: {  	v17 =	vpop (erf)  }
0x879: {  	v2 =	vmul.f32 v17, v0;
	_ =	sdelay $0x1  }
0x87a: {  	v1 =	vadd.f32 v2, v1;
	_ =	sdelay $0x1  }
0x87b: {  	v1 =	vmul.f32 $5.000000000e-01, v1;
	_ =	sdelay $0x1  }
0x87c: {  	(erf) = vrcp.f32 v1;
	_ =	sdelay $0x8  }
0x87d: {  	v18 =	vpop (erf)  }
0x87e: {  	v2 =	vmul.f32 v18, v0;
	_ =	sdelay $0x1  }
0x87f: {  	v1 =	vadd.f32 v2, v1;
	_ =	sdelay $0x1  }
0x880: {  	v1 =	vmul.f32 $5.000000000e-01, v1;
	_ =	sdelay $0x1  }
0x881: {  	(erf) = vrcp.f32 v1;
	_ =	sdelay $0x8  }
0x882: {  	v19 =	vpop (erf)  }
0x883: {  	v2 =	vmul.f32 v19, v0;
	_ =	sdelay $0x1  }
0x884: {  	v1 =	vadd.f32 v2, v1;
	_ =	sdelay $0x1  }
0x885: {  	v1 =	vmul.f32 $5.000000000e-01, v1;
	_ =	sdelay $0x1  }
0x886: {  	(erf) = vrcp.f32 v1;
	_ =	sdelay $0x8  }
0x887: {  	v20 =	vpop (erf)  }
0x888: {  	v2 =	vmul.f32 v20, v0;
	_ =	sdelay $0x1  }
0x889: {  	v1 =	vadd.f32 v2, v1;
	_ =	sdelay $0x1  }
0x88a: {  	v1 =	vmul.f32 $5.000000000e-01, v1;
	_ =	sdelay $0x1  }
0x88b: {  	(erf) = vrcp.f32 v1;
	_ =	sdelay $0x3  }
0x88c: {  	v36 =	vld [tilespmem:$0x1F0F0]  }
0x88d: {  	v56 =	vld [tilespmem:$0x1F110]  }
0x88e: {  	v62 =	vld [tilespmem:$0x1F160]  }
0x88f: {  	v30 =	vld [tilespmem:$0x1F0D0]  }
0x890: {  	v25 =	vnsel vm11, $0x0, v40;
	vm11 =	vmmov vm6;
	v59 =	vld [tilespmem:$0x1F120]  }
0x891: {  	v27 =	vnsel vm12, $0x0, v40;
	v29 =	vnsel vm14, $0x0, v40;
	vm12 =	vmmov vm5;
	v54 =	vld [tilespmem:$0x1F0E0];
	v21 =	vpop (erf)  }
0x892: {  	v23 =	vnsel vm9, $0x0, v40;
	v24 =	vnsel vm8, $0x0, v40;
	v52 =	vld [tilespmem:$0x1F140];
	v2 =	vmul.f32 v21, v0  }
0x893: {  	vm8 =	vmmov vm1;
	vm9 =	vmmov vm3;
	vm14 =	vnez.u8 v36;
	v60 =	vld [tilespmem:$0x1F130]  }
0x894: {  	v28 =	vnsel vm13, $0x0, v40;
	v22 =	vnsel vm7, $0x0, v40;
	[tilespmem:$0x10F80] =	vst v56;
	v55 =	vld [tilespmem:$0x1F100];
	v1 =	vadd.f32 v2, v1  }
0x895: {  	vm7 =	vmmov vm14;
	v26 =	vnsel vm10, $0x0, v40;
	vm10 =	vmmov vm2;
	[tilespmem:$0x11180] =	vst v62;
	v63 =	vld [tilespmem:$0x1F170]  }
0x896: {  	v4 =	vadd.f32 v24, v37;
	v45 =	vadd.f32 v25, v50;
	[tilespmem:$0x11000] =	vst v59;
	v61 =	vld [tilespmem:$0x1F150];
	v1 =	vmul.f32 $5.000000000e-01, v1  }
0x897: {  	v3 =	vadd.f32 v22, v39;
	vm13 =	vnez.u8 v30;
	[tilespmem:$0x10E80] =	vst v54;
	vm0 =	vgt.f32 v0, $0.0e+00  }
0x898: {  	v47 =	vadd.f32 v27, v34;
	[tilespmem:$0x11080] =	vst v60;
	v0 =	vnsel vm0, $0x0, v1;
	vm0 =	vmmov vm13  }
0x899: {  	v6 =	vadd.f32 v26, v35;
	[tilespmem:$0x10F00] =	vst v55;
	v2 =	vadd.f32 v23, v38;
	v40 =	vnsel vm0, $0x0, v0  }
0x89a: {  	v53 =	vld [tilespmem:$0x1FEA0];
	vm14 =	veq.s32 v52, $0x8;
	[tilespmem:$0x11200] =	vst v63;
	v41 =	vnsel vm7, $0x0, v0;
	v1 =	vadd.f32 v40, v3  }
0x89b: {  	[tilespmem:$0x11100] =	vst v61;
	vm13 =	vmmov vm4;
	v42 =	vnsel vm8, $0x0, v0;
	v2 =	vadd.f32 v41, v2  }
0x89c: {  	v43 =	vnsel vm9, $0x0, v0;
	v44 =	vnsel vm10, $0x0, v0;
	v4 =	vadd.f32 v42, v4;
	[tilespmem:$0x10A00] =	vst v1  }
0x89d: {  	v46 =	vnsel vm11, $0x0, v0;
	v48 =	vnsel vm12, $0x0, v0;
	v3 =	vadd.f32 v43, v45;
	[tilespmem:$0x10A80] =	vst v2  }
0x89e: {  	v51 =	vnsel vm13, $0x0, v0;
	v0 =	vnsel vm14, $0x0, v0;
	v6 =	vadd.f32 v44, v6;
	[tilespmem:$0x10B00] =	vst v4  }
0x89f: {  	v49 =	vadd.f32 v28, v33;
	v57 =	vimm.f32 $0.0e+00;
	v0 =	vadd.f32 v0, v53;
	[tilespmem:$0x10B80] =	vst v3  }
0x8a0: {  	v50 =	vadd.f32 v29, v32;
	v58 =	vsel vm15, $0x3F800000, v57;
	v1 =	vadd.f32 v46, v47;
	[tilespmem:$0x10C00] =	vst v6  }
0x8a1: {  	v2 =	vadd.f32 v48, v49;
	[tilespmem:$0x10E00] =	vst v0;
	v0 =	vadd.f32 v58, v31  }
0x8a2: {  	v3 =	vadd.f32 v51, v50;
	[tilespmem:$0x10C80] =	vst v1;
	v1 =	vsel vm14, $0x3F800000, v57  }
0x8a3: {  	s13 =	sadd.s32 $0x1, s13;
	[tilespmem:$0x10D00] =	vst v2;
	v0 =	vadd.f32 v1, v0  }
0x8a4: {  	p0 =	sne.s32 s13, s7;
	[tilespmem:$0x10D80] =	vst v3  }
.Ltmp1:
0x8a5: {  	[tilespmem:$0x11280] =	vst v0;
	(pc) =	sbr.rel @p0 .LBB2_1-.Ltmp1, $4  }
0x8a6: {  	[hbm4b:s6+s3] =	stream.linear.scatter [tilespmem:s12], [sflag:$0x2], $0x900, $0x38;
	[tilespmem:$0x11600] =	vst v63  }
0x8a7: {  	_ =	swait.ge [sflag:s9], $0x900  }
0x8a8: {  	[sflag:s9] =	ssyncset.done $0x0  }
0x8a9: {  	[sflag:s9] =	ssyncadd.s32 $0xFFFFF700  }
0x8aa: {  	_ =	sfence.sel $0x180000  }
0x8ab: {  	[bflag:$0x0] =	sbarrier.arrive $0xFFFF  }
0x8ac: {  	p0 =	sne.s32 s2, $0x0;
	_ =	strace $0x90000047  }
0x8ad: {  	s0 =	sadd.s32 @!p0 $0x100000, s1;
	[bflag:$0x2] =	sbarrier.arrive $0xFFFF  }
0x8ae: {  	[sflag:s0] =	ssyncadd.tile.s32 @!p0 $0x1;
	_ =	shalt  }
.Lfunc_end2:
_tile_overlayer_lowered:
.L_overlay_start_2:
0x8af: {  	(tag) =	ssettag $0x2  }
0x8b0: {  	s0 =	rddreg [dreg:$0x0];
	s2 =	stileid.u32  }
0x8b1: {  	s1 =	rddreg [dreg:$0x1];
	p0 =	sne.s32 s2, $0x0  }
0x8b2: {  	s3 =	rddreg [dreg:$0x2];
	[bflag:$0x3] =	sbarrier.arrive $0xFFFF;
	s2 =	simm.s32 @!p0 $0x1C02  }
0x8b3: {  	[timem:s3], [sflag:s2] =	dma.local @!p0 [hbm:s0], s1  }
0x8b4: {  	s0 =	simm.s32 @!p0 $0x2  }
0x8b5: {  	_ =	swait.ge @!p0 [sflag:s0], s1  }
0x8b6: {  	s1 =	ssub.s32 @!p0 $0x0, s1;
	[sflag:s0] =	ssyncset.done @!p0 $0x0  }
0x8b7: {  	[sflag:s0] =	ssyncadd.s32 @!p0 s1  }
0x8b8: {  	[bflag:$0x3] =	sbarrier.arrive $0xFFFF  }
0x8b9: {  	_ =	shalt  }

</sc_bundles>
